<compile_context>
chip_gen: v7x
topology: tpu7x:2x2x1
jax: 0.10.2.dev20260603
libtpu: 0.0.44.dev20260713+nightly
codegen_flags: <defaults>
</compile_context>

<pallas_src>
import functools

import jax
import jax.numpy as jnp
from jax import lax
from jax.experimental import pallas as pl
from jax.experimental.pallas import tpu as pltpu
from jax.experimental.pallas import tpu_sc as plsc

_F = jnp.float32
_OUT = 32




def _leaky(x):
    return jnp.where(x >= 0, x, 0.01 * x)


def _mlp3_body(xf, xe, xv, wf, bf, we, be, wv, bv, of, oe, ov):
    of[...] = _leaky(jnp.dot(xf[...], wf[...], preferred_element_type=_F) + bf[...])
    oe[...] = _leaky(jnp.dot(xe[...], we[...], preferred_element_type=_F) + be[...])
    ov[...] = _leaky(jnp.dot(xv[...], wv[...], preferred_element_type=_F) + bv[...])


def _mlp3(xf, xe, xv, wf, bf, we, be, wv, bv):
    n = xf.shape[0]
    sh = jax.ShapeDtypeStruct((n, _OUT), _F)
    return pl.pallas_call(_mlp3_body, out_shape=(sh, sh, sh))(
        xf, xe, xv, wf, bf.reshape(1, -1), we, be.reshape(1, -1),
        wv, bv.reshape(1, -1))


def _conv_body(xd, sa, sb, w1, w2, b, o):
    x = xd[...]
    va = sa[...].astype(_F)
    vb = sb[...].astype(_F)
    ma = jnp.where(va < jnp.inf, x - va, 0.0)
    mb = jnp.where(vb < jnp.inf, x - vb, 0.0)
    h = (jnp.dot(x, w1[...], preferred_element_type=_F)
         + jnp.dot(ma + mb, w2[...], preferred_element_type=_F) + b[...])
    o[...] = x + _leaky(h)


def _conv(xd, sa, sb, w, b):
    n = xd.shape[0]
    return pl.pallas_call(
        _conv_body, out_shape=jax.ShapeDtypeStruct((n, _OUT), _F))(
            xd, sa, sb, w[:_OUT], w[_OUT:], b.reshape(1, -1))



_NT = 32
_GCH = 128


def _worker_id():
    return lax.axis_index("c") * 16 + lax.axis_index("s")
_CH = 16000
_PEND = 512
_GRP = 10


def _segmin(n_iter, n_pad, nn, ee, table, sidx, didx):
    npt = n_pad // _NT
    nch = ee // _CH
    nv = _CH // 16

    mesh = plsc.VectorSubcoreMesh(core_axis_name="c", subcore_axis_name="s",
                                  num_cores=2, num_subcores=16)

    @functools.partial(
        pl.kernel,
        out_type=jax.ShapeDtypeStruct((n_iter * n_pad * _OUT,), jnp.bfloat16),
        mesh=mesh,
        compiler_params=pltpu.CompilerParams(needs_layout_passes=False,
                                             use_tc_tiling_on_sc=False),
        scratch_types=[
            pltpu.VMEM((_CH,), jnp.int32),
            pltpu.VMEM((_CH,), jnp.int32),
            pltpu.VMEM((2, _PEND), jnp.int32),
            pltpu.VMEM((2, _PEND + 16), jnp.int32),
            pltpu.VMEM((2, _PEND, _OUT), jnp.bfloat16),
            pltpu.VMEM((npt * _OUT,), jnp.bfloat16),
            pltpu.SemaphoreType.DMA,
        ],
    )
    def seg_kernel(table_h, sidx_h, didx_h, out_h,
                   dbuf, sbuf, pend_s, pend_d, rows, acc, sem):
        wid = _worker_id()
        lo = wid * npt

        zero16 = jnp.zeros((16,), jnp.int32)
        for p in range(2):
            for i in range(_PEND // 16):
                pend_s[p, pl.ds(i * 16, 16)] = zero16
                pend_d[p, pl.ds(i * 16, 16)] = zero16

        def rmw(par, k):
            def body(j, carry):
                dl32 = pend_d[par, pl.ds(j, 16)][0] * _OUT
                r = rows[par, j, pl.ds(0, _OUT)]
                a = acc[pl.ds(dl32, _OUT)]
                acc[pl.ds(dl32, _OUT)] = jnp.minimum(a, r)
                return carry

            lax.fori_loop(0, k, body, jnp.int32(0))

        def wait_gather(_):
            pltpu.make_async_copy(table_h.at[pend_s.at[0]], rows.at[0],
                                  sem).wait()
            return jnp.int32(0)

        def flush(args):
            cnt, dr, pcnt = args
            par = dr & 1
            lax.cond(pcnt > 0, wait_gather, lambda _: jnp.int32(0),
                     jnp.int32(0))
            pltpu.async_copy(table_h.at[pend_s.at[par]], rows.at[par], sem)
            rmw(1 - par, pcnt)
            return (jnp.int32(0), dr + 1, cnt)

        def keep(args):
            return args

        inf32 = jnp.full((32,), jnp.inf, jnp.bfloat16)

        def iter_body(it, carry):
            def initb(i, icarry):
                acc[pl.ds(i * 32, 32)] = inf32
                return icarry

            lax.fori_loop(0, npt * _OUT // 32, initb, jnp.int32(0))

            def chunk(c, state):
                pltpu.sync_copy(didx_h.at[pl.ds(it * ee + c * _CH, _CH)], dbuf)
                pltpu.sync_copy(sidx_h.at[pl.ds(it * ee + c * _CH, _CH)], sbuf)

                def vstep(v, state):
                    cnt, dr, pcnt = state
                    par = dr & 1
                    d = dbuf[pl.ds(v * 16, 16)]
                    s = sbuf[pl.ds(v * 16, 16)]
                    m = (d >= lo) & (d < lo + npt)
                    popc = plsc.all_reduce_population_count(m)[0]
                    plsc.store_compressed(
                        pend_s.at[par].at[pl.ds(cnt, 16)], s, mask=m)
                    plsc.store_compressed(
                        pend_d.at[par].at[pl.ds(cnt, 16)], d - lo, mask=m)
                    cnt2 = cnt + popc
                    return lax.cond(cnt2 > _PEND - 16, flush, keep,
                                    (cnt2, dr, pcnt))

                return lax.fori_loop(0, nv, vstep, state, unroll=8)

            cnt, dr, pcnt = lax.fori_loop(
                0, nch, chunk,
                (jnp.int32(0), jnp.int32(0), jnp.int32(0)))
            par = dr & 1
            lax.cond(pcnt > 0, wait_gather, lambda _: jnp.int32(0),
                     jnp.int32(0))
            rmw(1 - par, pcnt)

            def final_gather(_):
                pltpu.async_copy(table_h.at[pend_s.at[par]], rows.at[par],
                                 sem).wait()
                return jnp.int32(0)

            lax.cond(cnt > 0, final_gather, lambda _: jnp.int32(0),
                     jnp.int32(0))
            rmw(par, cnt)
            pltpu.sync_copy(
                acc, out_h.at[pl.ds((it * n_pad + lo) * _OUT, npt * _OUT)])
            return carry

        lax.fori_loop(0, n_iter, iter_body, jnp.int32(0))

    return seg_kernel(table, sidx, didx)




def kernel(x_f, x_e, x_v, index_id, e_fe, e_ev, e_ff, e_ef, e_ve,
           W_f, b_f, W_e, b_e, W_v, b_v,
           W_f2e, b_f2e, W_e2v, b_e2v, W_ff, b_ff, W_e2f, b_e2f, W_v2e, b_v2e):
    n = x_f.shape[1]
    ee = index_id.shape[2]
    n_pad = _NT * ((n + _NT - 1) // _NT)
    idx = index_id[0]

    xf, xe, xv = _mlp3(x_f[0], x_e[0], x_v[0], W_f, b_f, W_e, b_e, W_v, b_v)

    def tk(r):
        return jnp.take(idx, r, axis=0)

    table1 = jnp.concatenate([xf, xe], axis=0).astype(jnp.bfloat16)
    sid1 = jnp.stack([tk(e_fe[0, 0]), tk(e_fe[1, 0]),
                      tk(e_ev[0, 0]) + n, tk(e_ev[1, 0]) + n,
                      tk(e_ff[0, 0]), tk(e_ff[1, 0])])
    did1 = jnp.stack([tk(e_fe[0, 1]), tk(e_fe[1, 1]),
                      tk(e_ev[0, 1]), tk(e_ev[1, 1]),
                      tk(e_ff[0, 1]), tk(e_ff[1, 1])])
    seg1 = _segmin(6, n_pad, n, ee, table1, sid1.reshape(-1),
                   did1.reshape(-1)).reshape(6, n_pad, _OUT)

    x_e1 = _conv(xe, seg1[0, :n], seg1[1, :n], W_f2e, b_f2e)
    x_v1 = _conv(xv, seg1[2, :n], seg1[3, :n], W_e2v, b_e2v)
    x_f1 = _conv(xf, seg1[4, :n], seg1[5, :n], W_ff, b_ff)

    table2 = jnp.concatenate([x_e1, x_v1], axis=0).astype(jnp.bfloat16)
    sid2 = jnp.stack([tk(e_ef[0, 0]), tk(e_ef[1, 0]),
                      tk(e_ve[0, 0]) + n, tk(e_ve[1, 0]) + n])
    did2 = jnp.stack([tk(e_ef[0, 1]), tk(e_ef[1, 1]),
                      tk(e_ve[0, 1]), tk(e_ve[1, 1])])
    seg2 = _segmin(4, n_pad, n, ee, table2, sid2.reshape(-1),
                   did2.reshape(-1)).reshape(4, n_pad, _OUT)

    x_f2 = _conv(x_f1, seg2[0, :n], seg2[1, :n], W_e2f, b_e2f)
    x_e2 = _conv(x_e1, seg2[2, :n], seg2[3, :n], W_v2e, b_v2e)

    return (x_f2[None], x_e2[None], x_v1[None])

# --- scband reference (transcript-rebuilt; emitter-appended) ---
"""Pipeline reference for scband-face-edge-vertex-gcn-83932250898765 (READ-ONLY COPY).

The authoritative reference and input builder live on the scoring server;
editing this copy changes nothing except your own understanding.
"""

import jax
import jax.numpy as jnp
import numpy as np

N = 10000
E = 160000
OUT = 32


def _linear_block(x, W, b):
    return jax.nn.leaky_relu(jnp.dot(x, W) + b, negative_slope=0.01)


def _bip_conv(x_src, x_dst, e, index_id, W, b):
    # BipartiteResMRConv: loop over rows of e; each row gives (src_row, dst_row)
    # selectors into index_id[0]; gather, diff, scatter_max over dim 1.
    n_dst = x_dst.shape[1]
    maxes = jnp.zeros_like(x_dst)
    for i in range(e.shape[0]):
        src_idx = index_id[0][e[i, 0]]
        dst_idx = index_id[0][e[i, 1]]
        diffs = jnp.take(x_dst, dst_idx, axis=1) - jnp.take(x_src, src_idx, axis=1)
        m = jax.vmap(lambda d: jax.ops.segment_max(d, dst_idx, num_segments=n_dst))(diffs)
        # torch_scatter.scatter_max leaves empty segments at 0; jax fills -inf
        m = jnp.where(jnp.isneginf(m), 0.0, m)
        maxes = maxes + m
    h = _linear_block(jnp.concatenate([x_dst, maxes], axis=2), W, b)
    return x_dst + h


def _forward(x_f, x_e, x_v, index_id, e_fe, e_ev, e_ff, e_ef, e_ve,
             W_f, b_f, W_e, b_e, W_v, b_v,
             W_f2e, b_f2e, W_e2v, b_e2v, W_ff, b_ff, W_e2f, b_e2f, W_v2e, b_v2e):
    xf = _linear_block(x_f, W_f, b_f)
    xe = _linear_block(x_e, W_e, b_e)
    xv = _linear_block(x_v, W_v, b_v)
    x_e1 = _bip_conv(xf, xe, e_fe, index_id, W_f2e, b_f2e)
    x_v1 = _bip_conv(xe, xv, e_ev, index_id, W_e2v, b_e2v)
    x_f1 = _bip_conv(xf, xf, e_ff, index_id, W_ff, b_ff)   # ffLayers[0] (F2F module unused in forward)
    x_f2 = _bip_conv(x_e1, x_f1, e_ef, index_id, W_e2f, b_e2f)
    x_e2 = _bip_conv(x_v1, x_e1, e_ve, index_id, W_v2e, b_v2e)
    return (x_f2, x_e2, x_v1)


def setup_inputs(seed: int = 0):
    key = jax.random.key(seed)
    ks = jax.random.split(key, 30)
    s = 0.1
    inp = {}
    inp["x_f"] = jax.random.normal(ks[0], (1, N, 4), dtype=jnp.float32)
    inp["x_e"] = jax.random.normal(ks[1], (1, N, 6), dtype=jnp.float32)
    inp["x_v"] = jax.random.normal(ks[2], (1, N, 3), dtype=jnp.float32)
    inp["index_id"] = jax.random.randint(ks[3], (1, 4, E), 0, N, dtype=jnp.int32)
    inp["e_fe"] = jax.random.randint(ks[4], (2, 2), 0, 4, dtype=jnp.int32)
    inp["e_ev"] = jax.random.randint(ks[5], (2, 2), 0, 4, dtype=jnp.int32)
    inp["e_ff"] = jax.random.randint(ks[6], (2, 2), 0, 4, dtype=jnp.int32)
    inp["e_ef"] = jax.random.randint(ks[7], (2, 2), 0, 4, dtype=jnp.int32)
    inp["e_ve"] = jax.random.randint(ks[8], (2, 2), 0, 4, dtype=jnp.int32)
    inp["W_f"] = s * jax.random.normal(ks[9], (4, OUT), dtype=jnp.float32)
    inp["b_f"] = s * jax.random.normal(ks[10], (OUT,), dtype=jnp.float32)
    inp["W_e"] = s * jax.random.normal(ks[11], (6, OUT), dtype=jnp.float32)
    inp["b_e"] = s * jax.random.normal(ks[12], (OUT,), dtype=jnp.float32)
    inp["W_v"] = s * jax.random.normal(ks[13], (3, OUT), dtype=jnp.float32)
    inp["b_v"] = s * jax.random.normal(ks[14], (OUT,), dtype=jnp.float32)
    inp["W_f2e"] = s * jax.random.normal(ks[15], (2 * OUT, OUT), dtype=jnp.float32)
    inp["b_f2e"] = s * jax.random.normal(ks[16], (OUT,), dtype=jnp.float32)
    inp["W_e2v"] = s * jax.random.normal(ks[17], (2 * OUT, OUT), dtype=jnp.float32)
    inp["b_e2v"] = s * jax.random.normal(ks[18], (OUT,), dtype=jnp.float32)
    inp["W_ff"] = s * jax.random.normal(ks[19], (2 * OUT, OUT), dtype=jnp.float32)
    inp["b_ff"] = s * jax.random.normal(ks[20], (OUT,), dtype=jnp.float32)
    inp["W_e2f"] = s * jax.random.normal(ks[21], (2 * OUT, OUT), dtype=jnp.float32)
    inp["b_e2f"] = s * jax.random.normal(ks[22], (OUT,), dtype=jnp.float32)
    inp["W_v2e"] = s * jax.random.normal(ks[23], (2 * OUT, OUT), dtype=jnp.float32)
    inp["b_v2e"] = s * jax.random.normal(ks[24], (OUT,), dtype=jnp.float32)
    return inp


def reference(x_f, x_e, x_v, index_id, e_fe, e_ev, e_ff, e_ef, e_ve,
              W_f, b_f, W_e, b_e, W_v, b_v,
              W_f2e, b_f2e, W_e2v, b_e2v, W_ff, b_ff, W_e2f, b_e2f, W_v2e, b_v2e):
    return _forward(x_f, x_e, x_v, index_id, e_fe, e_ev, e_ff, e_ef, e_ve,
                    W_f, b_f, W_e, b_e, W_v, b_v,
                    W_f2e, b_f2e, W_e2v, b_e2v, W_ff, b_ff, W_e2f, b_e2f, W_v2e, b_v2e)

if __name__ == "__main__":
    import jax
    _d = setup_inputs()
    print(jax.jit(kernel)(*tuple(_d.values())))

</pallas_src>

<mosaic_0001>
#map = affine_map<(d0, d1) -> (0, 0)>
#map1 = affine_map<(d0, d1) -> (0)>
module attributes {stable_mosaic.version = 14 : i64} {
  func.func @seg_kernel(%arg0: i32, %arg1: i32, %arg2: memref<20000x32xbf16, #tpu.memory_space<hbm>>, %arg3: memref<640000xi32, #tpu.memory_space<hbm>>, %arg4: memref<640000xi32, #tpu.memory_space<hbm>>, %arg5: memref<1282048xbf16, #tpu.memory_space<hbm>>, %arg6: memref<16000xi32, #tpu.memory_space<vmem>>, %arg7: memref<16000xi32, #tpu.memory_space<vmem>>, %arg8: memref<2x512xi32, #tpu.memory_space<vmem>>, %arg9: memref<2x528xi32, #tpu.memory_space<vmem>>, %arg10: memref<2x512x32xbf16, #tpu.memory_space<vmem>>, %arg11: memref<10016xbf16, #tpu.memory_space<vmem>>, %arg12: memref<!tpu.dma_semaphore, #tpu.memory_space<semaphore_mem>>) attributes {dimension_semantics = [#tpu.dimension_semantics<core_parallel>, #tpu.dimension_semantics<subcore_parallel>], iteration_bounds = array<i64: 2, 16>, scalar_prefetch = 0 : i64, scratch_operands = 7 : i64, tpu.core_type = #tpu.core_type<sc_vector_subcore>, window_params = [{transform_indices = #map}, {transform_indices = #map1}, {transform_indices = #map1}, {transform_indices = #map1}]} {
    %mul3A = arith.constant 16 : i32
    %mul3A_0 = arith.muli %arg0, %mul3A : i32
    %add3A = arith.addi %mul3A_0, %arg1 : i32
    %mul3A_1 = arith.constant 313 : i32
    %mul3A_2 = arith.muli %add3A, %mul3A_1 : i32
    %broadcast_in_dim3A = arith.constant 0 : i32
    %broadcast_in_dim3A_3 = vector.broadcast %broadcast_in_dim3A : i32 to vector<16xi32>
    %swap3A = arith.constant 0 : i32
    %swap3A_4 = arith.index_cast %swap3A : i32 to index
    %swap3A_5 = arith.constant 0 : index
    %swap3A_6 = tpu.vector_load %arg8[%swap3A_4, %swap3A_5] {strides = array<i32>} : memref<2x512xi32, #tpu.memory_space<vmem>>, vector<16xi32>,
    tpu.vector_store %arg8[%swap3A_4, %swap3A_5], %broadcast_in_dim3A_3 {strides = array<i32>} : memref<2x512xi32, #tpu.memory_space<vmem>>, vector<16xi32>,
    %swap3A_7 = arith.constant 0 : i32
    %swap3A_8 = arith.index_cast %swap3A_7 : i32 to index
    %swap3A_9 = arith.constant 0 : index
    %swap3A_10 = tpu.vector_load %arg9[%swap3A_8, %swap3A_9] {strides = array<i32>} : memref<2x528xi32, #tpu.memory_space<vmem>>, vector<16xi32>,
    tpu.vector_store %arg9[%swap3A_8, %swap3A_9], %broadcast_in_dim3A_3 {strides = array<i32>} : memref<2x528xi32, #tpu.memory_space<vmem>>, vector<16xi32>,
    %swap3A_11 = arith.constant 0 : i32
    %swap3A_12 = arith.index_cast %swap3A_11 : i32 to index
    %swap3A_13 = arith.constant 16 : index
    %swap3A_14 = tpu.vector_load %arg8[%swap3A_12, %swap3A_13] {strides = array<i32>} : memref<2x512xi32, #tpu.memory_space<vmem>>, vector<16xi32>,
    tpu.vector_store %arg8[%swap3A_12, %swap3A_13], %broadcast_in_dim3A_3 {strides = array<i32>} : memref<2x512xi32, #tpu.memory_space<vmem>>, vector<16xi32>,
    %swap3A_15 = arith.constant 0 : i32
    %swap3A_16 = arith.index_cast %swap3A_15 : i32 to index
    %swap3A_17 = arith.constant 16 : index
    %swap3A_18 = tpu.vector_load %arg9[%swap3A_16, %swap3A_17] {strides = array<i32>} : memref<2x528xi32, #tpu.memory_space<vmem>>, vector<16xi32>,
    tpu.vector_store %arg9[%swap3A_16, %swap3A_17], %broadcast_in_dim3A_3 {strides = array<i32>} : memref<2x528xi32, #tpu.memory_space<vmem>>, vector<16xi32>,
    %swap3A_19 = arith.constant 0 : i32
    %swap3A_20 = arith.index_cast %swap3A_19 : i32 to index
    %swap3A_21 = arith.constant 32 : index
    %swap3A_22 = tpu.vector_load %arg8[%swap3A_20, %swap3A_21] {strides = array<i32>} : memref<2x512xi32, #tpu.memory_space<vmem>>, vector<16xi32>,
    tpu.vector_store %arg8[%swap3A_20, %swap3A_21], %broadcast_in_dim3A_3 {strides = array<i32>} : memref<2x512xi32, #tpu.memory_space<vmem>>, vector<16xi32>,
    %swap3A_23 = arith.constant 0 : i32
    %swap3A_24 = arith.index_cast %swap3A_23 : i32 to index
    %swap3A_25 = arith.constant 32 : index
    %swap3A_26 = tpu.vector_load %arg9[%swap3A_24, %swap3A_25] {strides = array<i32>} : memref<2x528xi32, #tpu.memory_space<vmem>>, vector<16xi32>,
    tpu.vector_store %arg9[%swap3A_24, %swap3A_25], %broadcast_in_dim3A_3 {strides = array<i32>} : memref<2x528xi32, #tpu.memory_space<vmem>>, vector<16xi32>,
    %swap3A_27 = arith.constant 0 : i32
    %swap3A_28 = arith.index_cast %swap3A_27 : i32 to index
    %swap3A_29 = arith.constant 48 : index
    %swap3A_30 = tpu.vector_load %arg8[%swap3A_28, %swap3A_29] {strides = array<i32>} : memref<2x512xi32, #tpu.memory_space<vmem>>, vector<16xi32>,
    tpu.vector_store %arg8[%swap3A_28, %swap3A_29], %broadcast_in_dim3A_3 {strides = array<i32>} : memref<2x512xi32, #tpu.memory_space<vmem>>, vector<16xi32>,
    %swap3A_31 = arith.constant 0 : i32
    %swap3A_32 = arith.index_cast %swap3A_31 : i32 to index
    %swap3A_33 = arith.constant 48 : index
    %swap3A_34 = tpu.vector_load %arg9[%swap3A_32, %swap3A_33] {strides = array<i32>} : memref<2x528xi32, #tpu.memory_space<vmem>>, vector<16xi32>,
    tpu.vector_store %arg9[%swap3A_32, %swap3A_33], %broadcast_in_dim3A_3 {strides = array<i32>} : memref<2x528xi32, #tpu.memory_space<vmem>>, vector<16xi32>,
    %swap3A_35 = arith.constant 0 : i32
    %swap3A_36 = arith.index_cast %swap3A_35 : i32 to index
    %swap3A_37 = arith.constant 64 : index
    %swap3A_38 = tpu.vector_load %arg8[%swap3A_36, %swap3A_37] {strides = array<i32>} : memref<2x512xi32, #tpu.memory_space<vmem>>, vector<16xi32>,
    tpu.vector_store %arg8[%swap3A_36, %swap3A_37], %broadcast_in_dim3A_3 {strides = array<i32>} : memref<2x512xi32, #tpu.memory_space<vmem>>, vector<16xi32>,
    %swap3A_39 = arith.constant 0 : i32
    %swap3A_40 = arith.index_cast %swap3A_39 : i32 to index
    %swap3A_41 = arith.constant 64 : index
    %swap3A_42 = tpu.vector_load %arg9[%swap3A_40, %swap3A_41] {strides = array<i32>} : memref<2x528xi32, #tpu.memory_space<vmem>>, vector<16xi32>,
    tpu.vector_store %arg9[%swap3A_40, %swap3A_41], %broadcast_in_dim3A_3 {strides = array<i32>} : memref<2x528xi32, #tpu.memory_space<vmem>>, vector<16xi32>,
    %swap3A_43 = arith.constant 0 : i32
    %swap3A_44 = arith.index_cast %swap3A_43 : i32 to index
    %swap3A_45 = arith.constant 80 : index
    %swap3A_46 = tpu.vector_load %arg8[%swap3A_44, %swap3A_45] {strides = array<i32>} : memref<2x512xi32, #tpu.memory_space<vmem>>, vector<16xi32>,
    tpu.vector_store %arg8[%swap3A_44, %swap3A_45], %broadcast_in_dim3A_3 {strides = array<i32>} : memref<2x512xi32, #tpu.memory_space<vmem>>, vector<16xi32>,
    %swap3A_47 = arith.constant 0 : i32
    %swap3A_48 = arith.index_cast %swap3A_47 : i32 to index
    %swap3A_49 = arith.constant 80 : index
    %swap3A_50 = tpu.vector_load %arg9[%swap3A_48, %swap3A_49] {strides = array<i32>} : memref<2x528xi32, #tpu.memory_space<vmem>>, vector<16xi32>,
    tpu.vector_store %arg9[%swap3A_48, %swap3A_49], %broadcast_in_dim3A_3 {strides = array<i32>} : memref<2x528xi32, #tpu.memory_space<vmem>>, vector<16xi32>,
    %swap3A_51 = arith.constant 0 : i32
    %swap3A_52 = arith.index_cast %swap3A_51 : i32 to index
    %swap3A_53 = arith.constant 96 : index
    %swap3A_54 = tpu.vector_load %arg8[%swap3A_52, %swap3A_53] {strides = array<i32>} : memref<2x512xi32, #tpu.memory_space<vmem>>, vector<16xi32>,
    tpu.vector_store %arg8[%swap3A_52, %swap3A_53], %broadcast_in_dim3A_3 {strides = array<i32>} : memref<2x512xi32, #tpu.memory_space<vmem>>, vector<16xi32>,
    %swap3A_55 = arith.constant 0 : i32
    %swap3A_56 = arith.index_cast %swap3A_55 : i32 to index
    %swap3A_57 = arith.constant 96 : index
    %swap3A_58 = tpu.vector_load %arg9[%swap3A_56, %swap3A_57] {strides = array<i32>} : memref<2x528xi32, #tpu.memory_space<vmem>>, vector<16xi32>,
    tpu.vector_store %arg9[%swap3A_56, %swap3A_57], %broadcast_in_dim3A_3 {strides = array<i32>} : memref<2x528xi32, #tpu.memory_space<vmem>>, vector<16xi32>,
    %swap3A_59 = arith.constant 0 : i32
    %swap3A_60 = arith.index_cast %swap3A_59 : i32 to index
    %swap3A_61 = arith.constant 112 : index
    %swap3A_62 = tpu.vector_load %arg8[%swap3A_60, %swap3A_61] {strides = array<i32>} : memref<2x512xi32, #tpu.memory_space<vmem>>, vector<16xi32>,
    tpu.vector_store %arg8[%swap3A_60, %swap3A_61], %broadcast_in_dim3A_3 {strides = array<i32>} : memref<2x512xi32, #tpu.memory_space<vmem>>, vector<16xi32>,
    %swap3A_63 = arith.constant 0 : i32
    %swap3A_64 = arith.index_cast %swap3A_63 : i32 to index
    %swap3A_65 = arith.constant 112 : index
    %swap3A_66 = tpu.vector_load %arg9[%swap3A_64, %swap3A_65] {strides = array<i32>} : memref<2x528xi32, #tpu.memory_space<vmem>>, vector<16xi32>,
    tpu.vector_store %arg9[%swap3A_64, %swap3A_65], %broadcast_in_dim3A_3 {strides = array<i32>} : memref<2x528xi32, #tpu.memory_space<vmem>>, vector<16xi32>,
    %swap3A_67 = arith.constant 0 : i32
    %swap3A_68 = arith.index_cast %swap3A_67 : i32 to index
    %swap3A_69 = arith.constant 128 : index
    %swap3A_70 = tpu.vector_load %arg8[%swap3A_68, %swap3A_69] {strides = array<i32>} : memref<2x512xi32, #tpu.memory_space<vmem>>, vector<16xi32>,
    tpu.vector_store %arg8[%swap3A_68, %swap3A_69], %broadcast_in_dim3A_3 {strides = array<i32>} : memref<2x512xi32, #tpu.memory_space<vmem>>, vector<16xi32>,
    %swap3A_71 = arith.constant 0 : i32
    %swap3A_72 = arith.index_cast %swap3A_71 : i32 to index
    %swap3A_73 = arith.constant 128 : index
    %swap3A_74 = tpu.vector_load %arg9[%swap3A_72, %swap3A_73] {strides = array<i32>} : memref<2x528xi32, #tpu.memory_space<vmem>>, vector<16xi32>,
    tpu.vector_store %arg9[%swap3A_72, %swap3A_73], %broadcast_in_dim3A_3 {strides = array<i32>} : memref<2x528xi32, #tpu.memory_space<vmem>>, vector<16xi32>,
    %swap3A_75 = arith.constant 0 : i32
    %swap3A_76 = arith.index_cast %swap3A_75 : i32 to index
    %swap3A_77 = arith.constant 144 : index
    %swap3A_78 = tpu.vector_load %arg8[%swap3A_76, %swap3A_77] {strides = array<i32>} : memref<2x512xi32, #tpu.memory_space<vmem>>, vector<16xi32>,
    tpu.vector_store %arg8[%swap3A_76, %swap3A_77], %broadcast_in_dim3A_3 {strides = array<i32>} : memref<2x512xi32, #tpu.memory_space<vmem>>, vector<16xi32>,
    %swap3A_79 = arith.constant 0 : i32
    %swap3A_80 = arith.index_cast %swap3A_79 : i32 to index
    %swap3A_81 = arith.constant 144 : index
    %swap3A_82 = tpu.vector_load %arg9[%swap3A_80, %swap3A_81] {strides = array<i32>} : memref<2x528xi32, #tpu.memory_space<vmem>>, vector<16xi32>,
    tpu.vector_store %arg9[%swap3A_80, %swap3A_81], %broadcast_in_dim3A_3 {strides = array<i32>} : memref<2x528xi32, #tpu.memory_space<vmem>>, vector<16xi32>,
    %swap3A_83 = arith.constant 0 : i32
    %swap3A_84 = arith.index_cast %swap3A_83 : i32 to index
    %swap3A_85 = arith.constant 160 : index
    %swap3A_86 = tpu.vector_load %arg8[%swap3A_84, %swap3A_85] {strides = array<i32>} : memref<2x512xi32, #tpu.memory_space<vmem>>, vector<16xi32>,
    tpu.vector_store %arg8[%swap3A_84, %swap3A_85], %broadcast_in_dim3A_3 {strides = array<i32>} : memref<2x512xi32, #tpu.memory_space<vmem>>, vector<16xi32>,
    %swap3A_87 = arith.constant 0 : i32
    %swap3A_88 = arith.index_cast %swap3A_87 : i32 to index
    %swap3A_89 = arith.constant 160 : index
    %swap3A_90 = tpu.vector_load %arg9[%swap3A_88, %swap3A_89] {strides = array<i32>} : memref<2x528xi32, #tpu.memory_space<vmem>>, vector<16xi32>,
    tpu.vector_store %arg9[%swap3A_88, %swap3A_89], %broadcast_in_dim3A_3 {strides = array<i32>} : memref<2x528xi32, #tpu.memory_space<vmem>>, vector<16xi32>,
    %swap3A_91 = arith.constant 0 : i32
    %swap3A_92 = arith.index_cast %swap3A_91 : i32 to index
    %swap3A_93 = arith.constant 176 : index
    %swap3A_94 = tpu.vector_load %arg8[%swap3A_92, %swap3A_93] {strides = array<i32>} : memref<2x512xi32, #tpu.memory_space<vmem>>, vector<16xi32>,
    tpu.vector_store %arg8[%swap3A_92, %swap3A_93], %broadcast_in_dim3A_3 {strides = array<i32>} : memref<2x512xi32, #tpu.memory_space<vmem>>, vector<16xi32>,
    %swap3A_95 = arith.constant 0 : i32
    %swap3A_96 = arith.index_cast %swap3A_95 : i32 to index
    %swap3A_97 = arith.constant 176 : index
    %swap3A_98 = tpu.vector_load %arg9[%swap3A_96, %swap3A_97] {strides = array<i32>} : memref<2x528xi32, #tpu.memory_space<vmem>>, vector<16xi32>,
    tpu.vector_store %arg9[%swap3A_96, %swap3A_97], %broadcast_in_dim3A_3 {strides = array<i32>} : memref<2x528xi32, #tpu.memory_space<vmem>>, vector<16xi32>,
    %swap3A_99 = arith.constant 0 : i32
    %swap3A_100 = arith.index_cast %swap3A_99 : i32 to index
    %swap3A_101 = arith.constant 192 : index
    %swap3A_102 = tpu.vector_load %arg8[%swap3A_100, %swap3A_101] {strides = array<i32>} : memref<2x512xi32, #tpu.memory_space<vmem>>, vector<16xi32>,
    tpu.vector_store %arg8[%swap3A_100, %swap3A_101], %broadcast_in_dim3A_3 {strides = array<i32>} : memref<2x512xi32, #tpu.memory_space<vmem>>, vector<16xi32>,
    %swap3A_103 = arith.constant 0 : i32
    %swap3A_104 = arith.index_cast %swap3A_103 : i32 to index
    %swap3A_105 = arith.constant 192 : index
    %swap3A_106 = tpu.vector_load %arg9[%swap3A_104, %swap3A_105] {strides = array<i32>} : memref<2x528xi32, #tpu.memory_space<vmem>>, vector<16xi32>,
    tpu.vector_store %arg9[%swap3A_104, %swap3A_105], %broadcast_in_dim3A_3 {strides = array<i32>} : memref<2x528xi32, #tpu.memory_space<vmem>>, vector<16xi32>,
    %swap3A_107 = arith.constant 0 : i32
    %swap3A_108 = arith.index_cast %swap3A_107 : i32 to index
    %swap3A_109 = arith.constant 208 : index
    %swap3A_110 = tpu.vector_load %arg8[%swap3A_108, %swap3A_109] {strides = array<i32>} : memref<2x512xi32, #tpu.memory_space<vmem>>, vector<16xi32>,
    tpu.vector_store %arg8[%swap3A_108, %swap3A_109], %broadcast_in_dim3A_3 {strides = array<i32>} : memref<2x512xi32, #tpu.memory_space<vmem>>, vector<16xi32>,
    %swap3A_111 = arith.constant 0 : i32
    %swap3A_112 = arith.index_cast %swap3A_111 : i32 to index
    %swap3A_113 = arith.constant 208 : index
    %swap3A_114 = tpu.vector_load %arg9[%swap3A_112, %swap3A_113] {strides = array<i32>} : memref<2x528xi32, #tpu.memory_space<vmem>>, vector<16xi32>,
    tpu.vector_store %arg9[%swap3A_112, %swap3A_113], %broadcast_in_dim3A_3 {strides = array<i32>} : memref<2x528xi32, #tpu.memory_space<vmem>>, vector<16xi32>,
    %swap3A_115 = arith.constant 0 : i32
    %swap3A_116 = arith.index_cast %swap3A_115 : i32 to index
    %swap3A_117 = arith.constant 224 : index
    %swap3A_118 = tpu.vector_load %arg8[%swap3A_116, %swap3A_117] {strides = array<i32>} : memref<2x512xi32, #tpu.memory_space<vmem>>, vector<16xi32>,
    tpu.vector_store %arg8[%swap3A_116, %swap3A_117], %broadcast_in_dim3A_3 {strides = array<i32>} : memref<2x512xi32, #tpu.memory_space<vmem>>, vector<16xi32>,
    %swap3A_119 = arith.constant 0 : i32
    %swap3A_120 = arith.index_cast %swap3A_119 : i32 to index
    %swap3A_121 = arith.constant 224 : index
    %swap3A_122 = tpu.vector_load %arg9[%swap3A_120, %swap3A_121] {strides = array<i32>} : memref<2x528xi32, #tpu.memory_space<vmem>>, vector<16xi32>,
    tpu.vector_store %arg9[%swap3A_120, %swap3A_121], %broadcast_in_dim3A_3 {strides = array<i32>} : memref<2x528xi32, #tpu.memory_space<vmem>>, vector<16xi32>,
    %swap3A_123 = arith.constant 0 : i32
    %swap3A_124 = arith.index_cast %swap3A_123 : i32 to index
    %swap3A_125 = arith.constant 240 : index
    %swap3A_126 = tpu.vector_load %arg8[%swap3A_124, %swap3A_125] {strides = array<i32>} : memref<2x512xi32, #tpu.memory_space<vmem>>, vector<16xi32>,
    tpu.vector_store %arg8[%swap3A_124, %swap3A_125], %broadcast_in_dim3A_3 {strides = array<i32>} : memref<2x512xi32, #tpu.memory_space<vmem>>, vector<16xi32>,
    %swap3A_127 = arith.constant 0 : i32
    %swap3A_128 = arith.index_cast %swap3A_127 : i32 to index
    %swap3A_129 = arith.constant 240 : index
    %swap3A_130 = tpu.vector_load %arg9[%swap3A_128, %swap3A_129] {strides = array<i32>} : memref<2x528xi32, #tpu.memory_space<vmem>>, vector<16xi32>,
    tpu.vector_store %arg9[%swap3A_128, %swap3A_129], %broadcast_in_dim3A_3 {strides = array<i32>} : memref<2x528xi32, #tpu.memory_space<vmem>>, vector<16xi32>,
    %swap3A_131 = arith.constant 0 : i32
    %swap3A_132 = arith.index_cast %swap3A_131 : i32 to index
    %swap3A_133 = arith.constant 256 : index
    %swap3A_134 = tpu.vector_load %arg8[%swap3A_132, %swap3A_133] {strides = array<i32>} : memref<2x512xi32, #tpu.memory_space<vmem>>, vector<16xi32>,
    tpu.vector_store %arg8[%swap3A_132, %swap3A_133], %broadcast_in_dim3A_3 {strides = array<i32>} : memref<2x512xi32, #tpu.memory_space<vmem>>, vector<16xi32>,
    %swap3A_135 = arith.constant 0 : i32
    %swap3A_136 = arith.index_cast %swap3A_135 : i32 to index
    %swap3A_137 = arith.constant 256 : index
    %swap3A_138 = tpu.vector_load %arg9[%swap3A_136, %swap3A_137] {strides = array<i32>} : memref<2x528xi32, #tpu.memory_space<vmem>>, vector<16xi32>,
    tpu.vector_store %arg9[%swap3A_136, %swap3A_137], %broadcast_in_dim3A_3 {strides = array<i32>} : memref<2x528xi32, #tpu.memory_space<vmem>>, vector<16xi32>,
    %swap3A_139 = arith.constant 0 : i32
    %swap3A_140 = arith.index_cast %swap3A_139 : i32 to index
    %swap3A_141 = arith.constant 272 : index
    %swap3A_142 = tpu.vector_load %arg8[%swap3A_140, %swap3A_141] {strides = array<i32>} : memref<2x512xi32, #tpu.memory_space<vmem>>, vector<16xi32>,
    tpu.vector_store %arg8[%swap3A_140, %swap3A_141], %broadcast_in_dim3A_3 {strides = array<i32>} : memref<2x512xi32, #tpu.memory_space<vmem>>, vector<16xi32>,
    %swap3A_143 = arith.constant 0 : i32
    %swap3A_144 = arith.index_cast %swap3A_143 : i32 to index
    %swap3A_145 = arith.constant 272 : index
    %swap3A_146 = tpu.vector_load %arg9[%swap3A_144, %swap3A_145] {strides = array<i32>} : memref<2x528xi32, #tpu.memory_space<vmem>>, vector<16xi32>,
    tpu.vector_store %arg9[%swap3A_144, %swap3A_145], %broadcast_in_dim3A_3 {strides = array<i32>} : memref<2x528xi32, #tpu.memory_space<vmem>>, vector<16xi32>,
    %swap3A_147 = arith.constant 0 : i32
    %swap3A_148 = arith.index_cast %swap3A_147 : i32 to index
    %swap3A_149 = arith.constant 288 : index
    %swap3A_150 = tpu.vector_load %arg8[%swap3A_148, %swap3A_149] {strides = array<i32>} : memref<2x512xi32, #tpu.memory_space<vmem>>, vector<16xi32>,
    tpu.vector_store %arg8[%swap3A_148, %swap3A_149], %broadcast_in_dim3A_3 {strides = array<i32>} : memref<2x512xi32, #tpu.memory_space<vmem>>, vector<16xi32>,
    %swap3A_151 = arith.constant 0 : i32
    %swap3A_152 = arith.index_cast %swap3A_151 : i32 to index
    %swap3A_153 = arith.constant 288 : index
    %swap3A_154 = tpu.vector_load %arg9[%swap3A_152, %swap3A_153] {strides = array<i32>} : memref<2x528xi32, #tpu.memory_space<vmem>>, vector<16xi32>,
    tpu.vector_store %arg9[%swap3A_152, %swap3A_153], %broadcast_in_dim3A_3 {strides = array<i32>} : memref<2x528xi32, #tpu.memory_space<vmem>>, vector<16xi32>,
    %swap3A_155 = arith.constant 0 : i32
    %swap3A_156 = arith.index_cast %swap3A_155 : i32 to index
    %swap3A_157 = arith.constant 304 : index
    %swap3A_158 = tpu.vector_load %arg8[%swap3A_156, %swap3A_157] {strides = array<i32>} : memref<2x512xi32, #tpu.memory_space<vmem>>, vector<16xi32>,
    tpu.vector_store %arg8[%swap3A_156, %swap3A_157], %broadcast_in_dim3A_3 {strides = array<i32>} : memref<2x512xi32, #tpu.memory_space<vmem>>, vector<16xi32>,
    %swap3A_159 = arith.constant 0 : i32
    %swap3A_160 = arith.index_cast %swap3A_159 : i32 to index
    %swap3A_161 = arith.constant 304 : index
    %swap3A_162 = tpu.vector_load %arg9[%swap3A_160, %swap3A_161] {strides = array<i32>} : memref<2x528xi32, #tpu.memory_space<vmem>>, vector<16xi32>,
    tpu.vector_store %arg9[%swap3A_160, %swap3A_161], %broadcast_in_dim3A_3 {strides = array<i32>} : memref<2x528xi32, #tpu.memory_space<vmem>>, vector<16xi32>,
    %swap3A_163 = arith.constant 0 : i32
    %swap3A_164 = arith.index_cast %swap3A_163 : i32 to index
    %swap3A_165 = arith.constant 320 : index
    %swap3A_166 = tpu.vector_load %arg8[%swap3A_164, %swap3A_165] {strides = array<i32>} : memref<2x512xi32, #tpu.memory_space<vmem>>, vector<16xi32>,
    tpu.vector_store %arg8[%swap3A_164, %swap3A_165], %broadcast_in_dim3A_3 {strides = array<i32>} : memref<2x512xi32, #tpu.memory_space<vmem>>, vector<16xi32>,
    %swap3A_167 = arith.constant 0 : i32
    %swap3A_168 = arith.index_cast %swap3A_167 : i32 to index
    %swap3A_169 = arith.constant 320 : index
    %swap3A_170 = tpu.vector_load %arg9[%swap3A_168, %swap3A_169] {strides = array<i32>} : memref<2x528xi32, #tpu.memory_space<vmem>>, vector<16xi32>,
    tpu.vector_store %arg9[%swap3A_168, %swap3A_169], %broadcast_in_dim3A_3 {strides = array<i32>} : memref<2x528xi32, #tpu.memory_space<vmem>>, vector<16xi32>,
    %swap3A_171 = arith.constant 0 : i32
    %swap3A_172 = arith.index_cast %swap3A_171 : i32 to index
    %swap3A_173 = arith.constant 336 : index
    %swap3A_174 = tpu.vector_load %arg8[%swap3A_172, %swap3A_173] {strides = array<i32>} : memref<2x512xi32, #tpu.memory_space<vmem>>, vector<16xi32>,
    tpu.vector_store %arg8[%swap3A_172, %swap3A_173], %broadcast_in_dim3A_3 {strides = array<i32>} : memref<2x512xi32, #tpu.memory_space<vmem>>, vector<16xi32>,
    %swap3A_175 = arith.constant 0 : i32
    %swap3A_176 = arith.index_cast %swap3A_175 : i32 to index
    %swap3A_177 = arith.constant 336 : index
    %swap3A_178 = tpu.vector_load %arg9[%swap3A_176, %swap3A_177] {strides = array<i32>} : memref<2x528xi32, #tpu.memory_space<vmem>>, vector<16xi32>,
    tpu.vector_store %arg9[%swap3A_176, %swap3A_177], %broadcast_in_dim3A_3 {strides = array<i32>} : memref<2x528xi32, #tpu.memory_space<vmem>>, vector<16xi32>,
    %swap3A_179 = arith.constant 0 : i32
    %swap3A_180 = arith.index_cast %swap3A_179 : i32 to index
    %swap3A_181 = arith.constant 352 : index
    %swap3A_182 = tpu.vector_load %arg8[%swap3A_180, %swap3A_181] {strides = array<i32>} : memref<2x512xi32, #tpu.memory_space<vmem>>, vector<16xi32>,
    tpu.vector_store %arg8[%swap3A_180, %swap3A_181], %broadcast_in_dim3A_3 {strides = array<i32>} : memref<2x512xi32, #tpu.memory_space<vmem>>, vector<16xi32>,
    %swap3A_183 = arith.constant 0 : i32
    %swap3A_184 = arith.index_cast %swap3A_183 : i32 to index
    %swap3A_185 = arith.constant 352 : index
    %swap3A_186 = tpu.vector_load %arg9[%swap3A_184, %swap3A_185] {strides = array<i32>} : memref<2x528xi32, #tpu.memory_space<vmem>>, vector<16xi32>,
    tpu.vector_store %arg9[%swap3A_184, %swap3A_185], %broadcast_in_dim3A_3 {strides = array<i32>} : memref<2x528xi32, #tpu.memory_space<vmem>>, vector<16xi32>,
    %swap3A_187 = arith.constant 0 : i32
    %swap3A_188 = arith.index_cast %swap3A_187 : i32 to index
    %swap3A_189 = arith.constant 368 : index
    %swap3A_190 = tpu.vector_load %arg8[%swap3A_188, %swap3A_189] {strides = array<i32>} : memref<2x512xi32, #tpu.memory_space<vmem>>, vector<16xi32>,
    tpu.vector_store %arg8[%swap3A_188, %swap3A_189], %broadcast_in_dim3A_3 {strides = array<i32>} : memref<2x512xi32, #tpu.memory_space<vmem>>, vector<16xi32>,
    %swap3A_191 = arith.constant 0 : i32
    %swap3A_192 = arith.index_cast %swap3A_191 : i32 to index
    %swap3A_193 = arith.constant 368 : index
    %swap3A_194 = tpu.vector_load %arg9[%swap3A_192, %swap3A_193] {strides = array<i32>} : memref<2x528xi32, #tpu.memory_space<vmem>>, vector<16xi32>,
    tpu.vector_store %arg9[%swap3A_192, %swap3A_193], %broadcast_in_dim3A_3 {strides = array<i32>} : memref<2x528xi32, #tpu.memory_space<vmem>>, vector<16xi32>,
    %swap3A_195 = arith.constant 0 : i32
    %swap3A_196 = arith.index_cast %swap3A_195 : i32 to index
    %swap3A_197 = arith.constant 384 : index
    %swap3A_198 = tpu.vector_load %arg8[%swap3A_196, %swap3A_197] {strides = array<i32>} : memref<2x512xi32, #tpu.memory_space<vmem>>, vector<16xi32>,
    tpu.vector_store %arg8[%swap3A_196, %swap3A_197], %broadcast_in_dim3A_3 {strides = array<i32>} : memref<2x512xi32, #tpu.memory_space<vmem>>, vector<16xi32>,
    %swap3A_199 = arith.constant 0 : i32
    %swap3A_200 = arith.index_cast %swap3A_199 : i32 to index
    %swap3A_201 = arith.constant 384 : index
    %swap3A_202 = tpu.vector_load %arg9[%swap3A_200, %swap3A_201] {strides = array<i32>} : memref<2x528xi32, #tpu.memory_space<vmem>>, vector<16xi32>,
    tpu.vector_store %arg9[%swap3A_200, %swap3A_201], %broadcast_in_dim3A_3 {strides = array<i32>} : memref<2x528xi32, #tpu.memory_space<vmem>>, vector<16xi32>,
    %swap3A_203 = arith.constant 0 : i32
    %swap3A_204 = arith.index_cast %swap3A_203 : i32 to index
    %swap3A_205 = arith.constant 400 : index
    %swap3A_206 = tpu.vector_load %arg8[%swap3A_204, %swap3A_205] {strides = array<i32>} : memref<2x512xi32, #tpu.memory_space<vmem>>, vector<16xi32>,
    tpu.vector_store %arg8[%swap3A_204, %swap3A_205], %broadcast_in_dim3A_3 {strides = array<i32>} : memref<2x512xi32, #tpu.memory_space<vmem>>, vector<16xi32>,
    %swap3A_207 = arith.constant 0 : i32
    %swap3A_208 = arith.index_cast %swap3A_207 : i32 to index
    %swap3A_209 = arith.constant 400 : index
    %swap3A_210 = tpu.vector_load %arg9[%swap3A_208, %swap3A_209] {strides = array<i32>} : memref<2x528xi32, #tpu.memory_space<vmem>>, vector<16xi32>,
    tpu.vector_store %arg9[%swap3A_208, %swap3A_209], %broadcast_in_dim3A_3 {strides = array<i32>} : memref<2x528xi32, #tpu.memory_space<vmem>>, vector<16xi32>,
    %swap3A_211 = arith.constant 0 : i32
    %swap3A_212 = arith.index_cast %swap3A_211 : i32 to index
    %swap3A_213 = arith.constant 416 : index
    %swap3A_214 = tpu.vector_load %arg8[%swap3A_212, %swap3A_213] {strides = array<i32>} : memref<2x512xi32, #tpu.memory_space<vmem>>, vector<16xi32>,
    tpu.vector_store %arg8[%swap3A_212, %swap3A_213], %broadcast_in_dim3A_3 {strides = array<i32>} : memref<2x512xi32, #tpu.memory_space<vmem>>, vector<16xi32>,
    %swap3A_215 = arith.constant 0 : i32
    %swap3A_216 = arith.index_cast %swap3A_215 : i32 to index
    %swap3A_217 = arith.constant 416 : index
    %swap3A_218 = tpu.vector_load %arg9[%swap3A_216, %swap3A_217] {strides = array<i32>} : memref<2x528xi32, #tpu.memory_space<vmem>>, vector<16xi32>,
    tpu.vector_store %arg9[%swap3A_216, %swap3A_217], %broadcast_in_dim3A_3 {strides = array<i32>} : memref<2x528xi32, #tpu.memory_space<vmem>>, vector<16xi32>,
    %swap3A_219 = arith.constant 0 : i32
    %swap3A_220 = arith.index_cast %swap3A_219 : i32 to index
    %swap3A_221 = arith.constant 432 : index
    %swap3A_222 = tpu.vector_load %arg8[%swap3A_220, %swap3A_221] {strides = array<i32>} : memref<2x512xi32, #tpu.memory_space<vmem>>, vector<16xi32>,
    tpu.vector_store %arg8[%swap3A_220, %swap3A_221], %broadcast_in_dim3A_3 {strides = array<i32>} : memref<2x512xi32, #tpu.memory_space<vmem>>, vector<16xi32>,
    %swap3A_223 = arith.constant 0 : i32
    %swap3A_224 = arith.index_cast %swap3A_223 : i32 to index
    %swap3A_225 = arith.constant 432 : index
    %swap3A_226 = tpu.vector_load %arg9[%swap3A_224, %swap3A_225] {strides = array<i32>} : memref<2x528xi32, #tpu.memory_space<vmem>>, vector<16xi32>,
    tpu.vector_store %arg9[%swap3A_224, %swap3A_225], %broadcast_in_dim3A_3 {strides = array<i32>} : memref<2x528xi32, #tpu.memory_space<vmem>>, vector<16xi32>,
    %swap3A_227 = arith.constant 0 : i32
    %swap3A_228 = arith.index_cast %swap3A_227 : i32 to index
    %swap3A_229 = arith.constant 448 : index
    %swap3A_230 = tpu.vector_load %arg8[%swap3A_228, %swap3A_229] {strides = array<i32>} : memref<2x512xi32, #tpu.memory_space<vmem>>, vector<16xi32>,
    tpu.vector_store %arg8[%swap3A_228, %swap3A_229], %broadcast_in_dim3A_3 {strides = array<i32>} : memref<2x512xi32, #tpu.memory_space<vmem>>, vector<16xi32>,
    %swap3A_231 = arith.constant 0 : i32
    %swap3A_232 = arith.index_cast %swap3A_231 : i32 to index
    %swap3A_233 = arith.constant 448 : index
    %swap3A_234 = tpu.vector_load %arg9[%swap3A_232, %swap3A_233] {strides = array<i32>} : memref<2x528xi32, #tpu.memory_space<vmem>>, vector<16xi32>,
    tpu.vector_store %arg9[%swap3A_232, %swap3A_233], %broadcast_in_dim3A_3 {strides = array<i32>} : memref<2x528xi32, #tpu.memory_space<vmem>>, vector<16xi32>,
    %swap3A_235 = arith.constant 0 : i32
    %swap3A_236 = arith.index_cast %swap3A_235 : i32 to index
    %swap3A_237 = arith.constant 464 : index
    %swap3A_238 = tpu.vector_load %arg8[%swap3A_236, %swap3A_237] {strides = array<i32>} : memref<2x512xi32, #tpu.memory_space<vmem>>, vector<16xi32>,
    tpu.vector_store %arg8[%swap3A_236, %swap3A_237], %broadcast_in_dim3A_3 {strides = array<i32>} : memref<2x512xi32, #tpu.memory_space<vmem>>, vector<16xi32>,
    %swap3A_239 = arith.constant 0 : i32
    %swap3A_240 = arith.index_cast %swap3A_239 : i32 to index
    %swap3A_241 = arith.constant 464 : index
    %swap3A_242 = tpu.vector_load %arg9[%swap3A_240, %swap3A_241] {strides = array<i32>} : memref<2x528xi32, #tpu.memory_space<vmem>>, vector<16xi32>,
    tpu.vector_store %arg9[%swap3A_240, %swap3A_241], %broadcast_in_dim3A_3 {strides = array<i32>} : memref<2x528xi32, #tpu.memory_space<vmem>>, vector<16xi32>,
    %swap3A_243 = arith.constant 0 : i32
    %swap3A_244 = arith.index_cast %swap3A_243 : i32 to index
    %swap3A_245 = arith.constant 480 : index
    %swap3A_246 = tpu.vector_load %arg8[%swap3A_244, %swap3A_245] {strides = array<i32>} : memref<2x512xi32, #tpu.memory_space<vmem>>, vector<16xi32>,
    tpu.vector_store %arg8[%swap3A_244, %swap3A_245], %broadcast_in_dim3A_3 {strides = array<i32>} : memref<2x512xi32, #tpu.memory_space<vmem>>, vector<16xi32>,
    %swap3A_247 = arith.constant 0 : i32
    %swap3A_248 = arith.index_cast %swap3A_247 : i32 to index
    %swap3A_249 = arith.constant 480 : index
    %swap3A_250 = tpu.vector_load %arg9[%swap3A_248, %swap3A_249] {strides = array<i32>} : memref<2x528xi32, #tpu.memory_space<vmem>>, vector<16xi32>,
    tpu.vector_store %arg9[%swap3A_248, %swap3A_249], %broadcast_in_dim3A_3 {strides = array<i32>} : memref<2x528xi32, #tpu.memory_space<vmem>>, vector<16xi32>,
    %swap3A_251 = arith.constant 0 : i32
    %swap3A_252 = arith.index_cast %swap3A_251 : i32 to index
    %swap3A_253 = arith.constant 496 : index
    %swap3A_254 = tpu.vector_load %arg8[%swap3A_252, %swap3A_253] {strides = array<i32>} : memref<2x512xi32, #tpu.memory_space<vmem>>, vector<16xi32>,
    tpu.vector_store %arg8[%swap3A_252, %swap3A_253], %broadcast_in_dim3A_3 {strides = array<i32>} : memref<2x512xi32, #tpu.memory_space<vmem>>, vector<16xi32>,
    %swap3A_255 = arith.constant 0 : i32
    %swap3A_256 = arith.index_cast %swap3A_255 : i32 to index
    %swap3A_257 = arith.constant 496 : index
    %swap3A_258 = tpu.vector_load %arg9[%swap3A_256, %swap3A_257] {strides = array<i32>} : memref<2x528xi32, #tpu.memory_space<vmem>>, vector<16xi32>,
    tpu.vector_store %arg9[%swap3A_256, %swap3A_257], %broadcast_in_dim3A_3 {strides = array<i32>} : memref<2x528xi32, #tpu.memory_space<vmem>>, vector<16xi32>,
    %swap3A_259 = arith.constant 1 : i32
    %swap3A_260 = arith.index_cast %swap3A_259 : i32 to index
    %swap3A_261 = arith.constant 0 : index
    %swap3A_262 = tpu.vector_load %arg8[%swap3A_260, %swap3A_261] {strides = array<i32>} : memref<2x512xi32, #tpu.memory_space<vmem>>, vector<16xi32>,
    tpu.vector_store %arg8[%swap3A_260, %swap3A_261], %broadcast_in_dim3A_3 {strides = array<i32>} : memref<2x512xi32, #tpu.memory_space<vmem>>, vector<16xi32>,
    %swap3A_263 = arith.constant 1 : i32
    %swap3A_264 = arith.index_cast %swap3A_263 : i32 to index
    %swap3A_265 = arith.constant 0 : index
    %swap3A_266 = tpu.vector_load %arg9[%swap3A_264, %swap3A_265] {strides = array<i32>} : memref<2x528xi32, #tpu.memory_space<vmem>>, vector<16xi32>,
    tpu.vector_store %arg9[%swap3A_264, %swap3A_265], %broadcast_in_dim3A_3 {strides = array<i32>} : memref<2x528xi32, #tpu.memory_space<vmem>>, vector<16xi32>,
    %swap3A_267 = arith.constant 1 : i32
    %swap3A_268 = arith.index_cast %swap3A_267 : i32 to index
    %swap3A_269 = arith.constant 16 : index
    %swap3A_270 = tpu.vector_load %arg8[%swap3A_268, %swap3A_269] {strides = array<i32>} : memref<2x512xi32, #tpu.memory_space<vmem>>, vector<16xi32>,
    tpu.vector_store %arg8[%swap3A_268, %swap3A_269], %broadcast_in_dim3A_3 {strides = array<i32>} : memref<2x512xi32, #tpu.memory_space<vmem>>, vector<16xi32>,
    %swap3A_271 = arith.constant 1 : i32
    %swap3A_272 = arith.index_cast %swap3A_271 : i32 to index
    %swap3A_273 = arith.constant 16 : index
    %swap3A_274 = tpu.vector_load %arg9[%swap3A_272, %swap3A_273] {strides = array<i32>} : memref<2x528xi32, #tpu.memory_space<vmem>>, vector<16xi32>,
    tpu.vector_store %arg9[%swap3A_272, %swap3A_273], %broadcast_in_dim3A_3 {strides = array<i32>} : memref<2x528xi32, #tpu.memory_space<vmem>>, vector<16xi32>,
    %swap3A_275 = arith.constant 1 : i32
    %swap3A_276 = arith.index_cast %swap3A_275 : i32 to index
    %swap3A_277 = arith.constant 32 : index
    %swap3A_278 = tpu.vector_load %arg8[%swap3A_276, %swap3A_277] {strides = array<i32>} : memref<2x512xi32, #tpu.memory_space<vmem>>, vector<16xi32>,
    tpu.vector_store %arg8[%swap3A_276, %swap3A_277], %broadcast_in_dim3A_3 {strides = array<i32>} : memref<2x512xi32, #tpu.memory_space<vmem>>, vector<16xi32>,
    %swap3A_279 = arith.constant 1 : i32
    %swap3A_280 = arith.index_cast %swap3A_279 : i32 to index
    %swap3A_281 = arith.constant 32 : index
    %swap3A_282 = tpu.vector_load %arg9[%swap3A_280, %swap3A_281] {strides = array<i32>} : memref<2x528xi32, #tpu.memory_space<vmem>>, vector<16xi32>,
    tpu.vector_store %arg9[%swap3A_280, %swap3A_281], %broadcast_in_dim3A_3 {strides = array<i32>} : memref<2x528xi32, #tpu.memory_space<vmem>>, vector<16xi32>,
    %swap3A_283 = arith.constant 1 : i32
    %swap3A_284 = arith.index_cast %swap3A_283 : i32 to index
    %swap3A_285 = arith.constant 48 : index
    %swap3A_286 = tpu.vector_load %arg8[%swap3A_284, %swap3A_285] {strides = array<i32>} : memref<2x512xi32, #tpu.memory_space<vmem>>, vector<16xi32>,
    tpu.vector_store %arg8[%swap3A_284, %swap3A_285], %broadcast_in_dim3A_3 {strides = array<i32>} : memref<2x512xi32, #tpu.memory_space<vmem>>, vector<16xi32>,
    %swap3A_287 = arith.constant 1 : i32
    %swap3A_288 = arith.index_cast %swap3A_287 : i32 to index
    %swap3A_289 = arith.constant 48 : index
    %swap3A_290 = tpu.vector_load %arg9[%swap3A_288, %swap3A_289] {strides = array<i32>} : memref<2x528xi32, #tpu.memory_space<vmem>>, vector<16xi32>,
    tpu.vector_store %arg9[%swap3A_288, %swap3A_289], %broadcast_in_dim3A_3 {strides = array<i32>} : memref<2x528xi32, #tpu.memory_space<vmem>>, vector<16xi32>,
    %swap3A_291 = arith.constant 1 : i32
    %swap3A_292 = arith.index_cast %swap3A_291 : i32 to index
    %swap3A_293 = arith.constant 64 : index
    %swap3A_294 = tpu.vector_load %arg8[%swap3A_292, %swap3A_293] {strides = array<i32>} : memref<2x512xi32, #tpu.memory_space<vmem>>, vector<16xi32>,
    tpu.vector_store %arg8[%swap3A_292, %swap3A_293], %broadcast_in_dim3A_3 {strides = array<i32>} : memref<2x512xi32, #tpu.memory_space<vmem>>, vector<16xi32>,
    %swap3A_295 = arith.constant 1 : i32
    %swap3A_296 = arith.index_cast %swap3A_295 : i32 to index
    %swap3A_297 = arith.constant 64 : index
    %swap3A_298 = tpu.vector_load %arg9[%swap3A_296, %swap3A_297] {strides = array<i32>} : memref<2x528xi32, #tpu.memory_space<vmem>>, vector<16xi32>,
    tpu.vector_store %arg9[%swap3A_296, %swap3A_297], %broadcast_in_dim3A_3 {strides = array<i32>} : memref<2x528xi32, #tpu.memory_space<vmem>>, vector<16xi32>,
    %swap3A_299 = arith.constant 1 : i32
    %swap3A_300 = arith.index_cast %swap3A_299 : i32 to index
    %swap3A_301 = arith.constant 80 : index
    %swap3A_302 = tpu.vector_load %arg8[%swap3A_300, %swap3A_301] {strides = array<i32>} : memref<2x512xi32, #tpu.memory_space<vmem>>, vector<16xi32>,
    tpu.vector_store %arg8[%swap3A_300, %swap3A_301], %broadcast_in_dim3A_3 {strides = array<i32>} : memref<2x512xi32, #tpu.memory_space<vmem>>, vector<16xi32>,
    %swap3A_303 = arith.constant 1 : i32
    %swap3A_304 = arith.index_cast %swap3A_303 : i32 to index
    %swap3A_305 = arith.constant 80 : index
    %swap3A_306 = tpu.vector_load %arg9[%swap3A_304, %swap3A_305] {strides = array<i32>} : memref<2x528xi32, #tpu.memory_space<vmem>>, vector<16xi32>,
    tpu.vector_store %arg9[%swap3A_304, %swap3A_305], %broadcast_in_dim3A_3 {strides = array<i32>} : memref<2x528xi32, #tpu.memory_space<vmem>>, vector<16xi32>,
    %swap3A_307 = arith.constant 1 : i32
    %swap3A_308 = arith.index_cast %swap3A_307 : i32 to index
    %swap3A_309 = arith.constant 96 : index
    %swap3A_310 = tpu.vector_load %arg8[%swap3A_308, %swap3A_309] {strides = array<i32>} : memref<2x512xi32, #tpu.memory_space<vmem>>, vector<16xi32>,
    tpu.vector_store %arg8[%swap3A_308, %swap3A_309], %broadcast_in_dim3A_3 {strides = array<i32>} : memref<2x512xi32, #tpu.memory_space<vmem>>, vector<16xi32>,
    %swap3A_311 = arith.constant 1 : i32
    %swap3A_312 = arith.index_cast %swap3A_311 : i32 to index
    %swap3A_313 = arith.constant 96 : index
    %swap3A_314 = tpu.vector_load %arg9[%swap3A_312, %swap3A_313] {strides = array<i32>} : memref<2x528xi32, #tpu.memory_space<vmem>>, vector<16xi32>,
    tpu.vector_store %arg9[%swap3A_312, %swap3A_313], %broadcast_in_dim3A_3 {strides = array<i32>} : memref<2x528xi32, #tpu.memory_space<vmem>>, vector<16xi32>,
    %swap3A_315 = arith.constant 1 : i32
    %swap3A_316 = arith.index_cast %swap3A_315 : i32 to index
    %swap3A_317 = arith.constant 112 : index
    %swap3A_318 = tpu.vector_load %arg8[%swap3A_316, %swap3A_317] {strides = array<i32>} : memref<2x512xi32, #tpu.memory_space<vmem>>, vector<16xi32>,
    tpu.vector_store %arg8[%swap3A_316, %swap3A_317], %broadcast_in_dim3A_3 {strides = array<i32>} : memref<2x512xi32, #tpu.memory_space<vmem>>, vector<16xi32>,
    %swap3A_319 = arith.constant 1 : i32
    %swap3A_320 = arith.index_cast %swap3A_319 : i32 to index
    %swap3A_321 = arith.constant 112 : index
    %swap3A_322 = tpu.vector_load %arg9[%swap3A_320, %swap3A_321] {strides = array<i32>} : memref<2x528xi32, #tpu.memory_space<vmem>>, vector<16xi32>,
    tpu.vector_store %arg9[%swap3A_320, %swap3A_321], %broadcast_in_dim3A_3 {strides = array<i32>} : memref<2x528xi32, #tpu.memory_space<vmem>>, vector<16xi32>,
    %swap3A_323 = arith.constant 1 : i32
    %swap3A_324 = arith.index_cast %swap3A_323 : i32 to index
    %swap3A_325 = arith.constant 128 : index
    %swap3A_326 = tpu.vector_load %arg8[%swap3A_324, %swap3A_325] {strides = array<i32>} : memref<2x512xi32, #tpu.memory_space<vmem>>, vector<16xi32>,
    tpu.vector_store %arg8[%swap3A_324, %swap3A_325], %broadcast_in_dim3A_3 {strides = array<i32>} : memref<2x512xi32, #tpu.memory_space<vmem>>, vector<16xi32>,
    %swap3A_327 = arith.constant 1 : i32
    %swap3A_328 = arith.index_cast %swap3A_327 : i32 to index
    %swap3A_329 = arith.constant 128 : index
    %swap3A_330 = tpu.vector_load %arg9[%swap3A_328, %swap3A_329] {strides = array<i32>} : memref<2x528xi32, #tpu.memory_space<vmem>>, vector<16xi32>,
    tpu.vector_store %arg9[%swap3A_328, %swap3A_329], %broadcast_in_dim3A_3 {strides = array<i32>} : memref<2x528xi32, #tpu.memory_space<vmem>>, vector<16xi32>,
    %swap3A_331 = arith.constant 1 : i32
    %swap3A_332 = arith.index_cast %swap3A_331 : i32 to index
    %swap3A_333 = arith.constant 144 : index
    %swap3A_334 = tpu.vector_load %arg8[%swap3A_332, %swap3A_333] {strides = array<i32>} : memref<2x512xi32, #tpu.memory_space<vmem>>, vector<16xi32>,
    tpu.vector_store %arg8[%swap3A_332, %swap3A_333], %broadcast_in_dim3A_3 {strides = array<i32>} : memref<2x512xi32, #tpu.memory_space<vmem>>, vector<16xi32>,
    %swap3A_335 = arith.constant 1 : i32
    %swap3A_336 = arith.index_cast %swap3A_335 : i32 to index
    %swap3A_337 = arith.constant 144 : index
    %swap3A_338 = tpu.vector_load %arg9[%swap3A_336, %swap3A_337] {strides = array<i32>} : memref<2x528xi32, #tpu.memory_space<vmem>>, vector<16xi32>,
    tpu.vector_store %arg9[%swap3A_336, %swap3A_337], %broadcast_in_dim3A_3 {strides = array<i32>} : memref<2x528xi32, #tpu.memory_space<vmem>>, vector<16xi32>,
    %swap3A_339 = arith.constant 1 : i32
    %swap3A_340 = arith.index_cast %swap3A_339 : i32 to index
    %swap3A_341 = arith.constant 160 : index
    %swap3A_342 = tpu.vector_load %arg8[%swap3A_340, %swap3A_341] {strides = array<i32>} : memref<2x512xi32, #tpu.memory_space<vmem>>, vector<16xi32>,
    tpu.vector_store %arg8[%swap3A_340, %swap3A_341], %broadcast_in_dim3A_3 {strides = array<i32>} : memref<2x512xi32, #tpu.memory_space<vmem>>, vector<16xi32>,
    %swap3A_343 = arith.constant 1 : i32
    %swap3A_344 = arith.index_cast %swap3A_343 : i32 to index
    %swap3A_345 = arith.constant 160 : index
    %swap3A_346 = tpu.vector_load %arg9[%swap3A_344, %swap3A_345] {strides = array<i32>} : memref<2x528xi32, #tpu.memory_space<vmem>>, vector<16xi32>,
    tpu.vector_store %arg9[%swap3A_344, %swap3A_345], %broadcast_in_dim3A_3 {strides = array<i32>} : memref<2x528xi32, #tpu.memory_space<vmem>>, vector<16xi32>,
    %swap3A_347 = arith.constant 1 : i32
    %swap3A_348 = arith.index_cast %swap3A_347 : i32 to index
    %swap3A_349 = arith.constant 176 : index
    %swap3A_350 = tpu.vector_load %arg8[%swap3A_348, %swap3A_349] {strides = array<i32>} : memref<2x512xi32, #tpu.memory_space<vmem>>, vector<16xi32>,
    tpu.vector_store %arg8[%swap3A_348, %swap3A_349], %broadcast_in_dim3A_3 {strides = array<i32>} : memref<2x512xi32, #tpu.memory_space<vmem>>, vector<16xi32>,
    %swap3A_351 = arith.constant 1 : i32
    %swap3A_352 = arith.index_cast %swap3A_351 : i32 to index
    %swap3A_353 = arith.constant 176 : index
    %swap3A_354 = tpu.vector_load %arg9[%swap3A_352, %swap3A_353] {strides = array<i32>} : memref<2x528xi32, #tpu.memory_space<vmem>>, vector<16xi32>,
    tpu.vector_store %arg9[%swap3A_352, %swap3A_353], %broadcast_in_dim3A_3 {strides = array<i32>} : memref<2x528xi32, #tpu.memory_space<vmem>>, vector<16xi32>,
    %swap3A_355 = arith.constant 1 : i32
    %swap3A_356 = arith.index_cast %swap3A_355 : i32 to index
    %swap3A_357 = arith.constant 192 : index
    %swap3A_358 = tpu.vector_load %arg8[%swap3A_356, %swap3A_357] {strides = array<i32>} : memref<2x512xi32, #tpu.memory_space<vmem>>, vector<16xi32>,
    tpu.vector_store %arg8[%swap3A_356, %swap3A_357], %broadcast_in_dim3A_3 {strides = array<i32>} : memref<2x512xi32, #tpu.memory_space<vmem>>, vector<16xi32>,
    %swap3A_359 = arith.constant 1 : i32
    %swap3A_360 = arith.index_cast %swap3A_359 : i32 to index
    %swap3A_361 = arith.constant 192 : index
    %swap3A_362 = tpu.vector_load %arg9[%swap3A_360, %swap3A_361] {strides = array<i32>} : memref<2x528xi32, #tpu.memory_space<vmem>>, vector<16xi32>,
    tpu.vector_store %arg9[%swap3A_360, %swap3A_361], %broadcast_in_dim3A_3 {strides = array<i32>} : memref<2x528xi32, #tpu.memory_space<vmem>>, vector<16xi32>,
    %swap3A_363 = arith.constant 1 : i32
    %swap3A_364 = arith.index_cast %swap3A_363 : i32 to index
    %swap3A_365 = arith.constant 208 : index
    %swap3A_366 = tpu.vector_load %arg8[%swap3A_364, %swap3A_365] {strides = array<i32>} : memref<2x512xi32, #tpu.memory_space<vmem>>, vector<16xi32>,
    tpu.vector_store %arg8[%swap3A_364, %swap3A_365], %broadcast_in_dim3A_3 {strides = array<i32>} : memref<2x512xi32, #tpu.memory_space<vmem>>, vector<16xi32>,
    %swap3A_367 = arith.constant 1 : i32
    %swap3A_368 = arith.index_cast %swap3A_367 : i32 to index
    %swap3A_369 = arith.constant 208 : index
    %swap3A_370 = tpu.vector_load %arg9[%swap3A_368, %swap3A_369] {strides = array<i32>} : memref<2x528xi32, #tpu.memory_space<vmem>>, vector<16xi32>,
    tpu.vector_store %arg9[%swap3A_368, %swap3A_369], %broadcast_in_dim3A_3 {strides = array<i32>} : memref<2x528xi32, #tpu.memory_space<vmem>>, vector<16xi32>,
    %swap3A_371 = arith.constant 1 : i32
    %swap3A_372 = arith.index_cast %swap3A_371 : i32 to index
    %swap3A_373 = arith.constant 224 : index
    %swap3A_374 = tpu.vector_load %arg8[%swap3A_372, %swap3A_373] {strides = array<i32>} : memref<2x512xi32, #tpu.memory_space<vmem>>, vector<16xi32>,
    tpu.vector_store %arg8[%swap3A_372, %swap3A_373], %broadcast_in_dim3A_3 {strides = array<i32>} : memref<2x512xi32, #tpu.memory_space<vmem>>, vector<16xi32>,
    %swap3A_375 = arith.constant 1 : i32
    %swap3A_376 = arith.index_cast %swap3A_375 : i32 to index
    %swap3A_377 = arith.constant 224 : index
    %swap3A_378 = tpu.vector_load %arg9[%swap3A_376, %swap3A_377] {strides = array<i32>} : memref<2x528xi32, #tpu.memory_space<vmem>>, vector<16xi32>,
    tpu.vector_store %arg9[%swap3A_376, %swap3A_377], %broadcast_in_dim3A_3 {strides = array<i32>} : memref<2x528xi32, #tpu.memory_space<vmem>>, vector<16xi32>,
    %swap3A_379 = arith.constant 1 : i32
    %swap3A_380 = arith.index_cast %swap3A_379 : i32 to index
    %swap3A_381 = arith.constant 240 : index
    %swap3A_382 = tpu.vector_load %arg8[%swap3A_380, %swap3A_381] {strides = array<i32>} : memref<2x512xi32, #tpu.memory_space<vmem>>, vector<16xi32>,
    tpu.vector_store %arg8[%swap3A_380, %swap3A_381], %broadcast_in_dim3A_3 {strides = array<i32>} : memref<2x512xi32, #tpu.memory_space<vmem>>, vector<16xi32>,
    %swap3A_383 = arith.constant 1 : i32
    %swap3A_384 = arith.index_cast %swap3A_383 : i32 to index
    %swap3A_385 = arith.constant 240 : index
    %swap3A_386 = tpu.vector_load %arg9[%swap3A_384, %swap3A_385] {strides = array<i32>} : memref<2x528xi32, #tpu.memory_space<vmem>>, vector<16xi32>,
    tpu.vector_store %arg9[%swap3A_384, %swap3A_385], %broadcast_in_dim3A_3 {strides = array<i32>} : memref<2x528xi32, #tpu.memory_space<vmem>>, vector<16xi32>,
    %swap3A_387 = arith.constant 1 : i32
    %swap3A_388 = arith.index_cast %swap3A_387 : i32 to index
    %swap3A_389 = arith.constant 256 : index
    %swap3A_390 = tpu.vector_load %arg8[%swap3A_388, %swap3A_389] {strides = array<i32>} : memref<2x512xi32, #tpu.memory_space<vmem>>, vector<16xi32>,
    tpu.vector_store %arg8[%swap3A_388, %swap3A_389], %broadcast_in_dim3A_3 {strides = array<i32>} : memref<2x512xi32, #tpu.memory_space<vmem>>, vector<16xi32>,
    %swap3A_391 = arith.constant 1 : i32
    %swap3A_392 = arith.index_cast %swap3A_391 : i32 to index
    %swap3A_393 = arith.constant 256 : index
    %swap3A_394 = tpu.vector_load %arg9[%swap3A_392, %swap3A_393] {strides = array<i32>} : memref<2x528xi32, #tpu.memory_space<vmem>>, vector<16xi32>,
    tpu.vector_store %arg9[%swap3A_392, %swap3A_393], %broadcast_in_dim3A_3 {strides = array<i32>} : memref<2x528xi32, #tpu.memory_space<vmem>>, vector<16xi32>,
    %swap3A_395 = arith.constant 1 : i32
    %swap3A_396 = arith.index_cast %swap3A_395 : i32 to index
    %swap3A_397 = arith.constant 272 : index
    %swap3A_398 = tpu.vector_load %arg8[%swap3A_396, %swap3A_397] {strides = array<i32>} : memref<2x512xi32, #tpu.memory_space<vmem>>, vector<16xi32>,
    tpu.vector_store %arg8[%swap3A_396, %swap3A_397], %broadcast_in_dim3A_3 {strides = array<i32>} : memref<2x512xi32, #tpu.memory_space<vmem>>, vector<16xi32>,
    %swap3A_399 = arith.constant 1 : i32
    %swap3A_400 = arith.index_cast %swap3A_399 : i32 to index
    %swap3A_401 = arith.constant 272 : index
    %swap3A_402 = tpu.vector_load %arg9[%swap3A_400, %swap3A_401] {strides = array<i32>} : memref<2x528xi32, #tpu.memory_space<vmem>>, vector<16xi32>,
    tpu.vector_store %arg9[%swap3A_400, %swap3A_401], %broadcast_in_dim3A_3 {strides = array<i32>} : memref<2x528xi32, #tpu.memory_space<vmem>>, vector<16xi32>,
    %swap3A_403 = arith.constant 1 : i32
    %swap3A_404 = arith.index_cast %swap3A_403 : i32 to index
    %swap3A_405 = arith.constant 288 : index
    %swap3A_406 = tpu.vector_load %arg8[%swap3A_404, %swap3A_405] {strides = array<i32>} : memref<2x512xi32, #tpu.memory_space<vmem>>, vector<16xi32>,
    tpu.vector_store %arg8[%swap3A_404, %swap3A_405], %broadcast_in_dim3A_3 {strides = array<i32>} : memref<2x512xi32, #tpu.memory_space<vmem>>, vector<16xi32>,
    %swap3A_407 = arith.constant 1 : i32
    %swap3A_408 = arith.index_cast %swap3A_407 : i32 to index
    %swap3A_409 = arith.constant 288 : index
    %swap3A_410 = tpu.vector_load %arg9[%swap3A_408, %swap3A_409] {strides = array<i32>} : memref<2x528xi32, #tpu.memory_space<vmem>>, vector<16xi32>,
    tpu.vector_store %arg9[%swap3A_408, %swap3A_409], %broadcast_in_dim3A_3 {strides = array<i32>} : memref<2x528xi32, #tpu.memory_space<vmem>>, vector<16xi32>,
    %swap3A_411 = arith.constant 1 : i32
    %swap3A_412 = arith.index_cast %swap3A_411 : i32 to index
    %swap3A_413 = arith.constant 304 : index
    %swap3A_414 = tpu.vector_load %arg8[%swap3A_412, %swap3A_413] {strides = array<i32>} : memref<2x512xi32, #tpu.memory_space<vmem>>, vector<16xi32>,
    tpu.vector_store %arg8[%swap3A_412, %swap3A_413], %broadcast_in_dim3A_3 {strides = array<i32>} : memref<2x512xi32, #tpu.memory_space<vmem>>, vector<16xi32>,
    %swap3A_415 = arith.constant 1 : i32
    %swap3A_416 = arith.index_cast %swap3A_415 : i32 to index
    %swap3A_417 = arith.constant 304 : index
    %swap3A_418 = tpu.vector_load %arg9[%swap3A_416, %swap3A_417] {strides = array<i32>} : memref<2x528xi32, #tpu.memory_space<vmem>>, vector<16xi32>,
    tpu.vector_store %arg9[%swap3A_416, %swap3A_417], %broadcast_in_dim3A_3 {strides = array<i32>} : memref<2x528xi32, #tpu.memory_space<vmem>>, vector<16xi32>,
    %swap3A_419 = arith.constant 1 : i32
    %swap3A_420 = arith.index_cast %swap3A_419 : i32 to index
    %swap3A_421 = arith.constant 320 : index
    %swap3A_422 = tpu.vector_load %arg8[%swap3A_420, %swap3A_421] {strides = array<i32>} : memref<2x512xi32, #tpu.memory_space<vmem>>, vector<16xi32>,
    tpu.vector_store %arg8[%swap3A_420, %swap3A_421], %broadcast_in_dim3A_3 {strides = array<i32>} : memref<2x512xi32, #tpu.memory_space<vmem>>, vector<16xi32>,
    %swap3A_423 = arith.constant 1 : i32
    %swap3A_424 = arith.index_cast %swap3A_423 : i32 to index
    %swap3A_425 = arith.constant 320 : index
    %swap3A_426 = tpu.vector_load %arg9[%swap3A_424, %swap3A_425] {strides = array<i32>} : memref<2x528xi32, #tpu.memory_space<vmem>>, vector<16xi32>,
    tpu.vector_store %arg9[%swap3A_424, %swap3A_425], %broadcast_in_dim3A_3 {strides = array<i32>} : memref<2x528xi32, #tpu.memory_space<vmem>>, vector<16xi32>,
    %swap3A_427 = arith.constant 1 : i32
    %swap3A_428 = arith.index_cast %swap3A_427 : i32 to index
    %swap3A_429 = arith.constant 336 : index
    %swap3A_430 = tpu.vector_load %arg8[%swap3A_428, %swap3A_429] {strides = array<i32>} : memref<2x512xi32, #tpu.memory_space<vmem>>, vector<16xi32>,
    tpu.vector_store %arg8[%swap3A_428, %swap3A_429], %broadcast_in_dim3A_3 {strides = array<i32>} : memref<2x512xi32, #tpu.memory_space<vmem>>, vector<16xi32>,
    %swap3A_431 = arith.constant 1 : i32
    %swap3A_432 = arith.index_cast %swap3A_431 : i32 to index
    %swap3A_433 = arith.constant 336 : index
    %swap3A_434 = tpu.vector_load %arg9[%swap3A_432, %swap3A_433] {strides = array<i32>} : memref<2x528xi32, #tpu.memory_space<vmem>>, vector<16xi32>,
    tpu.vector_store %arg9[%swap3A_432, %swap3A_433], %broadcast_in_dim3A_3 {strides = array<i32>} : memref<2x528xi32, #tpu.memory_space<vmem>>, vector<16xi32>,
    %swap3A_435 = arith.constant 1 : i32
    %swap3A_436 = arith.index_cast %swap3A_435 : i32 to index
    %swap3A_437 = arith.constant 352 : index
    %swap3A_438 = tpu.vector_load %arg8[%swap3A_436, %swap3A_437] {strides = array<i32>} : memref<2x512xi32, #tpu.memory_space<vmem>>, vector<16xi32>,
    tpu.vector_store %arg8[%swap3A_436, %swap3A_437], %broadcast_in_dim3A_3 {strides = array<i32>} : memref<2x512xi32, #tpu.memory_space<vmem>>, vector<16xi32>,
    %swap3A_439 = arith.constant 1 : i32
    %swap3A_440 = arith.index_cast %swap3A_439 : i32 to index
    %swap3A_441 = arith.constant 352 : index
    %swap3A_442 = tpu.vector_load %arg9[%swap3A_440, %swap3A_441] {strides = array<i32>} : memref<2x528xi32, #tpu.memory_space<vmem>>, vector<16xi32>,
    tpu.vector_store %arg9[%swap3A_440, %swap3A_441], %broadcast_in_dim3A_3 {strides = array<i32>} : memref<2x528xi32, #tpu.memory_space<vmem>>, vector<16xi32>,
    %swap3A_443 = arith.constant 1 : i32
    %swap3A_444 = arith.index_cast %swap3A_443 : i32 to index
    %swap3A_445 = arith.constant 368 : index
    %swap3A_446 = tpu.vector_load %arg8[%swap3A_444, %swap3A_445] {strides = array<i32>} : memref<2x512xi32, #tpu.memory_space<vmem>>, vector<16xi32>,
    tpu.vector_store %arg8[%swap3A_444, %swap3A_445], %broadcast_in_dim3A_3 {strides = array<i32>} : memref<2x512xi32, #tpu.memory_space<vmem>>, vector<16xi32>,
    %swap3A_447 = arith.constant 1 : i32
    %swap3A_448 = arith.index_cast %swap3A_447 : i32 to index
    %swap3A_449 = arith.constant 368 : index
    %swap3A_450 = tpu.vector_load %arg9[%swap3A_448, %swap3A_449] {strides = array<i32>} : memref<2x528xi32, #tpu.memory_space<vmem>>, vector<16xi32>,
    tpu.vector_store %arg9[%swap3A_448, %swap3A_449], %broadcast_in_dim3A_3 {strides = array<i32>} : memref<2x528xi32, #tpu.memory_space<vmem>>, vector<16xi32>,
    %swap3A_451 = arith.constant 1 : i32
    %swap3A_452 = arith.index_cast %swap3A_451 : i32 to index
    %swap3A_453 = arith.constant 384 : index
    %swap3A_454 = tpu.vector_load %arg8[%swap3A_452, %swap3A_453] {strides = array<i32>} : memref<2x512xi32, #tpu.memory_space<vmem>>, vector<16xi32>,
    tpu.vector_store %arg8[%swap3A_452, %swap3A_453], %broadcast_in_dim3A_3 {strides = array<i32>} : memref<2x512xi32, #tpu.memory_space<vmem>>, vector<16xi32>,
    %swap3A_455 = arith.constant 1 : i32
    %swap3A_456 = arith.index_cast %swap3A_455 : i32 to index
    %swap3A_457 = arith.constant 384 : index
    %swap3A_458 = tpu.vector_load %arg9[%swap3A_456, %swap3A_457] {strides = array<i32>} : memref<2x528xi32, #tpu.memory_space<vmem>>, vector<16xi32>,
    tpu.vector_store %arg9[%swap3A_456, %swap3A_457], %broadcast_in_dim3A_3 {strides = array<i32>} : memref<2x528xi32, #tpu.memory_space<vmem>>, vector<16xi32>,
    %swap3A_459 = arith.constant 1 : i32
    %swap3A_460 = arith.index_cast %swap3A_459 : i32 to index
    %swap3A_461 = arith.constant 400 : index
    %swap3A_462 = tpu.vector_load %arg8[%swap3A_460, %swap3A_461] {strides = array<i32>} : memref<2x512xi32, #tpu.memory_space<vmem>>, vector<16xi32>,
    tpu.vector_store %arg8[%swap3A_460, %swap3A_461], %broadcast_in_dim3A_3 {strides = array<i32>} : memref<2x512xi32, #tpu.memory_space<vmem>>, vector<16xi32>,
    %swap3A_463 = arith.constant 1 : i32
    %swap3A_464 = arith.index_cast %swap3A_463 : i32 to index
    %swap3A_465 = arith.constant 400 : index
    %swap3A_466 = tpu.vector_load %arg9[%swap3A_464, %swap3A_465] {strides = array<i32>} : memref<2x528xi32, #tpu.memory_space<vmem>>, vector<16xi32>,
    tpu.vector_store %arg9[%swap3A_464, %swap3A_465], %broadcast_in_dim3A_3 {strides = array<i32>} : memref<2x528xi32, #tpu.memory_space<vmem>>, vector<16xi32>,
    %swap3A_467 = arith.constant 1 : i32
    %swap3A_468 = arith.index_cast %swap3A_467 : i32 to index
    %swap3A_469 = arith.constant 416 : index
    %swap3A_470 = tpu.vector_load %arg8[%swap3A_468, %swap3A_469] {strides = array<i32>} : memref<2x512xi32, #tpu.memory_space<vmem>>, vector<16xi32>,
    tpu.vector_store %arg8[%swap3A_468, %swap3A_469], %broadcast_in_dim3A_3 {strides = array<i32>} : memref<2x512xi32, #tpu.memory_space<vmem>>, vector<16xi32>,
    %swap3A_471 = arith.constant 1 : i32
    %swap3A_472 = arith.index_cast %swap3A_471 : i32 to index
    %swap3A_473 = arith.constant 416 : index
    %swap3A_474 = tpu.vector_load %arg9[%swap3A_472, %swap3A_473] {strides = array<i32>} : memref<2x528xi32, #tpu.memory_space<vmem>>, vector<16xi32>,
    tpu.vector_store %arg9[%swap3A_472, %swap3A_473], %broadcast_in_dim3A_3 {strides = array<i32>} : memref<2x528xi32, #tpu.memory_space<vmem>>, vector<16xi32>,
    %swap3A_475 = arith.constant 1 : i32
    %swap3A_476 = arith.index_cast %swap3A_475 : i32 to index
    %swap3A_477 = arith.constant 432 : index
    %swap3A_478 = tpu.vector_load %arg8[%swap3A_476, %swap3A_477] {strides = array<i32>} : memref<2x512xi32, #tpu.memory_space<vmem>>, vector<16xi32>,
    tpu.vector_store %arg8[%swap3A_476, %swap3A_477], %broadcast_in_dim3A_3 {strides = array<i32>} : memref<2x512xi32, #tpu.memory_space<vmem>>, vector<16xi32>,
    %swap3A_479 = arith.constant 1 : i32
    %swap3A_480 = arith.index_cast %swap3A_479 : i32 to index
    %swap3A_481 = arith.constant 432 : index
    %swap3A_482 = tpu.vector_load %arg9[%swap3A_480, %swap3A_481] {strides = array<i32>} : memref<2x528xi32, #tpu.memory_space<vmem>>, vector<16xi32>,
    tpu.vector_store %arg9[%swap3A_480, %swap3A_481], %broadcast_in_dim3A_3 {strides = array<i32>} : memref<2x528xi32, #tpu.memory_space<vmem>>, vector<16xi32>,
    %swap3A_483 = arith.constant 1 : i32
    %swap3A_484 = arith.index_cast %swap3A_483 : i32 to index
    %swap3A_485 = arith.constant 448 : index
    %swap3A_486 = tpu.vector_load %arg8[%swap3A_484, %swap3A_485] {strides = array<i32>} : memref<2x512xi32, #tpu.memory_space<vmem>>, vector<16xi32>,
    tpu.vector_store %arg8[%swap3A_484, %swap3A_485], %broadcast_in_dim3A_3 {strides = array<i32>} : memref<2x512xi32, #tpu.memory_space<vmem>>, vector<16xi32>,
    %swap3A_487 = arith.constant 1 : i32
    %swap3A_488 = arith.index_cast %swap3A_487 : i32 to index
    %swap3A_489 = arith.constant 448 : index
    %swap3A_490 = tpu.vector_load %arg9[%swap3A_488, %swap3A_489] {strides = array<i32>} : memref<2x528xi32, #tpu.memory_space<vmem>>, vector<16xi32>,
    tpu.vector_store %arg9[%swap3A_488, %swap3A_489], %broadcast_in_dim3A_3 {strides = array<i32>} : memref<2x528xi32, #tpu.memory_space<vmem>>, vector<16xi32>,
    %swap3A_491 = arith.constant 1 : i32
    %swap3A_492 = arith.index_cast %swap3A_491 : i32 to index
    %swap3A_493 = arith.constant 464 : index
    %swap3A_494 = tpu.vector_load %arg8[%swap3A_492, %swap3A_493] {strides = array<i32>} : memref<2x512xi32, #tpu.memory_space<vmem>>, vector<16xi32>,
    tpu.vector_store %arg8[%swap3A_492, %swap3A_493], %broadcast_in_dim3A_3 {strides = array<i32>} : memref<2x512xi32, #tpu.memory_space<vmem>>, vector<16xi32>,
    %swap3A_495 = arith.constant 1 : i32
    %swap3A_496 = arith.index_cast %swap3A_495 : i32 to index
    %swap3A_497 = arith.constant 464 : index
    %swap3A_498 = tpu.vector_load %arg9[%swap3A_496, %swap3A_497] {strides = array<i32>} : memref<2x528xi32, #tpu.memory_space<vmem>>, vector<16xi32>,
    tpu.vector_store %arg9[%swap3A_496, %swap3A_497], %broadcast_in_dim3A_3 {strides = array<i32>} : memref<2x528xi32, #tpu.memory_space<vmem>>, vector<16xi32>,
    %swap3A_499 = arith.constant 1 : i32
    %swap3A_500 = arith.index_cast %swap3A_499 : i32 to index
    %swap3A_501 = arith.constant 480 : index
    %swap3A_502 = tpu.vector_load %arg8[%swap3A_500, %swap3A_501] {strides = array<i32>} : memref<2x512xi32, #tpu.memory_space<vmem>>, vector<16xi32>,
    tpu.vector_store %arg8[%swap3A_500, %swap3A_501], %broadcast_in_dim3A_3 {strides = array<i32>} : memref<2x512xi32, #tpu.memory_space<vmem>>, vector<16xi32>,
    %swap3A_503 = arith.constant 1 : i32
    %swap3A_504 = arith.index_cast %swap3A_503 : i32 to index
    %swap3A_505 = arith.constant 480 : index
    %swap3A_506 = tpu.vector_load %arg9[%swap3A_504, %swap3A_505] {strides = array<i32>} : memref<2x528xi32, #tpu.memory_space<vmem>>, vector<16xi32>,
    tpu.vector_store %arg9[%swap3A_504, %swap3A_505], %broadcast_in_dim3A_3 {strides = array<i32>} : memref<2x528xi32, #tpu.memory_space<vmem>>, vector<16xi32>,
    %swap3A_507 = arith.constant 1 : i32
    %swap3A_508 = arith.index_cast %swap3A_507 : i32 to index
    %swap3A_509 = arith.constant 496 : index
    %swap3A_510 = tpu.vector_load %arg8[%swap3A_508, %swap3A_509] {strides = array<i32>} : memref<2x512xi32, #tpu.memory_space<vmem>>, vector<16xi32>,
    tpu.vector_store %arg8[%swap3A_508, %swap3A_509], %broadcast_in_dim3A_3 {strides = array<i32>} : memref<2x512xi32, #tpu.memory_space<vmem>>, vector<16xi32>,
    %swap3A_511 = arith.constant 1 : i32
    %swap3A_512 = arith.index_cast %swap3A_511 : i32 to index
    %swap3A_513 = arith.constant 496 : index
    %swap3A_514 = tpu.vector_load %arg9[%swap3A_512, %swap3A_513] {strides = array<i32>} : memref<2x528xi32, #tpu.memory_space<vmem>>, vector<16xi32>,
    tpu.vector_store %arg9[%swap3A_512, %swap3A_513], %broadcast_in_dim3A_3 {strides = array<i32>} : memref<2x528xi32, #tpu.memory_space<vmem>>, vector<16xi32>,
    %broadcast_in_dim3A_515 = arith.constant 0x7F80 : bf16
    %broadcast_in_dim3A_516 = vector.broadcast %broadcast_in_dim3A_515 : bf16 to vector<32xbf16>
    %scan3A = arith.constant 0 : i32
    %scan3A_517 = arith.constant 0 : i32
    %scan3A_518 = arith.constant 4 : i32
    %scan3A_519 = arith.addi %scan3A_517, %scan3A_518 : i32
    %scan3A_520 = arith.constant 1 : i32
    scf.for %scan3A_522 = %scan3A_517 to %scan3A_519 step %scan3A_520  : i32 {
      %scan3A_523 = arith.constant 0 : i32
      %scan3A_524 = arith.constant 0 : i32
      %scan3A_525 = arith.constant 313 : i32
      %scan3A_526 = arith.addi %scan3A_524, %scan3A_525 : i32
      %scan3A_527 = arith.constant 1 : i32
      scf.for %scan3A_575 = %scan3A_524 to %scan3A_526 step %scan3A_527  : i32 {
        %mul3A_576 = arith.constant 32 : i32
        %mul3A_577 = arith.muli %scan3A_575, %mul3A_576 : i32
        %swap3A_578 = arith.index_cast %mul3A_577 : i32 to index
        %swap3A_579 = tpu.vector_load %arg11[%swap3A_578] {strides = array<i32>} : memref<10016xbf16, #tpu.memory_space<vmem>>, vector<32xbf16>,
        tpu.vector_store %arg11[%swap3A_578], %broadcast_in_dim3A_516 {strides = array<i32>} : memref<10016xbf16, #tpu.memory_space<vmem>>, vector<32xbf16>,
      }
      %scan3A_528 = arith.constant 313 : i32
      %scan3A_529 = arith.constant 0 : i32
      %scan3A_530 = arith.constant 0 : i32
      %scan3A_531 = arith.constant 0 : i32
      %scan3A_532 = arith.constant 0 : i32
      %scan3A_533 = arith.constant 10 : i32
      %scan3A_534 = arith.addi %scan3A_532, %scan3A_533 : i32
      %scan3A_535 = arith.constant 1 : i32
      %scan3A_536:3 = scf.for %scan3A_575 = %scan3A_532 to %scan3A_534 step %scan3A_535 iter_args(%scan3A_576 = %scan3A_529, %scan3A_577 = %scan3A_530, %scan3A_578 = %scan3A_531) -> (i32, i32, i32)  : i32 {
        %mul3A_579 = arith.constant 160000 : i32
        %mul3A_580 = arith.muli %scan3A_522, %mul3A_579 : i32
        %mul3A_581 = arith.constant 16000 : i32
        %mul3A_582 = arith.muli %scan3A_575, %mul3A_581 : i32
        %add3A_583 = arith.addi %mul3A_580, %mul3A_582 : i32
        "tpu.region"() ({
          %run_scoped3A = tpu.sem_alloc : memref<!tpu.dma_semaphore, #tpu.memory_space<semaphore_mem>>
          %dma_start3A = tpu.memref_slice %arg4[%add3A_583] : memref<640000xi32, #tpu.memory_space<hbm>> -> memref<16000xi32, #tpu.memory_space<hbm>>
          %dma_start3A_595 = tpu.memref_slice %arg4[%add3A_583] : memref<640000xi32, #tpu.memory_space<hbm>> -> memref<16000xi32, #tpu.memory_space<hbm>>
          tpu.enqueue_dma source(%dma_start3A_595 : memref<16000xi32, #tpu.memory_space<hbm>>) target(%arg6 : memref<16000xi32, #tpu.memory_space<vmem>>) target_semaphore(%run_scoped3A : memref<!tpu.dma_semaphore, #tpu.memory_space<semaphore_mem>>)
          %dma_wait3A = tpu.memref_slice %arg4[%add3A_583] : memref<640000xi32, #tpu.memory_space<hbm>> -> memref<16000xi32, #tpu.memory_space<hbm>>
          %dma_wait3A_596 = tpu.memref_slice %arg4[%add3A_583] : memref<640000xi32, #tpu.memory_space<hbm>> -> memref<16000xi32, #tpu.memory_space<hbm>>
          tpu.wait_dma2 semaphore(%run_scoped3A : memref<!tpu.dma_semaphore, #tpu.memory_space<semaphore_mem>>) src(%dma_wait3A_596 : memref<16000xi32, #tpu.memory_space<hbm>>) dst(%arg6 : memref<16000xi32, #tpu.memory_space<vmem>>)
          tpu.yield
        }) : () -> ()
        %mul3A_584 = arith.constant 160000 : i32
        %mul3A_585 = arith.muli %scan3A_522, %mul3A_584 : i32
        %mul3A_586 = arith.constant 16000 : i32
        %mul3A_587 = arith.muli %scan3A_575, %mul3A_586 : i32
        %add3A_588 = arith.addi %mul3A_585, %mul3A_587 : i32
        "tpu.region"() ({
          %run_scoped3A = tpu.sem_alloc : memref<!tpu.dma_semaphore, #tpu.memory_space<semaphore_mem>>
          %dma_start3A = tpu.memref_slice %arg3[%add3A_588] : memref<640000xi32, #tpu.memory_space<hbm>> -> memref<16000xi32, #tpu.memory_space<hbm>>
          %dma_start3A_595 = tpu.memref_slice %arg3[%add3A_588] : memref<640000xi32, #tpu.memory_space<hbm>> -> memref<16000xi32, #tpu.memory_space<hbm>>
          tpu.enqueue_dma source(%dma_start3A_595 : memref<16000xi32, #tpu.memory_space<hbm>>) target(%arg7 : memref<16000xi32, #tpu.memory_space<vmem>>) target_semaphore(%run_scoped3A : memref<!tpu.dma_semaphore, #tpu.memory_space<semaphore_mem>>)
          %dma_wait3A = tpu.memref_slice %arg3[%add3A_588] : memref<640000xi32, #tpu.memory_space<hbm>> -> memref<16000xi32, #tpu.memory_space<hbm>>
          %dma_wait3A_596 = tpu.memref_slice %arg3[%add3A_588] : memref<640000xi32, #tpu.memory_space<hbm>> -> memref<16000xi32, #tpu.memory_space<hbm>>
          tpu.wait_dma2 semaphore(%run_scoped3A : memref<!tpu.dma_semaphore, #tpu.memory_space<semaphore_mem>>) src(%dma_wait3A_596 : memref<16000xi32, #tpu.memory_space<hbm>>) dst(%arg7 : memref<16000xi32, #tpu.memory_space<vmem>>)
          tpu.yield
        }) : () -> ()
        %scan3A_589 = arith.constant 0 : i32
        %scan3A_590 = arith.constant 1000 : i32
        %scan3A_591 = arith.addi %scan3A_589, %scan3A_590 : i32
        %scan3A_592 = arith.constant 8 : i32
        %scan3A_593:3 = scf.for %scan3A_595 = %scan3A_589 to %scan3A_591 step %scan3A_592 iter_args(%scan3A_596 = %scan3A_576, %scan3A_597 = %scan3A_577, %scan3A_598 = %scan3A_578) -> (i32, i32, i32)  : i32 {
          %and3A_599 = arith.constant 1 : i32
          %and3A_600 = arith.andi %scan3A_597, %and3A_599 : i32
          %mul3A_601 = arith.constant 16 : i32
          %mul3A_602 = arith.muli %scan3A_595, %mul3A_601 : i32
          %get3A = arith.index_cast %mul3A_602 : i32 to index
          %get3A_603 = tpu.vector_load %arg6[%get3A] {strides = array<i32>} : memref<16000xi32, #tpu.memory_space<vmem>>, vector<16xi32>,
          %mul3A_604 = arith.constant 16 : i32
          %mul3A_605 = arith.muli %scan3A_595, %mul3A_604 : i32
          %get3A_606 = arith.index_cast %mul3A_605 : i32 to index
          %get3A_607 = tpu.vector_load %arg7[%get3A_606] {strides = array<i32>} : memref<16000xi32, #tpu.memory_space<vmem>>, vector<16xi32>,
          %ge3A = vector.broadcast %mul3A_2 : i32 to vector<16xi32>
          %ge3A_608 = arith.cmpi sge, %get3A_603, %ge3A : vector<16xi32>
          %add3A_609 = arith.constant 313 : i32
          %add3A_610 = arith.addi %mul3A_2, %add3A_609 : i32
          %lt3A = vector.broadcast %add3A_610 : i32 to vector<16xi32>
          %lt3A_611 = arith.cmpi slt, %get3A_603, %lt3A : vector<16xi32>
          %and3A_612 = arith.andi %ge3A_608, %lt3A_611 : vector<16xi1>
          %all_reduce_population_count3A = tpu.all_reduce %and3A_612 {dim = 0 : i64, kind = #tpu.reduction_kind<sum>} : vector<16xi1> -> vector<16xi32>
          %slice3A = vector.extract_strided_slice %all_reduce_population_count3A {offsets = [0], sizes = [1], strides = [1]} : vector<16xi32> to vector<1xi32>
          %squeeze3A = vector.extract %slice3A[0] : i32 from vector<1xi32>
          %swap3A_613 = arith.constant 0 : i32
          %swap3A_614 = tpu.memref_slice %arg8[%and3A_600, %swap3A_613] : memref<2x512xi32, #tpu.memory_space<vmem>> -> memref<1x512xi32, #tpu.memory_space<vmem>>
          %swap3A_615 = tpu.memref_squeeze %swap3A_614 : memref<1x512xi32, #tpu.memory_space<vmem>> -> memref<512xi32, #tpu.memory_space<vmem>>
          %swap3A_616 = arith.index_cast %scan3A_596 : i32 to index
          %swap3A_617 = tpu.vector_load %swap3A_615[%swap3A_616] masked %and3A_612 {strides = array<i32>} : memref<512xi32, #tpu.memory_space<vmem>>, vector<16xi32>, vector<16xi1>
          tpu.vector_store %swap3A_615[%swap3A_616], %get3A_607 masked %and3A_612 {strides = array<i32>} : memref<512xi32, #tpu.memory_space<vmem>>, vector<16xi32>, vector<16xi1>
          %sub3A_618 = vector.broadcast %mul3A_2 : i32 to vector<16xi32>
          %sub3A_619 = arith.subi %get3A_603, %sub3A_618 : vector<16xi32>
          %swap3A_620 = arith.constant 0 : i32
          %swap3A_621 = tpu.memref_slice %arg9[%and3A_600, %swap3A_620] : memref<2x528xi32, #tpu.memory_space<vmem>> -> memref<1x528xi32, #tpu.memory_space<vmem>>
          %swap3A_622 = tpu.memref_squeeze %swap3A_621 : memref<1x528xi32, #tpu.memory_space<vmem>> -> memref<528xi32, #tpu.memory_space<vmem>>
          %swap3A_623 = arith.index_cast %scan3A_596 : i32 to index
          %swap3A_624 = tpu.vector_load %swap3A_622[%swap3A_623] masked %and3A_612 {strides = array<i32>} : memref<528xi32, #tpu.memory_space<vmem>>, vector<16xi32>, vector<16xi1>
          tpu.vector_store %swap3A_622[%swap3A_623], %sub3A_619 masked %and3A_612 {strides = array<i32>} : memref<528xi32, #tpu.memory_space<vmem>>, vector<16xi32>, vector<16xi1>
          %add3A_625 = arith.addi %scan3A_596, %squeeze3A : i32
          %gt3A_626 = arith.constant 496 : i32
          %gt3A_627 = arith.cmpi sgt, %add3A_625, %gt3A_626 : i32
          %convert_element_type3A_628 = arith.extui %gt3A_627 : i1 to i32
          %cond3A_629 = arith.constant 0 : i32
          %cond3A_630 = arith.cmpi ne, %convert_element_type3A_628, %cond3A_629 : i32
          %cond3A_631:3 = scf.if %cond3A_630 -> (i32, i32, i32) {
            %and3A_919 = arith.constant 1 : i32
            %and3A_920 = arith.andi %scan3A_597, %and3A_919 : i32
            %gt3A_921 = arith.constant 0 : i32
            %gt3A_922 = arith.cmpi sgt, %scan3A_598, %gt3A_921 : i32
            %convert_element_type3A_923 = arith.extui %gt3A_922 : i1 to i32
            %cond3A_924 = arith.constant 0 : i32
            %cond3A_925 = arith.constant 0 : i32
            %cond3A_926 = arith.cmpi ne, %convert_element_type3A_923, %cond3A_925 : i32
            %cond3A_927 = scf.if %cond3A_926 -> (i32) {
              %dma_wait3A = arith.constant 0 : i32
              %dma_wait3A_952 = arith.constant 0 : i32
              %dma_wait3A_953 = arith.constant 0 : i32
              %dma_wait3A_954 = arith.constant 0 : i32
              %dma_wait3A_955 = tpu.memref_slice %arg10[%dma_wait3A_952, %dma_wait3A_953, %dma_wait3A_954] : memref<2x512x32xbf16, #tpu.memory_space<vmem>> -> memref<1x512x32xbf16, #tpu.memory_space<vmem>>
              %dma_wait3A_956 = tpu.memref_squeeze %dma_wait3A_955 : memref<1x512x32xbf16, #tpu.memory_space<vmem>> -> memref<512x32xbf16, #tpu.memory_space<vmem>>
              %dma_wait3A_957 = arith.constant 0 : i32
              %dma_wait3A_958 = tpu.memref_slice %arg8[%dma_wait3A, %dma_wait3A_957] : memref<2x512xi32, #tpu.memory_space<vmem>> -> memref<1x512xi32, #tpu.memory_space<vmem>>
              %dma_wait3A_959 = tpu.memref_squeeze %dma_wait3A_958 : memref<1x512xi32, #tpu.memory_space<vmem>> -> memref<512xi32, #tpu.memory_space<vmem>>
              %dma_wait3A_960 = arith.constant 0 : i32
              %dma_wait3A_961 = arith.constant 0 : i32
              %dma_wait3A_962 = tpu.memref_slice %arg2[%dma_wait3A_960, %dma_wait3A_961] : memref<20000x32xbf16, #tpu.memory_space<hbm>> -> memref<20000x32xbf16, #tpu.memory_space<hbm>>
              tpu.wait_indirect_dma semaphore(%arg12 : memref<!tpu.dma_semaphore, #tpu.memory_space<semaphore_mem>>) src(%dma_wait3A_962 : memref<20000x32xbf16, #tpu.memory_space<hbm>>) dst(%dma_wait3A_956 : memref<512x32xbf16, #tpu.memory_space<vmem>>)
              %cond3A_963 = arith.constant 0 : i32
              scf.yield %cond3A_963 : i32
            } else {
              %cond3A_952 = arith.constant 0 : i32
              scf.yield %cond3A_952 : i32
            }
            %dma_start3A = arith.constant 0 : i32
            %dma_start3A_928 = arith.constant 0 : i32
            %dma_start3A_929 = tpu.memref_slice %arg10[%and3A_920, %dma_start3A, %dma_start3A_928] : memref<2x512x32xbf16, #tpu.memory_space<vmem>> -> memref<1x512x32xbf16, #tpu.memory_space<vmem>>
            %dma_start3A_930 = tpu.memref_squeeze %dma_start3A_929 : memref<1x512x32xbf16, #tpu.memory_space<vmem>> -> memref<512x32xbf16, #tpu.memory_space<vmem>>
            %dma_start3A_931 = arith.constant 0 : i32
            %dma_start3A_932 = tpu.memref_slice %arg8[%and3A_920, %dma_start3A_931] : memref<2x512xi32, #tpu.memory_space<vmem>> -> memref<1x512xi32, #tpu.memory_space<vmem>>
            %dma_start3A_933 = tpu.memref_squeeze %dma_start3A_932 : memref<1x512xi32, #tpu.memory_space<vmem>> -> memref<512xi32, #tpu.memory_space<vmem>>
            %dma_start3A_934 = arith.constant 0 : i32
            %dma_start3A_935 = arith.constant 0 : i32
            %dma_start3A_936 = tpu.memref_slice %arg2[%dma_start3A_934, %dma_start3A_935] : memref<20000x32xbf16, #tpu.memory_space<hbm>> -> memref<20000x32xbf16, #tpu.memory_space<hbm>>
            tpu.enqueue_indirect_dma source(%dma_start3A_936 : memref<20000x32xbf16, #tpu.memory_space<hbm>>) target(%dma_start3A_930 : memref<512x32xbf16, #tpu.memory_space<vmem>>) offsets(%dma_start3A_933 : memref<512xi32, #tpu.memory_space<vmem>>) semaphore(%arg12 : memref<!tpu.dma_semaphore, #tpu.memory_space<semaphore_mem>>)
            %sub3A_937 = arith.constant 1 : i32
            %sub3A_938 = arith.subi %sub3A_937, %and3A_920 : i32
            %while3A_939 = arith.constant 0 : i32
            %while3A_940 = arith.constant 0 : i32
            %while3A_941 = arith.subi %scan3A_598, %while3A_940 : i32
            %while3A_942 = arith.addi %while3A_940, %while3A_941 : i32
            %while3A_943 = arith.constant 1 : i32
            %while3A_944 = arith.divsi %while3A_941, %while3A_943 : i32
            %while3A_945 = arith.muli %while3A_944, %while3A_943 : i32
            %while3A_946 = arith.addi %while3A_940, %while3A_945 : i32
            %while3A_947 = arith.constant 1 : i32
            scf.for %while3A_952 = %while3A_940 to %while3A_946 step %while3A_947  : i32 {
              %get3A_953 = arith.index_cast %sub3A_938 : i32 to index
              %get3A_954 = arith.index_cast %while3A_952 : i32 to index
              %get3A_955 = tpu.vector_load %arg9[%get3A_953, %get3A_954] {strides = array<i32>} : memref<2x528xi32, #tpu.memory_space<vmem>>, vector<16xi32>,
              %slice3A_956 = vector.extract_strided_slice %get3A_955 {offsets = [0], sizes = [1], strides = [1]} : vector<16xi32> to vector<1xi32>
              %squeeze3A_957 = vector.extract %slice3A_956[0] : i32 from vector<1xi32>
              %mul3A_958 = arith.constant 32 : i32
              %mul3A_959 = arith.muli %squeeze3A_957, %mul3A_958 : i32
              %get3A_960 = arith.index_cast %sub3A_938 : i32 to index
              %get3A_961 = arith.index_cast %while3A_952 : i32 to index
              %get3A_962 = arith.constant 0 : index
              %get3A_963 = tpu.vector_load %arg10[%get3A_960, %get3A_961, %get3A_962] {strides = array<i32>} : memref<2x512x32xbf16, #tpu.memory_space<vmem>>, vector<32xbf16>,
              %get3A_964 = arith.index_cast %mul3A_959 : i32 to index
              %get3A_965 = tpu.vector_load %arg11[%get3A_964] {strides = array<i32>} : memref<10016xbf16, #tpu.memory_space<vmem>>, vector<32xbf16>,
              %min3A = arith.minimumf %get3A_965, %get3A_963 : vector<32xbf16>
              %swap3A_966 = arith.index_cast %mul3A_959 : i32 to index
              %swap3A_967 = tpu.vector_load %arg11[%swap3A_966] {strides = array<i32>} : memref<10016xbf16, #tpu.memory_space<vmem>>, vector<32xbf16>,
              tpu.vector_store %arg11[%swap3A_966], %min3A {strides = array<i32>} : memref<10016xbf16, #tpu.memory_space<vmem>>, vector<32xbf16>,
            }
            %while3A_948 = arith.constant 1 : i32
            scf.for %while3A_952 = %while3A_946 to %while3A_942 step %while3A_948  : i32 {
              %get3A_953 = arith.index_cast %sub3A_938 : i32 to index
              %get3A_954 = arith.index_cast %while3A_952 : i32 to index
              %get3A_955 = tpu.vector_load %arg9[%get3A_953, %get3A_954] {strides = array<i32>} : memref<2x528xi32, #tpu.memory_space<vmem>>, vector<16xi32>,
              %slice3A_956 = vector.extract_strided_slice %get3A_955 {offsets = [0], sizes = [1], strides = [1]} : vector<16xi32> to vector<1xi32>
              %squeeze3A_957 = vector.extract %slice3A_956[0] : i32 from vector<1xi32>
              %mul3A_958 = arith.constant 32 : i32
              %mul3A_959 = arith.muli %squeeze3A_957, %mul3A_958 : i32
              %get3A_960 = arith.index_cast %sub3A_938 : i32 to index
              %get3A_961 = arith.index_cast %while3A_952 : i32 to index
              %get3A_962 = arith.constant 0 : index
              %get3A_963 = tpu.vector_load %arg10[%get3A_960, %get3A_961, %get3A_962] {strides = array<i32>} : memref<2x512x32xbf16, #tpu.memory_space<vmem>>, vector<32xbf16>,
              %get3A_964 = arith.index_cast %mul3A_959 : i32 to index
              %get3A_965 = tpu.vector_load %arg11[%get3A_964] {strides = array<i32>} : memref<10016xbf16, #tpu.memory_space<vmem>>, vector<32xbf16>,
              %min3A = arith.minimumf %get3A_965, %get3A_963 : vector<32xbf16>
              %swap3A_966 = arith.index_cast %mul3A_959 : i32 to index
              %swap3A_967 = tpu.vector_load %arg11[%swap3A_966] {strides = array<i32>} : memref<10016xbf16, #tpu.memory_space<vmem>>, vector<32xbf16>,
              tpu.vector_store %arg11[%swap3A_966], %min3A {strides = array<i32>} : memref<10016xbf16, #tpu.memory_space<vmem>>, vector<32xbf16>,
            }
            %add3A_949 = arith.constant 1 : i32
            %add3A_950 = arith.addi %scan3A_597, %add3A_949 : i32
            %cond3A_951 = arith.constant 0 : i32
            scf.yield %cond3A_951, %add3A_950, %add3A_625 : i32, i32, i32
          } else {
            scf.yield %add3A_625, %scan3A_597, %scan3A_598 : i32, i32, i32
          }
          %scan3A_632 = arith.constant 1 : i32
          %scan3A_633 = arith.addi %scan3A_595, %scan3A_632 : i32
          %and3A_634 = arith.constant 1 : i32
          %and3A_635 = arith.andi %cond3A_631#1, %and3A_634 : i32
          %mul3A_636 = arith.constant 16 : i32
          %mul3A_637 = arith.muli %scan3A_633, %mul3A_636 : i32
          %get3A_638 = arith.index_cast %mul3A_637 : i32 to index
          %get3A_639 = tpu.vector_load %arg6[%get3A_638] {strides = array<i32>} : memref<16000xi32, #tpu.memory_space<vmem>>, vector<16xi32>,
          %mul3A_640 = arith.constant 16 : i32
          %mul3A_641 = arith.muli %scan3A_633, %mul3A_640 : i32
          %get3A_642 = arith.index_cast %mul3A_641 : i32 to index
          %get3A_643 = tpu.vector_load %arg7[%get3A_642] {strides = array<i32>} : memref<16000xi32, #tpu.memory_space<vmem>>, vector<16xi32>,
          %ge3A_644 = vector.broadcast %mul3A_2 : i32 to vector<16xi32>
          %ge3A_645 = arith.cmpi sge, %get3A_639, %ge3A_644 : vector<16xi32>
          %add3A_646 = arith.constant 313 : i32
          %add3A_647 = arith.addi %mul3A_2, %add3A_646 : i32
          %lt3A_648 = vector.broadcast %add3A_647 : i32 to vector<16xi32>
          %lt3A_649 = arith.cmpi slt, %get3A_639, %lt3A_648 : vector<16xi32>
          %and3A_650 = arith.andi %ge3A_645, %lt3A_649 : vector<16xi1>
          %all_reduce_population_count3A_651 = tpu.all_reduce %and3A_650 {dim = 0 : i64, kind = #tpu.reduction_kind<sum>} : vector<16xi1> -> vector<16xi32>
          %slice3A_652 = vector.extract_strided_slice %all_reduce_population_count3A_651 {offsets = [0], sizes = [1], strides = [1]} : vector<16xi32> to vector<1xi32>
          %squeeze3A_653 = vector.extract %slice3A_652[0] : i32 from vector<1xi32>
          %swap3A_654 = arith.constant 0 : i32
          %swap3A_655 = tpu.memref_slice %arg8[%and3A_635, %swap3A_654] : memref<2x512xi32, #tpu.memory_space<vmem>> -> memref<1x512xi32, #tpu.memory_space<vmem>>
          %swap3A_656 = tpu.memref_squeeze %swap3A_655 : memref<1x512xi32, #tpu.memory_space<vmem>> -> memref<512xi32, #tpu.memory_space<vmem>>
          %swap3A_657 = arith.index_cast %cond3A_631#0 : i32 to index
          %swap3A_658 = tpu.vector_load %swap3A_656[%swap3A_657] masked %and3A_650 {strides = array<i32>} : memref<512xi32, #tpu.memory_space<vmem>>, vector<16xi32>, vector<16xi1>
          tpu.vector_store %swap3A_656[%swap3A_657], %get3A_643 masked %and3A_650 {strides = array<i32>} : memref<512xi32, #tpu.memory_space<vmem>>, vector<16xi32>, vector<16xi1>
          %sub3A_659 = vector.broadcast %mul3A_2 : i32 to vector<16xi32>
          %sub3A_660 = arith.subi %get3A_639, %sub3A_659 : vector<16xi32>
          %swap3A_661 = arith.constant 0 : i32
          %swap3A_662 = tpu.memref_slice %arg9[%and3A_635, %swap3A_661] : memref<2x528xi32, #tpu.memory_space<vmem>> -> memref<1x528xi32, #tpu.memory_space<vmem>>
          %swap3A_663 = tpu.memref_squeeze %swap3A_662 : memref<1x528xi32, #tpu.memory_space<vmem>> -> memref<528xi32, #tpu.memory_space<vmem>>
          %swap3A_664 = arith.index_cast %cond3A_631#0 : i32 to index
          %swap3A_665 = tpu.vector_load %swap3A_663[%swap3A_664] masked %and3A_650 {strides = array<i32>} : memref<528xi32, #tpu.memory_space<vmem>>, vector<16xi32>, vector<16xi1>
          tpu.vector_store %swap3A_663[%swap3A_664], %sub3A_660 masked %and3A_650 {strides = array<i32>} : memref<528xi32, #tpu.memory_space<vmem>>, vector<16xi32>, vector<16xi1>
          %add3A_666 = arith.addi %cond3A_631#0, %squeeze3A_653 : i32
          %gt3A_667 = arith.constant 496 : i32
          %gt3A_668 = arith.cmpi sgt, %add3A_666, %gt3A_667 : i32
          %convert_element_type3A_669 = arith.extui %gt3A_668 : i1 to i32
          %cond3A_670 = arith.constant 0 : i32
          %cond3A_671 = arith.cmpi ne, %convert_element_type3A_669, %cond3A_670 : i32
          %cond3A_672:3 = scf.if %cond3A_671 -> (i32, i32, i32) {
            %and3A_919 = arith.constant 1 : i32
            %and3A_920 = arith.andi %cond3A_631#1, %and3A_919 : i32
            %gt3A_921 = arith.constant 0 : i32
            %gt3A_922 = arith.cmpi sgt, %cond3A_631#2, %gt3A_921 : i32
            %convert_element_type3A_923 = arith.extui %gt3A_922 : i1 to i32
            %cond3A_924 = arith.constant 0 : i32
            %cond3A_925 = arith.constant 0 : i32
            %cond3A_926 = arith.cmpi ne, %convert_element_type3A_923, %cond3A_925 : i32
            %cond3A_927 = scf.if %cond3A_926 -> (i32) {
              %dma_wait3A = arith.constant 0 : i32
              %dma_wait3A_952 = arith.constant 0 : i32
              %dma_wait3A_953 = arith.constant 0 : i32
              %dma_wait3A_954 = arith.constant 0 : i32
              %dma_wait3A_955 = tpu.memref_slice %arg10[%dma_wait3A_952, %dma_wait3A_953, %dma_wait3A_954] : memref<2x512x32xbf16, #tpu.memory_space<vmem>> -> memref<1x512x32xbf16, #tpu.memory_space<vmem>>
              %dma_wait3A_956 = tpu.memref_squeeze %dma_wait3A_955 : memref<1x512x32xbf16, #tpu.memory_space<vmem>> -> memref<512x32xbf16, #tpu.memory_space<vmem>>
              %dma_wait3A_957 = arith.constant 0 : i32
              %dma_wait3A_958 = tpu.memref_slice %arg8[%dma_wait3A, %dma_wait3A_957] : memref<2x512xi32, #tpu.memory_space<vmem>> -> memref<1x512xi32, #tpu.memory_space<vmem>>
              %dma_wait3A_959 = tpu.memref_squeeze %dma_wait3A_958 : memref<1x512xi32, #tpu.memory_space<vmem>> -> memref<512xi32, #tpu.memory_space<vmem>>
              %dma_wait3A_960 = arith.constant 0 : i32
              %dma_wait3A_961 = arith.constant 0 : i32
              %dma_wait3A_962 = tpu.memref_slice %arg2[%dma_wait3A_960, %dma_wait3A_961] : memref<20000x32xbf16, #tpu.memory_space<hbm>> -> memref<20000x32xbf16, #tpu.memory_space<hbm>>
              tpu.wait_indirect_dma semaphore(%arg12 : memref<!tpu.dma_semaphore, #tpu.memory_space<semaphore_mem>>) src(%dma_wait3A_962 : memref<20000x32xbf16, #tpu.memory_space<hbm>>) dst(%dma_wait3A_956 : memref<512x32xbf16, #tpu.memory_space<vmem>>)
              %cond3A_963 = arith.constant 0 : i32
              scf.yield %cond3A_963 : i32
            } else {
              %cond3A_952 = arith.constant 0 : i32
              scf.yield %cond3A_952 : i32
            }
            %dma_start3A = arith.constant 0 : i32
            %dma_start3A_928 = arith.constant 0 : i32
            %dma_start3A_929 = tpu.memref_slice %arg10[%and3A_920, %dma_start3A, %dma_start3A_928] : memref<2x512x32xbf16, #tpu.memory_space<vmem>> -> memref<1x512x32xbf16, #tpu.memory_space<vmem>>
            %dma_start3A_930 = tpu.memref_squeeze %dma_start3A_929 : memref<1x512x32xbf16, #tpu.memory_space<vmem>> -> memref<512x32xbf16, #tpu.memory_space<vmem>>
            %dma_start3A_931 = arith.constant 0 : i32
            %dma_start3A_932 = tpu.memref_slice %arg8[%and3A_920, %dma_start3A_931] : memref<2x512xi32, #tpu.memory_space<vmem>> -> memref<1x512xi32, #tpu.memory_space<vmem>>
            %dma_start3A_933 = tpu.memref_squeeze %dma_start3A_932 : memref<1x512xi32, #tpu.memory_space<vmem>> -> memref<512xi32, #tpu.memory_space<vmem>>
            %dma_start3A_934 = arith.constant 0 : i32
            %dma_start3A_935 = arith.constant 0 : i32
            %dma_start3A_936 = tpu.memref_slice %arg2[%dma_start3A_934, %dma_start3A_935] : memref<20000x32xbf16, #tpu.memory_space<hbm>> -> memref<20000x32xbf16, #tpu.memory_space<hbm>>
            tpu.enqueue_indirect_dma source(%dma_start3A_936 : memref<20000x32xbf16, #tpu.memory_space<hbm>>) target(%dma_start3A_930 : memref<512x32xbf16, #tpu.memory_space<vmem>>) offsets(%dma_start3A_933 : memref<512xi32, #tpu.memory_space<vmem>>) semaphore(%arg12 : memref<!tpu.dma_semaphore, #tpu.memory_space<semaphore_mem>>)
            %sub3A_937 = arith.constant 1 : i32
            %sub3A_938 = arith.subi %sub3A_937, %and3A_920 : i32
            %while3A_939 = arith.constant 0 : i32
            %while3A_940 = arith.constant 0 : i32
            %while3A_941 = arith.subi %cond3A_631#2, %while3A_940 : i32
            %while3A_942 = arith.addi %while3A_940, %while3A_941 : i32
            %while3A_943 = arith.constant 1 : i32
            %while3A_944 = arith.divsi %while3A_941, %while3A_943 : i32
            %while3A_945 = arith.muli %while3A_944, %while3A_943 : i32
            %while3A_946 = arith.addi %while3A_940, %while3A_945 : i32
            %while3A_947 = arith.constant 1 : i32
            scf.for %while3A_952 = %while3A_940 to %while3A_946 step %while3A_947  : i32 {
              %get3A_953 = arith.index_cast %sub3A_938 : i32 to index
              %get3A_954 = arith.index_cast %while3A_952 : i32 to index
              %get3A_955 = tpu.vector_load %arg9[%get3A_953, %get3A_954] {strides = array<i32>} : memref<2x528xi32, #tpu.memory_space<vmem>>, vector<16xi32>,
              %slice3A_956 = vector.extract_strided_slice %get3A_955 {offsets = [0], sizes = [1], strides = [1]} : vector<16xi32> to vector<1xi32>
              %squeeze3A_957 = vector.extract %slice3A_956[0] : i32 from vector<1xi32>
              %mul3A_958 = arith.constant 32 : i32
              %mul3A_959 = arith.muli %squeeze3A_957, %mul3A_958 : i32
              %get3A_960 = arith.index_cast %sub3A_938 : i32 to index
              %get3A_961 = arith.index_cast %while3A_952 : i32 to index
              %get3A_962 = arith.constant 0 : index
              %get3A_963 = tpu.vector_load %arg10[%get3A_960, %get3A_961, %get3A_962] {strides = array<i32>} : memref<2x512x32xbf16, #tpu.memory_space<vmem>>, vector<32xbf16>,
              %get3A_964 = arith.index_cast %mul3A_959 : i32 to index
              %get3A_965 = tpu.vector_load %arg11[%get3A_964] {strides = array<i32>} : memref<10016xbf16, #tpu.memory_space<vmem>>, vector<32xbf16>,
              %min3A = arith.minimumf %get3A_965, %get3A_963 : vector<32xbf16>
              %swap3A_966 = arith.index_cast %mul3A_959 : i32 to index
              %swap3A_967 = tpu.vector_load %arg11[%swap3A_966] {strides = array<i32>} : memref<10016xbf16, #tpu.memory_space<vmem>>, vector<32xbf16>,
              tpu.vector_store %arg11[%swap3A_966], %min3A {strides = array<i32>} : memref<10016xbf16, #tpu.memory_space<vmem>>, vector<32xbf16>,
            }
            %while3A_948 = arith.constant 1 : i32
            scf.for %while3A_952 = %while3A_946 to %while3A_942 step %while3A_948  : i32 {
              %get3A_953 = arith.index_cast %sub3A_938 : i32 to index
              %get3A_954 = arith.index_cast %while3A_952 : i32 to index
              %get3A_955 = tpu.vector_load %arg9[%get3A_953, %get3A_954] {strides = array<i32>} : memref<2x528xi32, #tpu.memory_space<vmem>>, vector<16xi32>,
              %slice3A_956 = vector.extract_strided_slice %get3A_955 {offsets = [0], sizes = [1], strides = [1]} : vector<16xi32> to vector<1xi32>
              %squeeze3A_957 = vector.extract %slice3A_956[0] : i32 from vector<1xi32>
              %mul3A_958 = arith.constant 32 : i32
              %mul3A_959 = arith.muli %squeeze3A_957, %mul3A_958 : i32
              %get3A_960 = arith.index_cast %sub3A_938 : i32 to index
              %get3A_961 = arith.index_cast %while3A_952 : i32 to index
              %get3A_962 = arith.constant 0 : index
              %get3A_963 = tpu.vector_load %arg10[%get3A_960, %get3A_961, %get3A_962] {strides = array<i32>} : memref<2x512x32xbf16, #tpu.memory_space<vmem>>, vector<32xbf16>,
              %get3A_964 = arith.index_cast %mul3A_959 : i32 to index
              %get3A_965 = tpu.vector_load %arg11[%get3A_964] {strides = array<i32>} : memref<10016xbf16, #tpu.memory_space<vmem>>, vector<32xbf16>,
              %min3A = arith.minimumf %get3A_965, %get3A_963 : vector<32xbf16>
              %swap3A_966 = arith.index_cast %mul3A_959 : i32 to index
              %swap3A_967 = tpu.vector_load %arg11[%swap3A_966] {strides = array<i32>} : memref<10016xbf16, #tpu.memory_space<vmem>>, vector<32xbf16>,
              tpu.vector_store %arg11[%swap3A_966], %min3A {strides = array<i32>} : memref<10016xbf16, #tpu.memory_space<vmem>>, vector<32xbf16>,
            }
            %add3A_949 = arith.constant 1 : i32
            %add3A_950 = arith.addi %cond3A_631#1, %add3A_949 : i32
            %cond3A_951 = arith.constant 0 : i32
            scf.yield %cond3A_951, %add3A_950, %add3A_666 : i32, i32, i32
          } else {
            scf.yield %add3A_666, %cond3A_631#1, %cond3A_631#2 : i32, i32, i32
          }
          %scan3A_673 = arith.constant 2 : i32
          %scan3A_674 = arith.addi %scan3A_595, %scan3A_673 : i32
          %and3A_675 = arith.constant 1 : i32
          %and3A_676 = arith.andi %cond3A_672#1, %and3A_675 : i32
          %mul3A_677 = arith.constant 16 : i32
          %mul3A_678 = arith.muli %scan3A_674, %mul3A_677 : i32
          %get3A_679 = arith.index_cast %mul3A_678 : i32 to index
          %get3A_680 = tpu.vector_load %arg6[%get3A_679] {strides = array<i32>} : memref<16000xi32, #tpu.memory_space<vmem>>, vector<16xi32>,
          %mul3A_681 = arith.constant 16 : i32
          %mul3A_682 = arith.muli %scan3A_674, %mul3A_681 : i32
          %get3A_683 = arith.index_cast %mul3A_682 : i32 to index
          %get3A_684 = tpu.vector_load %arg7[%get3A_683] {strides = array<i32>} : memref<16000xi32, #tpu.memory_space<vmem>>, vector<16xi32>,
          %ge3A_685 = vector.broadcast %mul3A_2 : i32 to vector<16xi32>
          %ge3A_686 = arith.cmpi sge, %get3A_680, %ge3A_685 : vector<16xi32>
          %add3A_687 = arith.constant 313 : i32
          %add3A_688 = arith.addi %mul3A_2, %add3A_687 : i32
          %lt3A_689 = vector.broadcast %add3A_688 : i32 to vector<16xi32>
          %lt3A_690 = arith.cmpi slt, %get3A_680, %lt3A_689 : vector<16xi32>
          %and3A_691 = arith.andi %ge3A_686, %lt3A_690 : vector<16xi1>
          %all_reduce_population_count3A_692 = tpu.all_reduce %and3A_691 {dim = 0 : i64, kind = #tpu.reduction_kind<sum>} : vector<16xi1> -> vector<16xi32>
          %slice3A_693 = vector.extract_strided_slice %all_reduce_population_count3A_692 {offsets = [0], sizes = [1], strides = [1]} : vector<16xi32> to vector<1xi32>
          %squeeze3A_694 = vector.extract %slice3A_693[0] : i32 from vector<1xi32>
          %swap3A_695 = arith.constant 0 : i32
          %swap3A_696 = tpu.memref_slice %arg8[%and3A_676, %swap3A_695] : memref<2x512xi32, #tpu.memory_space<vmem>> -> memref<1x512xi32, #tpu.memory_space<vmem>>
          %swap3A_697 = tpu.memref_squeeze %swap3A_696 : memref<1x512xi32, #tpu.memory_space<vmem>> -> memref<512xi32, #tpu.memory_space<vmem>>
          %swap3A_698 = arith.index_cast %cond3A_672#0 : i32 to index
          %swap3A_699 = tpu.vector_load %swap3A_697[%swap3A_698] masked %and3A_691 {strides = array<i32>} : memref<512xi32, #tpu.memory_space<vmem>>, vector<16xi32>, vector<16xi1>
          tpu.vector_store %swap3A_697[%swap3A_698], %get3A_684 masked %and3A_691 {strides = array<i32>} : memref<512xi32, #tpu.memory_space<vmem>>, vector<16xi32>, vector<16xi1>
          %sub3A_700 = vector.broadcast %mul3A_2 : i32 to vector<16xi32>
          %sub3A_701 = arith.subi %get3A_680, %sub3A_700 : vector<16xi32>
          %swap3A_702 = arith.constant 0 : i32
          %swap3A_703 = tpu.memref_slice %arg9[%and3A_676, %swap3A_702] : memref<2x528xi32, #tpu.memory_space<vmem>> -> memref<1x528xi32, #tpu.memory_space<vmem>>
          %swap3A_704 = tpu.memref_squeeze %swap3A_703 : memref<1x528xi32, #tpu.memory_space<vmem>> -> memref<528xi32, #tpu.memory_space<vmem>>
          %swap3A_705 = arith.index_cast %cond3A_672#0 : i32 to index
          %swap3A_706 = tpu.vector_load %swap3A_704[%swap3A_705] masked %and3A_691 {strides = array<i32>} : memref<528xi32, #tpu.memory_space<vmem>>, vector<16xi32>, vector<16xi1>
          tpu.vector_store %swap3A_704[%swap3A_705], %sub3A_701 masked %and3A_691 {strides = array<i32>} : memref<528xi32, #tpu.memory_space<vmem>>, vector<16xi32>, vector<16xi1>
          %add3A_707 = arith.addi %cond3A_672#0, %squeeze3A_694 : i32
          %gt3A_708 = arith.constant 496 : i32
          %gt3A_709 = arith.cmpi sgt, %add3A_707, %gt3A_708 : i32
          %convert_element_type3A_710 = arith.extui %gt3A_709 : i1 to i32
          %cond3A_711 = arith.constant 0 : i32
          %cond3A_712 = arith.cmpi ne, %convert_element_type3A_710, %cond3A_711 : i32
          %cond3A_713:3 = scf.if %cond3A_712 -> (i32, i32, i32) {
            %and3A_919 = arith.constant 1 : i32
            %and3A_920 = arith.andi %cond3A_672#1, %and3A_919 : i32
            %gt3A_921 = arith.constant 0 : i32
            %gt3A_922 = arith.cmpi sgt, %cond3A_672#2, %gt3A_921 : i32
            %convert_element_type3A_923 = arith.extui %gt3A_922 : i1 to i32
            %cond3A_924 = arith.constant 0 : i32
            %cond3A_925 = arith.constant 0 : i32
            %cond3A_926 = arith.cmpi ne, %convert_element_type3A_923, %cond3A_925 : i32
            %cond3A_927 = scf.if %cond3A_926 -> (i32) {
              %dma_wait3A = arith.constant 0 : i32
              %dma_wait3A_952 = arith.constant 0 : i32
              %dma_wait3A_953 = arith.constant 0 : i32
              %dma_wait3A_954 = arith.constant 0 : i32
              %dma_wait3A_955 = tpu.memref_slice %arg10[%dma_wait3A_952, %dma_wait3A_953, %dma_wait3A_954] : memref<2x512x32xbf16, #tpu.memory_space<vmem>> -> memref<1x512x32xbf16, #tpu.memory_space<vmem>>
              %dma_wait3A_956 = tpu.memref_squeeze %dma_wait3A_955 : memref<1x512x32xbf16, #tpu.memory_space<vmem>> -> memref<512x32xbf16, #tpu.memory_space<vmem>>
              %dma_wait3A_957 = arith.constant 0 : i32
              %dma_wait3A_958 = tpu.memref_slice %arg8[%dma_wait3A, %dma_wait3A_957] : memref<2x512xi32, #tpu.memory_space<vmem>> -> memref<1x512xi32, #tpu.memory_space<vmem>>
              %dma_wait3A_959 = tpu.memref_squeeze %dma_wait3A_958 : memref<1x512xi32, #tpu.memory_space<vmem>> -> memref<512xi32, #tpu.memory_space<vmem>>
              %dma_wait3A_960 = arith.constant 0 : i32
              %dma_wait3A_961 = arith.constant 0 : i32
              %dma_wait3A_962 = tpu.memref_slice %arg2[%dma_wait3A_960, %dma_wait3A_961] : memref<20000x32xbf16, #tpu.memory_space<hbm>> -> memref<20000x32xbf16, #tpu.memory_space<hbm>>
              tpu.wait_indirect_dma semaphore(%arg12 : memref<!tpu.dma_semaphore, #tpu.memory_space<semaphore_mem>>) src(%dma_wait3A_962 : memref<20000x32xbf16, #tpu.memory_space<hbm>>) dst(%dma_wait3A_956 : memref<512x32xbf16, #tpu.memory_space<vmem>>)
              %cond3A_963 = arith.constant 0 : i32
              scf.yield %cond3A_963 : i32
            } else {
              %cond3A_952 = arith.constant 0 : i32
              scf.yield %cond3A_952 : i32
            }
            %dma_start3A = arith.constant 0 : i32
            %dma_start3A_928 = arith.constant 0 : i32
            %dma_start3A_929 = tpu.memref_slice %arg10[%and3A_920, %dma_start3A, %dma_start3A_928] : memref<2x512x32xbf16, #tpu.memory_space<vmem>> -> memref<1x512x32xbf16, #tpu.memory_space<vmem>>
            %dma_start3A_930 = tpu.memref_squeeze %dma_start3A_929 : memref<1x512x32xbf16, #tpu.memory_space<vmem>> -> memref<512x32xbf16, #tpu.memory_space<vmem>>
            %dma_start3A_931 = arith.constant 0 : i32
            %dma_start3A_932 = tpu.memref_slice %arg8[%and3A_920, %dma_start3A_931] : memref<2x512xi32, #tpu.memory_space<vmem>> -> memref<1x512xi32, #tpu.memory_space<vmem>>
            %dma_start3A_933 = tpu.memref_squeeze %dma_start3A_932 : memref<1x512xi32, #tpu.memory_space<vmem>> -> memref<512xi32, #tpu.memory_space<vmem>>
            %dma_start3A_934 = arith.constant 0 : i32
            %dma_start3A_935 = arith.constant 0 : i32
            %dma_start3A_936 = tpu.memref_slice %arg2[%dma_start3A_934, %dma_start3A_935] : memref<20000x32xbf16, #tpu.memory_space<hbm>> -> memref<20000x32xbf16, #tpu.memory_space<hbm>>
            tpu.enqueue_indirect_dma source(%dma_start3A_936 : memref<20000x32xbf16, #tpu.memory_space<hbm>>) target(%dma_start3A_930 : memref<512x32xbf16, #tpu.memory_space<vmem>>) offsets(%dma_start3A_933 : memref<512xi32, #tpu.memory_space<vmem>>) semaphore(%arg12 : memref<!tpu.dma_semaphore, #tpu.memory_space<semaphore_mem>>)
            %sub3A_937 = arith.constant 1 : i32
            %sub3A_938 = arith.subi %sub3A_937, %and3A_920 : i32
            %while3A_939 = arith.constant 0 : i32
            %while3A_940 = arith.constant 0 : i32
            %while3A_941 = arith.subi %cond3A_672#2, %while3A_940 : i32
            %while3A_942 = arith.addi %while3A_940, %while3A_941 : i32
            %while3A_943 = arith.constant 1 : i32
            %while3A_944 = arith.divsi %while3A_941, %while3A_943 : i32
            %while3A_945 = arith.muli %while3A_944, %while3A_943 : i32
            %while3A_946 = arith.addi %while3A_940, %while3A_945 : i32
            %while3A_947 = arith.constant 1 : i32
            scf.for %while3A_952 = %while3A_940 to %while3A_946 step %while3A_947  : i32 {
              %get3A_953 = arith.index_cast %sub3A_938 : i32 to index
              %get3A_954 = arith.index_cast %while3A_952 : i32 to index
              %get3A_955 = tpu.vector_load %arg9[%get3A_953, %get3A_954] {strides = array<i32>} : memref<2x528xi32, #tpu.memory_space<vmem>>, vector<16xi32>,
              %slice3A_956 = vector.extract_strided_slice %get3A_955 {offsets = [0], sizes = [1], strides = [1]} : vector<16xi32> to vector<1xi32>
              %squeeze3A_957 = vector.extract %slice3A_956[0] : i32 from vector<1xi32>
              %mul3A_958 = arith.constant 32 : i32
              %mul3A_959 = arith.muli %squeeze3A_957, %mul3A_958 : i32
              %get3A_960 = arith.index_cast %sub3A_938 : i32 to index
              %get3A_961 = arith.index_cast %while3A_952 : i32 to index
              %get3A_962 = arith.constant 0 : index
              %get3A_963 = tpu.vector_load %arg10[%get3A_960, %get3A_961, %get3A_962] {strides = array<i32>} : memref<2x512x32xbf16, #tpu.memory_space<vmem>>, vector<32xbf16>,
              %get3A_964 = arith.index_cast %mul3A_959 : i32 to index
              %get3A_965 = tpu.vector_load %arg11[%get3A_964] {strides = array<i32>} : memref<10016xbf16, #tpu.memory_space<vmem>>, vector<32xbf16>,
              %min3A = arith.minimumf %get3A_965, %get3A_963 : vector<32xbf16>
              %swap3A_966 = arith.index_cast %mul3A_959 : i32 to index
              %swap3A_967 = tpu.vector_load %arg11[%swap3A_966] {strides = array<i32>} : memref<10016xbf16, #tpu.memory_space<vmem>>, vector<32xbf16>,
              tpu.vector_store %arg11[%swap3A_966], %min3A {strides = array<i32>} : memref<10016xbf16, #tpu.memory_space<vmem>>, vector<32xbf16>,
            }
            %while3A_948 = arith.constant 1 : i32
            scf.for %while3A_952 = %while3A_946 to %while3A_942 step %while3A_948  : i32 {
              %get3A_953 = arith.index_cast %sub3A_938 : i32 to index
              %get3A_954 = arith.index_cast %while3A_952 : i32 to index
              %get3A_955 = tpu.vector_load %arg9[%get3A_953, %get3A_954] {strides = array<i32>} : memref<2x528xi32, #tpu.memory_space<vmem>>, vector<16xi32>,
              %slice3A_956 = vector.extract_strided_slice %get3A_955 {offsets = [0], sizes = [1], strides = [1]} : vector<16xi32> to vector<1xi32>
              %squeeze3A_957 = vector.extract %slice3A_956[0] : i32 from vector<1xi32>
              %mul3A_958 = arith.constant 32 : i32
              %mul3A_959 = arith.muli %squeeze3A_957, %mul3A_958 : i32
              %get3A_960 = arith.index_cast %sub3A_938 : i32 to index
              %get3A_961 = arith.index_cast %while3A_952 : i32 to index
              %get3A_962 = arith.constant 0 : index
              %get3A_963 = tpu.vector_load %arg10[%get3A_960, %get3A_961, %get3A_962] {strides = array<i32>} : memref<2x512x32xbf16, #tpu.memory_space<vmem>>, vector<32xbf16>,
              %get3A_964 = arith.index_cast %mul3A_959 : i32 to index
              %get3A_965 = tpu.vector_load %arg11[%get3A_964] {strides = array<i32>} : memref<10016xbf16, #tpu.memory_space<vmem>>, vector<32xbf16>,
              %min3A = arith.minimumf %get3A_965, %get3A_963 : vector<32xbf16>
              %swap3A_966 = arith.index_cast %mul3A_959 : i32 to index
              %swap3A_967 = tpu.vector_load %arg11[%swap3A_966] {strides = array<i32>} : memref<10016xbf16, #tpu.memory_space<vmem>>, vector<32xbf16>,
              tpu.vector_store %arg11[%swap3A_966], %min3A {strides = array<i32>} : memref<10016xbf16, #tpu.memory_space<vmem>>, vector<32xbf16>,
            }
            %add3A_949 = arith.constant 1 : i32
            %add3A_950 = arith.addi %cond3A_672#1, %add3A_949 : i32
            %cond3A_951 = arith.constant 0 : i32
            scf.yield %cond3A_951, %add3A_950, %add3A_707 : i32, i32, i32
          } else {
            scf.yield %add3A_707, %cond3A_672#1, %cond3A_672#2 : i32, i32, i32
          }
          %scan3A_714 = arith.constant 3 : i32
          %scan3A_715 = arith.addi %scan3A_595, %scan3A_714 : i32
          %and3A_716 = arith.constant 1 : i32
          %and3A_717 = arith.andi %cond3A_713#1, %and3A_716 : i32
          %mul3A_718 = arith.constant 16 : i32
          %mul3A_719 = arith.muli %scan3A_715, %mul3A_718 : i32
          %get3A_720 = arith.index_cast %mul3A_719 : i32 to index
          %get3A_721 = tpu.vector_load %arg6[%get3A_720] {strides = array<i32>} : memref<16000xi32, #tpu.memory_space<vmem>>, vector<16xi32>,
          %mul3A_722 = arith.constant 16 : i32
          %mul3A_723 = arith.muli %scan3A_715, %mul3A_722 : i32
          %get3A_724 = arith.index_cast %mul3A_723 : i32 to index
          %get3A_725 = tpu.vector_load %arg7[%get3A_724] {strides = array<i32>} : memref<16000xi32, #tpu.memory_space<vmem>>, vector<16xi32>,
          %ge3A_726 = vector.broadcast %mul3A_2 : i32 to vector<16xi32>
          %ge3A_727 = arith.cmpi sge, %get3A_721, %ge3A_726 : vector<16xi32>
          %add3A_728 = arith.constant 313 : i32
          %add3A_729 = arith.addi %mul3A_2, %add3A_728 : i32
          %lt3A_730 = vector.broadcast %add3A_729 : i32 to vector<16xi32>
          %lt3A_731 = arith.cmpi slt, %get3A_721, %lt3A_730 : vector<16xi32>
          %and3A_732 = arith.andi %ge3A_727, %lt3A_731 : vector<16xi1>
          %all_reduce_population_count3A_733 = tpu.all_reduce %and3A_732 {dim = 0 : i64, kind = #tpu.reduction_kind<sum>} : vector<16xi1> -> vector<16xi32>
          %slice3A_734 = vector.extract_strided_slice %all_reduce_population_count3A_733 {offsets = [0], sizes = [1], strides = [1]} : vector<16xi32> to vector<1xi32>
          %squeeze3A_735 = vector.extract %slice3A_734[0] : i32 from vector<1xi32>
          %swap3A_736 = arith.constant 0 : i32
          %swap3A_737 = tpu.memref_slice %arg8[%and3A_717, %swap3A_736] : memref<2x512xi32, #tpu.memory_space<vmem>> -> memref<1x512xi32, #tpu.memory_space<vmem>>
          %swap3A_738 = tpu.memref_squeeze %swap3A_737 : memref<1x512xi32, #tpu.memory_space<vmem>> -> memref<512xi32, #tpu.memory_space<vmem>>
          %swap3A_739 = arith.index_cast %cond3A_713#0 : i32 to index
          %swap3A_740 = tpu.vector_load %swap3A_738[%swap3A_739] masked %and3A_732 {strides = array<i32>} : memref<512xi32, #tpu.memory_space<vmem>>, vector<16xi32>, vector<16xi1>
          tpu.vector_store %swap3A_738[%swap3A_739], %get3A_725 masked %and3A_732 {strides = array<i32>} : memref<512xi32, #tpu.memory_space<vmem>>, vector<16xi32>, vector<16xi1>
          %sub3A_741 = vector.broadcast %mul3A_2 : i32 to vector<16xi32>
          %sub3A_742 = arith.subi %get3A_721, %sub3A_741 : vector<16xi32>
          %swap3A_743 = arith.constant 0 : i32
          %swap3A_744 = tpu.memref_slice %arg9[%and3A_717, %swap3A_743] : memref<2x528xi32, #tpu.memory_space<vmem>> -> memref<1x528xi32, #tpu.memory_space<vmem>>
          %swap3A_745 = tpu.memref_squeeze %swap3A_744 : memref<1x528xi32, #tpu.memory_space<vmem>> -> memref<528xi32, #tpu.memory_space<vmem>>
          %swap3A_746 = arith.index_cast %cond3A_713#0 : i32 to index
          %swap3A_747 = tpu.vector_load %swap3A_745[%swap3A_746] masked %and3A_732 {strides = array<i32>} : memref<528xi32, #tpu.memory_space<vmem>>, vector<16xi32>, vector<16xi1>
          tpu.vector_store %swap3A_745[%swap3A_746], %sub3A_742 masked %and3A_732 {strides = array<i32>} : memref<528xi32, #tpu.memory_space<vmem>>, vector<16xi32>, vector<16xi1>
          %add3A_748 = arith.addi %cond3A_713#0, %squeeze3A_735 : i32
          %gt3A_749 = arith.constant 496 : i32
          %gt3A_750 = arith.cmpi sgt, %add3A_748, %gt3A_749 : i32
          %convert_element_type3A_751 = arith.extui %gt3A_750 : i1 to i32
          %cond3A_752 = arith.constant 0 : i32
          %cond3A_753 = arith.cmpi ne, %convert_element_type3A_751, %cond3A_752 : i32
          %cond3A_754:3 = scf.if %cond3A_753 -> (i32, i32, i32) {
            %and3A_919 = arith.constant 1 : i32
            %and3A_920 = arith.andi %cond3A_713#1, %and3A_919 : i32
            %gt3A_921 = arith.constant 0 : i32
            %gt3A_922 = arith.cmpi sgt, %cond3A_713#2, %gt3A_921 : i32
            %convert_element_type3A_923 = arith.extui %gt3A_922 : i1 to i32
            %cond3A_924 = arith.constant 0 : i32
            %cond3A_925 = arith.constant 0 : i32
            %cond3A_926 = arith.cmpi ne, %convert_element_type3A_923, %cond3A_925 : i32
            %cond3A_927 = scf.if %cond3A_926 -> (i32) {
              %dma_wait3A = arith.constant 0 : i32
              %dma_wait3A_952 = arith.constant 0 : i32
              %dma_wait3A_953 = arith.constant 0 : i32
              %dma_wait3A_954 = arith.constant 0 : i32
              %dma_wait3A_955 = tpu.memref_slice %arg10[%dma_wait3A_952, %dma_wait3A_953, %dma_wait3A_954] : memref<2x512x32xbf16, #tpu.memory_space<vmem>> -> memref<1x512x32xbf16, #tpu.memory_space<vmem>>
              %dma_wait3A_956 = tpu.memref_squeeze %dma_wait3A_955 : memref<1x512x32xbf16, #tpu.memory_space<vmem>> -> memref<512x32xbf16, #tpu.memory_space<vmem>>
              %dma_wait3A_957 = arith.constant 0 : i32
              %dma_wait3A_958 = tpu.memref_slice %arg8[%dma_wait3A, %dma_wait3A_957] : memref<2x512xi32, #tpu.memory_space<vmem>> -> memref<1x512xi32, #tpu.memory_space<vmem>>
              %dma_wait3A_959 = tpu.memref_squeeze %dma_wait3A_958 : memref<1x512xi32, #tpu.memory_space<vmem>> -> memref<512xi32, #tpu.memory_space<vmem>>
              %dma_wait3A_960 = arith.constant 0 : i32
              %dma_wait3A_961 = arith.constant 0 : i32
              %dma_wait3A_962 = tpu.memref_slice %arg2[%dma_wait3A_960, %dma_wait3A_961] : memref<20000x32xbf16, #tpu.memory_space<hbm>> -> memref<20000x32xbf16, #tpu.memory_space<hbm>>
              tpu.wait_indirect_dma semaphore(%arg12 : memref<!tpu.dma_semaphore, #tpu.memory_space<semaphore_mem>>) src(%dma_wait3A_962 : memref<20000x32xbf16, #tpu.memory_space<hbm>>) dst(%dma_wait3A_956 : memref<512x32xbf16, #tpu.memory_space<vmem>>)
              %cond3A_963 = arith.constant 0 : i32
              scf.yield %cond3A_963 : i32
            } else {
              %cond3A_952 = arith.constant 0 : i32
              scf.yield %cond3A_952 : i32
            }
            %dma_start3A = arith.constant 0 : i32
            %dma_start3A_928 = arith.constant 0 : i32
            %dma_start3A_929 = tpu.memref_slice %arg10[%and3A_920, %dma_start3A, %dma_start3A_928] : memref<2x512x32xbf16, #tpu.memory_space<vmem>> -> memref<1x512x32xbf16, #tpu.memory_space<vmem>>
            %dma_start3A_930 = tpu.memref_squeeze %dma_start3A_929 : memref<1x512x32xbf16, #tpu.memory_space<vmem>> -> memref<512x32xbf16, #tpu.memory_space<vmem>>
            %dma_start3A_931 = arith.constant 0 : i32
            %dma_start3A_932 = tpu.memref_slice %arg8[%and3A_920, %dma_start3A_931] : memref<2x512xi32, #tpu.memory_space<vmem>> -> memref<1x512xi32, #tpu.memory_space<vmem>>
            %dma_start3A_933 = tpu.memref_squeeze %dma_start3A_932 : memref<1x512xi32, #tpu.memory_space<vmem>> -> memref<512xi32, #tpu.memory_space<vmem>>
            %dma_start3A_934 = arith.constant 0 : i32
            %dma_start3A_935 = arith.constant 0 : i32
            %dma_start3A_936 = tpu.memref_slice %arg2[%dma_start3A_934, %dma_start3A_935] : memref<20000x32xbf16, #tpu.memory_space<hbm>> -> memref<20000x32xbf16, #tpu.memory_space<hbm>>
            tpu.enqueue_indirect_dma source(%dma_start3A_936 : memref<20000x32xbf16, #tpu.memory_space<hbm>>) target(%dma_start3A_930 : memref<512x32xbf16, #tpu.memory_space<vmem>>) offsets(%dma_start3A_933 : memref<512xi32, #tpu.memory_space<vmem>>) semaphore(%arg12 : memref<!tpu.dma_semaphore, #tpu.memory_space<semaphore_mem>>)
            %sub3A_937 = arith.constant 1 : i32
            %sub3A_938 = arith.subi %sub3A_937, %and3A_920 : i32
            %while3A_939 = arith.constant 0 : i32
            %while3A_940 = arith.constant 0 : i32
            %while3A_941 = arith.subi %cond3A_713#2, %while3A_940 : i32
            %while3A_942 = arith.addi %while3A_940, %while3A_941 : i32
            %while3A_943 = arith.constant 1 : i32
            %while3A_944 = arith.divsi %while3A_941, %while3A_943 : i32
            %while3A_945 = arith.muli %while3A_944, %while3A_943 : i32
            %while3A_946 = arith.addi %while3A_940, %while3A_945 : i32
            %while3A_947 = arith.constant 1 : i32
            scf.for %while3A_952 = %while3A_940 to %while3A_946 step %while3A_947  : i32 {
              %get3A_953 = arith.index_cast %sub3A_938 : i32 to index
              %get3A_954 = arith.index_cast %while3A_952 : i32 to index
              %get3A_955 = tpu.vector_load %arg9[%get3A_953, %get3A_954] {strides = array<i32>} : memref<2x528xi32, #tpu.memory_space<vmem>>, vector<16xi32>,
              %slice3A_956 = vector.extract_strided_slice %get3A_955 {offsets = [0], sizes = [1], strides = [1]} : vector<16xi32> to vector<1xi32>
              %squeeze3A_957 = vector.extract %slice3A_956[0] : i32 from vector<1xi32>
              %mul3A_958 = arith.constant 32 : i32
              %mul3A_959 = arith.muli %squeeze3A_957, %mul3A_958 : i32
              %get3A_960 = arith.index_cast %sub3A_938 : i32 to index
              %get3A_961 = arith.index_cast %while3A_952 : i32 to index
              %get3A_962 = arith.constant 0 : index
              %get3A_963 = tpu.vector_load %arg10[%get3A_960, %get3A_961, %get3A_962] {strides = array<i32>} : memref<2x512x32xbf16, #tpu.memory_space<vmem>>, vector<32xbf16>,
              %get3A_964 = arith.index_cast %mul3A_959 : i32 to index
              %get3A_965 = tpu.vector_load %arg11[%get3A_964] {strides = array<i32>} : memref<10016xbf16, #tpu.memory_space<vmem>>, vector<32xbf16>,
              %min3A = arith.minimumf %get3A_965, %get3A_963 : vector<32xbf16>
              %swap3A_966 = arith.index_cast %mul3A_959 : i32 to index
              %swap3A_967 = tpu.vector_load %arg11[%swap3A_966] {strides = array<i32>} : memref<10016xbf16, #tpu.memory_space<vmem>>, vector<32xbf16>,
              tpu.vector_store %arg11[%swap3A_966], %min3A {strides = array<i32>} : memref<10016xbf16, #tpu.memory_space<vmem>>, vector<32xbf16>,
            }
            %while3A_948 = arith.constant 1 : i32
            scf.for %while3A_952 = %while3A_946 to %while3A_942 step %while3A_948  : i32 {
              %get3A_953 = arith.index_cast %sub3A_938 : i32 to index
              %get3A_954 = arith.index_cast %while3A_952 : i32 to index
              %get3A_955 = tpu.vector_load %arg9[%get3A_953, %get3A_954] {strides = array<i32>} : memref<2x528xi32, #tpu.memory_space<vmem>>, vector<16xi32>,
              %slice3A_956 = vector.extract_strided_slice %get3A_955 {offsets = [0], sizes = [1], strides = [1]} : vector<16xi32> to vector<1xi32>
              %squeeze3A_957 = vector.extract %slice3A_956[0] : i32 from vector<1xi32>
              %mul3A_958 = arith.constant 32 : i32
              %mul3A_959 = arith.muli %squeeze3A_957, %mul3A_958 : i32
              %get3A_960 = arith.index_cast %sub3A_938 : i32 to index
              %get3A_961 = arith.index_cast %while3A_952 : i32 to index
              %get3A_962 = arith.constant 0 : index
              %get3A_963 = tpu.vector_load %arg10[%get3A_960, %get3A_961, %get3A_962] {strides = array<i32>} : memref<2x512x32xbf16, #tpu.memory_space<vmem>>, vector<32xbf16>,
              %get3A_964 = arith.index_cast %mul3A_959 : i32 to index
              %get3A_965 = tpu.vector_load %arg11[%get3A_964] {strides = array<i32>} : memref<10016xbf16, #tpu.memory_space<vmem>>, vector<32xbf16>,
              %min3A = arith.minimumf %get3A_965, %get3A_963 : vector<32xbf16>
              %swap3A_966 = arith.index_cast %mul3A_959 : i32 to index
              %swap3A_967 = tpu.vector_load %arg11[%swap3A_966] {strides = array<i32>} : memref<10016xbf16, #tpu.memory_space<vmem>>, vector<32xbf16>,
              tpu.vector_store %arg11[%swap3A_966], %min3A {strides = array<i32>} : memref<10016xbf16, #tpu.memory_space<vmem>>, vector<32xbf16>,
            }
            %add3A_949 = arith.constant 1 : i32
            %add3A_950 = arith.addi %cond3A_713#1, %add3A_949 : i32
            %cond3A_951 = arith.constant 0 : i32
            scf.yield %cond3A_951, %add3A_950, %add3A_748 : i32, i32, i32
          } else {
            scf.yield %add3A_748, %cond3A_713#1, %cond3A_713#2 : i32, i32, i32
          }
          %scan3A_755 = arith.constant 4 : i32
          %scan3A_756 = arith.addi %scan3A_595, %scan3A_755 : i32
          %and3A_757 = arith.constant 1 : i32
          %and3A_758 = arith.andi %cond3A_754#1, %and3A_757 : i32
          %mul3A_759 = arith.constant 16 : i32
          %mul3A_760 = arith.muli %scan3A_756, %mul3A_759 : i32
          %get3A_761 = arith.index_cast %mul3A_760 : i32 to index
          %get3A_762 = tpu.vector_load %arg6[%get3A_761] {strides = array<i32>} : memref<16000xi32, #tpu.memory_space<vmem>>, vector<16xi32>,
          %mul3A_763 = arith.constant 16 : i32
          %mul3A_764 = arith.muli %scan3A_756, %mul3A_763 : i32
          %get3A_765 = arith.index_cast %mul3A_764 : i32 to index
          %get3A_766 = tpu.vector_load %arg7[%get3A_765] {strides = array<i32>} : memref<16000xi32, #tpu.memory_space<vmem>>, vector<16xi32>,
          %ge3A_767 = vector.broadcast %mul3A_2 : i32 to vector<16xi32>
          %ge3A_768 = arith.cmpi sge, %get3A_762, %ge3A_767 : vector<16xi32>
          %add3A_769 = arith.constant 313 : i32
          %add3A_770 = arith.addi %mul3A_2, %add3A_769 : i32
          %lt3A_771 = vector.broadcast %add3A_770 : i32 to vector<16xi32>
          %lt3A_772 = arith.cmpi slt, %get3A_762, %lt3A_771 : vector<16xi32>
          %and3A_773 = arith.andi %ge3A_768, %lt3A_772 : vector<16xi1>
          %all_reduce_population_count3A_774 = tpu.all_reduce %and3A_773 {dim = 0 : i64, kind = #tpu.reduction_kind<sum>} : vector<16xi1> -> vector<16xi32>
          %slice3A_775 = vector.extract_strided_slice %all_reduce_population_count3A_774 {offsets = [0], sizes = [1], strides = [1]} : vector<16xi32> to vector<1xi32>
          %squeeze3A_776 = vector.extract %slice3A_775[0] : i32 from vector<1xi32>
          %swap3A_777 = arith.constant 0 : i32
          %swap3A_778 = tpu.memref_slice %arg8[%and3A_758, %swap3A_777] : memref<2x512xi32, #tpu.memory_space<vmem>> -> memref<1x512xi32, #tpu.memory_space<vmem>>
          %swap3A_779 = tpu.memref_squeeze %swap3A_778 : memref<1x512xi32, #tpu.memory_space<vmem>> -> memref<512xi32, #tpu.memory_space<vmem>>
          %swap3A_780 = arith.index_cast %cond3A_754#0 : i32 to index
          %swap3A_781 = tpu.vector_load %swap3A_779[%swap3A_780] masked %and3A_773 {strides = array<i32>} : memref<512xi32, #tpu.memory_space<vmem>>, vector<16xi32>, vector<16xi1>
          tpu.vector_store %swap3A_779[%swap3A_780], %get3A_766 masked %and3A_773 {strides = array<i32>} : memref<512xi32, #tpu.memory_space<vmem>>, vector<16xi32>, vector<16xi1>
          %sub3A_782 = vector.broadcast %mul3A_2 : i32 to vector<16xi32>
          %sub3A_783 = arith.subi %get3A_762, %sub3A_782 : vector<16xi32>
          %swap3A_784 = arith.constant 0 : i32
          %swap3A_785 = tpu.memref_slice %arg9[%and3A_758, %swap3A_784] : memref<2x528xi32, #tpu.memory_space<vmem>> -> memref<1x528xi32, #tpu.memory_space<vmem>>
          %swap3A_786 = tpu.memref_squeeze %swap3A_785 : memref<1x528xi32, #tpu.memory_space<vmem>> -> memref<528xi32, #tpu.memory_space<vmem>>
          %swap3A_787 = arith.index_cast %cond3A_754#0 : i32 to index
          %swap3A_788 = tpu.vector_load %swap3A_786[%swap3A_787] masked %and3A_773 {strides = array<i32>} : memref<528xi32, #tpu.memory_space<vmem>>, vector<16xi32>, vector<16xi1>
          tpu.vector_store %swap3A_786[%swap3A_787], %sub3A_783 masked %and3A_773 {strides = array<i32>} : memref<528xi32, #tpu.memory_space<vmem>>, vector<16xi32>, vector<16xi1>
          %add3A_789 = arith.addi %cond3A_754#0, %squeeze3A_776 : i32
          %gt3A_790 = arith.constant 496 : i32
          %gt3A_791 = arith.cmpi sgt, %add3A_789, %gt3A_790 : i32
          %convert_element_type3A_792 = arith.extui %gt3A_791 : i1 to i32
          %cond3A_793 = arith.constant 0 : i32
          %cond3A_794 = arith.cmpi ne, %convert_element_type3A_792, %cond3A_793 : i32
          %cond3A_795:3 = scf.if %cond3A_794 -> (i32, i32, i32) {
            %and3A_919 = arith.constant 1 : i32
            %and3A_920 = arith.andi %cond3A_754#1, %and3A_919 : i32
            %gt3A_921 = arith.constant 0 : i32
            %gt3A_922 = arith.cmpi sgt, %cond3A_754#2, %gt3A_921 : i32
            %convert_element_type3A_923 = arith.extui %gt3A_922 : i1 to i32
            %cond3A_924 = arith.constant 0 : i32
            %cond3A_925 = arith.constant 0 : i32
            %cond3A_926 = arith.cmpi ne, %convert_element_type3A_923, %cond3A_925 : i32
            %cond3A_927 = scf.if %cond3A_926 -> (i32) {
              %dma_wait3A = arith.constant 0 : i32
              %dma_wait3A_952 = arith.constant 0 : i32
              %dma_wait3A_953 = arith.constant 0 : i32
              %dma_wait3A_954 = arith.constant 0 : i32
              %dma_wait3A_955 = tpu.memref_slice %arg10[%dma_wait3A_952, %dma_wait3A_953, %dma_wait3A_954] : memref<2x512x32xbf16, #tpu.memory_space<vmem>> -> memref<1x512x32xbf16, #tpu.memory_space<vmem>>
              %dma_wait3A_956 = tpu.memref_squeeze %dma_wait3A_955 : memref<1x512x32xbf16, #tpu.memory_space<vmem>> -> memref<512x32xbf16, #tpu.memory_space<vmem>>
              %dma_wait3A_957 = arith.constant 0 : i32
              %dma_wait3A_958 = tpu.memref_slice %arg8[%dma_wait3A, %dma_wait3A_957] : memref<2x512xi32, #tpu.memory_space<vmem>> -> memref<1x512xi32, #tpu.memory_space<vmem>>
              %dma_wait3A_959 = tpu.memref_squeeze %dma_wait3A_958 : memref<1x512xi32, #tpu.memory_space<vmem>> -> memref<512xi32, #tpu.memory_space<vmem>>
              %dma_wait3A_960 = arith.constant 0 : i32
              %dma_wait3A_961 = arith.constant 0 : i32
              %dma_wait3A_962 = tpu.memref_slice %arg2[%dma_wait3A_960, %dma_wait3A_961] : memref<20000x32xbf16, #tpu.memory_space<hbm>> -> memref<20000x32xbf16, #tpu.memory_space<hbm>>
              tpu.wait_indirect_dma semaphore(%arg12 : memref<!tpu.dma_semaphore, #tpu.memory_space<semaphore_mem>>) src(%dma_wait3A_962 : memref<20000x32xbf16, #tpu.memory_space<hbm>>) dst(%dma_wait3A_956 : memref<512x32xbf16, #tpu.memory_space<vmem>>)
              %cond3A_963 = arith.constant 0 : i32
              scf.yield %cond3A_963 : i32
            } else {
              %cond3A_952 = arith.constant 0 : i32
              scf.yield %cond3A_952 : i32
            }
            %dma_start3A = arith.constant 0 : i32
            %dma_start3A_928 = arith.constant 0 : i32
            %dma_start3A_929 = tpu.memref_slice %arg10[%and3A_920, %dma_start3A, %dma_start3A_928] : memref<2x512x32xbf16, #tpu.memory_space<vmem>> -> memref<1x512x32xbf16, #tpu.memory_space<vmem>>
            %dma_start3A_930 = tpu.memref_squeeze %dma_start3A_929 : memref<1x512x32xbf16, #tpu.memory_space<vmem>> -> memref<512x32xbf16, #tpu.memory_space<vmem>>
            %dma_start3A_931 = arith.constant 0 : i32
            %dma_start3A_932 = tpu.memref_slice %arg8[%and3A_920, %dma_start3A_931] : memref<2x512xi32, #tpu.memory_space<vmem>> -> memref<1x512xi32, #tpu.memory_space<vmem>>
            %dma_start3A_933 = tpu.memref_squeeze %dma_start3A_932 : memref<1x512xi32, #tpu.memory_space<vmem>> -> memref<512xi32, #tpu.memory_space<vmem>>
            %dma_start3A_934 = arith.constant 0 : i32
            %dma_start3A_935 = arith.constant 0 : i32
            %dma_start3A_936 = tpu.memref_slice %arg2[%dma_start3A_934, %dma_start3A_935] : memref<20000x32xbf16, #tpu.memory_space<hbm>> -> memref<20000x32xbf16, #tpu.memory_space<hbm>>
            tpu.enqueue_indirect_dma source(%dma_start3A_936 : memref<20000x32xbf16, #tpu.memory_space<hbm>>) target(%dma_start3A_930 : memref<512x32xbf16, #tpu.memory_space<vmem>>) offsets(%dma_start3A_933 : memref<512xi32, #tpu.memory_space<vmem>>) semaphore(%arg12 : memref<!tpu.dma_semaphore, #tpu.memory_space<semaphore_mem>>)
            %sub3A_937 = arith.constant 1 : i32
            %sub3A_938 = arith.subi %sub3A_937, %and3A_920 : i32
            %while3A_939 = arith.constant 0 : i32
            %while3A_940 = arith.constant 0 : i32
            %while3A_941 = arith.subi %cond3A_754#2, %while3A_940 : i32
            %while3A_942 = arith.addi %while3A_940, %while3A_941 : i32
            %while3A_943 = arith.constant 1 : i32
            %while3A_944 = arith.divsi %while3A_941, %while3A_943 : i32
            %while3A_945 = arith.muli %while3A_944, %while3A_943 : i32
            %while3A_946 = arith.addi %while3A_940, %while3A_945 : i32
            %while3A_947 = arith.constant 1 : i32
            scf.for %while3A_952 = %while3A_940 to %while3A_946 step %while3A_947  : i32 {
              %get3A_953 = arith.index_cast %sub3A_938 : i32 to index
              %get3A_954 = arith.index_cast %while3A_952 : i32 to index
              %get3A_955 = tpu.vector_load %arg9[%get3A_953, %get3A_954] {strides = array<i32>} : memref<2x528xi32, #tpu.memory_space<vmem>>, vector<16xi32>,
              %slice3A_956 = vector.extract_strided_slice %get3A_955 {offsets = [0], sizes = [1], strides = [1]} : vector<16xi32> to vector<1xi32>
              %squeeze3A_957 = vector.extract %slice3A_956[0] : i32 from vector<1xi32>
              %mul3A_958 = arith.constant 32 : i32
              %mul3A_959 = arith.muli %squeeze3A_957, %mul3A_958 : i32
              %get3A_960 = arith.index_cast %sub3A_938 : i32 to index
              %get3A_961 = arith.index_cast %while3A_952 : i32 to index
              %get3A_962 = arith.constant 0 : index
              %get3A_963 = tpu.vector_load %arg10[%get3A_960, %get3A_961, %get3A_962] {strides = array<i32>} : memref<2x512x32xbf16, #tpu.memory_space<vmem>>, vector<32xbf16>,
              %get3A_964 = arith.index_cast %mul3A_959 : i32 to index
              %get3A_965 = tpu.vector_load %arg11[%get3A_964] {strides = array<i32>} : memref<10016xbf16, #tpu.memory_space<vmem>>, vector<32xbf16>,
              %min3A = arith.minimumf %get3A_965, %get3A_963 : vector<32xbf16>
              %swap3A_966 = arith.index_cast %mul3A_959 : i32 to index
              %swap3A_967 = tpu.vector_load %arg11[%swap3A_966] {strides = array<i32>} : memref<10016xbf16, #tpu.memory_space<vmem>>, vector<32xbf16>,
              tpu.vector_store %arg11[%swap3A_966], %min3A {strides = array<i32>} : memref<10016xbf16, #tpu.memory_space<vmem>>, vector<32xbf16>,
            }
            %while3A_948 = arith.constant 1 : i32
            scf.for %while3A_952 = %while3A_946 to %while3A_942 step %while3A_948  : i32 {
              %get3A_953 = arith.index_cast %sub3A_938 : i32 to index
              %get3A_954 = arith.index_cast %while3A_952 : i32 to index
              %get3A_955 = tpu.vector_load %arg9[%get3A_953, %get3A_954] {strides = array<i32>} : memref<2x528xi32, #tpu.memory_space<vmem>>, vector<16xi32>,
              %slice3A_956 = vector.extract_strided_slice %get3A_955 {offsets = [0], sizes = [1], strides = [1]} : vector<16xi32> to vector<1xi32>
              %squeeze3A_957 = vector.extract %slice3A_956[0] : i32 from vector<1xi32>
              %mul3A_958 = arith.constant 32 : i32
              %mul3A_959 = arith.muli %squeeze3A_957, %mul3A_958 : i32
              %get3A_960 = arith.index_cast %sub3A_938 : i32 to index
              %get3A_961 = arith.index_cast %while3A_952 : i32 to index
              %get3A_962 = arith.constant 0 : index
              %get3A_963 = tpu.vector_load %arg10[%get3A_960, %get3A_961, %get3A_962] {strides = array<i32>} : memref<2x512x32xbf16, #tpu.memory_space<vmem>>, vector<32xbf16>,
              %get3A_964 = arith.index_cast %mul3A_959 : i32 to index
              %get3A_965 = tpu.vector_load %arg11[%get3A_964] {strides = array<i32>} : memref<10016xbf16, #tpu.memory_space<vmem>>, vector<32xbf16>,
              %min3A = arith.minimumf %get3A_965, %get3A_963 : vector<32xbf16>
              %swap3A_966 = arith.index_cast %mul3A_959 : i32 to index
              %swap3A_967 = tpu.vector_load %arg11[%swap3A_966] {strides = array<i32>} : memref<10016xbf16, #tpu.memory_space<vmem>>, vector<32xbf16>,
              tpu.vector_store %arg11[%swap3A_966], %min3A {strides = array<i32>} : memref<10016xbf16, #tpu.memory_space<vmem>>, vector<32xbf16>,
            }
            %add3A_949 = arith.constant 1 : i32
            %add3A_950 = arith.addi %cond3A_754#1, %add3A_949 : i32
            %cond3A_951 = arith.constant 0 : i32
            scf.yield %cond3A_951, %add3A_950, %add3A_789 : i32, i32, i32
          } else {
            scf.yield %add3A_789, %cond3A_754#1, %cond3A_754#2 : i32, i32, i32
          }
          %scan3A_796 = arith.constant 5 : i32
          %scan3A_797 = arith.addi %scan3A_595, %scan3A_796 : i32
          %and3A_798 = arith.constant 1 : i32
          %and3A_799 = arith.andi %cond3A_795#1, %and3A_798 : i32
          %mul3A_800 = arith.constant 16 : i32
          %mul3A_801 = arith.muli %scan3A_797, %mul3A_800 : i32
          %get3A_802 = arith.index_cast %mul3A_801 : i32 to index
          %get3A_803 = tpu.vector_load %arg6[%get3A_802] {strides = array<i32>} : memref<16000xi32, #tpu.memory_space<vmem>>, vector<16xi32>,
          %mul3A_804 = arith.constant 16 : i32
          %mul3A_805 = arith.muli %scan3A_797, %mul3A_804 : i32
          %get3A_806 = arith.index_cast %mul3A_805 : i32 to index
          %get3A_807 = tpu.vector_load %arg7[%get3A_806] {strides = array<i32>} : memref<16000xi32, #tpu.memory_space<vmem>>, vector<16xi32>,
          %ge3A_808 = vector.broadcast %mul3A_2 : i32 to vector<16xi32>
          %ge3A_809 = arith.cmpi sge, %get3A_803, %ge3A_808 : vector<16xi32>
          %add3A_810 = arith.constant 313 : i32
          %add3A_811 = arith.addi %mul3A_2, %add3A_810 : i32
          %lt3A_812 = vector.broadcast %add3A_811 : i32 to vector<16xi32>
          %lt3A_813 = arith.cmpi slt, %get3A_803, %lt3A_812 : vector<16xi32>
          %and3A_814 = arith.andi %ge3A_809, %lt3A_813 : vector<16xi1>
          %all_reduce_population_count3A_815 = tpu.all_reduce %and3A_814 {dim = 0 : i64, kind = #tpu.reduction_kind<sum>} : vector<16xi1> -> vector<16xi32>
          %slice3A_816 = vector.extract_strided_slice %all_reduce_population_count3A_815 {offsets = [0], sizes = [1], strides = [1]} : vector<16xi32> to vector<1xi32>
          %squeeze3A_817 = vector.extract %slice3A_816[0] : i32 from vector<1xi32>
          %swap3A_818 = arith.constant 0 : i32
          %swap3A_819 = tpu.memref_slice %arg8[%and3A_799, %swap3A_818] : memref<2x512xi32, #tpu.memory_space<vmem>> -> memref<1x512xi32, #tpu.memory_space<vmem>>
          %swap3A_820 = tpu.memref_squeeze %swap3A_819 : memref<1x512xi32, #tpu.memory_space<vmem>> -> memref<512xi32, #tpu.memory_space<vmem>>
          %swap3A_821 = arith.index_cast %cond3A_795#0 : i32 to index
          %swap3A_822 = tpu.vector_load %swap3A_820[%swap3A_821] masked %and3A_814 {strides = array<i32>} : memref<512xi32, #tpu.memory_space<vmem>>, vector<16xi32>, vector<16xi1>
          tpu.vector_store %swap3A_820[%swap3A_821], %get3A_807 masked %and3A_814 {strides = array<i32>} : memref<512xi32, #tpu.memory_space<vmem>>, vector<16xi32>, vector<16xi1>
          %sub3A_823 = vector.broadcast %mul3A_2 : i32 to vector<16xi32>
          %sub3A_824 = arith.subi %get3A_803, %sub3A_823 : vector<16xi32>
          %swap3A_825 = arith.constant 0 : i32
          %swap3A_826 = tpu.memref_slice %arg9[%and3A_799, %swap3A_825] : memref<2x528xi32, #tpu.memory_space<vmem>> -> memref<1x528xi32, #tpu.memory_space<vmem>>
          %swap3A_827 = tpu.memref_squeeze %swap3A_826 : memref<1x528xi32, #tpu.memory_space<vmem>> -> memref<528xi32, #tpu.memory_space<vmem>>
          %swap3A_828 = arith.index_cast %cond3A_795#0 : i32 to index
          %swap3A_829 = tpu.vector_load %swap3A_827[%swap3A_828] masked %and3A_814 {strides = array<i32>} : memref<528xi32, #tpu.memory_space<vmem>>, vector<16xi32>, vector<16xi1>
          tpu.vector_store %swap3A_827[%swap3A_828], %sub3A_824 masked %and3A_814 {strides = array<i32>} : memref<528xi32, #tpu.memory_space<vmem>>, vector<16xi32>, vector<16xi1>
          %add3A_830 = arith.addi %cond3A_795#0, %squeeze3A_817 : i32
          %gt3A_831 = arith.constant 496 : i32
          %gt3A_832 = arith.cmpi sgt, %add3A_830, %gt3A_831 : i32
          %convert_element_type3A_833 = arith.extui %gt3A_832 : i1 to i32
          %cond3A_834 = arith.constant 0 : i32
          %cond3A_835 = arith.cmpi ne, %convert_element_type3A_833, %cond3A_834 : i32
          %cond3A_836:3 = scf.if %cond3A_835 -> (i32, i32, i32) {
            %and3A_919 = arith.constant 1 : i32
            %and3A_920 = arith.andi %cond3A_795#1, %and3A_919 : i32
            %gt3A_921 = arith.constant 0 : i32
            %gt3A_922 = arith.cmpi sgt, %cond3A_795#2, %gt3A_921 : i32
            %convert_element_type3A_923 = arith.extui %gt3A_922 : i1 to i32
            %cond3A_924 = arith.constant 0 : i32
            %cond3A_925 = arith.constant 0 : i32
            %cond3A_926 = arith.cmpi ne, %convert_element_type3A_923, %cond3A_925 : i32
            %cond3A_927 = scf.if %cond3A_926 -> (i32) {
              %dma_wait3A = arith.constant 0 : i32
              %dma_wait3A_952 = arith.constant 0 : i32
              %dma_wait3A_953 = arith.constant 0 : i32
              %dma_wait3A_954 = arith.constant 0 : i32
              %dma_wait3A_955 = tpu.memref_slice %arg10[%dma_wait3A_952, %dma_wait3A_953, %dma_wait3A_954] : memref<2x512x32xbf16, #tpu.memory_space<vmem>> -> memref<1x512x32xbf16, #tpu.memory_space<vmem>>
              %dma_wait3A_956 = tpu.memref_squeeze %dma_wait3A_955 : memref<1x512x32xbf16, #tpu.memory_space<vmem>> -> memref<512x32xbf16, #tpu.memory_space<vmem>>
              %dma_wait3A_957 = arith.constant 0 : i32
              %dma_wait3A_958 = tpu.memref_slice %arg8[%dma_wait3A, %dma_wait3A_957] : memref<2x512xi32, #tpu.memory_space<vmem>> -> memref<1x512xi32, #tpu.memory_space<vmem>>
              %dma_wait3A_959 = tpu.memref_squeeze %dma_wait3A_958 : memref<1x512xi32, #tpu.memory_space<vmem>> -> memref<512xi32, #tpu.memory_space<vmem>>
              %dma_wait3A_960 = arith.constant 0 : i32
              %dma_wait3A_961 = arith.constant 0 : i32
              %dma_wait3A_962 = tpu.memref_slice %arg2[%dma_wait3A_960, %dma_wait3A_961] : memref<20000x32xbf16, #tpu.memory_space<hbm>> -> memref<20000x32xbf16, #tpu.memory_space<hbm>>
              tpu.wait_indirect_dma semaphore(%arg12 : memref<!tpu.dma_semaphore, #tpu.memory_space<semaphore_mem>>) src(%dma_wait3A_962 : memref<20000x32xbf16, #tpu.memory_space<hbm>>) dst(%dma_wait3A_956 : memref<512x32xbf16, #tpu.memory_space<vmem>>)
              %cond3A_963 = arith.constant 0 : i32
              scf.yield %cond3A_963 : i32
            } else {
              %cond3A_952 = arith.constant 0 : i32
              scf.yield %cond3A_952 : i32
            }
            %dma_start3A = arith.constant 0 : i32
            %dma_start3A_928 = arith.constant 0 : i32
            %dma_start3A_929 = tpu.memref_slice %arg10[%and3A_920, %dma_start3A, %dma_start3A_928] : memref<2x512x32xbf16, #tpu.memory_space<vmem>> -> memref<1x512x32xbf16, #tpu.memory_space<vmem>>
            %dma_start3A_930 = tpu.memref_squeeze %dma_start3A_929 : memref<1x512x32xbf16, #tpu.memory_space<vmem>> -> memref<512x32xbf16, #tpu.memory_space<vmem>>
            %dma_start3A_931 = arith.constant 0 : i32
            %dma_start3A_932 = tpu.memref_slice %arg8[%and3A_920, %dma_start3A_931] : memref<2x512xi32, #tpu.memory_space<vmem>> -> memref<1x512xi32, #tpu.memory_space<vmem>>
            %dma_start3A_933 = tpu.memref_squeeze %dma_start3A_932 : memref<1x512xi32, #tpu.memory_space<vmem>> -> memref<512xi32, #tpu.memory_space<vmem>>
            %dma_start3A_934 = arith.constant 0 : i32
            %dma_start3A_935 = arith.constant 0 : i32
            %dma_start3A_936 = tpu.memref_slice %arg2[%dma_start3A_934, %dma_start3A_935] : memref<20000x32xbf16, #tpu.memory_space<hbm>> -> memref<20000x32xbf16, #tpu.memory_space<hbm>>
            tpu.enqueue_indirect_dma source(%dma_start3A_936 : memref<20000x32xbf16, #tpu.memory_space<hbm>>) target(%dma_start3A_930 : memref<512x32xbf16, #tpu.memory_space<vmem>>) offsets(%dma_start3A_933 : memref<512xi32, #tpu.memory_space<vmem>>) semaphore(%arg12 : memref<!tpu.dma_semaphore, #tpu.memory_space<semaphore_mem>>)
            %sub3A_937 = arith.constant 1 : i32
            %sub3A_938 = arith.subi %sub3A_937, %and3A_920 : i32
            %while3A_939 = arith.constant 0 : i32
            %while3A_940 = arith.constant 0 : i32
            %while3A_941 = arith.subi %cond3A_795#2, %while3A_940 : i32
            %while3A_942 = arith.addi %while3A_940, %while3A_941 : i32
            %while3A_943 = arith.constant 1 : i32
            %while3A_944 = arith.divsi %while3A_941, %while3A_943 : i32
            %while3A_945 = arith.muli %while3A_944, %while3A_943 : i32
            %while3A_946 = arith.addi %while3A_940, %while3A_945 : i32
            %while3A_947 = arith.constant 1 : i32
            scf.for %while3A_952 = %while3A_940 to %while3A_946 step %while3A_947  : i32 {
              %get3A_953 = arith.index_cast %sub3A_938 : i32 to index
              %get3A_954 = arith.index_cast %while3A_952 : i32 to index
              %get3A_955 = tpu.vector_load %arg9[%get3A_953, %get3A_954] {strides = array<i32>} : memref<2x528xi32, #tpu.memory_space<vmem>>, vector<16xi32>,
              %slice3A_956 = vector.extract_strided_slice %get3A_955 {offsets = [0], sizes = [1], strides = [1]} : vector<16xi32> to vector<1xi32>
              %squeeze3A_957 = vector.extract %slice3A_956[0] : i32 from vector<1xi32>
              %mul3A_958 = arith.constant 32 : i32
              %mul3A_959 = arith.muli %squeeze3A_957, %mul3A_958 : i32
              %get3A_960 = arith.index_cast %sub3A_938 : i32 to index
              %get3A_961 = arith.index_cast %while3A_952 : i32 to index
              %get3A_962 = arith.constant 0 : index
              %get3A_963 = tpu.vector_load %arg10[%get3A_960, %get3A_961, %get3A_962] {strides = array<i32>} : memref<2x512x32xbf16, #tpu.memory_space<vmem>>, vector<32xbf16>,
              %get3A_964 = arith.index_cast %mul3A_959 : i32 to index
              %get3A_965 = tpu.vector_load %arg11[%get3A_964] {strides = array<i32>} : memref<10016xbf16, #tpu.memory_space<vmem>>, vector<32xbf16>,
              %min3A = arith.minimumf %get3A_965, %get3A_963 : vector<32xbf16>
              %swap3A_966 = arith.index_cast %mul3A_959 : i32 to index
              %swap3A_967 = tpu.vector_load %arg11[%swap3A_966] {strides = array<i32>} : memref<10016xbf16, #tpu.memory_space<vmem>>, vector<32xbf16>,
              tpu.vector_store %arg11[%swap3A_966], %min3A {strides = array<i32>} : memref<10016xbf16, #tpu.memory_space<vmem>>, vector<32xbf16>,
            }
            %while3A_948 = arith.constant 1 : i32
            scf.for %while3A_952 = %while3A_946 to %while3A_942 step %while3A_948  : i32 {
              %get3A_953 = arith.index_cast %sub3A_938 : i32 to index
              %get3A_954 = arith.index_cast %while3A_952 : i32 to index
              %get3A_955 = tpu.vector_load %arg9[%get3A_953, %get3A_954] {strides = array<i32>} : memref<2x528xi32, #tpu.memory_space<vmem>>, vector<16xi32>,
              %slice3A_956 = vector.extract_strided_slice %get3A_955 {offsets = [0], sizes = [1], strides = [1]} : vector<16xi32> to vector<1xi32>
              %squeeze3A_957 = vector.extract %slice3A_956[0] : i32 from vector<1xi32>
              %mul3A_958 = arith.constant 32 : i32
              %mul3A_959 = arith.muli %squeeze3A_957, %mul3A_958 : i32
              %get3A_960 = arith.index_cast %sub3A_938 : i32 to index
              %get3A_961 = arith.index_cast %while3A_952 : i32 to index
              %get3A_962 = arith.constant 0 : index
              %get3A_963 = tpu.vector_load %arg10[%get3A_960, %get3A_961, %get3A_962] {strides = array<i32>} : memref<2x512x32xbf16, #tpu.memory_space<vmem>>, vector<32xbf16>,
              %get3A_964 = arith.index_cast %mul3A_959 : i32 to index
              %get3A_965 = tpu.vector_load %arg11[%get3A_964] {strides = array<i32>} : memref<10016xbf16, #tpu.memory_space<vmem>>, vector<32xbf16>,
              %min3A = arith.minimumf %get3A_965, %get3A_963 : vector<32xbf16>
              %swap3A_966 = arith.index_cast %mul3A_959 : i32 to index
              %swap3A_967 = tpu.vector_load %arg11[%swap3A_966] {strides = array<i32>} : memref<10016xbf16, #tpu.memory_space<vmem>>, vector<32xbf16>,
              tpu.vector_store %arg11[%swap3A_966], %min3A {strides = array<i32>} : memref<10016xbf16, #tpu.memory_space<vmem>>, vector<32xbf16>,
            }
            %add3A_949 = arith.constant 1 : i32
            %add3A_950 = arith.addi %cond3A_795#1, %add3A_949 : i32
            %cond3A_951 = arith.constant 0 : i32
            scf.yield %cond3A_951, %add3A_950, %add3A_830 : i32, i32, i32
          } else {
            scf.yield %add3A_830, %cond3A_795#1, %cond3A_795#2 : i32, i32, i32
          }
          %scan3A_837 = arith.constant 6 : i32
          %scan3A_838 = arith.addi %scan3A_595, %scan3A_837 : i32
          %and3A_839 = arith.constant 1 : i32
          %and3A_840 = arith.andi %cond3A_836#1, %and3A_839 : i32
          %mul3A_841 = arith.constant 16 : i32
          %mul3A_842 = arith.muli %scan3A_838, %mul3A_841 : i32
          %get3A_843 = arith.index_cast %mul3A_842 : i32 to index
          %get3A_844 = tpu.vector_load %arg6[%get3A_843] {strides = array<i32>} : memref<16000xi32, #tpu.memory_space<vmem>>, vector<16xi32>,
          %mul3A_845 = arith.constant 16 : i32
          %mul3A_846 = arith.muli %scan3A_838, %mul3A_845 : i32
          %get3A_847 = arith.index_cast %mul3A_846 : i32 to index
          %get3A_848 = tpu.vector_load %arg7[%get3A_847] {strides = array<i32>} : memref<16000xi32, #tpu.memory_space<vmem>>, vector<16xi32>,
          %ge3A_849 = vector.broadcast %mul3A_2 : i32 to vector<16xi32>
          %ge3A_850 = arith.cmpi sge, %get3A_844, %ge3A_849 : vector<16xi32>
          %add3A_851 = arith.constant 313 : i32
          %add3A_852 = arith.addi %mul3A_2, %add3A_851 : i32
          %lt3A_853 = vector.broadcast %add3A_852 : i32 to vector<16xi32>
          %lt3A_854 = arith.cmpi slt, %get3A_844, %lt3A_853 : vector<16xi32>
          %and3A_855 = arith.andi %ge3A_850, %lt3A_854 : vector<16xi1>
          %all_reduce_population_count3A_856 = tpu.all_reduce %and3A_855 {dim = 0 : i64, kind = #tpu.reduction_kind<sum>} : vector<16xi1> -> vector<16xi32>
          %slice3A_857 = vector.extract_strided_slice %all_reduce_population_count3A_856 {offsets = [0], sizes = [1], strides = [1]} : vector<16xi32> to vector<1xi32>
          %squeeze3A_858 = vector.extract %slice3A_857[0] : i32 from vector<1xi32>
          %swap3A_859 = arith.constant 0 : i32
          %swap3A_860 = tpu.memref_slice %arg8[%and3A_840, %swap3A_859] : memref<2x512xi32, #tpu.memory_space<vmem>> -> memref<1x512xi32, #tpu.memory_space<vmem>>
          %swap3A_861 = tpu.memref_squeeze %swap3A_860 : memref<1x512xi32, #tpu.memory_space<vmem>> -> memref<512xi32, #tpu.memory_space<vmem>>
          %swap3A_862 = arith.index_cast %cond3A_836#0 : i32 to index
          %swap3A_863 = tpu.vector_load %swap3A_861[%swap3A_862] masked %and3A_855 {strides = array<i32>} : memref<512xi32, #tpu.memory_space<vmem>>, vector<16xi32>, vector<16xi1>
          tpu.vector_store %swap3A_861[%swap3A_862], %get3A_848 masked %and3A_855 {strides = array<i32>} : memref<512xi32, #tpu.memory_space<vmem>>, vector<16xi32>, vector<16xi1>
          %sub3A_864 = vector.broadcast %mul3A_2 : i32 to vector<16xi32>
          %sub3A_865 = arith.subi %get3A_844, %sub3A_864 : vector<16xi32>
          %swap3A_866 = arith.constant 0 : i32
          %swap3A_867 = tpu.memref_slice %arg9[%and3A_840, %swap3A_866] : memref<2x528xi32, #tpu.memory_space<vmem>> -> memref<1x528xi32, #tpu.memory_space<vmem>>
          %swap3A_868 = tpu.memref_squeeze %swap3A_867 : memref<1x528xi32, #tpu.memory_space<vmem>> -> memref<528xi32, #tpu.memory_space<vmem>>
          %swap3A_869 = arith.index_cast %cond3A_836#0 : i32 to index
          %swap3A_870 = tpu.vector_load %swap3A_868[%swap3A_869] masked %and3A_855 {strides = array<i32>} : memref<528xi32, #tpu.memory_space<vmem>>, vector<16xi32>, vector<16xi1>
          tpu.vector_store %swap3A_868[%swap3A_869], %sub3A_865 masked %and3A_855 {strides = array<i32>} : memref<528xi32, #tpu.memory_space<vmem>>, vector<16xi32>, vector<16xi1>
          %add3A_871 = arith.addi %cond3A_836#0, %squeeze3A_858 : i32
          %gt3A_872 = arith.constant 496 : i32
          %gt3A_873 = arith.cmpi sgt, %add3A_871, %gt3A_872 : i32
          %convert_element_type3A_874 = arith.extui %gt3A_873 : i1 to i32
          %cond3A_875 = arith.constant 0 : i32
          %cond3A_876 = arith.cmpi ne, %convert_element_type3A_874, %cond3A_875 : i32
          %cond3A_877:3 = scf.if %cond3A_876 -> (i32, i32, i32) {
            %and3A_919 = arith.constant 1 : i32
            %and3A_920 = arith.andi %cond3A_836#1, %and3A_919 : i32
            %gt3A_921 = arith.constant 0 : i32
            %gt3A_922 = arith.cmpi sgt, %cond3A_836#2, %gt3A_921 : i32
            %convert_element_type3A_923 = arith.extui %gt3A_922 : i1 to i32
            %cond3A_924 = arith.constant 0 : i32
            %cond3A_925 = arith.constant 0 : i32
            %cond3A_926 = arith.cmpi ne, %convert_element_type3A_923, %cond3A_925 : i32
            %cond3A_927 = scf.if %cond3A_926 -> (i32) {
              %dma_wait3A = arith.constant 0 : i32
              %dma_wait3A_952 = arith.constant 0 : i32
              %dma_wait3A_953 = arith.constant 0 : i32
              %dma_wait3A_954 = arith.constant 0 : i32
              %dma_wait3A_955 = tpu.memref_slice %arg10[%dma_wait3A_952, %dma_wait3A_953, %dma_wait3A_954] : memref<2x512x32xbf16, #tpu.memory_space<vmem>> -> memref<1x512x32xbf16, #tpu.memory_space<vmem>>
              %dma_wait3A_956 = tpu.memref_squeeze %dma_wait3A_955 : memref<1x512x32xbf16, #tpu.memory_space<vmem>> -> memref<512x32xbf16, #tpu.memory_space<vmem>>
              %dma_wait3A_957 = arith.constant 0 : i32
              %dma_wait3A_958 = tpu.memref_slice %arg8[%dma_wait3A, %dma_wait3A_957] : memref<2x512xi32, #tpu.memory_space<vmem>> -> memref<1x512xi32, #tpu.memory_space<vmem>>
              %dma_wait3A_959 = tpu.memref_squeeze %dma_wait3A_958 : memref<1x512xi32, #tpu.memory_space<vmem>> -> memref<512xi32, #tpu.memory_space<vmem>>
              %dma_wait3A_960 = arith.constant 0 : i32
              %dma_wait3A_961 = arith.constant 0 : i32
              %dma_wait3A_962 = tpu.memref_slice %arg2[%dma_wait3A_960, %dma_wait3A_961] : memref<20000x32xbf16, #tpu.memory_space<hbm>> -> memref<20000x32xbf16, #tpu.memory_space<hbm>>
              tpu.wait_indirect_dma semaphore(%arg12 : memref<!tpu.dma_semaphore, #tpu.memory_space<semaphore_mem>>) src(%dma_wait3A_962 : memref<20000x32xbf16, #tpu.memory_space<hbm>>) dst(%dma_wait3A_956 : memref<512x32xbf16, #tpu.memory_space<vmem>>)
              %cond3A_963 = arith.constant 0 : i32
              scf.yield %cond3A_963 : i32
            } else {
              %cond3A_952 = arith.constant 0 : i32
              scf.yield %cond3A_952 : i32
            }
            %dma_start3A = arith.constant 0 : i32
            %dma_start3A_928 = arith.constant 0 : i32
            %dma_start3A_929 = tpu.memref_slice %arg10[%and3A_920, %dma_start3A, %dma_start3A_928] : memref<2x512x32xbf16, #tpu.memory_space<vmem>> -> memref<1x512x32xbf16, #tpu.memory_space<vmem>>
            %dma_start3A_930 = tpu.memref_squeeze %dma_start3A_929 : memref<1x512x32xbf16, #tpu.memory_space<vmem>> -> memref<512x32xbf16, #tpu.memory_space<vmem>>
            %dma_start3A_931 = arith.constant 0 : i32
            %dma_start3A_932 = tpu.memref_slice %arg8[%and3A_920, %dma_start3A_931] : memref<2x512xi32, #tpu.memory_space<vmem>> -> memref<1x512xi32, #tpu.memory_space<vmem>>
            %dma_start3A_933 = tpu.memref_squeeze %dma_start3A_932 : memref<1x512xi32, #tpu.memory_space<vmem>> -> memref<512xi32, #tpu.memory_space<vmem>>
            %dma_start3A_934 = arith.constant 0 : i32
            %dma_start3A_935 = arith.constant 0 : i32
            %dma_start3A_936 = tpu.memref_slice %arg2[%dma_start3A_934, %dma_start3A_935] : memref<20000x32xbf16, #tpu.memory_space<hbm>> -> memref<20000x32xbf16, #tpu.memory_space<hbm>>
            tpu.enqueue_indirect_dma source(%dma_start3A_936 : memref<20000x32xbf16, #tpu.memory_space<hbm>>) target(%dma_start3A_930 : memref<512x32xbf16, #tpu.memory_space<vmem>>) offsets(%dma_start3A_933 : memref<512xi32, #tpu.memory_space<vmem>>) semaphore(%arg12 : memref<!tpu.dma_semaphore, #tpu.memory_space<semaphore_mem>>)
            %sub3A_937 = arith.constant 1 : i32
            %sub3A_938 = arith.subi %sub3A_937, %and3A_920 : i32
            %while3A_939 = arith.constant 0 : i32
            %while3A_940 = arith.constant 0 : i32
            %while3A_941 = arith.subi %cond3A_836#2, %while3A_940 : i32
            %while3A_942 = arith.addi %while3A_940, %while3A_941 : i32
            %while3A_943 = arith.constant 1 : i32
            %while3A_944 = arith.divsi %while3A_941, %while3A_943 : i32
            %while3A_945 = arith.muli %while3A_944, %while3A_943 : i32
            %while3A_946 = arith.addi %while3A_940, %while3A_945 : i32
            %while3A_947 = arith.constant 1 : i32
            scf.for %while3A_952 = %while3A_940 to %while3A_946 step %while3A_947  : i32 {
              %get3A_953 = arith.index_cast %sub3A_938 : i32 to index
              %get3A_954 = arith.index_cast %while3A_952 : i32 to index
              %get3A_955 = tpu.vector_load %arg9[%get3A_953, %get3A_954] {strides = array<i32>} : memref<2x528xi32, #tpu.memory_space<vmem>>, vector<16xi32>,
              %slice3A_956 = vector.extract_strided_slice %get3A_955 {offsets = [0], sizes = [1], strides = [1]} : vector<16xi32> to vector<1xi32>
              %squeeze3A_957 = vector.extract %slice3A_956[0] : i32 from vector<1xi32>
              %mul3A_958 = arith.constant 32 : i32
              %mul3A_959 = arith.muli %squeeze3A_957, %mul3A_958 : i32
              %get3A_960 = arith.index_cast %sub3A_938 : i32 to index
              %get3A_961 = arith.index_cast %while3A_952 : i32 to index
              %get3A_962 = arith.constant 0 : index
              %get3A_963 = tpu.vector_load %arg10[%get3A_960, %get3A_961, %get3A_962] {strides = array<i32>} : memref<2x512x32xbf16, #tpu.memory_space<vmem>>, vector<32xbf16>,
              %get3A_964 = arith.index_cast %mul3A_959 : i32 to index
              %get3A_965 = tpu.vector_load %arg11[%get3A_964] {strides = array<i32>} : memref<10016xbf16, #tpu.memory_space<vmem>>, vector<32xbf16>,
              %min3A = arith.minimumf %get3A_965, %get3A_963 : vector<32xbf16>
              %swap3A_966 = arith.index_cast %mul3A_959 : i32 to index
              %swap3A_967 = tpu.vector_load %arg11[%swap3A_966] {strides = array<i32>} : memref<10016xbf16, #tpu.memory_space<vmem>>, vector<32xbf16>,
              tpu.vector_store %arg11[%swap3A_966], %min3A {strides = array<i32>} : memref<10016xbf16, #tpu.memory_space<vmem>>, vector<32xbf16>,
            }
            %while3A_948 = arith.constant 1 : i32
            scf.for %while3A_952 = %while3A_946 to %while3A_942 step %while3A_948  : i32 {
              %get3A_953 = arith.index_cast %sub3A_938 : i32 to index
              %get3A_954 = arith.index_cast %while3A_952 : i32 to index
              %get3A_955 = tpu.vector_load %arg9[%get3A_953, %get3A_954] {strides = array<i32>} : memref<2x528xi32, #tpu.memory_space<vmem>>, vector<16xi32>,
              %slice3A_956 = vector.extract_strided_slice %get3A_955 {offsets = [0], sizes = [1], strides = [1]} : vector<16xi32> to vector<1xi32>
              %squeeze3A_957 = vector.extract %slice3A_956[0] : i32 from vector<1xi32>
              %mul3A_958 = arith.constant 32 : i32
              %mul3A_959 = arith.muli %squeeze3A_957, %mul3A_958 : i32
              %get3A_960 = arith.index_cast %sub3A_938 : i32 to index
              %get3A_961 = arith.index_cast %while3A_952 : i32 to index
              %get3A_962 = arith.constant 0 : index
              %get3A_963 = tpu.vector_load %arg10[%get3A_960, %get3A_961, %get3A_962] {strides = array<i32>} : memref<2x512x32xbf16, #tpu.memory_space<vmem>>, vector<32xbf16>,
              %get3A_964 = arith.index_cast %mul3A_959 : i32 to index
              %get3A_965 = tpu.vector_load %arg11[%get3A_964] {strides = array<i32>} : memref<10016xbf16, #tpu.memory_space<vmem>>, vector<32xbf16>,
              %min3A = arith.minimumf %get3A_965, %get3A_963 : vector<32xbf16>
              %swap3A_966 = arith.index_cast %mul3A_959 : i32 to index
              %swap3A_967 = tpu.vector_load %arg11[%swap3A_966] {strides = array<i32>} : memref<10016xbf16, #tpu.memory_space<vmem>>, vector<32xbf16>,
              tpu.vector_store %arg11[%swap3A_966], %min3A {strides = array<i32>} : memref<10016xbf16, #tpu.memory_space<vmem>>, vector<32xbf16>,
            }
            %add3A_949 = arith.constant 1 : i32
            %add3A_950 = arith.addi %cond3A_836#1, %add3A_949 : i32
            %cond3A_951 = arith.constant 0 : i32
            scf.yield %cond3A_951, %add3A_950, %add3A_871 : i32, i32, i32
          } else {
            scf.yield %add3A_871, %cond3A_836#1, %cond3A_836#2 : i32, i32, i32
          }
          %scan3A_878 = arith.constant 7 : i32
          %scan3A_879 = arith.addi %scan3A_595, %scan3A_878 : i32
          %and3A_880 = arith.constant 1 : i32
          %and3A_881 = arith.andi %cond3A_877#1, %and3A_880 : i32
          %mul3A_882 = arith.constant 16 : i32
          %mul3A_883 = arith.muli %scan3A_879, %mul3A_882 : i32
          %get3A_884 = arith.index_cast %mul3A_883 : i32 to index
          %get3A_885 = tpu.vector_load %arg6[%get3A_884] {strides = array<i32>} : memref<16000xi32, #tpu.memory_space<vmem>>, vector<16xi32>,
          %mul3A_886 = arith.constant 16 : i32
          %mul3A_887 = arith.muli %scan3A_879, %mul3A_886 : i32
          %get3A_888 = arith.index_cast %mul3A_887 : i32 to index
          %get3A_889 = tpu.vector_load %arg7[%get3A_888] {strides = array<i32>} : memref<16000xi32, #tpu.memory_space<vmem>>, vector<16xi32>,
          %ge3A_890 = vector.broadcast %mul3A_2 : i32 to vector<16xi32>
          %ge3A_891 = arith.cmpi sge, %get3A_885, %ge3A_890 : vector<16xi32>
          %add3A_892 = arith.constant 313 : i32
          %add3A_893 = arith.addi %mul3A_2, %add3A_892 : i32
          %lt3A_894 = vector.broadcast %add3A_893 : i32 to vector<16xi32>
          %lt3A_895 = arith.cmpi slt, %get3A_885, %lt3A_894 : vector<16xi32>
          %and3A_896 = arith.andi %ge3A_891, %lt3A_895 : vector<16xi1>
          %all_reduce_population_count3A_897 = tpu.all_reduce %and3A_896 {dim = 0 : i64, kind = #tpu.reduction_kind<sum>} : vector<16xi1> -> vector<16xi32>
          %slice3A_898 = vector.extract_strided_slice %all_reduce_population_count3A_897 {offsets = [0], sizes = [1], strides = [1]} : vector<16xi32> to vector<1xi32>
          %squeeze3A_899 = vector.extract %slice3A_898[0] : i32 from vector<1xi32>
          %swap3A_900 = arith.constant 0 : i32
          %swap3A_901 = tpu.memref_slice %arg8[%and3A_881, %swap3A_900] : memref<2x512xi32, #tpu.memory_space<vmem>> -> memref<1x512xi32, #tpu.memory_space<vmem>>
          %swap3A_902 = tpu.memref_squeeze %swap3A_901 : memref<1x512xi32, #tpu.memory_space<vmem>> -> memref<512xi32, #tpu.memory_space<vmem>>
          %swap3A_903 = arith.index_cast %cond3A_877#0 : i32 to index
          %swap3A_904 = tpu.vector_load %swap3A_902[%swap3A_903] masked %and3A_896 {strides = array<i32>} : memref<512xi32, #tpu.memory_space<vmem>>, vector<16xi32>, vector<16xi1>
          tpu.vector_store %swap3A_902[%swap3A_903], %get3A_889 masked %and3A_896 {strides = array<i32>} : memref<512xi32, #tpu.memory_space<vmem>>, vector<16xi32>, vector<16xi1>
          %sub3A_905 = vector.broadcast %mul3A_2 : i32 to vector<16xi32>
          %sub3A_906 = arith.subi %get3A_885, %sub3A_905 : vector<16xi32>
          %swap3A_907 = arith.constant 0 : i32
          %swap3A_908 = tpu.memref_slice %arg9[%and3A_881, %swap3A_907] : memref<2x528xi32, #tpu.memory_space<vmem>> -> memref<1x528xi32, #tpu.memory_space<vmem>>
          %swap3A_909 = tpu.memref_squeeze %swap3A_908 : memref<1x528xi32, #tpu.memory_space<vmem>> -> memref<528xi32, #tpu.memory_space<vmem>>
          %swap3A_910 = arith.index_cast %cond3A_877#0 : i32 to index
          %swap3A_911 = tpu.vector_load %swap3A_909[%swap3A_910] masked %and3A_896 {strides = array<i32>} : memref<528xi32, #tpu.memory_space<vmem>>, vector<16xi32>, vector<16xi1>
          tpu.vector_store %swap3A_909[%swap3A_910], %sub3A_906 masked %and3A_896 {strides = array<i32>} : memref<528xi32, #tpu.memory_space<vmem>>, vector<16xi32>, vector<16xi1>
          %add3A_912 = arith.addi %cond3A_877#0, %squeeze3A_899 : i32
          %gt3A_913 = arith.constant 496 : i32
          %gt3A_914 = arith.cmpi sgt, %add3A_912, %gt3A_913 : i32
          %convert_element_type3A_915 = arith.extui %gt3A_914 : i1 to i32
          %cond3A_916 = arith.constant 0 : i32
          %cond3A_917 = arith.cmpi ne, %convert_element_type3A_915, %cond3A_916 : i32
          %cond3A_918:3 = scf.if %cond3A_917 -> (i32, i32, i32) {
            %and3A_919 = arith.constant 1 : i32
            %and3A_920 = arith.andi %cond3A_877#1, %and3A_919 : i32
            %gt3A_921 = arith.constant 0 : i32
            %gt3A_922 = arith.cmpi sgt, %cond3A_877#2, %gt3A_921 : i32
            %convert_element_type3A_923 = arith.extui %gt3A_922 : i1 to i32
            %cond3A_924 = arith.constant 0 : i32
            %cond3A_925 = arith.constant 0 : i32
            %cond3A_926 = arith.cmpi ne, %convert_element_type3A_923, %cond3A_925 : i32
            %cond3A_927 = scf.if %cond3A_926 -> (i32) {
              %dma_wait3A = arith.constant 0 : i32
              %dma_wait3A_952 = arith.constant 0 : i32
              %dma_wait3A_953 = arith.constant 0 : i32
              %dma_wait3A_954 = arith.constant 0 : i32
              %dma_wait3A_955 = tpu.memref_slice %arg10[%dma_wait3A_952, %dma_wait3A_953, %dma_wait3A_954] : memref<2x512x32xbf16, #tpu.memory_space<vmem>> -> memref<1x512x32xbf16, #tpu.memory_space<vmem>>
              %dma_wait3A_956 = tpu.memref_squeeze %dma_wait3A_955 : memref<1x512x32xbf16, #tpu.memory_space<vmem>> -> memref<512x32xbf16, #tpu.memory_space<vmem>>
              %dma_wait3A_957 = arith.constant 0 : i32
              %dma_wait3A_958 = tpu.memref_slice %arg8[%dma_wait3A, %dma_wait3A_957] : memref<2x512xi32, #tpu.memory_space<vmem>> -> memref<1x512xi32, #tpu.memory_space<vmem>>
              %dma_wait3A_959 = tpu.memref_squeeze %dma_wait3A_958 : memref<1x512xi32, #tpu.memory_space<vmem>> -> memref<512xi32, #tpu.memory_space<vmem>>
              %dma_wait3A_960 = arith.constant 0 : i32
              %dma_wait3A_961 = arith.constant 0 : i32
              %dma_wait3A_962 = tpu.memref_slice %arg2[%dma_wait3A_960, %dma_wait3A_961] : memref<20000x32xbf16, #tpu.memory_space<hbm>> -> memref<20000x32xbf16, #tpu.memory_space<hbm>>
              tpu.wait_indirect_dma semaphore(%arg12 : memref<!tpu.dma_semaphore, #tpu.memory_space<semaphore_mem>>) src(%dma_wait3A_962 : memref<20000x32xbf16, #tpu.memory_space<hbm>>) dst(%dma_wait3A_956 : memref<512x32xbf16, #tpu.memory_space<vmem>>)
              %cond3A_963 = arith.constant 0 : i32
              scf.yield %cond3A_963 : i32
            } else {
              %cond3A_952 = arith.constant 0 : i32
              scf.yield %cond3A_952 : i32
            }
            %dma_start3A = arith.constant 0 : i32
            %dma_start3A_928 = arith.constant 0 : i32
            %dma_start3A_929 = tpu.memref_slice %arg10[%and3A_920, %dma_start3A, %dma_start3A_928] : memref<2x512x32xbf16, #tpu.memory_space<vmem>> -> memref<1x512x32xbf16, #tpu.memory_space<vmem>>
            %dma_start3A_930 = tpu.memref_squeeze %dma_start3A_929 : memref<1x512x32xbf16, #tpu.memory_space<vmem>> -> memref<512x32xbf16, #tpu.memory_space<vmem>>
            %dma_start3A_931 = arith.constant 0 : i32
            %dma_start3A_932 = tpu.memref_slice %arg8[%and3A_920, %dma_start3A_931] : memref<2x512xi32, #tpu.memory_space<vmem>> -> memref<1x512xi32, #tpu.memory_space<vmem>>
            %dma_start3A_933 = tpu.memref_squeeze %dma_start3A_932 : memref<1x512xi32, #tpu.memory_space<vmem>> -> memref<512xi32, #tpu.memory_space<vmem>>
            %dma_start3A_934 = arith.constant 0 : i32
            %dma_start3A_935 = arith.constant 0 : i32
            %dma_start3A_936 = tpu.memref_slice %arg2[%dma_start3A_934, %dma_start3A_935] : memref<20000x32xbf16, #tpu.memory_space<hbm>> -> memref<20000x32xbf16, #tpu.memory_space<hbm>>
            tpu.enqueue_indirect_dma source(%dma_start3A_936 : memref<20000x32xbf16, #tpu.memory_space<hbm>>) target(%dma_start3A_930 : memref<512x32xbf16, #tpu.memory_space<vmem>>) offsets(%dma_start3A_933 : memref<512xi32, #tpu.memory_space<vmem>>) semaphore(%arg12 : memref<!tpu.dma_semaphore, #tpu.memory_space<semaphore_mem>>)
            %sub3A_937 = arith.constant 1 : i32
            %sub3A_938 = arith.subi %sub3A_937, %and3A_920 : i32
            %while3A_939 = arith.constant 0 : i32
            %while3A_940 = arith.constant 0 : i32
            %while3A_941 = arith.subi %cond3A_877#2, %while3A_940 : i32
            %while3A_942 = arith.addi %while3A_940, %while3A_941 : i32
            %while3A_943 = arith.constant 1 : i32
            %while3A_944 = arith.divsi %while3A_941, %while3A_943 : i32
            %while3A_945 = arith.muli %while3A_944, %while3A_943 : i32
            %while3A_946 = arith.addi %while3A_940, %while3A_945 : i32
            %while3A_947 = arith.constant 1 : i32
            scf.for %while3A_952 = %while3A_940 to %while3A_946 step %while3A_947  : i32 {
              %get3A_953 = arith.index_cast %sub3A_938 : i32 to index
              %get3A_954 = arith.index_cast %while3A_952 : i32 to index
              %get3A_955 = tpu.vector_load %arg9[%get3A_953, %get3A_954] {strides = array<i32>} : memref<2x528xi32, #tpu.memory_space<vmem>>, vector<16xi32>,
              %slice3A_956 = vector.extract_strided_slice %get3A_955 {offsets = [0], sizes = [1], strides = [1]} : vector<16xi32> to vector<1xi32>
              %squeeze3A_957 = vector.extract %slice3A_956[0] : i32 from vector<1xi32>
              %mul3A_958 = arith.constant 32 : i32
              %mul3A_959 = arith.muli %squeeze3A_957, %mul3A_958 : i32
              %get3A_960 = arith.index_cast %sub3A_938 : i32 to index
              %get3A_961 = arith.index_cast %while3A_952 : i32 to index
              %get3A_962 = arith.constant 0 : index
              %get3A_963 = tpu.vector_load %arg10[%get3A_960, %get3A_961, %get3A_962] {strides = array<i32>} : memref<2x512x32xbf16, #tpu.memory_space<vmem>>, vector<32xbf16>,
              %get3A_964 = arith.index_cast %mul3A_959 : i32 to index
              %get3A_965 = tpu.vector_load %arg11[%get3A_964] {strides = array<i32>} : memref<10016xbf16, #tpu.memory_space<vmem>>, vector<32xbf16>,
              %min3A = arith.minimumf %get3A_965, %get3A_963 : vector<32xbf16>
              %swap3A_966 = arith.index_cast %mul3A_959 : i32 to index
              %swap3A_967 = tpu.vector_load %arg11[%swap3A_966] {strides = array<i32>} : memref<10016xbf16, #tpu.memory_space<vmem>>, vector<32xbf16>,
              tpu.vector_store %arg11[%swap3A_966], %min3A {strides = array<i32>} : memref<10016xbf16, #tpu.memory_space<vmem>>, vector<32xbf16>,
            }
            %while3A_948 = arith.constant 1 : i32
            scf.for %while3A_952 = %while3A_946 to %while3A_942 step %while3A_948  : i32 {
              %get3A_953 = arith.index_cast %sub3A_938 : i32 to index
              %get3A_954 = arith.index_cast %while3A_952 : i32 to index
              %get3A_955 = tpu.vector_load %arg9[%get3A_953, %get3A_954] {strides = array<i32>} : memref<2x528xi32, #tpu.memory_space<vmem>>, vector<16xi32>,
              %slice3A_956 = vector.extract_strided_slice %get3A_955 {offsets = [0], sizes = [1], strides = [1]} : vector<16xi32> to vector<1xi32>
              %squeeze3A_957 = vector.extract %slice3A_956[0] : i32 from vector<1xi32>
              %mul3A_958 = arith.constant 32 : i32
              %mul3A_959 = arith.muli %squeeze3A_957, %mul3A_958 : i32
              %get3A_960 = arith.index_cast %sub3A_938 : i32 to index
              %get3A_961 = arith.index_cast %while3A_952 : i32 to index
              %get3A_962 = arith.constant 0 : index
              %get3A_963 = tpu.vector_load %arg10[%get3A_960, %get3A_961, %get3A_962] {strides = array<i32>} : memref<2x512x32xbf16, #tpu.memory_space<vmem>>, vector<32xbf16>,
              %get3A_964 = arith.index_cast %mul3A_959 : i32 to index
              %get3A_965 = tpu.vector_load %arg11[%get3A_964] {strides = array<i32>} : memref<10016xbf16, #tpu.memory_space<vmem>>, vector<32xbf16>,
              %min3A = arith.minimumf %get3A_965, %get3A_963 : vector<32xbf16>
              %swap3A_966 = arith.index_cast %mul3A_959 : i32 to index
              %swap3A_967 = tpu.vector_load %arg11[%swap3A_966] {strides = array<i32>} : memref<10016xbf16, #tpu.memory_space<vmem>>, vector<32xbf16>,
              tpu.vector_store %arg11[%swap3A_966], %min3A {strides = array<i32>} : memref<10016xbf16, #tpu.memory_space<vmem>>, vector<32xbf16>,
            }
            %add3A_949 = arith.constant 1 : i32
            %add3A_950 = arith.addi %cond3A_877#1, %add3A_949 : i32
            %cond3A_951 = arith.constant 0 : i32
            scf.yield %cond3A_951, %add3A_950, %add3A_912 : i32, i32, i32
          } else {
            scf.yield %add3A_912, %cond3A_877#1, %cond3A_877#2 : i32, i32, i32
          }
          scf.yield %cond3A_918#0, %cond3A_918#1, %cond3A_918#2 : i32, i32, i32
        }
        %scan3A_594 = arith.constant 1000 : i32
        scf.yield %scan3A_593#0, %scan3A_593#1, %scan3A_593#2 : i32, i32, i32
      }
      %scan3A_537 = arith.constant 10 : i32
      %and3A = arith.constant 1 : i32
      %and3A_538 = arith.andi %scan3A_536#1, %and3A : i32
      %gt3A = arith.constant 0 : i32
      %gt3A_539 = arith.cmpi sgt, %scan3A_536#2, %gt3A : i32
      %convert_element_type3A = arith.extui %gt3A_539 : i1 to i32
      %cond3A = arith.constant 0 : i32
      %cond3A_540 = arith.constant 0 : i32
      %cond3A_541 = arith.cmpi ne, %convert_element_type3A, %cond3A_540 : i32
      %cond3A_542 = scf.if %cond3A_541 -> (i32) {
        %dma_wait3A = arith.constant 0 : i32
        %dma_wait3A_575 = arith.constant 0 : i32
        %dma_wait3A_576 = arith.constant 0 : i32
        %dma_wait3A_577 = arith.constant 0 : i32
        %dma_wait3A_578 = tpu.memref_slice %arg10[%dma_wait3A_575, %dma_wait3A_576, %dma_wait3A_577] : memref<2x512x32xbf16, #tpu.memory_space<vmem>> -> memref<1x512x32xbf16, #tpu.memory_space<vmem>>
        %dma_wait3A_579 = tpu.memref_squeeze %dma_wait3A_578 : memref<1x512x32xbf16, #tpu.memory_space<vmem>> -> memref<512x32xbf16, #tpu.memory_space<vmem>>
        %dma_wait3A_580 = arith.constant 0 : i32
        %dma_wait3A_581 = tpu.memref_slice %arg8[%dma_wait3A, %dma_wait3A_580] : memref<2x512xi32, #tpu.memory_space<vmem>> -> memref<1x512xi32, #tpu.memory_space<vmem>>
        %dma_wait3A_582 = tpu.memref_squeeze %dma_wait3A_581 : memref<1x512xi32, #tpu.memory_space<vmem>> -> memref<512xi32, #tpu.memory_space<vmem>>
        %dma_wait3A_583 = arith.constant 0 : i32
        %dma_wait3A_584 = arith.constant 0 : i32
        %dma_wait3A_585 = tpu.memref_slice %arg2[%dma_wait3A_583, %dma_wait3A_584] : memref<20000x32xbf16, #tpu.memory_space<hbm>> -> memref<20000x32xbf16, #tpu.memory_space<hbm>>
        tpu.wait_indirect_dma semaphore(%arg12 : memref<!tpu.dma_semaphore, #tpu.memory_space<semaphore_mem>>) src(%dma_wait3A_585 : memref<20000x32xbf16, #tpu.memory_space<hbm>>) dst(%dma_wait3A_579 : memref<512x32xbf16, #tpu.memory_space<vmem>>)
        %cond3A_586 = arith.constant 0 : i32
        scf.yield %cond3A_586 : i32
      } else {
        %cond3A_575 = arith.constant 0 : i32
        scf.yield %cond3A_575 : i32
      }
      %sub3A = arith.constant 1 : i32
      %sub3A_543 = arith.subi %sub3A, %and3A_538 : i32
      %while3A = arith.constant 0 : i32
      %while3A_544 = arith.constant 0 : i32
      %while3A_545 = arith.subi %scan3A_536#2, %while3A_544 : i32
      %while3A_546 = arith.addi %while3A_544, %while3A_545 : i32
      %while3A_547 = arith.constant 1 : i32
      %while3A_548 = arith.divsi %while3A_545, %while3A_547 : i32
      %while3A_549 = arith.muli %while3A_548, %while3A_547 : i32
      %while3A_550 = arith.addi %while3A_544, %while3A_549 : i32
      %while3A_551 = arith.constant 1 : i32
      scf.for %while3A_575 = %while3A_544 to %while3A_550 step %while3A_551  : i32 {
        %get3A = arith.index_cast %sub3A_543 : i32 to index
        %get3A_576 = arith.index_cast %while3A_575 : i32 to index
        %get3A_577 = tpu.vector_load %arg9[%get3A, %get3A_576] {strides = array<i32>} : memref<2x528xi32, #tpu.memory_space<vmem>>, vector<16xi32>,
        %slice3A = vector.extract_strided_slice %get3A_577 {offsets = [0], sizes = [1], strides = [1]} : vector<16xi32> to vector<1xi32>
        %squeeze3A = vector.extract %slice3A[0] : i32 from vector<1xi32>
        %mul3A_578 = arith.constant 32 : i32
        %mul3A_579 = arith.muli %squeeze3A, %mul3A_578 : i32
        %get3A_580 = arith.index_cast %sub3A_543 : i32 to index
        %get3A_581 = arith.index_cast %while3A_575 : i32 to index
        %get3A_582 = arith.constant 0 : index
        %get3A_583 = tpu.vector_load %arg10[%get3A_580, %get3A_581, %get3A_582] {strides = array<i32>} : memref<2x512x32xbf16, #tpu.memory_space<vmem>>, vector<32xbf16>,
        %get3A_584 = arith.index_cast %mul3A_579 : i32 to index
        %get3A_585 = tpu.vector_load %arg11[%get3A_584] {strides = array<i32>} : memref<10016xbf16, #tpu.memory_space<vmem>>, vector<32xbf16>,
        %min3A = arith.minimumf %get3A_585, %get3A_583 : vector<32xbf16>
        %swap3A_586 = arith.index_cast %mul3A_579 : i32 to index
        %swap3A_587 = tpu.vector_load %arg11[%swap3A_586] {strides = array<i32>} : memref<10016xbf16, #tpu.memory_space<vmem>>, vector<32xbf16>,
        tpu.vector_store %arg11[%swap3A_586], %min3A {strides = array<i32>} : memref<10016xbf16, #tpu.memory_space<vmem>>, vector<32xbf16>,
      }
      %while3A_552 = arith.constant 1 : i32
      scf.for %while3A_575 = %while3A_550 to %while3A_546 step %while3A_552  : i32 {
        %get3A = arith.index_cast %sub3A_543 : i32 to index
        %get3A_576 = arith.index_cast %while3A_575 : i32 to index
        %get3A_577 = tpu.vector_load %arg9[%get3A, %get3A_576] {strides = array<i32>} : memref<2x528xi32, #tpu.memory_space<vmem>>, vector<16xi32>,
        %slice3A = vector.extract_strided_slice %get3A_577 {offsets = [0], sizes = [1], strides = [1]} : vector<16xi32> to vector<1xi32>
        %squeeze3A = vector.extract %slice3A[0] : i32 from vector<1xi32>
        %mul3A_578 = arith.constant 32 : i32
        %mul3A_579 = arith.muli %squeeze3A, %mul3A_578 : i32
        %get3A_580 = arith.index_cast %sub3A_543 : i32 to index
        %get3A_581 = arith.index_cast %while3A_575 : i32 to index
        %get3A_582 = arith.constant 0 : index
        %get3A_583 = tpu.vector_load %arg10[%get3A_580, %get3A_581, %get3A_582] {strides = array<i32>} : memref<2x512x32xbf16, #tpu.memory_space<vmem>>, vector<32xbf16>,
        %get3A_584 = arith.index_cast %mul3A_579 : i32 to index
        %get3A_585 = tpu.vector_load %arg11[%get3A_584] {strides = array<i32>} : memref<10016xbf16, #tpu.memory_space<vmem>>, vector<32xbf16>,
        %min3A = arith.minimumf %get3A_585, %get3A_583 : vector<32xbf16>
        %swap3A_586 = arith.index_cast %mul3A_579 : i32 to index
        %swap3A_587 = tpu.vector_load %arg11[%swap3A_586] {strides = array<i32>} : memref<10016xbf16, #tpu.memory_space<vmem>>, vector<32xbf16>,
        tpu.vector_store %arg11[%swap3A_586], %min3A {strides = array<i32>} : memref<10016xbf16, #tpu.memory_space<vmem>>, vector<32xbf16>,
      }
      %gt3A_553 = arith.constant 0 : i32
      %gt3A_554 = arith.cmpi sgt, %scan3A_536#0, %gt3A_553 : i32
      %convert_element_type3A_555 = arith.extui %gt3A_554 : i1 to i32
      %cond3A_556 = arith.constant 0 : i32
      %cond3A_557 = arith.constant 0 : i32
      %cond3A_558 = arith.cmpi ne, %convert_element_type3A_555, %cond3A_557 : i32
      %cond3A_559 = scf.if %cond3A_558 -> (i32) {
        %dma_start3A = arith.constant 0 : i32
        %dma_start3A_575 = arith.constant 0 : i32
        %dma_start3A_576 = tpu.memref_slice %arg10[%and3A_538, %dma_start3A, %dma_start3A_575] : memref<2x512x32xbf16, #tpu.memory_space<vmem>> -> memref<1x512x32xbf16, #tpu.memory_space<vmem>>
        %dma_start3A_577 = tpu.memref_squeeze %dma_start3A_576 : memref<1x512x32xbf16, #tpu.memory_space<vmem>> -> memref<512x32xbf16, #tpu.memory_space<vmem>>
        %dma_start3A_578 = arith.constant 0 : i32
        %dma_start3A_579 = tpu.memref_slice %arg8[%and3A_538, %dma_start3A_578] : memref<2x512xi32, #tpu.memory_space<vmem>> -> memref<1x512xi32, #tpu.memory_space<vmem>>
        %dma_start3A_580 = tpu.memref_squeeze %dma_start3A_579 : memref<1x512xi32, #tpu.memory_space<vmem>> -> memref<512xi32, #tpu.memory_space<vmem>>
        %dma_start3A_581 = arith.constant 0 : i32
        %dma_start3A_582 = arith.constant 0 : i32
        %dma_start3A_583 = tpu.memref_slice %arg2[%dma_start3A_581, %dma_start3A_582] : memref<20000x32xbf16, #tpu.memory_space<hbm>> -> memref<20000x32xbf16, #tpu.memory_space<hbm>>
        tpu.enqueue_indirect_dma source(%dma_start3A_583 : memref<20000x32xbf16, #tpu.memory_space<hbm>>) target(%dma_start3A_577 : memref<512x32xbf16, #tpu.memory_space<vmem>>) offsets(%dma_start3A_580 : memref<512xi32, #tpu.memory_space<vmem>>) semaphore(%arg12 : memref<!tpu.dma_semaphore, #tpu.memory_space<semaphore_mem>>)
        %dma_wait3A = arith.constant 0 : i32
        %dma_wait3A_584 = arith.constant 0 : i32
        %dma_wait3A_585 = tpu.memref_slice %arg10[%and3A_538, %dma_wait3A, %dma_wait3A_584] : memref<2x512x32xbf16, #tpu.memory_space<vmem>> -> memref<1x512x32xbf16, #tpu.memory_space<vmem>>
        %dma_wait3A_586 = tpu.memref_squeeze %dma_wait3A_585 : memref<1x512x32xbf16, #tpu.memory_space<vmem>> -> memref<512x32xbf16, #tpu.memory_space<vmem>>
        %dma_wait3A_587 = arith.constant 0 : i32
        %dma_wait3A_588 = tpu.memref_slice %arg8[%and3A_538, %dma_wait3A_587] : memref<2x512xi32, #tpu.memory_space<vmem>> -> memref<1x512xi32, #tpu.memory_space<vmem>>
        %dma_wait3A_589 = tpu.memref_squeeze %dma_wait3A_588 : memref<1x512xi32, #tpu.memory_space<vmem>> -> memref<512xi32, #tpu.memory_space<vmem>>
        %dma_wait3A_590 = arith.constant 0 : i32
        %dma_wait3A_591 = arith.constant 0 : i32
        %dma_wait3A_592 = tpu.memref_slice %arg2[%dma_wait3A_590, %dma_wait3A_591] : memref<20000x32xbf16, #tpu.memory_space<hbm>> -> memref<20000x32xbf16, #tpu.memory_space<hbm>>
        tpu.wait_indirect_dma semaphore(%arg12 : memref<!tpu.dma_semaphore, #tpu.memory_space<semaphore_mem>>) src(%dma_wait3A_592 : memref<20000x32xbf16, #tpu.memory_space<hbm>>) dst(%dma_wait3A_586 : memref<512x32xbf16, #tpu.memory_space<vmem>>)
        %cond3A_593 = arith.constant 0 : i32
        scf.yield %cond3A_593 : i32
      } else {
        %cond3A_575 = arith.constant 0 : i32
        scf.yield %cond3A_575 : i32
      }
      %while3A_560 = arith.constant 0 : i32
      %while3A_561 = arith.constant 0 : i32
      %while3A_562 = arith.subi %scan3A_536#0, %while3A_561 : i32
      %while3A_563 = arith.addi %while3A_561, %while3A_562 : i32
      %while3A_564 = arith.constant 1 : i32
      %while3A_565 = arith.divsi %while3A_562, %while3A_564 : i32
      %while3A_566 = arith.muli %while3A_565, %while3A_564 : i32
      %while3A_567 = arith.addi %while3A_561, %while3A_566 : i32
      %while3A_568 = arith.constant 1 : i32
      scf.for %while3A_575 = %while3A_561 to %while3A_567 step %while3A_568  : i32 {
        %get3A = arith.index_cast %and3A_538 : i32 to index
        %get3A_576 = arith.index_cast %while3A_575 : i32 to index
        %get3A_577 = tpu.vector_load %arg9[%get3A, %get3A_576] {strides = array<i32>} : memref<2x528xi32, #tpu.memory_space<vmem>>, vector<16xi32>,
        %slice3A = vector.extract_strided_slice %get3A_577 {offsets = [0], sizes = [1], strides = [1]} : vector<16xi32> to vector<1xi32>
        %squeeze3A = vector.extract %slice3A[0] : i32 from vector<1xi32>
        %mul3A_578 = arith.constant 32 : i32
        %mul3A_579 = arith.muli %squeeze3A, %mul3A_578 : i32
        %get3A_580 = arith.index_cast %and3A_538 : i32 to index
        %get3A_581 = arith.index_cast %while3A_575 : i32 to index
        %get3A_582 = arith.constant 0 : index
        %get3A_583 = tpu.vector_load %arg10[%get3A_580, %get3A_581, %get3A_582] {strides = array<i32>} : memref<2x512x32xbf16, #tpu.memory_space<vmem>>, vector<32xbf16>,
        %get3A_584 = arith.index_cast %mul3A_579 : i32 to index
        %get3A_585 = tpu.vector_load %arg11[%get3A_584] {strides = array<i32>} : memref<10016xbf16, #tpu.memory_space<vmem>>, vector<32xbf16>,
        %min3A = arith.minimumf %get3A_585, %get3A_583 : vector<32xbf16>
        %swap3A_586 = arith.index_cast %mul3A_579 : i32 to index
        %swap3A_587 = tpu.vector_load %arg11[%swap3A_586] {strides = array<i32>} : memref<10016xbf16, #tpu.memory_space<vmem>>, vector<32xbf16>,
        tpu.vector_store %arg11[%swap3A_586], %min3A {strides = array<i32>} : memref<10016xbf16, #tpu.memory_space<vmem>>, vector<32xbf16>,
      }
      %while3A_569 = arith.constant 1 : i32
      scf.for %while3A_575 = %while3A_567 to %while3A_563 step %while3A_569  : i32 {
        %get3A = arith.index_cast %and3A_538 : i32 to index
        %get3A_576 = arith.index_cast %while3A_575 : i32 to index
        %get3A_577 = tpu.vector_load %arg9[%get3A, %get3A_576] {strides = array<i32>} : memref<2x528xi32, #tpu.memory_space<vmem>>, vector<16xi32>,
        %slice3A = vector.extract_strided_slice %get3A_577 {offsets = [0], sizes = [1], strides = [1]} : vector<16xi32> to vector<1xi32>
        %squeeze3A = vector.extract %slice3A[0] : i32 from vector<1xi32>
        %mul3A_578 = arith.constant 32 : i32
        %mul3A_579 = arith.muli %squeeze3A, %mul3A_578 : i32
        %get3A_580 = arith.index_cast %and3A_538 : i32 to index
        %get3A_581 = arith.index_cast %while3A_575 : i32 to index
        %get3A_582 = arith.constant 0 : index
        %get3A_583 = tpu.vector_load %arg10[%get3A_580, %get3A_581, %get3A_582] {strides = array<i32>} : memref<2x512x32xbf16, #tpu.memory_space<vmem>>, vector<32xbf16>,
        %get3A_584 = arith.index_cast %mul3A_579 : i32 to index
        %get3A_585 = tpu.vector_load %arg11[%get3A_584] {strides = array<i32>} : memref<10016xbf16, #tpu.memory_space<vmem>>, vector<32xbf16>,
        %min3A = arith.minimumf %get3A_585, %get3A_583 : vector<32xbf16>
        %swap3A_586 = arith.index_cast %mul3A_579 : i32 to index
        %swap3A_587 = tpu.vector_load %arg11[%swap3A_586] {strides = array<i32>} : memref<10016xbf16, #tpu.memory_space<vmem>>, vector<32xbf16>,
        tpu.vector_store %arg11[%swap3A_586], %min3A {strides = array<i32>} : memref<10016xbf16, #tpu.memory_space<vmem>>, vector<32xbf16>,
      }
      %mul3A_570 = arith.constant 10016 : i32
      %mul3A_571 = arith.muli %scan3A_522, %mul3A_570 : i32
      %add3A_572 = arith.addi %mul3A_571, %mul3A_2 : i32
      %mul3A_573 = arith.constant 32 : i32
      %mul3A_574 = arith.muli %add3A_572, %mul3A_573 : i32
      "tpu.region"() ({
        %run_scoped3A = tpu.sem_alloc : memref<!tpu.dma_semaphore, #tpu.memory_space<semaphore_mem>>
        %dma_start3A = tpu.memref_slice %arg5[%mul3A_574] : memref<1282048xbf16, #tpu.memory_space<hbm>> -> memref<10016xbf16, #tpu.memory_space<hbm>>
        %dma_start3A_575 = tpu.memref_slice %arg5[%mul3A_574] : memref<1282048xbf16, #tpu.memory_space<hbm>> -> memref<10016xbf16, #tpu.memory_space<hbm>>
        tpu.enqueue_dma source(%arg11 : memref<10016xbf16, #tpu.memory_space<vmem>>) target(%dma_start3A_575 : memref<10016xbf16, #tpu.memory_space<hbm>>) target_semaphore(%run_scoped3A : memref<!tpu.dma_semaphore, #tpu.memory_space<semaphore_mem>>)
        %dma_wait3A = tpu.memref_slice %arg5[%mul3A_574] : memref<1282048xbf16, #tpu.memory_space<hbm>> -> memref<10016xbf16, #tpu.memory_space<hbm>>
        %dma_wait3A_576 = tpu.memref_slice %arg5[%mul3A_574] : memref<1282048xbf16, #tpu.memory_space<hbm>> -> memref<10016xbf16, #tpu.memory_space<hbm>>
        tpu.wait_dma2 semaphore(%run_scoped3A : memref<!tpu.dma_semaphore, #tpu.memory_space<semaphore_mem>>) src(%arg11 : memref<10016xbf16, #tpu.memory_space<vmem>>) dst(%dma_wait3A_576 : memref<10016xbf16, #tpu.memory_space<hbm>>)
        tpu.yield
      }) : () -> ()
    }
    %scan3A_521 = arith.constant 4 : i32
    return
  }
}

#map = affine_map<(d0, d1) -> (0, 0)>
#map1 = affine_map<(d0, d1) -> (0)>
module attributes {stable_mosaic.version = 14 : i64} {
  func.func @seg_kernel(%arg0: i32, %arg1: i32, %arg2: memref<20000x32xbf16, #tpu.memory_space<hbm>>, %arg3: memref<960000xi32, #tpu.memory_space<hbm>>, %arg4: memref<960000xi32, #tpu.memory_space<hbm>>, %arg5: memref<1923072xbf16, #tpu.memory_space<hbm>>, %arg6: memref<16000xi32, #tpu.memory_space<vmem>>, %arg7: memref<16000xi32, #tpu.memory_space<vmem>>, %arg8: memref<2x512xi32, #tpu.memory_space<vmem>>, %arg9: memref<2x528xi32, #tpu.memory_space<vmem>>, %arg10: memref<2x512x32xbf16, #tpu.memory_space<vmem>>, %arg11: memref<10016xbf16, #tpu.memory_space<vmem>>, %arg12: memref<!tpu.dma_semaphore, #tpu.memory_space<semaphore_mem>>) attributes {dimension_semantics = [#tpu.dimension_semantics<core_parallel>, #tpu.dimension_semantics<subcore_parallel>], iteration_bounds = array<i64: 2, 16>, scalar_prefetch = 0 : i64, scratch_operands = 7 : i64, tpu.core_type = #tpu.core_type<sc_vector_subcore>, window_params = [{transform_indices = #map}, {transform_indices = #map1}, {transform_indices = #map1}, {transform_indices = #map1}]} {
    %mul3A = arith.constant 16 : i32
    %mul3A_0 = arith.muli %arg0, %mul3A : i32
    %add3A = arith.addi %mul3A_0, %arg1 : i32
    %mul3A_1 = arith.constant 313 : i32
    %mul3A_2 = arith.muli %add3A, %mul3A_1 : i32
    %broadcast_in_dim3A = arith.constant 0 : i32
    %broadcast_in_dim3A_3 = vector.broadcast %broadcast_in_dim3A : i32 to vector<16xi32>
    %swap3A = arith.constant 0 : i32
    %swap3A_4 = arith.index_cast %swap3A : i32 to index
    %swap3A_5 = arith.constant 0 : index
    %swap3A_6 = tpu.vector_load %arg8[%swap3A_4, %swap3A_5] {strides = array<i32>} : memref<2x512xi32, #tpu.memory_space<vmem>>, vector<16xi32>,
    tpu.vector_store %arg8[%swap3A_4, %swap3A_5], %broadcast_in_dim3A_3 {strides = array<i32>} : memref<2x512xi32, #tpu.memory_space<vmem>>, vector<16xi32>,
    %swap3A_7 = arith.constant 0 : i32
    %swap3A_8 = arith.index_cast %swap3A_7 : i32 to index
    %swap3A_9 = arith.constant 0 : index
    %swap3A_10 = tpu.vector_load %arg9[%swap3A_8, %swap3A_9] {strides = array<i32>} : memref<2x528xi32, #tpu.memory_space<vmem>>, vector<16xi32>,
    tpu.vector_store %arg9[%swap3A_8, %swap3A_9], %broadcast_in_dim3A_3 {strides = array<i32>} : memref<2x528xi32, #tpu.memory_space<vmem>>, vector<16xi32>,
    %swap3A_11 = arith.constant 0 : i32
    %swap3A_12 = arith.index_cast %swap3A_11 : i32 to index
    %swap3A_13 = arith.constant 16 : index
    %swap3A_14 = tpu.vector_load %arg8[%swap3A_12, %swap3A_13] {strides = array<i32>} : memref<2x512xi32, #tpu.memory_space<vmem>>, vector<16xi32>,
    tpu.vector_store %arg8[%swap3A_12, %swap3A_13], %broadcast_in_dim3A_3 {strides = array<i32>} : memref<2x512xi32, #tpu.memory_space<vmem>>, vector<16xi32>,
    %swap3A_15 = arith.constant 0 : i32
    %swap3A_16 = arith.index_cast %swap3A_15 : i32 to index
    %swap3A_17 = arith.constant 16 : index
    %swap3A_18 = tpu.vector_load %arg9[%swap3A_16, %swap3A_17] {strides = array<i32>} : memref<2x528xi32, #tpu.memory_space<vmem>>, vector<16xi32>,
    tpu.vector_store %arg9[%swap3A_16, %swap3A_17], %broadcast_in_dim3A_3 {strides = array<i32>} : memref<2x528xi32, #tpu.memory_space<vmem>>, vector<16xi32>,
    %swap3A_19 = arith.constant 0 : i32
    %swap3A_20 = arith.index_cast %swap3A_19 : i32 to index
    %swap3A_21 = arith.constant 32 : index
    %swap3A_22 = tpu.vector_load %arg8[%swap3A_20, %swap3A_21] {strides = array<i32>} : memref<2x512xi32, #tpu.memory_space<vmem>>, vector<16xi32>,
    tpu.vector_store %arg8[%swap3A_20, %swap3A_21], %broadcast_in_dim3A_3 {strides = array<i32>} : memref<2x512xi32, #tpu.memory_space<vmem>>, vector<16xi32>,
    %swap3A_23 = arith.constant 0 : i32
    %swap3A_24 = arith.index_cast %swap3A_23 : i32 to index
    %swap3A_25 = arith.constant 32 : index
    %swap3A_26 = tpu.vector_load %arg9[%swap3A_24, %swap3A_25] {strides = array<i32>} : memref<2x528xi32, #tpu.memory_space<vmem>>, vector<16xi32>,
    tpu.vector_store %arg9[%swap3A_24, %swap3A_25], %broadcast_in_dim3A_3 {strides = array<i32>} : memref<2x528xi32, #tpu.memory_space<vmem>>, vector<16xi32>,
    %swap3A_27 = arith.constant 0 : i32
    %swap3A_28 = arith.index_cast %swap3A_27 : i32 to index
    %swap3A_29 = arith.constant 48 : index
    %swap3A_30 = tpu.vector_load %arg8[%swap3A_28, %swap3A_29] {strides = array<i32>} : memref<2x512xi32, #tpu.memory_space<vmem>>, vector<16xi32>,
    tpu.vector_store %arg8[%swap3A_28, %swap3A_29], %broadcast_in_dim3A_3 {strides = array<i32>} : memref<2x512xi32, #tpu.memory_space<vmem>>, vector<16xi32>,
    %swap3A_31 = arith.constant 0 : i32
    %swap3A_32 = arith.index_cast %swap3A_31 : i32 to index
    %swap3A_33 = arith.constant 48 : index
    %swap3A_34 = tpu.vector_load %arg9[%swap3A_32, %swap3A_33] {strides = array<i32>} : memref<2x528xi32, #tpu.memory_space<vmem>>, vector<16xi32>,
    tpu.vector_store %arg9[%swap3A_32, %swap3A_33], %broadcast_in_dim3A_3 {strides = array<i32>} : memref<2x528xi32, #tpu.memory_space<vmem>>, vector<16xi32>,
    %swap3A_35 = arith.constant 0 : i32
    %swap3A_36 = arith.index_cast %swap3A_35 : i32 to index
    %swap3A_37 = arith.constant 64 : index
    %swap3A_38 = tpu.vector_load %arg8[%swap3A_36, %swap3A_37] {strides = array<i32>} : memref<2x512xi32, #tpu.memory_space<vmem>>, vector<16xi32>,
    tpu.vector_store %arg8[%swap3A_36, %swap3A_37], %broadcast_in_dim3A_3 {strides = array<i32>} : memref<2x512xi32, #tpu.memory_space<vmem>>, vector<16xi32>,
    %swap3A_39 = arith.constant 0 : i32
    %swap3A_40 = arith.index_cast %swap3A_39 : i32 to index
    %swap3A_41 = arith.constant 64 : index
    %swap3A_42 = tpu.vector_load %arg9[%swap3A_40, %swap3A_41] {strides = array<i32>} : memref<2x528xi32, #tpu.memory_space<vmem>>, vector<16xi32>,
    tpu.vector_store %arg9[%swap3A_40, %swap3A_41], %broadcast_in_dim3A_3 {strides = array<i32>} : memref<2x528xi32, #tpu.memory_space<vmem>>, vector<16xi32>,
    %swap3A_43 = arith.constant 0 : i32
    %swap3A_44 = arith.index_cast %swap3A_43 : i32 to index
    %swap3A_45 = arith.constant 80 : index
    %swap3A_46 = tpu.vector_load %arg8[%swap3A_44, %swap3A_45] {strides = array<i32>} : memref<2x512xi32, #tpu.memory_space<vmem>>, vector<16xi32>,
    tpu.vector_store %arg8[%swap3A_44, %swap3A_45], %broadcast_in_dim3A_3 {strides = array<i32>} : memref<2x512xi32, #tpu.memory_space<vmem>>, vector<16xi32>,
    %swap3A_47 = arith.constant 0 : i32
    %swap3A_48 = arith.index_cast %swap3A_47 : i32 to index
    %swap3A_49 = arith.constant 80 : index
    %swap3A_50 = tpu.vector_load %arg9[%swap3A_48, %swap3A_49] {strides = array<i32>} : memref<2x528xi32, #tpu.memory_space<vmem>>, vector<16xi32>,
    tpu.vector_store %arg9[%swap3A_48, %swap3A_49], %broadcast_in_dim3A_3 {strides = array<i32>} : memref<2x528xi32, #tpu.memory_space<vmem>>, vector<16xi32>,
    %swap3A_51 = arith.constant 0 : i32
    %swap3A_52 = arith.index_cast %swap3A_51 : i32 to index
    %swap3A_53 = arith.constant 96 : index
    %swap3A_54 = tpu.vector_load %arg8[%swap3A_52, %swap3A_53] {strides = array<i32>} : memref<2x512xi32, #tpu.memory_space<vmem>>, vector<16xi32>,
    tpu.vector_store %arg8[%swap3A_52, %swap3A_53], %broadcast_in_dim3A_3 {strides = array<i32>} : memref<2x512xi32, #tpu.memory_space<vmem>>, vector<16xi32>,
    %swap3A_55 = arith.constant 0 : i32
    %swap3A_56 = arith.index_cast %swap3A_55 : i32 to index
    %swap3A_57 = arith.constant 96 : index
    %swap3A_58 = tpu.vector_load %arg9[%swap3A_56, %swap3A_57] {strides = array<i32>} : memref<2x528xi32, #tpu.memory_space<vmem>>, vector<16xi32>,
    tpu.vector_store %arg9[%swap3A_56, %swap3A_57], %broadcast_in_dim3A_3 {strides = array<i32>} : memref<2x528xi32, #tpu.memory_space<vmem>>, vector<16xi32>,
    %swap3A_59 = arith.constant 0 : i32
    %swap3A_60 = arith.index_cast %swap3A_59 : i32 to index
    %swap3A_61 = arith.constant 112 : index
    %swap3A_62 = tpu.vector_load %arg8[%swap3A_60, %swap3A_61] {strides = array<i32>} : memref<2x512xi32, #tpu.memory_space<vmem>>, vector<16xi32>,
    tpu.vector_store %arg8[%swap3A_60, %swap3A_61], %broadcast_in_dim3A_3 {strides = array<i32>} : memref<2x512xi32, #tpu.memory_space<vmem>>, vector<16xi32>,
    %swap3A_63 = arith.constant 0 : i32
    %swap3A_64 = arith.index_cast %swap3A_63 : i32 to index
    %swap3A_65 = arith.constant 112 : index
    %swap3A_66 = tpu.vector_load %arg9[%swap3A_64, %swap3A_65] {strides = array<i32>} : memref<2x528xi32, #tpu.memory_space<vmem>>, vector<16xi32>,
    tpu.vector_store %arg9[%swap3A_64, %swap3A_65], %broadcast_in_dim3A_3 {strides = array<i32>} : memref<2x528xi32, #tpu.memory_space<vmem>>, vector<16xi32>,
    %swap3A_67 = arith.constant 0 : i32
    %swap3A_68 = arith.index_cast %swap3A_67 : i32 to index
    %swap3A_69 = arith.constant 128 : index
    %swap3A_70 = tpu.vector_load %arg8[%swap3A_68, %swap3A_69] {strides = array<i32>} : memref<2x512xi32, #tpu.memory_space<vmem>>, vector<16xi32>,
    tpu.vector_store %arg8[%swap3A_68, %swap3A_69], %broadcast_in_dim3A_3 {strides = array<i32>} : memref<2x512xi32, #tpu.memory_space<vmem>>, vector<16xi32>,
    %swap3A_71 = arith.constant 0 : i32
    %swap3A_72 = arith.index_cast %swap3A_71 : i32 to index
    %swap3A_73 = arith.constant 128 : index
    %swap3A_74 = tpu.vector_load %arg9[%swap3A_72, %swap3A_73] {strides = array<i32>} : memref<2x528xi32, #tpu.memory_space<vmem>>, vector<16xi32>,
    tpu.vector_store %arg9[%swap3A_72, %swap3A_73], %broadcast_in_dim3A_3 {strides = array<i32>} : memref<2x528xi32, #tpu.memory_space<vmem>>, vector<16xi32>,
    %swap3A_75 = arith.constant 0 : i32
    %swap3A_76 = arith.index_cast %swap3A_75 : i32 to index
    %swap3A_77 = arith.constant 144 : index
    %swap3A_78 = tpu.vector_load %arg8[%swap3A_76, %swap3A_77] {strides = array<i32>} : memref<2x512xi32, #tpu.memory_space<vmem>>, vector<16xi32>,
    tpu.vector_store %arg8[%swap3A_76, %swap3A_77], %broadcast_in_dim3A_3 {strides = array<i32>} : memref<2x512xi32, #tpu.memory_space<vmem>>, vector<16xi32>,
    %swap3A_79 = arith.constant 0 : i32
    %swap3A_80 = arith.index_cast %swap3A_79 : i32 to index
    %swap3A_81 = arith.constant 144 : index
    %swap3A_82 = tpu.vector_load %arg9[%swap3A_80, %swap3A_81] {strides = array<i32>} : memref<2x528xi32, #tpu.memory_space<vmem>>, vector<16xi32>,
    tpu.vector_store %arg9[%swap3A_80, %swap3A_81], %broadcast_in_dim3A_3 {strides = array<i32>} : memref<2x528xi32, #tpu.memory_space<vmem>>, vector<16xi32>,
    %swap3A_83 = arith.constant 0 : i32
    %swap3A_84 = arith.index_cast %swap3A_83 : i32 to index
    %swap3A_85 = arith.constant 160 : index
    %swap3A_86 = tpu.vector_load %arg8[%swap3A_84, %swap3A_85] {strides = array<i32>} : memref<2x512xi32, #tpu.memory_space<vmem>>, vector<16xi32>,
    tpu.vector_store %arg8[%swap3A_84, %swap3A_85], %broadcast_in_dim3A_3 {strides = array<i32>} : memref<2x512xi32, #tpu.memory_space<vmem>>, vector<16xi32>,
    %swap3A_87 = arith.constant 0 : i32
    %swap3A_88 = arith.index_cast %swap3A_87 : i32 to index
    %swap3A_89 = arith.constant 160 : index
    %swap3A_90 = tpu.vector_load %arg9[%swap3A_88, %swap3A_89] {strides = array<i32>} : memref<2x528xi32, #tpu.memory_space<vmem>>, vector<16xi32>,
    tpu.vector_store %arg9[%swap3A_88, %swap3A_89], %broadcast_in_dim3A_3 {strides = array<i32>} : memref<2x528xi32, #tpu.memory_space<vmem>>, vector<16xi32>,
    %swap3A_91 = arith.constant 0 : i32
    %swap3A_92 = arith.index_cast %swap3A_91 : i32 to index
    %swap3A_93 = arith.constant 176 : index
    %swap3A_94 = tpu.vector_load %arg8[%swap3A_92, %swap3A_93] {strides = array<i32>} : memref<2x512xi32, #tpu.memory_space<vmem>>, vector<16xi32>,
    tpu.vector_store %arg8[%swap3A_92, %swap3A_93], %broadcast_in_dim3A_3 {strides = array<i32>} : memref<2x512xi32, #tpu.memory_space<vmem>>, vector<16xi32>,
    %swap3A_95 = arith.constant 0 : i32
    %swap3A_96 = arith.index_cast %swap3A_95 : i32 to index
    %swap3A_97 = arith.constant 176 : index
    %swap3A_98 = tpu.vector_load %arg9[%swap3A_96, %swap3A_97] {strides = array<i32>} : memref<2x528xi32, #tpu.memory_space<vmem>>, vector<16xi32>,
    tpu.vector_store %arg9[%swap3A_96, %swap3A_97], %broadcast_in_dim3A_3 {strides = array<i32>} : memref<2x528xi32, #tpu.memory_space<vmem>>, vector<16xi32>,
    %swap3A_99 = arith.constant 0 : i32
    %swap3A_100 = arith.index_cast %swap3A_99 : i32 to index
    %swap3A_101 = arith.constant 192 : index
    %swap3A_102 = tpu.vector_load %arg8[%swap3A_100, %swap3A_101] {strides = array<i32>} : memref<2x512xi32, #tpu.memory_space<vmem>>, vector<16xi32>,
    tpu.vector_store %arg8[%swap3A_100, %swap3A_101], %broadcast_in_dim3A_3 {strides = array<i32>} : memref<2x512xi32, #tpu.memory_space<vmem>>, vector<16xi32>,
    %swap3A_103 = arith.constant 0 : i32
    %swap3A_104 = arith.index_cast %swap3A_103 : i32 to index
    %swap3A_105 = arith.constant 192 : index
    %swap3A_106 = tpu.vector_load %arg9[%swap3A_104, %swap3A_105] {strides = array<i32>} : memref<2x528xi32, #tpu.memory_space<vmem>>, vector<16xi32>,
    tpu.vector_store %arg9[%swap3A_104, %swap3A_105], %broadcast_in_dim3A_3 {strides = array<i32>} : memref<2x528xi32, #tpu.memory_space<vmem>>, vector<16xi32>,
    %swap3A_107 = arith.constant 0 : i32
    %swap3A_108 = arith.index_cast %swap3A_107 : i32 to index
    %swap3A_109 = arith.constant 208 : index
    %swap3A_110 = tpu.vector_load %arg8[%swap3A_108, %swap3A_109] {strides = array<i32>} : memref<2x512xi32, #tpu.memory_space<vmem>>, vector<16xi32>,
    tpu.vector_store %arg8[%swap3A_108, %swap3A_109], %broadcast_in_dim3A_3 {strides = array<i32>} : memref<2x512xi32, #tpu.memory_space<vmem>>, vector<16xi32>,
    %swap3A_111 = arith.constant 0 : i32
    %swap3A_112 = arith.index_cast %swap3A_111 : i32 to index
    %swap3A_113 = arith.constant 208 : index
    %swap3A_114 = tpu.vector_load %arg9[%swap3A_112, %swap3A_113] {strides = array<i32>} : memref<2x528xi32, #tpu.memory_space<vmem>>, vector<16xi32>,
    tpu.vector_store %arg9[%swap3A_112, %swap3A_113], %broadcast_in_dim3A_3 {strides = array<i32>} : memref<2x528xi32, #tpu.memory_space<vmem>>, vector<16xi32>,
    %swap3A_115 = arith.constant 0 : i32
    %swap3A_116 = arith.index_cast %swap3A_115 : i32 to index
    %swap3A_117 = arith.constant 224 : index
    %swap3A_118 = tpu.vector_load %arg8[%swap3A_116, %swap3A_117] {strides = array<i32>} : memref<2x512xi32, #tpu.memory_space<vmem>>, vector<16xi32>,
    tpu.vector_store %arg8[%swap3A_116, %swap3A_117], %broadcast_in_dim3A_3 {strides = array<i32>} : memref<2x512xi32, #tpu.memory_space<vmem>>, vector<16xi32>,
    %swap3A_119 = arith.constant 0 : i32
    %swap3A_120 = arith.index_cast %swap3A_119 : i32 to index
    %swap3A_121 = arith.constant 224 : index
    %swap3A_122 = tpu.vector_load %arg9[%swap3A_120, %swap3A_121] {strides = array<i32>} : memref<2x528xi32, #tpu.memory_space<vmem>>, vector<16xi32>,
    tpu.vector_store %arg9[%swap3A_120, %swap3A_121], %broadcast_in_dim3A_3 {strides = array<i32>} : memref<2x528xi32, #tpu.memory_space<vmem>>, vector<16xi32>,
    %swap3A_123 = arith.constant 0 : i32
    %swap3A_124 = arith.index_cast %swap3A_123 : i32 to index
    %swap3A_125 = arith.constant 240 : index
    %swap3A_126 = tpu.vector_load %arg8[%swap3A_124, %swap3A_125] {strides = array<i32>} : memref<2x512xi32, #tpu.memory_space<vmem>>, vector<16xi32>,
    tpu.vector_store %arg8[%swap3A_124, %swap3A_125], %broadcast_in_dim3A_3 {strides = array<i32>} : memref<2x512xi32, #tpu.memory_space<vmem>>, vector<16xi32>,
    %swap3A_127 = arith.constant 0 : i32
    %swap3A_128 = arith.index_cast %swap3A_127 : i32 to index
    %swap3A_129 = arith.constant 240 : index
    %swap3A_130 = tpu.vector_load %arg9[%swap3A_128, %swap3A_129] {strides = array<i32>} : memref<2x528xi32, #tpu.memory_space<vmem>>, vector<16xi32>,
    tpu.vector_store %arg9[%swap3A_128, %swap3A_129], %broadcast_in_dim3A_3 {strides = array<i32>} : memref<2x528xi32, #tpu.memory_space<vmem>>, vector<16xi32>,
    %swap3A_131 = arith.constant 0 : i32
    %swap3A_132 = arith.index_cast %swap3A_131 : i32 to index
    %swap3A_133 = arith.constant 256 : index
    %swap3A_134 = tpu.vector_load %arg8[%swap3A_132, %swap3A_133] {strides = array<i32>} : memref<2x512xi32, #tpu.memory_space<vmem>>, vector<16xi32>,
    tpu.vector_store %arg8[%swap3A_132, %swap3A_133], %broadcast_in_dim3A_3 {strides = array<i32>} : memref<2x512xi32, #tpu.memory_space<vmem>>, vector<16xi32>,
    %swap3A_135 = arith.constant 0 : i32
    %swap3A_136 = arith.index_cast %swap3A_135 : i32 to index
    %swap3A_137 = arith.constant 256 : index
    %swap3A_138 = tpu.vector_load %arg9[%swap3A_136, %swap3A_137] {strides = array<i32>} : memref<2x528xi32, #tpu.memory_space<vmem>>, vector<16xi32>,
    tpu.vector_store %arg9[%swap3A_136, %swap3A_137], %broadcast_in_dim3A_3 {strides = array<i32>} : memref<2x528xi32, #tpu.memory_space<vmem>>, vector<16xi32>,
    %swap3A_139 = arith.constant 0 : i32
    %swap3A_140 = arith.index_cast %swap3A_139 : i32 to index
    %swap3A_141 = arith.constant 272 : index
    %swap3A_142 = tpu.vector_load %arg8[%swap3A_140, %swap3A_141] {strides = array<i32>} : memref<2x512xi32, #tpu.memory_space<vmem>>, vector<16xi32>,
    tpu.vector_store %arg8[%swap3A_140, %swap3A_141], %broadcast_in_dim3A_3 {strides = array<i32>} : memref<2x512xi32, #tpu.memory_space<vmem>>, vector<16xi32>,
    %swap3A_143 = arith.constant 0 : i32
    %swap3A_144 = arith.index_cast %swap3A_143 : i32 to index
    %swap3A_145 = arith.constant 272 : index
    %swap3A_146 = tpu.vector_load %arg9[%swap3A_144, %swap3A_145] {strides = array<i32>} : memref<2x528xi32, #tpu.memory_space<vmem>>, vector<16xi32>,
    tpu.vector_store %arg9[%swap3A_144, %swap3A_145], %broadcast_in_dim3A_3 {strides = array<i32>} : memref<2x528xi32, #tpu.memory_space<vmem>>, vector<16xi32>,
    %swap3A_147 = arith.constant 0 : i32
    %swap3A_148 = arith.index_cast %swap3A_147 : i32 to index
    %swap3A_149 = arith.constant 288 : index
    %swap3A_150 = tpu.vector_load %arg8[%swap3A_148, %swap3A_149] {strides = array<i32>} : memref<2x512xi32, #tpu.memory_space<vmem>>, vector<16xi32>,
    tpu.vector_store %arg8[%swap3A_148, %swap3A_149], %broadcast_in_dim3A_3 {strides = array<i32>} : memref<2x512xi32, #tpu.memory_space<vmem>>, vector<16xi32>,
    %swap3A_151 = arith.constant 0 : i32
    %swap3A_152 = arith.index_cast %swap3A_151 : i32 to index
    %swap3A_153 = arith.constant 288 : index
    %swap3A_154 = tpu.vector_load %arg9[%swap3A_152, %swap3A_153] {strides = array<i32>} : memref<2x528xi32, #tpu.memory_space<vmem>>, vector<16xi32>,
    tpu.vector_store %arg9[%swap3A_152, %swap3A_153], %broadcast_in_dim3A_3 {strides = array<i32>} : memref<2x528xi32, #tpu.memory_space<vmem>>, vector<16xi32>,
    %swap3A_155 = arith.constant 0 : i32
    %swap3A_156 = arith.index_cast %swap3A_155 : i32 to index
    %swap3A_157 = arith.constant 304 : index
    %swap3A_158 = tpu.vector_load %arg8[%swap3A_156, %swap3A_157] {strides = array<i32>} : memref<2x512xi32, #tpu.memory_space<vmem>>, vector<16xi32>,
    tpu.vector_store %arg8[%swap3A_156, %swap3A_157], %broadcast_in_dim3A_3 {strides = array<i32>} : memref<2x512xi32, #tpu.memory_space<vmem>>, vector<16xi32>,
    %swap3A_159 = arith.constant 0 : i32
    %swap3A_160 = arith.index_cast %swap3A_159 : i32 to index
    %swap3A_161 = arith.constant 304 : index
    %swap3A_162 = tpu.vector_load %arg9[%swap3A_160, %swap3A_161] {strides = array<i32>} : memref<2x528xi32, #tpu.memory_space<vmem>>, vector<16xi32>,
    tpu.vector_store %arg9[%swap3A_160, %swap3A_161], %broadcast_in_dim3A_3 {strides = array<i32>} : memref<2x528xi32, #tpu.memory_space<vmem>>, vector<16xi32>,
    %swap3A_163 = arith.constant 0 : i32
    %swap3A_164 = arith.index_cast %swap3A_163 : i32 to index
    %swap3A_165 = arith.constant 320 : index
    %swap3A_166 = tpu.vector_load %arg8[%swap3A_164, %swap3A_165] {strides = array<i32>} : memref<2x512xi32, #tpu.memory_space<vmem>>, vector<16xi32>,
    tpu.vector_store %arg8[%swap3A_164, %swap3A_165], %broadcast_in_dim3A_3 {strides = array<i32>} : memref<2x512xi32, #tpu.memory_space<vmem>>, vector<16xi32>,
    %swap3A_167 = arith.constant 0 : i32
    %swap3A_168 = arith.index_cast %swap3A_167 : i32 to index
    %swap3A_169 = arith.constant 320 : index
    %swap3A_170 = tpu.vector_load %arg9[%swap3A_168, %swap3A_169] {strides = array<i32>} : memref<2x528xi32, #tpu.memory_space<vmem>>, vector<16xi32>,
    tpu.vector_store %arg9[%swap3A_168, %swap3A_169], %broadcast_in_dim3A_3 {strides = array<i32>} : memref<2x528xi32, #tpu.memory_space<vmem>>, vector<16xi32>,
    %swap3A_171 = arith.constant 0 : i32
    %swap3A_172 = arith.index_cast %swap3A_171 : i32 to index
    %swap3A_173 = arith.constant 336 : index
    %swap3A_174 = tpu.vector_load %arg8[%swap3A_172, %swap3A_173] {strides = array<i32>} : memref<2x512xi32, #tpu.memory_space<vmem>>, vector<16xi32>,
    tpu.vector_store %arg8[%swap3A_172, %swap3A_173], %broadcast_in_dim3A_3 {strides = array<i32>} : memref<2x512xi32, #tpu.memory_space<vmem>>, vector<16xi32>,
    %swap3A_175 = arith.constant 0 : i32
    %swap3A_176 = arith.index_cast %swap3A_175 : i32 to index
    %swap3A_177 = arith.constant 336 : index
    %swap3A_178 = tpu.vector_load %arg9[%swap3A_176, %swap3A_177] {strides = array<i32>} : memref<2x528xi32, #tpu.memory_space<vmem>>, vector<16xi32>,
    tpu.vector_store %arg9[%swap3A_176, %swap3A_177], %broadcast_in_dim3A_3 {strides = array<i32>} : memref<2x528xi32, #tpu.memory_space<vmem>>, vector<16xi32>,
    %swap3A_179 = arith.constant 0 : i32
    %swap3A_180 = arith.index_cast %swap3A_179 : i32 to index
    %swap3A_181 = arith.constant 352 : index
    %swap3A_182 = tpu.vector_load %arg8[%swap3A_180, %swap3A_181] {strides = array<i32>} : memref<2x512xi32, #tpu.memory_space<vmem>>, vector<16xi32>,
    tpu.vector_store %arg8[%swap3A_180, %swap3A_181], %broadcast_in_dim3A_3 {strides = array<i32>} : memref<2x512xi32, #tpu.memory_space<vmem>>, vector<16xi32>,
    %swap3A_183 = arith.constant 0 : i32
    %swap3A_184 = arith.index_cast %swap3A_183 : i32 to index
    %swap3A_185 = arith.constant 352 : index
    %swap3A_186 = tpu.vector_load %arg9[%swap3A_184, %swap3A_185] {strides = array<i32>} : memref<2x528xi32, #tpu.memory_space<vmem>>, vector<16xi32>,
    tpu.vector_store %arg9[%swap3A_184, %swap3A_185], %broadcast_in_dim3A_3 {strides = array<i32>} : memref<2x528xi32, #tpu.memory_space<vmem>>, vector<16xi32>,
    %swap3A_187 = arith.constant 0 : i32
    %swap3A_188 = arith.index_cast %swap3A_187 : i32 to index
    %swap3A_189 = arith.constant 368 : index
    %swap3A_190 = tpu.vector_load %arg8[%swap3A_188, %swap3A_189] {strides = array<i32>} : memref<2x512xi32, #tpu.memory_space<vmem>>, vector<16xi32>,
    tpu.vector_store %arg8[%swap3A_188, %swap3A_189], %broadcast_in_dim3A_3 {strides = array<i32>} : memref<2x512xi32, #tpu.memory_space<vmem>>, vector<16xi32>,
    %swap3A_191 = arith.constant 0 : i32
    %swap3A_192 = arith.index_cast %swap3A_191 : i32 to index
    %swap3A_193 = arith.constant 368 : index
    %swap3A_194 = tpu.vector_load %arg9[%swap3A_192, %swap3A_193] {strides = array<i32>} : memref<2x528xi32, #tpu.memory_space<vmem>>, vector<16xi32>,
    tpu.vector_store %arg9[%swap3A_192, %swap3A_193], %broadcast_in_dim3A_3 {strides = array<i32>} : memref<2x528xi32, #tpu.memory_space<vmem>>, vector<16xi32>,
    %swap3A_195 = arith.constant 0 : i32
    %swap3A_196 = arith.index_cast %swap3A_195 : i32 to index
    %swap3A_197 = arith.constant 384 : index
    %swap3A_198 = tpu.vector_load %arg8[%swap3A_196, %swap3A_197] {strides = array<i32>} : memref<2x512xi32, #tpu.memory_space<vmem>>, vector<16xi32>,
    tpu.vector_store %arg8[%swap3A_196, %swap3A_197], %broadcast_in_dim3A_3 {strides = array<i32>} : memref<2x512xi32, #tpu.memory_space<vmem>>, vector<16xi32>,
    %swap3A_199 = arith.constant 0 : i32
    %swap3A_200 = arith.index_cast %swap3A_199 : i32 to index
    %swap3A_201 = arith.constant 384 : index
    %swap3A_202 = tpu.vector_load %arg9[%swap3A_200, %swap3A_201] {strides = array<i32>} : memref<2x528xi32, #tpu.memory_space<vmem>>, vector<16xi32>,
    tpu.vector_store %arg9[%swap3A_200, %swap3A_201], %broadcast_in_dim3A_3 {strides = array<i32>} : memref<2x528xi32, #tpu.memory_space<vmem>>, vector<16xi32>,
    %swap3A_203 = arith.constant 0 : i32
    %swap3A_204 = arith.index_cast %swap3A_203 : i32 to index
    %swap3A_205 = arith.constant 400 : index
    %swap3A_206 = tpu.vector_load %arg8[%swap3A_204, %swap3A_205] {strides = array<i32>} : memref<2x512xi32, #tpu.memory_space<vmem>>, vector<16xi32>,
    tpu.vector_store %arg8[%swap3A_204, %swap3A_205], %broadcast_in_dim3A_3 {strides = array<i32>} : memref<2x512xi32, #tpu.memory_space<vmem>>, vector<16xi32>,
    %swap3A_207 = arith.constant 0 : i32
    %swap3A_208 = arith.index_cast %swap3A_207 : i32 to index
    %swap3A_209 = arith.constant 400 : index
    %swap3A_210 = tpu.vector_load %arg9[%swap3A_208, %swap3A_209] {strides = array<i32>} : memref<2x528xi32, #tpu.memory_space<vmem>>, vector<16xi32>,
    tpu.vector_store %arg9[%swap3A_208, %swap3A_209], %broadcast_in_dim3A_3 {strides = array<i32>} : memref<2x528xi32, #tpu.memory_space<vmem>>, vector<16xi32>,
    %swap3A_211 = arith.constant 0 : i32
    %swap3A_212 = arith.index_cast %swap3A_211 : i32 to index
    %swap3A_213 = arith.constant 416 : index
    %swap3A_214 = tpu.vector_load %arg8[%swap3A_212, %swap3A_213] {strides = array<i32>} : memref<2x512xi32, #tpu.memory_space<vmem>>, vector<16xi32>,
    tpu.vector_store %arg8[%swap3A_212, %swap3A_213], %broadcast_in_dim3A_3 {strides = array<i32>} : memref<2x512xi32, #tpu.memory_space<vmem>>, vector<16xi32>,
    %swap3A_215 = arith.constant 0 : i32
    %swap3A_216 = arith.index_cast %swap3A_215 : i32 to index
    %swap3A_217 = arith.constant 416 : index
    %swap3A_218 = tpu.vector_load %arg9[%swap3A_216, %swap3A_217] {strides = array<i32>} : memref<2x528xi32, #tpu.memory_space<vmem>>, vector<16xi32>,
    tpu.vector_store %arg9[%swap3A_216, %swap3A_217], %broadcast_in_dim3A_3 {strides = array<i32>} : memref<2x528xi32, #tpu.memory_space<vmem>>, vector<16xi32>,
    %swap3A_219 = arith.constant 0 : i32
    %swap3A_220 = arith.index_cast %swap3A_219 : i32 to index
    %swap3A_221 = arith.constant 432 : index
    %swap3A_222 = tpu.vector_load %arg8[%swap3A_220, %swap3A_221] {strides = array<i32>} : memref<2x512xi32, #tpu.memory_space<vmem>>, vector<16xi32>,
    tpu.vector_store %arg8[%swap3A_220, %swap3A_221], %broadcast_in_dim3A_3 {strides = array<i32>} : memref<2x512xi32, #tpu.memory_space<vmem>>, vector<16xi32>,
    %swap3A_223 = arith.constant 0 : i32
    %swap3A_224 = arith.index_cast %swap3A_223 : i32 to index
    %swap3A_225 = arith.constant 432 : index
    %swap3A_226 = tpu.vector_load %arg9[%swap3A_224, %swap3A_225] {strides = array<i32>} : memref<2x528xi32, #tpu.memory_space<vmem>>, vector<16xi32>,
    tpu.vector_store %arg9[%swap3A_224, %swap3A_225], %broadcast_in_dim3A_3 {strides = array<i32>} : memref<2x528xi32, #tpu.memory_space<vmem>>, vector<16xi32>,
    %swap3A_227 = arith.constant 0 : i32
    %swap3A_228 = arith.index_cast %swap3A_227 : i32 to index
    %swap3A_229 = arith.constant 448 : index
    %swap3A_230 = tpu.vector_load %arg8[%swap3A_228, %swap3A_229] {strides = array<i32>} : memref<2x512xi32, #tpu.memory_space<vmem>>, vector<16xi32>,
    tpu.vector_store %arg8[%swap3A_228, %swap3A_229], %broadcast_in_dim3A_3 {strides = array<i32>} : memref<2x512xi32, #tpu.memory_space<vmem>>, vector<16xi32>,
    %swap3A_231 = arith.constant 0 : i32
    %swap3A_232 = arith.index_cast %swap3A_231 : i32 to index
    %swap3A_233 = arith.constant 448 : index
    %swap3A_234 = tpu.vector_load %arg9[%swap3A_232, %swap3A_233] {strides = array<i32>} : memref<2x528xi32, #tpu.memory_space<vmem>>, vector<16xi32>,
    tpu.vector_store %arg9[%swap3A_232, %swap3A_233], %broadcast_in_dim3A_3 {strides = array<i32>} : memref<2x528xi32, #tpu.memory_space<vmem>>, vector<16xi32>,
    %swap3A_235 = arith.constant 0 : i32
    %swap3A_236 = arith.index_cast %swap3A_235 : i32 to index
    %swap3A_237 = arith.constant 464 : index
    %swap3A_238 = tpu.vector_load %arg8[%swap3A_236, %swap3A_237] {strides = array<i32>} : memref<2x512xi32, #tpu.memory_space<vmem>>, vector<16xi32>,
    tpu.vector_store %arg8[%swap3A_236, %swap3A_237], %broadcast_in_dim3A_3 {strides = array<i32>} : memref<2x512xi32, #tpu.memory_space<vmem>>, vector<16xi32>,
    %swap3A_239 = arith.constant 0 : i32
    %swap3A_240 = arith.index_cast %swap3A_239 : i32 to index
    %swap3A_241 = arith.constant 464 : index
    %swap3A_242 = tpu.vector_load %arg9[%swap3A_240, %swap3A_241] {strides = array<i32>} : memref<2x528xi32, #tpu.memory_space<vmem>>, vector<16xi32>,
    tpu.vector_store %arg9[%swap3A_240, %swap3A_241], %broadcast_in_dim3A_3 {strides = array<i32>} : memref<2x528xi32, #tpu.memory_space<vmem>>, vector<16xi32>,
    %swap3A_243 = arith.constant 0 : i32
    %swap3A_244 = arith.index_cast %swap3A_243 : i32 to index
    %swap3A_245 = arith.constant 480 : index
    %swap3A_246 = tpu.vector_load %arg8[%swap3A_244, %swap3A_245] {strides = array<i32>} : memref<2x512xi32, #tpu.memory_space<vmem>>, vector<16xi32>,
    tpu.vector_store %arg8[%swap3A_244, %swap3A_245], %broadcast_in_dim3A_3 {strides = array<i32>} : memref<2x512xi32, #tpu.memory_space<vmem>>, vector<16xi32>,
    %swap3A_247 = arith.constant 0 : i32
    %swap3A_248 = arith.index_cast %swap3A_247 : i32 to index
    %swap3A_249 = arith.constant 480 : index
    %swap3A_250 = tpu.vector_load %arg9[%swap3A_248, %swap3A_249] {strides = array<i32>} : memref<2x528xi32, #tpu.memory_space<vmem>>, vector<16xi32>,
    tpu.vector_store %arg9[%swap3A_248, %swap3A_249], %broadcast_in_dim3A_3 {strides = array<i32>} : memref<2x528xi32, #tpu.memory_space<vmem>>, vector<16xi32>,
    %swap3A_251 = arith.constant 0 : i32
    %swap3A_252 = arith.index_cast %swap3A_251 : i32 to index
    %swap3A_253 = arith.constant 496 : index
    %swap3A_254 = tpu.vector_load %arg8[%swap3A_252, %swap3A_253] {strides = array<i32>} : memref<2x512xi32, #tpu.memory_space<vmem>>, vector<16xi32>,
    tpu.vector_store %arg8[%swap3A_252, %swap3A_253], %broadcast_in_dim3A_3 {strides = array<i32>} : memref<2x512xi32, #tpu.memory_space<vmem>>, vector<16xi32>,
    %swap3A_255 = arith.constant 0 : i32
    %swap3A_256 = arith.index_cast %swap3A_255 : i32 to index
    %swap3A_257 = arith.constant 496 : index
    %swap3A_258 = tpu.vector_load %arg9[%swap3A_256, %swap3A_257] {strides = array<i32>} : memref<2x528xi32, #tpu.memory_space<vmem>>, vector<16xi32>,
    tpu.vector_store %arg9[%swap3A_256, %swap3A_257], %broadcast_in_dim3A_3 {strides = array<i32>} : memref<2x528xi32, #tpu.memory_space<vmem>>, vector<16xi32>,
    %swap3A_259 = arith.constant 1 : i32
    %swap3A_260 = arith.index_cast %swap3A_259 : i32 to index
    %swap3A_261 = arith.constant 0 : index
    %swap3A_262 = tpu.vector_load %arg8[%swap3A_260, %swap3A_261] {strides = array<i32>} : memref<2x512xi32, #tpu.memory_space<vmem>>, vector<16xi32>,
    tpu.vector_store %arg8[%swap3A_260, %swap3A_261], %broadcast_in_dim3A_3 {strides = array<i32>} : memref<2x512xi32, #tpu.memory_space<vmem>>, vector<16xi32>,
    %swap3A_263 = arith.constant 1 : i32
    %swap3A_264 = arith.index_cast %swap3A_263 : i32 to index
    %swap3A_265 = arith.constant 0 : index
    %swap3A_266 = tpu.vector_load %arg9[%swap3A_264, %swap3A_265] {strides = array<i32>} : memref<2x528xi32, #tpu.memory_space<vmem>>, vector<16xi32>,
    tpu.vector_store %arg9[%swap3A_264, %swap3A_265], %broadcast_in_dim3A_3 {strides = array<i32>} : memref<2x528xi32, #tpu.memory_space<vmem>>, vector<16xi32>,
    %swap3A_267 = arith.constant 1 : i32
    %swap3A_268 = arith.index_cast %swap3A_267 : i32 to index
    %swap3A_269 = arith.constant 16 : index
    %swap3A_270 = tpu.vector_load %arg8[%swap3A_268, %swap3A_269] {strides = array<i32>} : memref<2x512xi32, #tpu.memory_space<vmem>>, vector<16xi32>,
    tpu.vector_store %arg8[%swap3A_268, %swap3A_269], %broadcast_in_dim3A_3 {strides = array<i32>} : memref<2x512xi32, #tpu.memory_space<vmem>>, vector<16xi32>,
    %swap3A_271 = arith.constant 1 : i32
    %swap3A_272 = arith.index_cast %swap3A_271 : i32 to index
    %swap3A_273 = arith.constant 16 : index
    %swap3A_274 = tpu.vector_load %arg9[%swap3A_272, %swap3A_273] {strides = array<i32>} : memref<2x528xi32, #tpu.memory_space<vmem>>, vector<16xi32>,
    tpu.vector_store %arg9[%swap3A_272, %swap3A_273], %broadcast_in_dim3A_3 {strides = array<i32>} : memref<2x528xi32, #tpu.memory_space<vmem>>, vector<16xi32>,
    %swap3A_275 = arith.constant 1 : i32
    %swap3A_276 = arith.index_cast %swap3A_275 : i32 to index
    %swap3A_277 = arith.constant 32 : index
    %swap3A_278 = tpu.vector_load %arg8[%swap3A_276, %swap3A_277] {strides = array<i32>} : memref<2x512xi32, #tpu.memory_space<vmem>>, vector<16xi32>,
    tpu.vector_store %arg8[%swap3A_276, %swap3A_277], %broadcast_in_dim3A_3 {strides = array<i32>} : memref<2x512xi32, #tpu.memory_space<vmem>>, vector<16xi32>,
    %swap3A_279 = arith.constant 1 : i32
    %swap3A_280 = arith.index_cast %swap3A_279 : i32 to index
    %swap3A_281 = arith.constant 32 : index
    %swap3A_282 = tpu.vector_load %arg9[%swap3A_280, %swap3A_281] {strides = array<i32>} : memref<2x528xi32, #tpu.memory_space<vmem>>, vector<16xi32>,
    tpu.vector_store %arg9[%swap3A_280, %swap3A_281], %broadcast_in_dim3A_3 {strides = array<i32>} : memref<2x528xi32, #tpu.memory_space<vmem>>, vector<16xi32>,
    %swap3A_283 = arith.constant 1 : i32
    %swap3A_284 = arith.index_cast %swap3A_283 : i32 to index
    %swap3A_285 = arith.constant 48 : index
    %swap3A_286 = tpu.vector_load %arg8[%swap3A_284, %swap3A_285] {strides = array<i32>} : memref<2x512xi32, #tpu.memory_space<vmem>>, vector<16xi32>,
    tpu.vector_store %arg8[%swap3A_284, %swap3A_285], %broadcast_in_dim3A_3 {strides = array<i32>} : memref<2x512xi32, #tpu.memory_space<vmem>>, vector<16xi32>,
    %swap3A_287 = arith.constant 1 : i32
    %swap3A_288 = arith.index_cast %swap3A_287 : i32 to index
    %swap3A_289 = arith.constant 48 : index
    %swap3A_290 = tpu.vector_load %arg9[%swap3A_288, %swap3A_289] {strides = array<i32>} : memref<2x528xi32, #tpu.memory_space<vmem>>, vector<16xi32>,
    tpu.vector_store %arg9[%swap3A_288, %swap3A_289], %broadcast_in_dim3A_3 {strides = array<i32>} : memref<2x528xi32, #tpu.memory_space<vmem>>, vector<16xi32>,
    %swap3A_291 = arith.constant 1 : i32
    %swap3A_292 = arith.index_cast %swap3A_291 : i32 to index
    %swap3A_293 = arith.constant 64 : index
    %swap3A_294 = tpu.vector_load %arg8[%swap3A_292, %swap3A_293] {strides = array<i32>} : memref<2x512xi32, #tpu.memory_space<vmem>>, vector<16xi32>,
    tpu.vector_store %arg8[%swap3A_292, %swap3A_293], %broadcast_in_dim3A_3 {strides = array<i32>} : memref<2x512xi32, #tpu.memory_space<vmem>>, vector<16xi32>,
    %swap3A_295 = arith.constant 1 : i32
    %swap3A_296 = arith.index_cast %swap3A_295 : i32 to index
    %swap3A_297 = arith.constant 64 : index
    %swap3A_298 = tpu.vector_load %arg9[%swap3A_296, %swap3A_297] {strides = array<i32>} : memref<2x528xi32, #tpu.memory_space<vmem>>, vector<16xi32>,
    tpu.vector_store %arg9[%swap3A_296, %swap3A_297], %broadcast_in_dim3A_3 {strides = array<i32>} : memref<2x528xi32, #tpu.memory_space<vmem>>, vector<16xi32>,
    %swap3A_299 = arith.constant 1 : i32
    %swap3A_300 = arith.index_cast %swap3A_299 : i32 to index
    %swap3A_301 = arith.constant 80 : index
    %swap3A_302 = tpu.vector_load %arg8[%swap3A_300, %swap3A_301] {strides = array<i32>} : memref<2x512xi32, #tpu.memory_space<vmem>>, vector<16xi32>,
    tpu.vector_store %arg8[%swap3A_300, %swap3A_301], %broadcast_in_dim3A_3 {strides = array<i32>} : memref<2x512xi32, #tpu.memory_space<vmem>>, vector<16xi32>,
    %swap3A_303 = arith.constant 1 : i32
    %swap3A_304 = arith.index_cast %swap3A_303 : i32 to index
    %swap3A_305 = arith.constant 80 : index
    %swap3A_306 = tpu.vector_load %arg9[%swap3A_304, %swap3A_305] {strides = array<i32>} : memref<2x528xi32, #tpu.memory_space<vmem>>, vector<16xi32>,
    tpu.vector_store %arg9[%swap3A_304, %swap3A_305], %broadcast_in_dim3A_3 {strides = array<i32>} : memref<2x528xi32, #tpu.memory_space<vmem>>, vector<16xi32>,
    %swap3A_307 = arith.constant 1 : i32
    %swap3A_308 = arith.index_cast %swap3A_307 : i32 to index
    %swap3A_309 = arith.constant 96 : index
    %swap3A_310 = tpu.vector_load %arg8[%swap3A_308, %swap3A_309] {strides = array<i32>} : memref<2x512xi32, #tpu.memory_space<vmem>>, vector<16xi32>,
    tpu.vector_store %arg8[%swap3A_308, %swap3A_309], %broadcast_in_dim3A_3 {strides = array<i32>} : memref<2x512xi32, #tpu.memory_space<vmem>>, vector<16xi32>,
    %swap3A_311 = arith.constant 1 : i32
    %swap3A_312 = arith.index_cast %swap3A_311 : i32 to index
    %swap3A_313 = arith.constant 96 : index
    %swap3A_314 = tpu.vector_load %arg9[%swap3A_312, %swap3A_313] {strides = array<i32>} : memref<2x528xi32, #tpu.memory_space<vmem>>, vector<16xi32>,
    tpu.vector_store %arg9[%swap3A_312, %swap3A_313], %broadcast_in_dim3A_3 {strides = array<i32>} : memref<2x528xi32, #tpu.memory_space<vmem>>, vector<16xi32>,
    %swap3A_315 = arith.constant 1 : i32
    %swap3A_316 = arith.index_cast %swap3A_315 : i32 to index
    %swap3A_317 = arith.constant 112 : index
    %swap3A_318 = tpu.vector_load %arg8[%swap3A_316, %swap3A_317] {strides = array<i32>} : memref<2x512xi32, #tpu.memory_space<vmem>>, vector<16xi32>,
    tpu.vector_store %arg8[%swap3A_316, %swap3A_317], %broadcast_in_dim3A_3 {strides = array<i32>} : memref<2x512xi32, #tpu.memory_space<vmem>>, vector<16xi32>,
    %swap3A_319 = arith.constant 1 : i32
    %swap3A_320 = arith.index_cast %swap3A_319 : i32 to index
    %swap3A_321 = arith.constant 112 : index
    %swap3A_322 = tpu.vector_load %arg9[%swap3A_320, %swap3A_321] {strides = array<i32>} : memref<2x528xi32, #tpu.memory_space<vmem>>, vector<16xi32>,
    tpu.vector_store %arg9[%swap3A_320, %swap3A_321], %broadcast_in_dim3A_3 {strides = array<i32>} : memref<2x528xi32, #tpu.memory_space<vmem>>, vector<16xi32>,
    %swap3A_323 = arith.constant 1 : i32
    %swap3A_324 = arith.index_cast %swap3A_323 : i32 to index
    %swap3A_325 = arith.constant 128 : index
    %swap3A_326 = tpu.vector_load %arg8[%swap3A_324, %swap3A_325] {strides = array<i32>} : memref<2x512xi32, #tpu.memory_space<vmem>>, vector<16xi32>,
    tpu.vector_store %arg8[%swap3A_324, %swap3A_325], %broadcast_in_dim3A_3 {strides = array<i32>} : memref<2x512xi32, #tpu.memory_space<vmem>>, vector<16xi32>,
    %swap3A_327 = arith.constant 1 : i32
    %swap3A_328 = arith.index_cast %swap3A_327 : i32 to index
    %swap3A_329 = arith.constant 128 : index
    %swap3A_330 = tpu.vector_load %arg9[%swap3A_328, %swap3A_329] {strides = array<i32>} : memref<2x528xi32, #tpu.memory_space<vmem>>, vector<16xi32>,
    tpu.vector_store %arg9[%swap3A_328, %swap3A_329], %broadcast_in_dim3A_3 {strides = array<i32>} : memref<2x528xi32, #tpu.memory_space<vmem>>, vector<16xi32>,
    %swap3A_331 = arith.constant 1 : i32
    %swap3A_332 = arith.index_cast %swap3A_331 : i32 to index
    %swap3A_333 = arith.constant 144 : index
    %swap3A_334 = tpu.vector_load %arg8[%swap3A_332, %swap3A_333] {strides = array<i32>} : memref<2x512xi32, #tpu.memory_space<vmem>>, vector<16xi32>,
    tpu.vector_store %arg8[%swap3A_332, %swap3A_333], %broadcast_in_dim3A_3 {strides = array<i32>} : memref<2x512xi32, #tpu.memory_space<vmem>>, vector<16xi32>,
    %swap3A_335 = arith.constant 1 : i32
    %swap3A_336 = arith.index_cast %swap3A_335 : i32 to index
    %swap3A_337 = arith.constant 144 : index
    %swap3A_338 = tpu.vector_load %arg9[%swap3A_336, %swap3A_337] {strides = array<i32>} : memref<2x528xi32, #tpu.memory_space<vmem>>, vector<16xi32>,
    tpu.vector_store %arg9[%swap3A_336, %swap3A_337], %broadcast_in_dim3A_3 {strides = array<i32>} : memref<2x528xi32, #tpu.memory_space<vmem>>, vector<16xi32>,
    %swap3A_339 = arith.constant 1 : i32
    %swap3A_340 = arith.index_cast %swap3A_339 : i32 to index
    %swap3A_341 = arith.constant 160 : index
    %swap3A_342 = tpu.vector_load %arg8[%swap3A_340, %swap3A_341] {strides = array<i32>} : memref<2x512xi32, #tpu.memory_space<vmem>>, vector<16xi32>,
    tpu.vector_store %arg8[%swap3A_340, %swap3A_341], %broadcast_in_dim3A_3 {strides = array<i32>} : memref<2x512xi32, #tpu.memory_space<vmem>>, vector<16xi32>,
    %swap3A_343 = arith.constant 1 : i32
    %swap3A_344 = arith.index_cast %swap3A_343 : i32 to index
    %swap3A_345 = arith.constant 160 : index
    %swap3A_346 = tpu.vector_load %arg9[%swap3A_344, %swap3A_345] {strides = array<i32>} : memref<2x528xi32, #tpu.memory_space<vmem>>, vector<16xi32>,
    tpu.vector_store %arg9[%swap3A_344, %swap3A_345], %broadcast_in_dim3A_3 {strides = array<i32>} : memref<2x528xi32, #tpu.memory_space<vmem>>, vector<16xi32>,
    %swap3A_347 = arith.constant 1 : i32
    %swap3A_348 = arith.index_cast %swap3A_347 : i32 to index
    %swap3A_349 = arith.constant 176 : index
    %swap3A_350 = tpu.vector_load %arg8[%swap3A_348, %swap3A_349] {strides = array<i32>} : memref<2x512xi32, #tpu.memory_space<vmem>>, vector<16xi32>,
    tpu.vector_store %arg8[%swap3A_348, %swap3A_349], %broadcast_in_dim3A_3 {strides = array<i32>} : memref<2x512xi32, #tpu.memory_space<vmem>>, vector<16xi32>,
    %swap3A_351 = arith.constant 1 : i32
    %swap3A_352 = arith.index_cast %swap3A_351 : i32 to index
    %swap3A_353 = arith.constant 176 : index
    %swap3A_354 = tpu.vector_load %arg9[%swap3A_352, %swap3A_353] {strides = array<i32>} : memref<2x528xi32, #tpu.memory_space<vmem>>, vector<16xi32>,
    tpu.vector_store %arg9[%swap3A_352, %swap3A_353], %broadcast_in_dim3A_3 {strides = array<i32>} : memref<2x528xi32, #tpu.memory_space<vmem>>, vector<16xi32>,
    %swap3A_355 = arith.constant 1 : i32
    %swap3A_356 = arith.index_cast %swap3A_355 : i32 to index
    %swap3A_357 = arith.constant 192 : index
    %swap3A_358 = tpu.vector_load %arg8[%swap3A_356, %swap3A_357] {strides = array<i32>} : memref<2x512xi32, #tpu.memory_space<vmem>>, vector<16xi32>,
    tpu.vector_store %arg8[%swap3A_356, %swap3A_357], %broadcast_in_dim3A_3 {strides = array<i32>} : memref<2x512xi32, #tpu.memory_space<vmem>>, vector<16xi32>,
    %swap3A_359 = arith.constant 1 : i32
    %swap3A_360 = arith.index_cast %swap3A_359 : i32 to index
    %swap3A_361 = arith.constant 192 : index
    %swap3A_362 = tpu.vector_load %arg9[%swap3A_360, %swap3A_361] {strides = array<i32>} : memref<2x528xi32, #tpu.memory_space<vmem>>, vector<16xi32>,
    tpu.vector_store %arg9[%swap3A_360, %swap3A_361], %broadcast_in_dim3A_3 {strides = array<i32>} : memref<2x528xi32, #tpu.memory_space<vmem>>, vector<16xi32>,
    %swap3A_363 = arith.constant 1 : i32
    %swap3A_364 = arith.index_cast %swap3A_363 : i32 to index
    %swap3A_365 = arith.constant 208 : index
    %swap3A_366 = tpu.vector_load %arg8[%swap3A_364, %swap3A_365] {strides = array<i32>} : memref<2x512xi32, #tpu.memory_space<vmem>>, vector<16xi32>,
    tpu.vector_store %arg8[%swap3A_364, %swap3A_365], %broadcast_in_dim3A_3 {strides = array<i32>} : memref<2x512xi32, #tpu.memory_space<vmem>>, vector<16xi32>,
    %swap3A_367 = arith.constant 1 : i32
    %swap3A_368 = arith.index_cast %swap3A_367 : i32 to index
    %swap3A_369 = arith.constant 208 : index
    %swap3A_370 = tpu.vector_load %arg9[%swap3A_368, %swap3A_369] {strides = array<i32>} : memref<2x528xi32, #tpu.memory_space<vmem>>, vector<16xi32>,
    tpu.vector_store %arg9[%swap3A_368, %swap3A_369], %broadcast_in_dim3A_3 {strides = array<i32>} : memref<2x528xi32, #tpu.memory_space<vmem>>, vector<16xi32>,
    %swap3A_371 = arith.constant 1 : i32
    %swap3A_372 = arith.index_cast %swap3A_371 : i32 to index
    %swap3A_373 = arith.constant 224 : index
    %swap3A_374 = tpu.vector_load %arg8[%swap3A_372, %swap3A_373] {strides = array<i32>} : memref<2x512xi32, #tpu.memory_space<vmem>>, vector<16xi32>,
    tpu.vector_store %arg8[%swap3A_372, %swap3A_373], %broadcast_in_dim3A_3 {strides = array<i32>} : memref<2x512xi32, #tpu.memory_space<vmem>>, vector<16xi32>,
    %swap3A_375 = arith.constant 1 : i32
    %swap3A_376 = arith.index_cast %swap3A_375 : i32 to index
    %swap3A_377 = arith.constant 224 : index
    %swap3A_378 = tpu.vector_load %arg9[%swap3A_376, %swap3A_377] {strides = array<i32>} : memref<2x528xi32, #tpu.memory_space<vmem>>, vector<16xi32>,
    tpu.vector_store %arg9[%swap3A_376, %swap3A_377], %broadcast_in_dim3A_3 {strides = array<i32>} : memref<2x528xi32, #tpu.memory_space<vmem>>, vector<16xi32>,
    %swap3A_379 = arith.constant 1 : i32
    %swap3A_380 = arith.index_cast %swap3A_379 : i32 to index
    %swap3A_381 = arith.constant 240 : index
    %swap3A_382 = tpu.vector_load %arg8[%swap3A_380, %swap3A_381] {strides = array<i32>} : memref<2x512xi32, #tpu.memory_space<vmem>>, vector<16xi32>,
    tpu.vector_store %arg8[%swap3A_380, %swap3A_381], %broadcast_in_dim3A_3 {strides = array<i32>} : memref<2x512xi32, #tpu.memory_space<vmem>>, vector<16xi32>,
    %swap3A_383 = arith.constant 1 : i32
    %swap3A_384 = arith.index_cast %swap3A_383 : i32 to index
    %swap3A_385 = arith.constant 240 : index
    %swap3A_386 = tpu.vector_load %arg9[%swap3A_384, %swap3A_385] {strides = array<i32>} : memref<2x528xi32, #tpu.memory_space<vmem>>, vector<16xi32>,
    tpu.vector_store %arg9[%swap3A_384, %swap3A_385], %broadcast_in_dim3A_3 {strides = array<i32>} : memref<2x528xi32, #tpu.memory_space<vmem>>, vector<16xi32>,
    %swap3A_387 = arith.constant 1 : i32
    %swap3A_388 = arith.index_cast %swap3A_387 : i32 to index
    %swap3A_389 = arith.constant 256 : index
    %swap3A_390 = tpu.vector_load %arg8[%swap3A_388, %swap3A_389] {strides = array<i32>} : memref<2x512xi32, #tpu.memory_space<vmem>>, vector<16xi32>,
    tpu.vector_store %arg8[%swap3A_388, %swap3A_389], %broadcast_in_dim3A_3 {strides = array<i32>} : memref<2x512xi32, #tpu.memory_space<vmem>>, vector<16xi32>,
    %swap3A_391 = arith.constant 1 : i32
    %swap3A_392 = arith.index_cast %swap3A_391 : i32 to index
    %swap3A_393 = arith.constant 256 : index
    %swap3A_394 = tpu.vector_load %arg9[%swap3A_392, %swap3A_393] {strides = array<i32>} : memref<2x528xi32, #tpu.memory_space<vmem>>, vector<16xi32>,
    tpu.vector_store %arg9[%swap3A_392, %swap3A_393], %broadcast_in_dim3A_3 {strides = array<i32>} : memref<2x528xi32, #tpu.memory_space<vmem>>, vector<16xi32>,
    %swap3A_395 = arith.constant 1 : i32
    %swap3A_396 = arith.index_cast %swap3A_395 : i32 to index
    %swap3A_397 = arith.constant 272 : index
    %swap3A_398 = tpu.vector_load %arg8[%swap3A_396, %swap3A_397] {strides = array<i32>} : memref<2x512xi32, #tpu.memory_space<vmem>>, vector<16xi32>,
    tpu.vector_store %arg8[%swap3A_396, %swap3A_397], %broadcast_in_dim3A_3 {strides = array<i32>} : memref<2x512xi32, #tpu.memory_space<vmem>>, vector<16xi32>,
    %swap3A_399 = arith.constant 1 : i32
    %swap3A_400 = arith.index_cast %swap3A_399 : i32 to index
    %swap3A_401 = arith.constant 272 : index
    %swap3A_402 = tpu.vector_load %arg9[%swap3A_400, %swap3A_401] {strides = array<i32>} : memref<2x528xi32, #tpu.memory_space<vmem>>, vector<16xi32>,
    tpu.vector_store %arg9[%swap3A_400, %swap3A_401], %broadcast_in_dim3A_3 {strides = array<i32>} : memref<2x528xi32, #tpu.memory_space<vmem>>, vector<16xi32>,
    %swap3A_403 = arith.constant 1 : i32
    %swap3A_404 = arith.index_cast %swap3A_403 : i32 to index
    %swap3A_405 = arith.constant 288 : index
    %swap3A_406 = tpu.vector_load %arg8[%swap3A_404, %swap3A_405] {strides = array<i32>} : memref<2x512xi32, #tpu.memory_space<vmem>>, vector<16xi32>,
    tpu.vector_store %arg8[%swap3A_404, %swap3A_405], %broadcast_in_dim3A_3 {strides = array<i32>} : memref<2x512xi32, #tpu.memory_space<vmem>>, vector<16xi32>,
    %swap3A_407 = arith.constant 1 : i32
    %swap3A_408 = arith.index_cast %swap3A_407 : i32 to index
    %swap3A_409 = arith.constant 288 : index
    %swap3A_410 = tpu.vector_load %arg9[%swap3A_408, %swap3A_409] {strides = array<i32>} : memref<2x528xi32, #tpu.memory_space<vmem>>, vector<16xi32>,
    tpu.vector_store %arg9[%swap3A_408, %swap3A_409], %broadcast_in_dim3A_3 {strides = array<i32>} : memref<2x528xi32, #tpu.memory_space<vmem>>, vector<16xi32>,
    %swap3A_411 = arith.constant 1 : i32
    %swap3A_412 = arith.index_cast %swap3A_411 : i32 to index
    %swap3A_413 = arith.constant 304 : index
    %swap3A_414 = tpu.vector_load %arg8[%swap3A_412, %swap3A_413] {strides = array<i32>} : memref<2x512xi32, #tpu.memory_space<vmem>>, vector<16xi32>,
    tpu.vector_store %arg8[%swap3A_412, %swap3A_413], %broadcast_in_dim3A_3 {strides = array<i32>} : memref<2x512xi32, #tpu.memory_space<vmem>>, vector<16xi32>,
    %swap3A_415 = arith.constant 1 : i32
    %swap3A_416 = arith.index_cast %swap3A_415 : i32 to index
    %swap3A_417 = arith.constant 304 : index
    %swap3A_418 = tpu.vector_load %arg9[%swap3A_416, %swap3A_417] {strides = array<i32>} : memref<2x528xi32, #tpu.memory_space<vmem>>, vector<16xi32>,
    tpu.vector_store %arg9[%swap3A_416, %swap3A_417], %broadcast_in_dim3A_3 {strides = array<i32>} : memref<2x528xi32, #tpu.memory_space<vmem>>, vector<16xi32>,
    %swap3A_419 = arith.constant 1 : i32
    %swap3A_420 = arith.index_cast %swap3A_419 : i32 to index
    %swap3A_421 = arith.constant 320 : index
    %swap3A_422 = tpu.vector_load %arg8[%swap3A_420, %swap3A_421] {strides = array<i32>} : memref<2x512xi32, #tpu.memory_space<vmem>>, vector<16xi32>,
    tpu.vector_store %arg8[%swap3A_420, %swap3A_421], %broadcast_in_dim3A_3 {strides = array<i32>} : memref<2x512xi32, #tpu.memory_space<vmem>>, vector<16xi32>,
    %swap3A_423 = arith.constant 1 : i32
    %swap3A_424 = arith.index_cast %swap3A_423 : i32 to index
    %swap3A_425 = arith.constant 320 : index
    %swap3A_426 = tpu.vector_load %arg9[%swap3A_424, %swap3A_425] {strides = array<i32>} : memref<2x528xi32, #tpu.memory_space<vmem>>, vector<16xi32>,
    tpu.vector_store %arg9[%swap3A_424, %swap3A_425], %broadcast_in_dim3A_3 {strides = array<i32>} : memref<2x528xi32, #tpu.memory_space<vmem>>, vector<16xi32>,
    %swap3A_427 = arith.constant 1 : i32
    %swap3A_428 = arith.index_cast %swap3A_427 : i32 to index
    %swap3A_429 = arith.constant 336 : index
    %swap3A_430 = tpu.vector_load %arg8[%swap3A_428, %swap3A_429] {strides = array<i32>} : memref<2x512xi32, #tpu.memory_space<vmem>>, vector<16xi32>,
    tpu.vector_store %arg8[%swap3A_428, %swap3A_429], %broadcast_in_dim3A_3 {strides = array<i32>} : memref<2x512xi32, #tpu.memory_space<vmem>>, vector<16xi32>,
    %swap3A_431 = arith.constant 1 : i32
    %swap3A_432 = arith.index_cast %swap3A_431 : i32 to index
    %swap3A_433 = arith.constant 336 : index
    %swap3A_434 = tpu.vector_load %arg9[%swap3A_432, %swap3A_433] {strides = array<i32>} : memref<2x528xi32, #tpu.memory_space<vmem>>, vector<16xi32>,
    tpu.vector_store %arg9[%swap3A_432, %swap3A_433], %broadcast_in_dim3A_3 {strides = array<i32>} : memref<2x528xi32, #tpu.memory_space<vmem>>, vector<16xi32>,
    %swap3A_435 = arith.constant 1 : i32
    %swap3A_436 = arith.index_cast %swap3A_435 : i32 to index
    %swap3A_437 = arith.constant 352 : index
    %swap3A_438 = tpu.vector_load %arg8[%swap3A_436, %swap3A_437] {strides = array<i32>} : memref<2x512xi32, #tpu.memory_space<vmem>>, vector<16xi32>,
    tpu.vector_store %arg8[%swap3A_436, %swap3A_437], %broadcast_in_dim3A_3 {strides = array<i32>} : memref<2x512xi32, #tpu.memory_space<vmem>>, vector<16xi32>,
    %swap3A_439 = arith.constant 1 : i32
    %swap3A_440 = arith.index_cast %swap3A_439 : i32 to index
    %swap3A_441 = arith.constant 352 : index
    %swap3A_442 = tpu.vector_load %arg9[%swap3A_440, %swap3A_441] {strides = array<i32>} : memref<2x528xi32, #tpu.memory_space<vmem>>, vector<16xi32>,
    tpu.vector_store %arg9[%swap3A_440, %swap3A_441], %broadcast_in_dim3A_3 {strides = array<i32>} : memref<2x528xi32, #tpu.memory_space<vmem>>, vector<16xi32>,
    %swap3A_443 = arith.constant 1 : i32
    %swap3A_444 = arith.index_cast %swap3A_443 : i32 to index
    %swap3A_445 = arith.constant 368 : index
    %swap3A_446 = tpu.vector_load %arg8[%swap3A_444, %swap3A_445] {strides = array<i32>} : memref<2x512xi32, #tpu.memory_space<vmem>>, vector<16xi32>,
    tpu.vector_store %arg8[%swap3A_444, %swap3A_445], %broadcast_in_dim3A_3 {strides = array<i32>} : memref<2x512xi32, #tpu.memory_space<vmem>>, vector<16xi32>,
    %swap3A_447 = arith.constant 1 : i32
    %swap3A_448 = arith.index_cast %swap3A_447 : i32 to index
    %swap3A_449 = arith.constant 368 : index
    %swap3A_450 = tpu.vector_load %arg9[%swap3A_448, %swap3A_449] {strides = array<i32>} : memref<2x528xi32, #tpu.memory_space<vmem>>, vector<16xi32>,
    tpu.vector_store %arg9[%swap3A_448, %swap3A_449], %broadcast_in_dim3A_3 {strides = array<i32>} : memref<2x528xi32, #tpu.memory_space<vmem>>, vector<16xi32>,
    %swap3A_451 = arith.constant 1 : i32
    %swap3A_452 = arith.index_cast %swap3A_451 : i32 to index
    %swap3A_453 = arith.constant 384 : index
    %swap3A_454 = tpu.vector_load %arg8[%swap3A_452, %swap3A_453] {strides = array<i32>} : memref<2x512xi32, #tpu.memory_space<vmem>>, vector<16xi32>,
    tpu.vector_store %arg8[%swap3A_452, %swap3A_453], %broadcast_in_dim3A_3 {strides = array<i32>} : memref<2x512xi32, #tpu.memory_space<vmem>>, vector<16xi32>,
    %swap3A_455 = arith.constant 1 : i32
    %swap3A_456 = arith.index_cast %swap3A_455 : i32 to index
    %swap3A_457 = arith.constant 384 : index
    %swap3A_458 = tpu.vector_load %arg9[%swap3A_456, %swap3A_457] {strides = array<i32>} : memref<2x528xi32, #tpu.memory_space<vmem>>, vector<16xi32>,
    tpu.vector_store %arg9[%swap3A_456, %swap3A_457], %broadcast_in_dim3A_3 {strides = array<i32>} : memref<2x528xi32, #tpu.memory_space<vmem>>, vector<16xi32>,
    %swap3A_459 = arith.constant 1 : i32
    %swap3A_460 = arith.index_cast %swap3A_459 : i32 to index
    %swap3A_461 = arith.constant 400 : index
    %swap3A_462 = tpu.vector_load %arg8[%swap3A_460, %swap3A_461] {strides = array<i32>} : memref<2x512xi32, #tpu.memory_space<vmem>>, vector<16xi32>,
    tpu.vector_store %arg8[%swap3A_460, %swap3A_461], %broadcast_in_dim3A_3 {strides = array<i32>} : memref<2x512xi32, #tpu.memory_space<vmem>>, vector<16xi32>,
    %swap3A_463 = arith.constant 1 : i32
    %swap3A_464 = arith.index_cast %swap3A_463 : i32 to index
    %swap3A_465 = arith.constant 400 : index
    %swap3A_466 = tpu.vector_load %arg9[%swap3A_464, %swap3A_465] {strides = array<i32>} : memref<2x528xi32, #tpu.memory_space<vmem>>, vector<16xi32>,
    tpu.vector_store %arg9[%swap3A_464, %swap3A_465], %broadcast_in_dim3A_3 {strides = array<i32>} : memref<2x528xi32, #tpu.memory_space<vmem>>, vector<16xi32>,
    %swap3A_467 = arith.constant 1 : i32
    %swap3A_468 = arith.index_cast %swap3A_467 : i32 to index
    %swap3A_469 = arith.constant 416 : index
    %swap3A_470 = tpu.vector_load %arg8[%swap3A_468, %swap3A_469] {strides = array<i32>} : memref<2x512xi32, #tpu.memory_space<vmem>>, vector<16xi32>,
    tpu.vector_store %arg8[%swap3A_468, %swap3A_469], %broadcast_in_dim3A_3 {strides = array<i32>} : memref<2x512xi32, #tpu.memory_space<vmem>>, vector<16xi32>,
    %swap3A_471 = arith.constant 1 : i32
    %swap3A_472 = arith.index_cast %swap3A_471 : i32 to index
    %swap3A_473 = arith.constant 416 : index
    %swap3A_474 = tpu.vector_load %arg9[%swap3A_472, %swap3A_473] {strides = array<i32>} : memref<2x528xi32, #tpu.memory_space<vmem>>, vector<16xi32>,
    tpu.vector_store %arg9[%swap3A_472, %swap3A_473], %broadcast_in_dim3A_3 {strides = array<i32>} : memref<2x528xi32, #tpu.memory_space<vmem>>, vector<16xi32>,
    %swap3A_475 = arith.constant 1 : i32
    %swap3A_476 = arith.index_cast %swap3A_475 : i32 to index
    %swap3A_477 = arith.constant 432 : index
    %swap3A_478 = tpu.vector_load %arg8[%swap3A_476, %swap3A_477] {strides = array<i32>} : memref<2x512xi32, #tpu.memory_space<vmem>>, vector<16xi32>,
    tpu.vector_store %arg8[%swap3A_476, %swap3A_477], %broadcast_in_dim3A_3 {strides = array<i32>} : memref<2x512xi32, #tpu.memory_space<vmem>>, vector<16xi32>,
    %swap3A_479 = arith.constant 1 : i32
    %swap3A_480 = arith.index_cast %swap3A_479 : i32 to index
    %swap3A_481 = arith.constant 432 : index
    %swap3A_482 = tpu.vector_load %arg9[%swap3A_480, %swap3A_481] {strides = array<i32>} : memref<2x528xi32, #tpu.memory_space<vmem>>, vector<16xi32>,
    tpu.vector_store %arg9[%swap3A_480, %swap3A_481], %broadcast_in_dim3A_3 {strides = array<i32>} : memref<2x528xi32, #tpu.memory_space<vmem>>, vector<16xi32>,
    %swap3A_483 = arith.constant 1 : i32
    %swap3A_484 = arith.index_cast %swap3A_483 : i32 to index
    %swap3A_485 = arith.constant 448 : index
    %swap3A_486 = tpu.vector_load %arg8[%swap3A_484, %swap3A_485] {strides = array<i32>} : memref<2x512xi32, #tpu.memory_space<vmem>>, vector<16xi32>,
    tpu.vector_store %arg8[%swap3A_484, %swap3A_485], %broadcast_in_dim3A_3 {strides = array<i32>} : memref<2x512xi32, #tpu.memory_space<vmem>>, vector<16xi32>,
    %swap3A_487 = arith.constant 1 : i32
    %swap3A_488 = arith.index_cast %swap3A_487 : i32 to index
    %swap3A_489 = arith.constant 448 : index
    %swap3A_490 = tpu.vector_load %arg9[%swap3A_488, %swap3A_489] {strides = array<i32>} : memref<2x528xi32, #tpu.memory_space<vmem>>, vector<16xi32>,
    tpu.vector_store %arg9[%swap3A_488, %swap3A_489], %broadcast_in_dim3A_3 {strides = array<i32>} : memref<2x528xi32, #tpu.memory_space<vmem>>, vector<16xi32>,
    %swap3A_491 = arith.constant 1 : i32
    %swap3A_492 = arith.index_cast %swap3A_491 : i32 to index
    %swap3A_493 = arith.constant 464 : index
    %swap3A_494 = tpu.vector_load %arg8[%swap3A_492, %swap3A_493] {strides = array<i32>} : memref<2x512xi32, #tpu.memory_space<vmem>>, vector<16xi32>,
    tpu.vector_store %arg8[%swap3A_492, %swap3A_493], %broadcast_in_dim3A_3 {strides = array<i32>} : memref<2x512xi32, #tpu.memory_space<vmem>>, vector<16xi32>,
    %swap3A_495 = arith.constant 1 : i32
    %swap3A_496 = arith.index_cast %swap3A_495 : i32 to index
    %swap3A_497 = arith.constant 464 : index
    %swap3A_498 = tpu.vector_load %arg9[%swap3A_496, %swap3A_497] {strides = array<i32>} : memref<2x528xi32, #tpu.memory_space<vmem>>, vector<16xi32>,
    tpu.vector_store %arg9[%swap3A_496, %swap3A_497], %broadcast_in_dim3A_3 {strides = array<i32>} : memref<2x528xi32, #tpu.memory_space<vmem>>, vector<16xi32>,
    %swap3A_499 = arith.constant 1 : i32
    %swap3A_500 = arith.index_cast %swap3A_499 : i32 to index
    %swap3A_501 = arith.constant 480 : index
    %swap3A_502 = tpu.vector_load %arg8[%swap3A_500, %swap3A_501] {strides = array<i32>} : memref<2x512xi32, #tpu.memory_space<vmem>>, vector<16xi32>,
    tpu.vector_store %arg8[%swap3A_500, %swap3A_501], %broadcast_in_dim3A_3 {strides = array<i32>} : memref<2x512xi32, #tpu.memory_space<vmem>>, vector<16xi32>,
    %swap3A_503 = arith.constant 1 : i32
    %swap3A_504 = arith.index_cast %swap3A_503 : i32 to index
    %swap3A_505 = arith.constant 480 : index
    %swap3A_506 = tpu.vector_load %arg9[%swap3A_504, %swap3A_505] {strides = array<i32>} : memref<2x528xi32, #tpu.memory_space<vmem>>, vector<16xi32>,
    tpu.vector_store %arg9[%swap3A_504, %swap3A_505], %broadcast_in_dim3A_3 {strides = array<i32>} : memref<2x528xi32, #tpu.memory_space<vmem>>, vector<16xi32>,
    %swap3A_507 = arith.constant 1 : i32
    %swap3A_508 = arith.index_cast %swap3A_507 : i32 to index
    %swap3A_509 = arith.constant 496 : index
    %swap3A_510 = tpu.vector_load %arg8[%swap3A_508, %swap3A_509] {strides = array<i32>} : memref<2x512xi32, #tpu.memory_space<vmem>>, vector<16xi32>,
    tpu.vector_store %arg8[%swap3A_508, %swap3A_509], %broadcast_in_dim3A_3 {strides = array<i32>} : memref<2x512xi32, #tpu.memory_space<vmem>>, vector<16xi32>,
    %swap3A_511 = arith.constant 1 : i32
    %swap3A_512 = arith.index_cast %swap3A_511 : i32 to index
    %swap3A_513 = arith.constant 496 : index
    %swap3A_514 = tpu.vector_load %arg9[%swap3A_512, %swap3A_513] {strides = array<i32>} : memref<2x528xi32, #tpu.memory_space<vmem>>, vector<16xi32>,
    tpu.vector_store %arg9[%swap3A_512, %swap3A_513], %broadcast_in_dim3A_3 {strides = array<i32>} : memref<2x528xi32, #tpu.memory_space<vmem>>, vector<16xi32>,
    %broadcast_in_dim3A_515 = arith.constant 0x7F80 : bf16
    %broadcast_in_dim3A_516 = vector.broadcast %broadcast_in_dim3A_515 : bf16 to vector<32xbf16>
    %scan3A = arith.constant 0 : i32
    %scan3A_517 = arith.constant 0 : i32
    %scan3A_518 = arith.constant 6 : i32
    %scan3A_519 = arith.addi %scan3A_517, %scan3A_518 : i32
    %scan3A_520 = arith.constant 1 : i32
    scf.for %scan3A_522 = %scan3A_517 to %scan3A_519 step %scan3A_520  : i32 {
      %scan3A_523 = arith.constant 0 : i32
      %scan3A_524 = arith.constant 0 : i32
      %scan3A_525 = arith.constant 313 : i32
      %scan3A_526 = arith.addi %scan3A_524, %scan3A_525 : i32
      %scan3A_527 = arith.constant 1 : i32
      scf.for %scan3A_575 = %scan3A_524 to %scan3A_526 step %scan3A_527  : i32 {
        %mul3A_576 = arith.constant 32 : i32
        %mul3A_577 = arith.muli %scan3A_575, %mul3A_576 : i32
        %swap3A_578 = arith.index_cast %mul3A_577 : i32 to index
        %swap3A_579 = tpu.vector_load %arg11[%swap3A_578] {strides = array<i32>} : memref<10016xbf16, #tpu.memory_space<vmem>>, vector<32xbf16>,
        tpu.vector_store %arg11[%swap3A_578], %broadcast_in_dim3A_516 {strides = array<i32>} : memref<10016xbf16, #tpu.memory_space<vmem>>, vector<32xbf16>,
      }
      %scan3A_528 = arith.constant 313 : i32
      %scan3A_529 = arith.constant 0 : i32
      %scan3A_530 = arith.constant 0 : i32
      %scan3A_531 = arith.constant 0 : i32
      %scan3A_532 = arith.constant 0 : i32
      %scan3A_533 = arith.constant 10 : i32
      %scan3A_534 = arith.addi %scan3A_532, %scan3A_533 : i32
      %scan3A_535 = arith.constant 1 : i32
      %scan3A_536:3 = scf.for %scan3A_575 = %scan3A_532 to %scan3A_534 step %scan3A_535 iter_args(%scan3A_576 = %scan3A_529, %scan3A_577 = %scan3A_530, %scan3A_578 = %scan3A_531) -> (i32, i32, i32)  : i32 {
        %mul3A_579 = arith.constant 160000 : i32
        %mul3A_580 = arith.muli %scan3A_522, %mul3A_579 : i32
        %mul3A_581 = arith.constant 16000 : i32
        %mul3A_582 = arith.muli %scan3A_575, %mul3A_581 : i32
        %add3A_583 = arith.addi %mul3A_580, %mul3A_582 : i32
        "tpu.region"() ({
          %run_scoped3A = tpu.sem_alloc : memref<!tpu.dma_semaphore, #tpu.memory_space<semaphore_mem>>
          %dma_start3A = tpu.memref_slice %arg4[%add3A_583] : memref<960000xi32, #tpu.memory_space<hbm>> -> memref<16000xi32, #tpu.memory_space<hbm>>
          %dma_start3A_595 = tpu.memref_slice %arg4[%add3A_583] : memref<960000xi32, #tpu.memory_space<hbm>> -> memref<16000xi32, #tpu.memory_space<hbm>>
          tpu.enqueue_dma source(%dma_start3A_595 : memref<16000xi32, #tpu.memory_space<hbm>>) target(%arg6 : memref<16000xi32, #tpu.memory_space<vmem>>) target_semaphore(%run_scoped3A : memref<!tpu.dma_semaphore, #tpu.memory_space<semaphore_mem>>)
          %dma_wait3A = tpu.memref_slice %arg4[%add3A_583] : memref<960000xi32, #tpu.memory_space<hbm>> -> memref<16000xi32, #tpu.memory_space<hbm>>
          %dma_wait3A_596 = tpu.memref_slice %arg4[%add3A_583] : memref<960000xi32, #tpu.memory_space<hbm>> -> memref<16000xi32, #tpu.memory_space<hbm>>
          tpu.wait_dma2 semaphore(%run_scoped3A : memref<!tpu.dma_semaphore, #tpu.memory_space<semaphore_mem>>) src(%dma_wait3A_596 : memref<16000xi32, #tpu.memory_space<hbm>>) dst(%arg6 : memref<16000xi32, #tpu.memory_space<vmem>>)
          tpu.yield
        }) : () -> ()
        %mul3A_584 = arith.constant 160000 : i32
        %mul3A_585 = arith.muli %scan3A_522, %mul3A_584 : i32
        %mul3A_586 = arith.constant 16000 : i32
        %mul3A_587 = arith.muli %scan3A_575, %mul3A_586 : i32
        %add3A_588 = arith.addi %mul3A_585, %mul3A_587 : i32
        "tpu.region"() ({
          %run_scoped3A = tpu.sem_alloc : memref<!tpu.dma_semaphore, #tpu.memory_space<semaphore_mem>>
          %dma_start3A = tpu.memref_slice %arg3[%add3A_588] : memref<960000xi32, #tpu.memory_space<hbm>> -> memref<16000xi32, #tpu.memory_space<hbm>>
          %dma_start3A_595 = tpu.memref_slice %arg3[%add3A_588] : memref<960000xi32, #tpu.memory_space<hbm>> -> memref<16000xi32, #tpu.memory_space<hbm>>
          tpu.enqueue_dma source(%dma_start3A_595 : memref<16000xi32, #tpu.memory_space<hbm>>) target(%arg7 : memref<16000xi32, #tpu.memory_space<vmem>>) target_semaphore(%run_scoped3A : memref<!tpu.dma_semaphore, #tpu.memory_space<semaphore_mem>>)
          %dma_wait3A = tpu.memref_slice %arg3[%add3A_588] : memref<960000xi32, #tpu.memory_space<hbm>> -> memref<16000xi32, #tpu.memory_space<hbm>>
          %dma_wait3A_596 = tpu.memref_slice %arg3[%add3A_588] : memref<960000xi32, #tpu.memory_space<hbm>> -> memref<16000xi32, #tpu.memory_space<hbm>>
          tpu.wait_dma2 semaphore(%run_scoped3A : memref<!tpu.dma_semaphore, #tpu.memory_space<semaphore_mem>>) src(%dma_wait3A_596 : memref<16000xi32, #tpu.memory_space<hbm>>) dst(%arg7 : memref<16000xi32, #tpu.memory_space<vmem>>)
          tpu.yield
        }) : () -> ()
        %scan3A_589 = arith.constant 0 : i32
        %scan3A_590 = arith.constant 1000 : i32
        %scan3A_591 = arith.addi %scan3A_589, %scan3A_590 : i32
        %scan3A_592 = arith.constant 8 : i32
        %scan3A_593:3 = scf.for %scan3A_595 = %scan3A_589 to %scan3A_591 step %scan3A_592 iter_args(%scan3A_596 = %scan3A_576, %scan3A_597 = %scan3A_577, %scan3A_598 = %scan3A_578) -> (i32, i32, i32)  : i32 {
          %and3A_599 = arith.constant 1 : i32
          %and3A_600 = arith.andi %scan3A_597, %and3A_599 : i32
          %mul3A_601 = arith.constant 16 : i32
          %mul3A_602 = arith.muli %scan3A_595, %mul3A_601 : i32
          %get3A = arith.index_cast %mul3A_602 : i32 to index
          %get3A_603 = tpu.vector_load %arg6[%get3A] {strides = array<i32>} : memref<16000xi32, #tpu.memory_space<vmem>>, vector<16xi32>,
          %mul3A_604 = arith.constant 16 : i32
          %mul3A_605 = arith.muli %scan3A_595, %mul3A_604 : i32
          %get3A_606 = arith.index_cast %mul3A_605 : i32 to index
          %get3A_607 = tpu.vector_load %arg7[%get3A_606] {strides = array<i32>} : memref<16000xi32, #tpu.memory_space<vmem>>, vector<16xi32>,
          %ge3A = vector.broadcast %mul3A_2 : i32 to vector<16xi32>
          %ge3A_608 = arith.cmpi sge, %get3A_603, %ge3A : vector<16xi32>
          %add3A_609 = arith.constant 313 : i32
          %add3A_610 = arith.addi %mul3A_2, %add3A_609 : i32
          %lt3A = vector.broadcast %add3A_610 : i32 to vector<16xi32>
          %lt3A_611 = arith.cmpi slt, %get3A_603, %lt3A : vector<16xi32>
          %and3A_612 = arith.andi %ge3A_608, %lt3A_611 : vector<16xi1>
          %all_reduce_population_count3A = tpu.all_reduce %and3A_612 {dim = 0 : i64, kind = #tpu.reduction_kind<sum>} : vector<16xi1> -> vector<16xi32>
          %slice3A = vector.extract_strided_slice %all_reduce_population_count3A {offsets = [0], sizes = [1], strides = [1]} : vector<16xi32> to vector<1xi32>
          %squeeze3A = vector.extract %slice3A[0] : i32 from vector<1xi32>
          %swap3A_613 = arith.constant 0 : i32
          %swap3A_614 = tpu.memref_slice %arg8[%and3A_600, %swap3A_613] : memref<2x512xi32, #tpu.memory_space<vmem>> -> memref<1x512xi32, #tpu.memory_space<vmem>>
          %swap3A_615 = tpu.memref_squeeze %swap3A_614 : memref<1x512xi32, #tpu.memory_space<vmem>> -> memref<512xi32, #tpu.memory_space<vmem>>
          %swap3A_616 = arith.index_cast %scan3A_596 : i32 to index
          %swap3A_617 = tpu.vector_load %swap3A_615[%swap3A_616] masked %and3A_612 {strides = array<i32>} : memref<512xi32, #tpu.memory_space<vmem>>, vector<16xi32>, vector<16xi1>
          tpu.vector_store %swap3A_615[%swap3A_616], %get3A_607 masked %and3A_612 {strides = array<i32>} : memref<512xi32, #tpu.memory_space<vmem>>, vector<16xi32>, vector<16xi1>
          %sub3A_618 = vector.broadcast %mul3A_2 : i32 to vector<16xi32>
          %sub3A_619 = arith.subi %get3A_603, %sub3A_618 : vector<16xi32>
          %swap3A_620 = arith.constant 0 : i32
          %swap3A_621 = tpu.memref_slice %arg9[%and3A_600, %swap3A_620] : memref<2x528xi32, #tpu.memory_space<vmem>> -> memref<1x528xi32, #tpu.memory_space<vmem>>
          %swap3A_622 = tpu.memref_squeeze %swap3A_621 : memref<1x528xi32, #tpu.memory_space<vmem>> -> memref<528xi32, #tpu.memory_space<vmem>>
          %swap3A_623 = arith.index_cast %scan3A_596 : i32 to index
          %swap3A_624 = tpu.vector_load %swap3A_622[%swap3A_623] masked %and3A_612 {strides = array<i32>} : memref<528xi32, #tpu.memory_space<vmem>>, vector<16xi32>, vector<16xi1>
          tpu.vector_store %swap3A_622[%swap3A_623], %sub3A_619 masked %and3A_612 {strides = array<i32>} : memref<528xi32, #tpu.memory_space<vmem>>, vector<16xi32>, vector<16xi1>
          %add3A_625 = arith.addi %scan3A_596, %squeeze3A : i32
          %gt3A_626 = arith.constant 496 : i32
          %gt3A_627 = arith.cmpi sgt, %add3A_625, %gt3A_626 : i32
          %convert_element_type3A_628 = arith.extui %gt3A_627 : i1 to i32
          %cond3A_629 = arith.constant 0 : i32
          %cond3A_630 = arith.cmpi ne, %convert_element_type3A_628, %cond3A_629 : i32
          %cond3A_631:3 = scf.if %cond3A_630 -> (i32, i32, i32) {
            %and3A_919 = arith.constant 1 : i32
            %and3A_920 = arith.andi %scan3A_597, %and3A_919 : i32
            %gt3A_921 = arith.constant 0 : i32
            %gt3A_922 = arith.cmpi sgt, %scan3A_598, %gt3A_921 : i32
            %convert_element_type3A_923 = arith.extui %gt3A_922 : i1 to i32
            %cond3A_924 = arith.constant 0 : i32
            %cond3A_925 = arith.constant 0 : i32
            %cond3A_926 = arith.cmpi ne, %convert_element_type3A_923, %cond3A_925 : i32
            %cond3A_927 = scf.if %cond3A_926 -> (i32) {
              %dma_wait3A = arith.constant 0 : i32
              %dma_wait3A_952 = arith.constant 0 : i32
              %dma_wait3A_953 = arith.constant 0 : i32
              %dma_wait3A_954 = arith.constant 0 : i32
              %dma_wait3A_955 = tpu.memref_slice %arg10[%dma_wait3A_952, %dma_wait3A_953, %dma_wait3A_954] : memref<2x512x32xbf16, #tpu.memory_space<vmem>> -> memref<1x512x32xbf16, #tpu.memory_space<vmem>>
              %dma_wait3A_956 = tpu.memref_squeeze %dma_wait3A_955 : memref<1x512x32xbf16, #tpu.memory_space<vmem>> -> memref<512x32xbf16, #tpu.memory_space<vmem>>
              %dma_wait3A_957 = arith.constant 0 : i32
              %dma_wait3A_958 = tpu.memref_slice %arg8[%dma_wait3A, %dma_wait3A_957] : memref<2x512xi32, #tpu.memory_space<vmem>> -> memref<1x512xi32, #tpu.memory_space<vmem>>
              %dma_wait3A_959 = tpu.memref_squeeze %dma_wait3A_958 : memref<1x512xi32, #tpu.memory_space<vmem>> -> memref<512xi32, #tpu.memory_space<vmem>>
              %dma_wait3A_960 = arith.constant 0 : i32
              %dma_wait3A_961 = arith.constant 0 : i32
              %dma_wait3A_962 = tpu.memref_slice %arg2[%dma_wait3A_960, %dma_wait3A_961] : memref<20000x32xbf16, #tpu.memory_space<hbm>> -> memref<20000x32xbf16, #tpu.memory_space<hbm>>
              tpu.wait_indirect_dma semaphore(%arg12 : memref<!tpu.dma_semaphore, #tpu.memory_space<semaphore_mem>>) src(%dma_wait3A_962 : memref<20000x32xbf16, #tpu.memory_space<hbm>>) dst(%dma_wait3A_956 : memref<512x32xbf16, #tpu.memory_space<vmem>>)
              %cond3A_963 = arith.constant 0 : i32
              scf.yield %cond3A_963 : i32
            } else {
              %cond3A_952 = arith.constant 0 : i32
              scf.yield %cond3A_952 : i32
            }
            %dma_start3A = arith.constant 0 : i32
            %dma_start3A_928 = arith.constant 0 : i32
            %dma_start3A_929 = tpu.memref_slice %arg10[%and3A_920, %dma_start3A, %dma_start3A_928] : memref<2x512x32xbf16, #tpu.memory_space<vmem>> -> memref<1x512x32xbf16, #tpu.memory_space<vmem>>
            %dma_start3A_930 = tpu.memref_squeeze %dma_start3A_929 : memref<1x512x32xbf16, #tpu.memory_space<vmem>> -> memref<512x32xbf16, #tpu.memory_space<vmem>>
            %dma_start3A_931 = arith.constant 0 : i32
            %dma_start3A_932 = tpu.memref_slice %arg8[%and3A_920, %dma_start3A_931] : memref<2x512xi32, #tpu.memory_space<vmem>> -> memref<1x512xi32, #tpu.memory_space<vmem>>
            %dma_start3A_933 = tpu.memref_squeeze %dma_start3A_932 : memref<1x512xi32, #tpu.memory_space<vmem>> -> memref<512xi32, #tpu.memory_space<vmem>>
            %dma_start3A_934 = arith.constant 0 : i32
            %dma_start3A_935 = arith.constant 0 : i32
            %dma_start3A_936 = tpu.memref_slice %arg2[%dma_start3A_934, %dma_start3A_935] : memref<20000x32xbf16, #tpu.memory_space<hbm>> -> memref<20000x32xbf16, #tpu.memory_space<hbm>>
            tpu.enqueue_indirect_dma source(%dma_start3A_936 : memref<20000x32xbf16, #tpu.memory_space<hbm>>) target(%dma_start3A_930 : memref<512x32xbf16, #tpu.memory_space<vmem>>) offsets(%dma_start3A_933 : memref<512xi32, #tpu.memory_space<vmem>>) semaphore(%arg12 : memref<!tpu.dma_semaphore, #tpu.memory_space<semaphore_mem>>)
            %sub3A_937 = arith.constant 1 : i32
            %sub3A_938 = arith.subi %sub3A_937, %and3A_920 : i32
            %while3A_939 = arith.constant 0 : i32
            %while3A_940 = arith.constant 0 : i32
            %while3A_941 = arith.subi %scan3A_598, %while3A_940 : i32
            %while3A_942 = arith.addi %while3A_940, %while3A_941 : i32
            %while3A_943 = arith.constant 1 : i32
            %while3A_944 = arith.divsi %while3A_941, %while3A_943 : i32
            %while3A_945 = arith.muli %while3A_944, %while3A_943 : i32
            %while3A_946 = arith.addi %while3A_940, %while3A_945 : i32
            %while3A_947 = arith.constant 1 : i32
            scf.for %while3A_952 = %while3A_940 to %while3A_946 step %while3A_947  : i32 {
              %get3A_953 = arith.index_cast %sub3A_938 : i32 to index
              %get3A_954 = arith.index_cast %while3A_952 : i32 to index
              %get3A_955 = tpu.vector_load %arg9[%get3A_953, %get3A_954] {strides = array<i32>} : memref<2x528xi32, #tpu.memory_space<vmem>>, vector<16xi32>,
              %slice3A_956 = vector.extract_strided_slice %get3A_955 {offsets = [0], sizes = [1], strides = [1]} : vector<16xi32> to vector<1xi32>
              %squeeze3A_957 = vector.extract %slice3A_956[0] : i32 from vector<1xi32>
              %mul3A_958 = arith.constant 32 : i32
              %mul3A_959 = arith.muli %squeeze3A_957, %mul3A_958 : i32
              %get3A_960 = arith.index_cast %sub3A_938 : i32 to index
              %get3A_961 = arith.index_cast %while3A_952 : i32 to index
              %get3A_962 = arith.constant 0 : index
              %get3A_963 = tpu.vector_load %arg10[%get3A_960, %get3A_961, %get3A_962] {strides = array<i32>} : memref<2x512x32xbf16, #tpu.memory_space<vmem>>, vector<32xbf16>,
              %get3A_964 = arith.index_cast %mul3A_959 : i32 to index
              %get3A_965 = tpu.vector_load %arg11[%get3A_964] {strides = array<i32>} : memref<10016xbf16, #tpu.memory_space<vmem>>, vector<32xbf16>,
              %min3A = arith.minimumf %get3A_965, %get3A_963 : vector<32xbf16>
              %swap3A_966 = arith.index_cast %mul3A_959 : i32 to index
              %swap3A_967 = tpu.vector_load %arg11[%swap3A_966] {strides = array<i32>} : memref<10016xbf16, #tpu.memory_space<vmem>>, vector<32xbf16>,
              tpu.vector_store %arg11[%swap3A_966], %min3A {strides = array<i32>} : memref<10016xbf16, #tpu.memory_space<vmem>>, vector<32xbf16>,
            }
            %while3A_948 = arith.constant 1 : i32
            scf.for %while3A_952 = %while3A_946 to %while3A_942 step %while3A_948  : i32 {
              %get3A_953 = arith.index_cast %sub3A_938 : i32 to index
              %get3A_954 = arith.index_cast %while3A_952 : i32 to index
              %get3A_955 = tpu.vector_load %arg9[%get3A_953, %get3A_954] {strides = array<i32>} : memref<2x528xi32, #tpu.memory_space<vmem>>, vector<16xi32>,
              %slice3A_956 = vector.extract_strided_slice %get3A_955 {offsets = [0], sizes = [1], strides = [1]} : vector<16xi32> to vector<1xi32>
              %squeeze3A_957 = vector.extract %slice3A_956[0] : i32 from vector<1xi32>
              %mul3A_958 = arith.constant 32 : i32
              %mul3A_959 = arith.muli %squeeze3A_957, %mul3A_958 : i32
              %get3A_960 = arith.index_cast %sub3A_938 : i32 to index
              %get3A_961 = arith.index_cast %while3A_952 : i32 to index
              %get3A_962 = arith.constant 0 : index
              %get3A_963 = tpu.vector_load %arg10[%get3A_960, %get3A_961, %get3A_962] {strides = array<i32>} : memref<2x512x32xbf16, #tpu.memory_space<vmem>>, vector<32xbf16>,
              %get3A_964 = arith.index_cast %mul3A_959 : i32 to index
              %get3A_965 = tpu.vector_load %arg11[%get3A_964] {strides = array<i32>} : memref<10016xbf16, #tpu.memory_space<vmem>>, vector<32xbf16>,
              %min3A = arith.minimumf %get3A_965, %get3A_963 : vector<32xbf16>
              %swap3A_966 = arith.index_cast %mul3A_959 : i32 to index
              %swap3A_967 = tpu.vector_load %arg11[%swap3A_966] {strides = array<i32>} : memref<10016xbf16, #tpu.memory_space<vmem>>, vector<32xbf16>,
              tpu.vector_store %arg11[%swap3A_966], %min3A {strides = array<i32>} : memref<10016xbf16, #tpu.memory_space<vmem>>, vector<32xbf16>,
            }
            %add3A_949 = arith.constant 1 : i32
            %add3A_950 = arith.addi %scan3A_597, %add3A_949 : i32
            %cond3A_951 = arith.constant 0 : i32
            scf.yield %cond3A_951, %add3A_950, %add3A_625 : i32, i32, i32
          } else {
            scf.yield %add3A_625, %scan3A_597, %scan3A_598 : i32, i32, i32
          }
          %scan3A_632 = arith.constant 1 : i32
          %scan3A_633 = arith.addi %scan3A_595, %scan3A_632 : i32
          %and3A_634 = arith.constant 1 : i32
          %and3A_635 = arith.andi %cond3A_631#1, %and3A_634 : i32
          %mul3A_636 = arith.constant 16 : i32
          %mul3A_637 = arith.muli %scan3A_633, %mul3A_636 : i32
          %get3A_638 = arith.index_cast %mul3A_637 : i32 to index
          %get3A_639 = tpu.vector_load %arg6[%get3A_638] {strides = array<i32>} : memref<16000xi32, #tpu.memory_space<vmem>>, vector<16xi32>,
          %mul3A_640 = arith.constant 16 : i32
          %mul3A_641 = arith.muli %scan3A_633, %mul3A_640 : i32
          %get3A_642 = arith.index_cast %mul3A_641 : i32 to index
          %get3A_643 = tpu.vector_load %arg7[%get3A_642] {strides = array<i32>} : memref<16000xi32, #tpu.memory_space<vmem>>, vector<16xi32>,
          %ge3A_644 = vector.broadcast %mul3A_2 : i32 to vector<16xi32>
          %ge3A_645 = arith.cmpi sge, %get3A_639, %ge3A_644 : vector<16xi32>
          %add3A_646 = arith.constant 313 : i32
          %add3A_647 = arith.addi %mul3A_2, %add3A_646 : i32
          %lt3A_648 = vector.broadcast %add3A_647 : i32 to vector<16xi32>
          %lt3A_649 = arith.cmpi slt, %get3A_639, %lt3A_648 : vector<16xi32>
          %and3A_650 = arith.andi %ge3A_645, %lt3A_649 : vector<16xi1>
          %all_reduce_population_count3A_651 = tpu.all_reduce %and3A_650 {dim = 0 : i64, kind = #tpu.reduction_kind<sum>} : vector<16xi1> -> vector<16xi32>
          %slice3A_652 = vector.extract_strided_slice %all_reduce_population_count3A_651 {offsets = [0], sizes = [1], strides = [1]} : vector<16xi32> to vector<1xi32>
          %squeeze3A_653 = vector.extract %slice3A_652[0] : i32 from vector<1xi32>
          %swap3A_654 = arith.constant 0 : i32
          %swap3A_655 = tpu.memref_slice %arg8[%and3A_635, %swap3A_654] : memref<2x512xi32, #tpu.memory_space<vmem>> -> memref<1x512xi32, #tpu.memory_space<vmem>>
          %swap3A_656 = tpu.memref_squeeze %swap3A_655 : memref<1x512xi32, #tpu.memory_space<vmem>> -> memref<512xi32, #tpu.memory_space<vmem>>
          %swap3A_657 = arith.index_cast %cond3A_631#0 : i32 to index
          %swap3A_658 = tpu.vector_load %swap3A_656[%swap3A_657] masked %and3A_650 {strides = array<i32>} : memref<512xi32, #tpu.memory_space<vmem>>, vector<16xi32>, vector<16xi1>
          tpu.vector_store %swap3A_656[%swap3A_657], %get3A_643 masked %and3A_650 {strides = array<i32>} : memref<512xi32, #tpu.memory_space<vmem>>, vector<16xi32>, vector<16xi1>
          %sub3A_659 = vector.broadcast %mul3A_2 : i32 to vector<16xi32>
          %sub3A_660 = arith.subi %get3A_639, %sub3A_659 : vector<16xi32>
          %swap3A_661 = arith.constant 0 : i32
          %swap3A_662 = tpu.memref_slice %arg9[%and3A_635, %swap3A_661] : memref<2x528xi32, #tpu.memory_space<vmem>> -> memref<1x528xi32, #tpu.memory_space<vmem>>
          %swap3A_663 = tpu.memref_squeeze %swap3A_662 : memref<1x528xi32, #tpu.memory_space<vmem>> -> memref<528xi32, #tpu.memory_space<vmem>>
          %swap3A_664 = arith.index_cast %cond3A_631#0 : i32 to index
          %swap3A_665 = tpu.vector_load %swap3A_663[%swap3A_664] masked %and3A_650 {strides = array<i32>} : memref<528xi32, #tpu.memory_space<vmem>>, vector<16xi32>, vector<16xi1>
          tpu.vector_store %swap3A_663[%swap3A_664], %sub3A_660 masked %and3A_650 {strides = array<i32>} : memref<528xi32, #tpu.memory_space<vmem>>, vector<16xi32>, vector<16xi1>
          %add3A_666 = arith.addi %cond3A_631#0, %squeeze3A_653 : i32
          %gt3A_667 = arith.constant 496 : i32
          %gt3A_668 = arith.cmpi sgt, %add3A_666, %gt3A_667 : i32
          %convert_element_type3A_669 = arith.extui %gt3A_668 : i1 to i32
          %cond3A_670 = arith.constant 0 : i32
          %cond3A_671 = arith.cmpi ne, %convert_element_type3A_669, %cond3A_670 : i32
          %cond3A_672:3 = scf.if %cond3A_671 -> (i32, i32, i32) {
            %and3A_919 = arith.constant 1 : i32
            %and3A_920 = arith.andi %cond3A_631#1, %and3A_919 : i32
            %gt3A_921 = arith.constant 0 : i32
            %gt3A_922 = arith.cmpi sgt, %cond3A_631#2, %gt3A_921 : i32
            %convert_element_type3A_923 = arith.extui %gt3A_922 : i1 to i32
            %cond3A_924 = arith.constant 0 : i32
            %cond3A_925 = arith.constant 0 : i32
            %cond3A_926 = arith.cmpi ne, %convert_element_type3A_923, %cond3A_925 : i32
            %cond3A_927 = scf.if %cond3A_926 -> (i32) {
              %dma_wait3A = arith.constant 0 : i32
              %dma_wait3A_952 = arith.constant 0 : i32
              %dma_wait3A_953 = arith.constant 0 : i32
              %dma_wait3A_954 = arith.constant 0 : i32
              %dma_wait3A_955 = tpu.memref_slice %arg10[%dma_wait3A_952, %dma_wait3A_953, %dma_wait3A_954] : memref<2x512x32xbf16, #tpu.memory_space<vmem>> -> memref<1x512x32xbf16, #tpu.memory_space<vmem>>
              %dma_wait3A_956 = tpu.memref_squeeze %dma_wait3A_955 : memref<1x512x32xbf16, #tpu.memory_space<vmem>> -> memref<512x32xbf16, #tpu.memory_space<vmem>>
              %dma_wait3A_957 = arith.constant 0 : i32
              %dma_wait3A_958 = tpu.memref_slice %arg8[%dma_wait3A, %dma_wait3A_957] : memref<2x512xi32, #tpu.memory_space<vmem>> -> memref<1x512xi32, #tpu.memory_space<vmem>>
              %dma_wait3A_959 = tpu.memref_squeeze %dma_wait3A_958 : memref<1x512xi32, #tpu.memory_space<vmem>> -> memref<512xi32, #tpu.memory_space<vmem>>
              %dma_wait3A_960 = arith.constant 0 : i32
              %dma_wait3A_961 = arith.constant 0 : i32
              %dma_wait3A_962 = tpu.memref_slice %arg2[%dma_wait3A_960, %dma_wait3A_961] : memref<20000x32xbf16, #tpu.memory_space<hbm>> -> memref<20000x32xbf16, #tpu.memory_space<hbm>>
              tpu.wait_indirect_dma semaphore(%arg12 : memref<!tpu.dma_semaphore, #tpu.memory_space<semaphore_mem>>) src(%dma_wait3A_962 : memref<20000x32xbf16, #tpu.memory_space<hbm>>) dst(%dma_wait3A_956 : memref<512x32xbf16, #tpu.memory_space<vmem>>)
              %cond3A_963 = arith.constant 0 : i32
              scf.yield %cond3A_963 : i32
            } else {
              %cond3A_952 = arith.constant 0 : i32
              scf.yield %cond3A_952 : i32
            }
            %dma_start3A = arith.constant 0 : i32
            %dma_start3A_928 = arith.constant 0 : i32
            %dma_start3A_929 = tpu.memref_slice %arg10[%and3A_920, %dma_start3A, %dma_start3A_928] : memref<2x512x32xbf16, #tpu.memory_space<vmem>> -> memref<1x512x32xbf16, #tpu.memory_space<vmem>>
            %dma_start3A_930 = tpu.memref_squeeze %dma_start3A_929 : memref<1x512x32xbf16, #tpu.memory_space<vmem>> -> memref<512x32xbf16, #tpu.memory_space<vmem>>
            %dma_start3A_931 = arith.constant 0 : i32
            %dma_start3A_932 = tpu.memref_slice %arg8[%and3A_920, %dma_start3A_931] : memref<2x512xi32, #tpu.memory_space<vmem>> -> memref<1x512xi32, #tpu.memory_space<vmem>>
            %dma_start3A_933 = tpu.memref_squeeze %dma_start3A_932 : memref<1x512xi32, #tpu.memory_space<vmem>> -> memref<512xi32, #tpu.memory_space<vmem>>
            %dma_start3A_934 = arith.constant 0 : i32
            %dma_start3A_935 = arith.constant 0 : i32
            %dma_start3A_936 = tpu.memref_slice %arg2[%dma_start3A_934, %dma_start3A_935] : memref<20000x32xbf16, #tpu.memory_space<hbm>> -> memref<20000x32xbf16, #tpu.memory_space<hbm>>
            tpu.enqueue_indirect_dma source(%dma_start3A_936 : memref<20000x32xbf16, #tpu.memory_space<hbm>>) target(%dma_start3A_930 : memref<512x32xbf16, #tpu.memory_space<vmem>>) offsets(%dma_start3A_933 : memref<512xi32, #tpu.memory_space<vmem>>) semaphore(%arg12 : memref<!tpu.dma_semaphore, #tpu.memory_space<semaphore_mem>>)
            %sub3A_937 = arith.constant 1 : i32
            %sub3A_938 = arith.subi %sub3A_937, %and3A_920 : i32
            %while3A_939 = arith.constant 0 : i32
            %while3A_940 = arith.constant 0 : i32
            %while3A_941 = arith.subi %cond3A_631#2, %while3A_940 : i32
            %while3A_942 = arith.addi %while3A_940, %while3A_941 : i32
            %while3A_943 = arith.constant 1 : i32
            %while3A_944 = arith.divsi %while3A_941, %while3A_943 : i32
            %while3A_945 = arith.muli %while3A_944, %while3A_943 : i32
            %while3A_946 = arith.addi %while3A_940, %while3A_945 : i32
            %while3A_947 = arith.constant 1 : i32
            scf.for %while3A_952 = %while3A_940 to %while3A_946 step %while3A_947  : i32 {
              %get3A_953 = arith.index_cast %sub3A_938 : i32 to index
              %get3A_954 = arith.index_cast %while3A_952 : i32 to index
              %get3A_955 = tpu.vector_load %arg9[%get3A_953, %get3A_954] {strides = array<i32>} : memref<2x528xi32, #tpu.memory_space<vmem>>, vector<16xi32>,
              %slice3A_956 = vector.extract_strided_slice %get3A_955 {offsets = [0], sizes = [1], strides = [1]} : vector<16xi32> to vector<1xi32>
              %squeeze3A_957 = vector.extract %slice3A_956[0] : i32 from vector<1xi32>
              %mul3A_958 = arith.constant 32 : i32
              %mul3A_959 = arith.muli %squeeze3A_957, %mul3A_958 : i32
              %get3A_960 = arith.index_cast %sub3A_938 : i32 to index
              %get3A_961 = arith.index_cast %while3A_952 : i32 to index
              %get3A_962 = arith.constant 0 : index
              %get3A_963 = tpu.vector_load %arg10[%get3A_960, %get3A_961, %get3A_962] {strides = array<i32>} : memref<2x512x32xbf16, #tpu.memory_space<vmem>>, vector<32xbf16>,
              %get3A_964 = arith.index_cast %mul3A_959 : i32 to index
              %get3A_965 = tpu.vector_load %arg11[%get3A_964] {strides = array<i32>} : memref<10016xbf16, #tpu.memory_space<vmem>>, vector<32xbf16>,
              %min3A = arith.minimumf %get3A_965, %get3A_963 : vector<32xbf16>
              %swap3A_966 = arith.index_cast %mul3A_959 : i32 to index
              %swap3A_967 = tpu.vector_load %arg11[%swap3A_966] {strides = array<i32>} : memref<10016xbf16, #tpu.memory_space<vmem>>, vector<32xbf16>,
              tpu.vector_store %arg11[%swap3A_966], %min3A {strides = array<i32>} : memref<10016xbf16, #tpu.memory_space<vmem>>, vector<32xbf16>,
            }
            %while3A_948 = arith.constant 1 : i32
            scf.for %while3A_952 = %while3A_946 to %while3A_942 step %while3A_948  : i32 {
              %get3A_953 = arith.index_cast %sub3A_938 : i32 to index
              %get3A_954 = arith.index_cast %while3A_952 : i32 to index
              %get3A_955 = tpu.vector_load %arg9[%get3A_953, %get3A_954] {strides = array<i32>} : memref<2x528xi32, #tpu.memory_space<vmem>>, vector<16xi32>,
              %slice3A_956 = vector.extract_strided_slice %get3A_955 {offsets = [0], sizes = [1], strides = [1]} : vector<16xi32> to vector<1xi32>
              %squeeze3A_957 = vector.extract %slice3A_956[0] : i32 from vector<1xi32>
              %mul3A_958 = arith.constant 32 : i32
              %mul3A_959 = arith.muli %squeeze3A_957, %mul3A_958 : i32
              %get3A_960 = arith.index_cast %sub3A_938 : i32 to index
              %get3A_961 = arith.index_cast %while3A_952 : i32 to index
              %get3A_962 = arith.constant 0 : index
              %get3A_963 = tpu.vector_load %arg10[%get3A_960, %get3A_961, %get3A_962] {strides = array<i32>} : memref<2x512x32xbf16, #tpu.memory_space<vmem>>, vector<32xbf16>,
              %get3A_964 = arith.index_cast %mul3A_959 : i32 to index
              %get3A_965 = tpu.vector_load %arg11[%get3A_964] {strides = array<i32>} : memref<10016xbf16, #tpu.memory_space<vmem>>, vector<32xbf16>,
              %min3A = arith.minimumf %get3A_965, %get3A_963 : vector<32xbf16>
              %swap3A_966 = arith.index_cast %mul3A_959 : i32 to index
              %swap3A_967 = tpu.vector_load %arg11[%swap3A_966] {strides = array<i32>} : memref<10016xbf16, #tpu.memory_space<vmem>>, vector<32xbf16>,
              tpu.vector_store %arg11[%swap3A_966], %min3A {strides = array<i32>} : memref<10016xbf16, #tpu.memory_space<vmem>>, vector<32xbf16>,
            }
            %add3A_949 = arith.constant 1 : i32
            %add3A_950 = arith.addi %cond3A_631#1, %add3A_949 : i32
            %cond3A_951 = arith.constant 0 : i32
            scf.yield %cond3A_951, %add3A_950, %add3A_666 : i32, i32, i32
          } else {
            scf.yield %add3A_666, %cond3A_631#1, %cond3A_631#2 : i32, i32, i32
          }
          %scan3A_673 = arith.constant 2 : i32
          %scan3A_674 = arith.addi %scan3A_595, %scan3A_673 : i32
          %and3A_675 = arith.constant 1 : i32
          %and3A_676 = arith.andi %cond3A_672#1, %and3A_675 : i32
          %mul3A_677 = arith.constant 16 : i32
          %mul3A_678 = arith.muli %scan3A_674, %mul3A_677 : i32
          %get3A_679 = arith.index_cast %mul3A_678 : i32 to index
          %get3A_680 = tpu.vector_load %arg6[%get3A_679] {strides = array<i32>} : memref<16000xi32, #tpu.memory_space<vmem>>, vector<16xi32>,
          %mul3A_681 = arith.constant 16 : i32
          %mul3A_682 = arith.muli %scan3A_674, %mul3A_681 : i32
          %get3A_683 = arith.index_cast %mul3A_682 : i32 to index
          %get3A_684 = tpu.vector_load %arg7[%get3A_683] {strides = array<i32>} : memref<16000xi32, #tpu.memory_space<vmem>>, vector<16xi32>,
          %ge3A_685 = vector.broadcast %mul3A_2 : i32 to vector<16xi32>
          %ge3A_686 = arith.cmpi sge, %get3A_680, %ge3A_685 : vector<16xi32>
          %add3A_687 = arith.constant 313 : i32
          %add3A_688 = arith.addi %mul3A_2, %add3A_687 : i32
          %lt3A_689 = vector.broadcast %add3A_688 : i32 to vector<16xi32>
          %lt3A_690 = arith.cmpi slt, %get3A_680, %lt3A_689 : vector<16xi32>
          %and3A_691 = arith.andi %ge3A_686, %lt3A_690 : vector<16xi1>
          %all_reduce_population_count3A_692 = tpu.all_reduce %and3A_691 {dim = 0 : i64, kind = #tpu.reduction_kind<sum>} : vector<16xi1> -> vector<16xi32>
          %slice3A_693 = vector.extract_strided_slice %all_reduce_population_count3A_692 {offsets = [0], sizes = [1], strides = [1]} : vector<16xi32> to vector<1xi32>
          %squeeze3A_694 = vector.extract %slice3A_693[0] : i32 from vector<1xi32>
          %swap3A_695 = arith.constant 0 : i32
          %swap3A_696 = tpu.memref_slice %arg8[%and3A_676, %swap3A_695] : memref<2x512xi32, #tpu.memory_space<vmem>> -> memref<1x512xi32, #tpu.memory_space<vmem>>
          %swap3A_697 = tpu.memref_squeeze %swap3A_696 : memref<1x512xi32, #tpu.memory_space<vmem>> -> memref<512xi32, #tpu.memory_space<vmem>>
          %swap3A_698 = arith.index_cast %cond3A_672#0 : i32 to index
          %swap3A_699 = tpu.vector_load %swap3A_697[%swap3A_698] masked %and3A_691 {strides = array<i32>} : memref<512xi32, #tpu.memory_space<vmem>>, vector<16xi32>, vector<16xi1>
          tpu.vector_store %swap3A_697[%swap3A_698], %get3A_684 masked %and3A_691 {strides = array<i32>} : memref<512xi32, #tpu.memory_space<vmem>>, vector<16xi32>, vector<16xi1>
          %sub3A_700 = vector.broadcast %mul3A_2 : i32 to vector<16xi32>
          %sub3A_701 = arith.subi %get3A_680, %sub3A_700 : vector<16xi32>
          %swap3A_702 = arith.constant 0 : i32
          %swap3A_703 = tpu.memref_slice %arg9[%and3A_676, %swap3A_702] : memref<2x528xi32, #tpu.memory_space<vmem>> -> memref<1x528xi32, #tpu.memory_space<vmem>>
          %swap3A_704 = tpu.memref_squeeze %swap3A_703 : memref<1x528xi32, #tpu.memory_space<vmem>> -> memref<528xi32, #tpu.memory_space<vmem>>
          %swap3A_705 = arith.index_cast %cond3A_672#0 : i32 to index
          %swap3A_706 = tpu.vector_load %swap3A_704[%swap3A_705] masked %and3A_691 {strides = array<i32>} : memref<528xi32, #tpu.memory_space<vmem>>, vector<16xi32>, vector<16xi1>
          tpu.vector_store %swap3A_704[%swap3A_705], %sub3A_701 masked %and3A_691 {strides = array<i32>} : memref<528xi32, #tpu.memory_space<vmem>>, vector<16xi32>, vector<16xi1>
          %add3A_707 = arith.addi %cond3A_672#0, %squeeze3A_694 : i32
          %gt3A_708 = arith.constant 496 : i32
          %gt3A_709 = arith.cmpi sgt, %add3A_707, %gt3A_708 : i32
          %convert_element_type3A_710 = arith.extui %gt3A_709 : i1 to i32
          %cond3A_711 = arith.constant 0 : i32
          %cond3A_712 = arith.cmpi ne, %convert_element_type3A_710, %cond3A_711 : i32
          %cond3A_713:3 = scf.if %cond3A_712 -> (i32, i32, i32) {
            %and3A_919 = arith.constant 1 : i32
            %and3A_920 = arith.andi %cond3A_672#1, %and3A_919 : i32
            %gt3A_921 = arith.constant 0 : i32
            %gt3A_922 = arith.cmpi sgt, %cond3A_672#2, %gt3A_921 : i32
            %convert_element_type3A_923 = arith.extui %gt3A_922 : i1 to i32
            %cond3A_924 = arith.constant 0 : i32
            %cond3A_925 = arith.constant 0 : i32
            %cond3A_926 = arith.cmpi ne, %convert_element_type3A_923, %cond3A_925 : i32
            %cond3A_927 = scf.if %cond3A_926 -> (i32) {
              %dma_wait3A = arith.constant 0 : i32
              %dma_wait3A_952 = arith.constant 0 : i32
              %dma_wait3A_953 = arith.constant 0 : i32
              %dma_wait3A_954 = arith.constant 0 : i32
              %dma_wait3A_955 = tpu.memref_slice %arg10[%dma_wait3A_952, %dma_wait3A_953, %dma_wait3A_954] : memref<2x512x32xbf16, #tpu.memory_space<vmem>> -> memref<1x512x32xbf16, #tpu.memory_space<vmem>>
              %dma_wait3A_956 = tpu.memref_squeeze %dma_wait3A_955 : memref<1x512x32xbf16, #tpu.memory_space<vmem>> -> memref<512x32xbf16, #tpu.memory_space<vmem>>
              %dma_wait3A_957 = arith.constant 0 : i32
              %dma_wait3A_958 = tpu.memref_slice %arg8[%dma_wait3A, %dma_wait3A_957] : memref<2x512xi32, #tpu.memory_space<vmem>> -> memref<1x512xi32, #tpu.memory_space<vmem>>
              %dma_wait3A_959 = tpu.memref_squeeze %dma_wait3A_958 : memref<1x512xi32, #tpu.memory_space<vmem>> -> memref<512xi32, #tpu.memory_space<vmem>>
              %dma_wait3A_960 = arith.constant 0 : i32
              %dma_wait3A_961 = arith.constant 0 : i32
              %dma_wait3A_962 = tpu.memref_slice %arg2[%dma_wait3A_960, %dma_wait3A_961] : memref<20000x32xbf16, #tpu.memory_space<hbm>> -> memref<20000x32xbf16, #tpu.memory_space<hbm>>
              tpu.wait_indirect_dma semaphore(%arg12 : memref<!tpu.dma_semaphore, #tpu.memory_space<semaphore_mem>>) src(%dma_wait3A_962 : memref<20000x32xbf16, #tpu.memory_space<hbm>>) dst(%dma_wait3A_956 : memref<512x32xbf16, #tpu.memory_space<vmem>>)
              %cond3A_963 = arith.constant 0 : i32
              scf.yield %cond3A_963 : i32
            } else {
              %cond3A_952 = arith.constant 0 : i32
              scf.yield %cond3A_952 : i32
            }
            %dma_start3A = arith.constant 0 : i32
            %dma_start3A_928 = arith.constant 0 : i32
            %dma_start3A_929 = tpu.memref_slice %arg10[%and3A_920, %dma_start3A, %dma_start3A_928] : memref<2x512x32xbf16, #tpu.memory_space<vmem>> -> memref<1x512x32xbf16, #tpu.memory_space<vmem>>
            %dma_start3A_930 = tpu.memref_squeeze %dma_start3A_929 : memref<1x512x32xbf16, #tpu.memory_space<vmem>> -> memref<512x32xbf16, #tpu.memory_space<vmem>>
            %dma_start3A_931 = arith.constant 0 : i32
            %dma_start3A_932 = tpu.memref_slice %arg8[%and3A_920, %dma_start3A_931] : memref<2x512xi32, #tpu.memory_space<vmem>> -> memref<1x512xi32, #tpu.memory_space<vmem>>
            %dma_start3A_933 = tpu.memref_squeeze %dma_start3A_932 : memref<1x512xi32, #tpu.memory_space<vmem>> -> memref<512xi32, #tpu.memory_space<vmem>>
            %dma_start3A_934 = arith.constant 0 : i32
            %dma_start3A_935 = arith.constant 0 : i32
            %dma_start3A_936 = tpu.memref_slice %arg2[%dma_start3A_934, %dma_start3A_935] : memref<20000x32xbf16, #tpu.memory_space<hbm>> -> memref<20000x32xbf16, #tpu.memory_space<hbm>>
            tpu.enqueue_indirect_dma source(%dma_start3A_936 : memref<20000x32xbf16, #tpu.memory_space<hbm>>) target(%dma_start3A_930 : memref<512x32xbf16, #tpu.memory_space<vmem>>) offsets(%dma_start3A_933 : memref<512xi32, #tpu.memory_space<vmem>>) semaphore(%arg12 : memref<!tpu.dma_semaphore, #tpu.memory_space<semaphore_mem>>)
            %sub3A_937 = arith.constant 1 : i32
            %sub3A_938 = arith.subi %sub3A_937, %and3A_920 : i32
            %while3A_939 = arith.constant 0 : i32
            %while3A_940 = arith.constant 0 : i32
            %while3A_941 = arith.subi %cond3A_672#2, %while3A_940 : i32
            %while3A_942 = arith.addi %while3A_940, %while3A_941 : i32
            %while3A_943 = arith.constant 1 : i32
            %while3A_944 = arith.divsi %while3A_941, %while3A_943 : i32
            %while3A_945 = arith.muli %while3A_944, %while3A_943 : i32
            %while3A_946 = arith.addi %while3A_940, %while3A_945 : i32
            %while3A_947 = arith.constant 1 : i32
            scf.for %while3A_952 = %while3A_940 to %while3A_946 step %while3A_947  : i32 {
              %get3A_953 = arith.index_cast %sub3A_938 : i32 to index
              %get3A_954 = arith.index_cast %while3A_952 : i32 to index
              %get3A_955 = tpu.vector_load %arg9[%get3A_953, %get3A_954] {strides = array<i32>} : memref<2x528xi32, #tpu.memory_space<vmem>>, vector<16xi32>,
              %slice3A_956 = vector.extract_strided_slice %get3A_955 {offsets = [0], sizes = [1], strides = [1]} : vector<16xi32> to vector<1xi32>
              %squeeze3A_957 = vector.extract %slice3A_956[0] : i32 from vector<1xi32>
              %mul3A_958 = arith.constant 32 : i32
              %mul3A_959 = arith.muli %squeeze3A_957, %mul3A_958 : i32
              %get3A_960 = arith.index_cast %sub3A_938 : i32 to index
              %get3A_961 = arith.index_cast %while3A_952 : i32 to index
              %get3A_962 = arith.constant 0 : index
              %get3A_963 = tpu.vector_load %arg10[%get3A_960, %get3A_961, %get3A_962] {strides = array<i32>} : memref<2x512x32xbf16, #tpu.memory_space<vmem>>, vector<32xbf16>,
              %get3A_964 = arith.index_cast %mul3A_959 : i32 to index
              %get3A_965 = tpu.vector_load %arg11[%get3A_964] {strides = array<i32>} : memref<10016xbf16, #tpu.memory_space<vmem>>, vector<32xbf16>,
              %min3A = arith.minimumf %get3A_965, %get3A_963 : vector<32xbf16>
              %swap3A_966 = arith.index_cast %mul3A_959 : i32 to index
              %swap3A_967 = tpu.vector_load %arg11[%swap3A_966] {strides = array<i32>} : memref<10016xbf16, #tpu.memory_space<vmem>>, vector<32xbf16>,
              tpu.vector_store %arg11[%swap3A_966], %min3A {strides = array<i32>} : memref<10016xbf16, #tpu.memory_space<vmem>>, vector<32xbf16>,
            }
            %while3A_948 = arith.constant 1 : i32
            scf.for %while3A_952 = %while3A_946 to %while3A_942 step %while3A_948  : i32 {
              %get3A_953 = arith.index_cast %sub3A_938 : i32 to index
              %get3A_954 = arith.index_cast %while3A_952 : i32 to index
              %get3A_955 = tpu.vector_load %arg9[%get3A_953, %get3A_954] {strides = array<i32>} : memref<2x528xi32, #tpu.memory_space<vmem>>, vector<16xi32>,
              %slice3A_956 = vector.extract_strided_slice %get3A_955 {offsets = [0], sizes = [1], strides = [1]} : vector<16xi32> to vector<1xi32>
              %squeeze3A_957 = vector.extract %slice3A_956[0] : i32 from vector<1xi32>
              %mul3A_958 = arith.constant 32 : i32
              %mul3A_959 = arith.muli %squeeze3A_957, %mul3A_958 : i32
              %get3A_960 = arith.index_cast %sub3A_938 : i32 to index
              %get3A_961 = arith.index_cast %while3A_952 : i32 to index
              %get3A_962 = arith.constant 0 : index
              %get3A_963 = tpu.vector_load %arg10[%get3A_960, %get3A_961, %get3A_962] {strides = array<i32>} : memref<2x512x32xbf16, #tpu.memory_space<vmem>>, vector<32xbf16>,
              %get3A_964 = arith.index_cast %mul3A_959 : i32 to index
              %get3A_965 = tpu.vector_load %arg11[%get3A_964] {strides = array<i32>} : memref<10016xbf16, #tpu.memory_space<vmem>>, vector<32xbf16>,
              %min3A = arith.minimumf %get3A_965, %get3A_963 : vector<32xbf16>
              %swap3A_966 = arith.index_cast %mul3A_959 : i32 to index
              %swap3A_967 = tpu.vector_load %arg11[%swap3A_966] {strides = array<i32>} : memref<10016xbf16, #tpu.memory_space<vmem>>, vector<32xbf16>,
              tpu.vector_store %arg11[%swap3A_966], %min3A {strides = array<i32>} : memref<10016xbf16, #tpu.memory_space<vmem>>, vector<32xbf16>,
            }
            %add3A_949 = arith.constant 1 : i32
            %add3A_950 = arith.addi %cond3A_672#1, %add3A_949 : i32
            %cond3A_951 = arith.constant 0 : i32
            scf.yield %cond3A_951, %add3A_950, %add3A_707 : i32, i32, i32
          } else {
            scf.yield %add3A_707, %cond3A_672#1, %cond3A_672#2 : i32, i32, i32
          }
          %scan3A_714 = arith.constant 3 : i32
          %scan3A_715 = arith.addi %scan3A_595, %scan3A_714 : i32
          %and3A_716 = arith.constant 1 : i32
          %and3A_717 = arith.andi %cond3A_713#1, %and3A_716 : i32
          %mul3A_718 = arith.constant 16 : i32
          %mul3A_719 = arith.muli %scan3A_715, %mul3A_718 : i32
          %get3A_720 = arith.index_cast %mul3A_719 : i32 to index
          %get3A_721 = tpu.vector_load %arg6[%get3A_720] {strides = array<i32>} : memref<16000xi32, #tpu.memory_space<vmem>>, vector<16xi32>,
          %mul3A_722 = arith.constant 16 : i32
          %mul3A_723 = arith.muli %scan3A_715, %mul3A_722 : i32
          %get3A_724 = arith.index_cast %mul3A_723 : i32 to index
          %get3A_725 = tpu.vector_load %arg7[%get3A_724] {strides = array<i32>} : memref<16000xi32, #tpu.memory_space<vmem>>, vector<16xi32>,
          %ge3A_726 = vector.broadcast %mul3A_2 : i32 to vector<16xi32>
          %ge3A_727 = arith.cmpi sge, %get3A_721, %ge3A_726 : vector<16xi32>
          %add3A_728 = arith.constant 313 : i32
          %add3A_729 = arith.addi %mul3A_2, %add3A_728 : i32
          %lt3A_730 = vector.broadcast %add3A_729 : i32 to vector<16xi32>
          %lt3A_731 = arith.cmpi slt, %get3A_721, %lt3A_730 : vector<16xi32>
          %and3A_732 = arith.andi %ge3A_727, %lt3A_731 : vector<16xi1>
          %all_reduce_population_count3A_733 = tpu.all_reduce %and3A_732 {dim = 0 : i64, kind = #tpu.reduction_kind<sum>} : vector<16xi1> -> vector<16xi32>
          %slice3A_734 = vector.extract_strided_slice %all_reduce_population_count3A_733 {offsets = [0], sizes = [1], strides = [1]} : vector<16xi32> to vector<1xi32>
          %squeeze3A_735 = vector.extract %slice3A_734[0] : i32 from vector<1xi32>
          %swap3A_736 = arith.constant 0 : i32
          %swap3A_737 = tpu.memref_slice %arg8[%and3A_717, %swap3A_736] : memref<2x512xi32, #tpu.memory_space<vmem>> -> memref<1x512xi32, #tpu.memory_space<vmem>>
          %swap3A_738 = tpu.memref_squeeze %swap3A_737 : memref<1x512xi32, #tpu.memory_space<vmem>> -> memref<512xi32, #tpu.memory_space<vmem>>
          %swap3A_739 = arith.index_cast %cond3A_713#0 : i32 to index
          %swap3A_740 = tpu.vector_load %swap3A_738[%swap3A_739] masked %and3A_732 {strides = array<i32>} : memref<512xi32, #tpu.memory_space<vmem>>, vector<16xi32>, vector<16xi1>
          tpu.vector_store %swap3A_738[%swap3A_739], %get3A_725 masked %and3A_732 {strides = array<i32>} : memref<512xi32, #tpu.memory_space<vmem>>, vector<16xi32>, vector<16xi1>
          %sub3A_741 = vector.broadcast %mul3A_2 : i32 to vector<16xi32>
          %sub3A_742 = arith.subi %get3A_721, %sub3A_741 : vector<16xi32>
          %swap3A_743 = arith.constant 0 : i32
          %swap3A_744 = tpu.memref_slice %arg9[%and3A_717, %swap3A_743] : memref<2x528xi32, #tpu.memory_space<vmem>> -> memref<1x528xi32, #tpu.memory_space<vmem>>
          %swap3A_745 = tpu.memref_squeeze %swap3A_744 : memref<1x528xi32, #tpu.memory_space<vmem>> -> memref<528xi32, #tpu.memory_space<vmem>>
          %swap3A_746 = arith.index_cast %cond3A_713#0 : i32 to index
          %swap3A_747 = tpu.vector_load %swap3A_745[%swap3A_746] masked %and3A_732 {strides = array<i32>} : memref<528xi32, #tpu.memory_space<vmem>>, vector<16xi32>, vector<16xi1>
          tpu.vector_store %swap3A_745[%swap3A_746], %sub3A_742 masked %and3A_732 {strides = array<i32>} : memref<528xi32, #tpu.memory_space<vmem>>, vector<16xi32>, vector<16xi1>
          %add3A_748 = arith.addi %cond3A_713#0, %squeeze3A_735 : i32
          %gt3A_749 = arith.constant 496 : i32
          %gt3A_750 = arith.cmpi sgt, %add3A_748, %gt3A_749 : i32
          %convert_element_type3A_751 = arith.extui %gt3A_750 : i1 to i32
          %cond3A_752 = arith.constant 0 : i32
          %cond3A_753 = arith.cmpi ne, %convert_element_type3A_751, %cond3A_752 : i32
          %cond3A_754:3 = scf.if %cond3A_753 -> (i32, i32, i32) {
            %and3A_919 = arith.constant 1 : i32
            %and3A_920 = arith.andi %cond3A_713#1, %and3A_919 : i32
            %gt3A_921 = arith.constant 0 : i32
            %gt3A_922 = arith.cmpi sgt, %cond3A_713#2, %gt3A_921 : i32
            %convert_element_type3A_923 = arith.extui %gt3A_922 : i1 to i32
            %cond3A_924 = arith.constant 0 : i32
            %cond3A_925 = arith.constant 0 : i32
            %cond3A_926 = arith.cmpi ne, %convert_element_type3A_923, %cond3A_925 : i32
            %cond3A_927 = scf.if %cond3A_926 -> (i32) {
              %dma_wait3A = arith.constant 0 : i32
              %dma_wait3A_952 = arith.constant 0 : i32
              %dma_wait3A_953 = arith.constant 0 : i32
              %dma_wait3A_954 = arith.constant 0 : i32
              %dma_wait3A_955 = tpu.memref_slice %arg10[%dma_wait3A_952, %dma_wait3A_953, %dma_wait3A_954] : memref<2x512x32xbf16, #tpu.memory_space<vmem>> -> memref<1x512x32xbf16, #tpu.memory_space<vmem>>
              %dma_wait3A_956 = tpu.memref_squeeze %dma_wait3A_955 : memref<1x512x32xbf16, #tpu.memory_space<vmem>> -> memref<512x32xbf16, #tpu.memory_space<vmem>>
              %dma_wait3A_957 = arith.constant 0 : i32
              %dma_wait3A_958 = tpu.memref_slice %arg8[%dma_wait3A, %dma_wait3A_957] : memref<2x512xi32, #tpu.memory_space<vmem>> -> memref<1x512xi32, #tpu.memory_space<vmem>>
              %dma_wait3A_959 = tpu.memref_squeeze %dma_wait3A_958 : memref<1x512xi32, #tpu.memory_space<vmem>> -> memref<512xi32, #tpu.memory_space<vmem>>
              %dma_wait3A_960 = arith.constant 0 : i32
              %dma_wait3A_961 = arith.constant 0 : i32
              %dma_wait3A_962 = tpu.memref_slice %arg2[%dma_wait3A_960, %dma_wait3A_961] : memref<20000x32xbf16, #tpu.memory_space<hbm>> -> memref<20000x32xbf16, #tpu.memory_space<hbm>>
              tpu.wait_indirect_dma semaphore(%arg12 : memref<!tpu.dma_semaphore, #tpu.memory_space<semaphore_mem>>) src(%dma_wait3A_962 : memref<20000x32xbf16, #tpu.memory_space<hbm>>) dst(%dma_wait3A_956 : memref<512x32xbf16, #tpu.memory_space<vmem>>)
              %cond3A_963 = arith.constant 0 : i32
              scf.yield %cond3A_963 : i32
            } else {
              %cond3A_952 = arith.constant 0 : i32
              scf.yield %cond3A_952 : i32
            }
            %dma_start3A = arith.constant 0 : i32
            %dma_start3A_928 = arith.constant 0 : i32
            %dma_start3A_929 = tpu.memref_slice %arg10[%and3A_920, %dma_start3A, %dma_start3A_928] : memref<2x512x32xbf16, #tpu.memory_space<vmem>> -> memref<1x512x32xbf16, #tpu.memory_space<vmem>>
            %dma_start3A_930 = tpu.memref_squeeze %dma_start3A_929 : memref<1x512x32xbf16, #tpu.memory_space<vmem>> -> memref<512x32xbf16, #tpu.memory_space<vmem>>
            %dma_start3A_931 = arith.constant 0 : i32
            %dma_start3A_932 = tpu.memref_slice %arg8[%and3A_920, %dma_start3A_931] : memref<2x512xi32, #tpu.memory_space<vmem>> -> memref<1x512xi32, #tpu.memory_space<vmem>>
            %dma_start3A_933 = tpu.memref_squeeze %dma_start3A_932 : memref<1x512xi32, #tpu.memory_space<vmem>> -> memref<512xi32, #tpu.memory_space<vmem>>
            %dma_start3A_934 = arith.constant 0 : i32
            %dma_start3A_935 = arith.constant 0 : i32
            %dma_start3A_936 = tpu.memref_slice %arg2[%dma_start3A_934, %dma_start3A_935] : memref<20000x32xbf16, #tpu.memory_space<hbm>> -> memref<20000x32xbf16, #tpu.memory_space<hbm>>
            tpu.enqueue_indirect_dma source(%dma_start3A_936 : memref<20000x32xbf16, #tpu.memory_space<hbm>>) target(%dma_start3A_930 : memref<512x32xbf16, #tpu.memory_space<vmem>>) offsets(%dma_start3A_933 : memref<512xi32, #tpu.memory_space<vmem>>) semaphore(%arg12 : memref<!tpu.dma_semaphore, #tpu.memory_space<semaphore_mem>>)
            %sub3A_937 = arith.constant 1 : i32
            %sub3A_938 = arith.subi %sub3A_937, %and3A_920 : i32
            %while3A_939 = arith.constant 0 : i32
            %while3A_940 = arith.constant 0 : i32
            %while3A_941 = arith.subi %cond3A_713#2, %while3A_940 : i32
            %while3A_942 = arith.addi %while3A_940, %while3A_941 : i32
            %while3A_943 = arith.constant 1 : i32
            %while3A_944 = arith.divsi %while3A_941, %while3A_943 : i32
            %while3A_945 = arith.muli %while3A_944, %while3A_943 : i32
            %while3A_946 = arith.addi %while3A_940, %while3A_945 : i32
            %while3A_947 = arith.constant 1 : i32
            scf.for %while3A_952 = %while3A_940 to %while3A_946 step %while3A_947  : i32 {
              %get3A_953 = arith.index_cast %sub3A_938 : i32 to index
              %get3A_954 = arith.index_cast %while3A_952 : i32 to index
              %get3A_955 = tpu.vector_load %arg9[%get3A_953, %get3A_954] {strides = array<i32>} : memref<2x528xi32, #tpu.memory_space<vmem>>, vector<16xi32>,
              %slice3A_956 = vector.extract_strided_slice %get3A_955 {offsets = [0], sizes = [1], strides = [1]} : vector<16xi32> to vector<1xi32>
              %squeeze3A_957 = vector.extract %slice3A_956[0] : i32 from vector<1xi32>
              %mul3A_958 = arith.constant 32 : i32
              %mul3A_959 = arith.muli %squeeze3A_957, %mul3A_958 : i32
              %get3A_960 = arith.index_cast %sub3A_938 : i32 to index
              %get3A_961 = arith.index_cast %while3A_952 : i32 to index
              %get3A_962 = arith.constant 0 : index
              %get3A_963 = tpu.vector_load %arg10[%get3A_960, %get3A_961, %get3A_962] {strides = array<i32>} : memref<2x512x32xbf16, #tpu.memory_space<vmem>>, vector<32xbf16>,
              %get3A_964 = arith.index_cast %mul3A_959 : i32 to index
              %get3A_965 = tpu.vector_load %arg11[%get3A_964] {strides = array<i32>} : memref<10016xbf16, #tpu.memory_space<vmem>>, vector<32xbf16>,
              %min3A = arith.minimumf %get3A_965, %get3A_963 : vector<32xbf16>
              %swap3A_966 = arith.index_cast %mul3A_959 : i32 to index
              %swap3A_967 = tpu.vector_load %arg11[%swap3A_966] {strides = array<i32>} : memref<10016xbf16, #tpu.memory_space<vmem>>, vector<32xbf16>,
              tpu.vector_store %arg11[%swap3A_966], %min3A {strides = array<i32>} : memref<10016xbf16, #tpu.memory_space<vmem>>, vector<32xbf16>,
            }
            %while3A_948 = arith.constant 1 : i32
            scf.for %while3A_952 = %while3A_946 to %while3A_942 step %while3A_948  : i32 {
              %get3A_953 = arith.index_cast %sub3A_938 : i32 to index
              %get3A_954 = arith.index_cast %while3A_952 : i32 to index
              %get3A_955 = tpu.vector_load %arg9[%get3A_953, %get3A_954] {strides = array<i32>} : memref<2x528xi32, #tpu.memory_space<vmem>>, vector<16xi32>,
              %slice3A_956 = vector.extract_strided_slice %get3A_955 {offsets = [0], sizes = [1], strides = [1]} : vector<16xi32> to vector<1xi32>
              %squeeze3A_957 = vector.extract %slice3A_956[0] : i32 from vector<1xi32>
              %mul3A_958 = arith.constant 32 : i32
              %mul3A_959 = arith.muli %squeeze3A_957, %mul3A_958 : i32
              %get3A_960 = arith.index_cast %sub3A_938 : i32 to index
              %get3A_961 = arith.index_cast %while3A_952 : i32 to index
              %get3A_962 = arith.constant 0 : index
              %get3A_963 = tpu.vector_load %arg10[%get3A_960, %get3A_961, %get3A_962] {strides = array<i32>} : memref<2x512x32xbf16, #tpu.memory_space<vmem>>, vector<32xbf16>,
              %get3A_964 = arith.index_cast %mul3A_959 : i32 to index
              %get3A_965 = tpu.vector_load %arg11[%get3A_964] {strides = array<i32>} : memref<10016xbf16, #tpu.memory_space<vmem>>, vector<32xbf16>,
              %min3A = arith.minimumf %get3A_965, %get3A_963 : vector<32xbf16>
              %swap3A_966 = arith.index_cast %mul3A_959 : i32 to index
              %swap3A_967 = tpu.vector_load %arg11[%swap3A_966] {strides = array<i32>} : memref<10016xbf16, #tpu.memory_space<vmem>>, vector<32xbf16>,
              tpu.vector_store %arg11[%swap3A_966], %min3A {strides = array<i32>} : memref<10016xbf16, #tpu.memory_space<vmem>>, vector<32xbf16>,
            }
            %add3A_949 = arith.constant 1 : i32
            %add3A_950 = arith.addi %cond3A_713#1, %add3A_949 : i32
            %cond3A_951 = arith.constant 0 : i32
            scf.yield %cond3A_951, %add3A_950, %add3A_748 : i32, i32, i32
          } else {
            scf.yield %add3A_748, %cond3A_713#1, %cond3A_713#2 : i32, i32, i32
          }
          %scan3A_755 = arith.constant 4 : i32
          %scan3A_756 = arith.addi %scan3A_595, %scan3A_755 : i32
          %and3A_757 = arith.constant 1 : i32
          %and3A_758 = arith.andi %cond3A_754#1, %and3A_757 : i32
          %mul3A_759 = arith.constant 16 : i32
          %mul3A_760 = arith.muli %scan3A_756, %mul3A_759 : i32
          %get3A_761 = arith.index_cast %mul3A_760 : i32 to index
          %get3A_762 = tpu.vector_load %arg6[%get3A_761] {strides = array<i32>} : memref<16000xi32, #tpu.memory_space<vmem>>, vector<16xi32>,
          %mul3A_763 = arith.constant 16 : i32
          %mul3A_764 = arith.muli %scan3A_756, %mul3A_763 : i32
          %get3A_765 = arith.index_cast %mul3A_764 : i32 to index
          %get3A_766 = tpu.vector_load %arg7[%get3A_765] {strides = array<i32>} : memref<16000xi32, #tpu.memory_space<vmem>>, vector<16xi32>,
          %ge3A_767 = vector.broadcast %mul3A_2 : i32 to vector<16xi32>
          %ge3A_768 = arith.cmpi sge, %get3A_762, %ge3A_767 : vector<16xi32>
          %add3A_769 = arith.constant 313 : i32
          %add3A_770 = arith.addi %mul3A_2, %add3A_769 : i32
          %lt3A_771 = vector.broadcast %add3A_770 : i32 to vector<16xi32>
          %lt3A_772 = arith.cmpi slt, %get3A_762, %lt3A_771 : vector<16xi32>
          %and3A_773 = arith.andi %ge3A_768, %lt3A_772 : vector<16xi1>
          %all_reduce_population_count3A_774 = tpu.all_reduce %and3A_773 {dim = 0 : i64, kind = #tpu.reduction_kind<sum>} : vector<16xi1> -> vector<16xi32>
          %slice3A_775 = vector.extract_strided_slice %all_reduce_population_count3A_774 {offsets = [0], sizes = [1], strides = [1]} : vector<16xi32> to vector<1xi32>
          %squeeze3A_776 = vector.extract %slice3A_775[0] : i32 from vector<1xi32>
          %swap3A_777 = arith.constant 0 : i32
          %swap3A_778 = tpu.memref_slice %arg8[%and3A_758, %swap3A_777] : memref<2x512xi32, #tpu.memory_space<vmem>> -> memref<1x512xi32, #tpu.memory_space<vmem>>
          %swap3A_779 = tpu.memref_squeeze %swap3A_778 : memref<1x512xi32, #tpu.memory_space<vmem>> -> memref<512xi32, #tpu.memory_space<vmem>>
          %swap3A_780 = arith.index_cast %cond3A_754#0 : i32 to index
          %swap3A_781 = tpu.vector_load %swap3A_779[%swap3A_780] masked %and3A_773 {strides = array<i32>} : memref<512xi32, #tpu.memory_space<vmem>>, vector<16xi32>, vector<16xi1>
          tpu.vector_store %swap3A_779[%swap3A_780], %get3A_766 masked %and3A_773 {strides = array<i32>} : memref<512xi32, #tpu.memory_space<vmem>>, vector<16xi32>, vector<16xi1>
          %sub3A_782 = vector.broadcast %mul3A_2 : i32 to vector<16xi32>
          %sub3A_783 = arith.subi %get3A_762, %sub3A_782 : vector<16xi32>
          %swap3A_784 = arith.constant 0 : i32
          %swap3A_785 = tpu.memref_slice %arg9[%and3A_758, %swap3A_784] : memref<2x528xi32, #tpu.memory_space<vmem>> -> memref<1x528xi32, #tpu.memory_space<vmem>>
          %swap3A_786 = tpu.memref_squeeze %swap3A_785 : memref<1x528xi32, #tpu.memory_space<vmem>> -> memref<528xi32, #tpu.memory_space<vmem>>
          %swap3A_787 = arith.index_cast %cond3A_754#0 : i32 to index
          %swap3A_788 = tpu.vector_load %swap3A_786[%swap3A_787] masked %and3A_773 {strides = array<i32>} : memref<528xi32, #tpu.memory_space<vmem>>, vector<16xi32>, vector<16xi1>
          tpu.vector_store %swap3A_786[%swap3A_787], %sub3A_783 masked %and3A_773 {strides = array<i32>} : memref<528xi32, #tpu.memory_space<vmem>>, vector<16xi32>, vector<16xi1>
          %add3A_789 = arith.addi %cond3A_754#0, %squeeze3A_776 : i32
          %gt3A_790 = arith.constant 496 : i32
          %gt3A_791 = arith.cmpi sgt, %add3A_789, %gt3A_790 : i32
          %convert_element_type3A_792 = arith.extui %gt3A_791 : i1 to i32
          %cond3A_793 = arith.constant 0 : i32
          %cond3A_794 = arith.cmpi ne, %convert_element_type3A_792, %cond3A_793 : i32
          %cond3A_795:3 = scf.if %cond3A_794 -> (i32, i32, i32) {
            %and3A_919 = arith.constant 1 : i32
            %and3A_920 = arith.andi %cond3A_754#1, %and3A_919 : i32
            %gt3A_921 = arith.constant 0 : i32
            %gt3A_922 = arith.cmpi sgt, %cond3A_754#2, %gt3A_921 : i32
            %convert_element_type3A_923 = arith.extui %gt3A_922 : i1 to i32
            %cond3A_924 = arith.constant 0 : i32
            %cond3A_925 = arith.constant 0 : i32
            %cond3A_926 = arith.cmpi ne, %convert_element_type3A_923, %cond3A_925 : i32
            %cond3A_927 = scf.if %cond3A_926 -> (i32) {
              %dma_wait3A = arith.constant 0 : i32
              %dma_wait3A_952 = arith.constant 0 : i32
              %dma_wait3A_953 = arith.constant 0 : i32
              %dma_wait3A_954 = arith.constant 0 : i32
              %dma_wait3A_955 = tpu.memref_slice %arg10[%dma_wait3A_952, %dma_wait3A_953, %dma_wait3A_954] : memref<2x512x32xbf16, #tpu.memory_space<vmem>> -> memref<1x512x32xbf16, #tpu.memory_space<vmem>>
              %dma_wait3A_956 = tpu.memref_squeeze %dma_wait3A_955 : memref<1x512x32xbf16, #tpu.memory_space<vmem>> -> memref<512x32xbf16, #tpu.memory_space<vmem>>
              %dma_wait3A_957 = arith.constant 0 : i32
              %dma_wait3A_958 = tpu.memref_slice %arg8[%dma_wait3A, %dma_wait3A_957] : memref<2x512xi32, #tpu.memory_space<vmem>> -> memref<1x512xi32, #tpu.memory_space<vmem>>
              %dma_wait3A_959 = tpu.memref_squeeze %dma_wait3A_958 : memref<1x512xi32, #tpu.memory_space<vmem>> -> memref<512xi32, #tpu.memory_space<vmem>>
              %dma_wait3A_960 = arith.constant 0 : i32
              %dma_wait3A_961 = arith.constant 0 : i32
              %dma_wait3A_962 = tpu.memref_slice %arg2[%dma_wait3A_960, %dma_wait3A_961] : memref<20000x32xbf16, #tpu.memory_space<hbm>> -> memref<20000x32xbf16, #tpu.memory_space<hbm>>
              tpu.wait_indirect_dma semaphore(%arg12 : memref<!tpu.dma_semaphore, #tpu.memory_space<semaphore_mem>>) src(%dma_wait3A_962 : memref<20000x32xbf16, #tpu.memory_space<hbm>>) dst(%dma_wait3A_956 : memref<512x32xbf16, #tpu.memory_space<vmem>>)
              %cond3A_963 = arith.constant 0 : i32
              scf.yield %cond3A_963 : i32
            } else {
              %cond3A_952 = arith.constant 0 : i32
              scf.yield %cond3A_952 : i32
            }
            %dma_start3A = arith.constant 0 : i32
            %dma_start3A_928 = arith.constant 0 : i32
            %dma_start3A_929 = tpu.memref_slice %arg10[%and3A_920, %dma_start3A, %dma_start3A_928] : memref<2x512x32xbf16, #tpu.memory_space<vmem>> -> memref<1x512x32xbf16, #tpu.memory_space<vmem>>
            %dma_start3A_930 = tpu.memref_squeeze %dma_start3A_929 : memref<1x512x32xbf16, #tpu.memory_space<vmem>> -> memref<512x32xbf16, #tpu.memory_space<vmem>>
            %dma_start3A_931 = arith.constant 0 : i32
            %dma_start3A_932 = tpu.memref_slice %arg8[%and3A_920, %dma_start3A_931] : memref<2x512xi32, #tpu.memory_space<vmem>> -> memref<1x512xi32, #tpu.memory_space<vmem>>
            %dma_start3A_933 = tpu.memref_squeeze %dma_start3A_932 : memref<1x512xi32, #tpu.memory_space<vmem>> -> memref<512xi32, #tpu.memory_space<vmem>>
            %dma_start3A_934 = arith.constant 0 : i32
            %dma_start3A_935 = arith.constant 0 : i32
            %dma_start3A_936 = tpu.memref_slice %arg2[%dma_start3A_934, %dma_start3A_935] : memref<20000x32xbf16, #tpu.memory_space<hbm>> -> memref<20000x32xbf16, #tpu.memory_space<hbm>>
            tpu.enqueue_indirect_dma source(%dma_start3A_936 : memref<20000x32xbf16, #tpu.memory_space<hbm>>) target(%dma_start3A_930 : memref<512x32xbf16, #tpu.memory_space<vmem>>) offsets(%dma_start3A_933 : memref<512xi32, #tpu.memory_space<vmem>>) semaphore(%arg12 : memref<!tpu.dma_semaphore, #tpu.memory_space<semaphore_mem>>)
            %sub3A_937 = arith.constant 1 : i32
            %sub3A_938 = arith.subi %sub3A_937, %and3A_920 : i32
            %while3A_939 = arith.constant 0 : i32
            %while3A_940 = arith.constant 0 : i32
            %while3A_941 = arith.subi %cond3A_754#2, %while3A_940 : i32
            %while3A_942 = arith.addi %while3A_940, %while3A_941 : i32
            %while3A_943 = arith.constant 1 : i32
            %while3A_944 = arith.divsi %while3A_941, %while3A_943 : i32
            %while3A_945 = arith.muli %while3A_944, %while3A_943 : i32
            %while3A_946 = arith.addi %while3A_940, %while3A_945 : i32
            %while3A_947 = arith.constant 1 : i32
            scf.for %while3A_952 = %while3A_940 to %while3A_946 step %while3A_947  : i32 {
              %get3A_953 = arith.index_cast %sub3A_938 : i32 to index
              %get3A_954 = arith.index_cast %while3A_952 : i32 to index
              %get3A_955 = tpu.vector_load %arg9[%get3A_953, %get3A_954] {strides = array<i32>} : memref<2x528xi32, #tpu.memory_space<vmem>>, vector<16xi32>,
              %slice3A_956 = vector.extract_strided_slice %get3A_955 {offsets = [0], sizes = [1], strides = [1]} : vector<16xi32> to vector<1xi32>
              %squeeze3A_957 = vector.extract %slice3A_956[0] : i32 from vector<1xi32>
              %mul3A_958 = arith.constant 32 : i32
              %mul3A_959 = arith.muli %squeeze3A_957, %mul3A_958 : i32
              %get3A_960 = arith.index_cast %sub3A_938 : i32 to index
              %get3A_961 = arith.index_cast %while3A_952 : i32 to index
              %get3A_962 = arith.constant 0 : index
              %get3A_963 = tpu.vector_load %arg10[%get3A_960, %get3A_961, %get3A_962] {strides = array<i32>} : memref<2x512x32xbf16, #tpu.memory_space<vmem>>, vector<32xbf16>,
              %get3A_964 = arith.index_cast %mul3A_959 : i32 to index
              %get3A_965 = tpu.vector_load %arg11[%get3A_964] {strides = array<i32>} : memref<10016xbf16, #tpu.memory_space<vmem>>, vector<32xbf16>,
              %min3A = arith.minimumf %get3A_965, %get3A_963 : vector<32xbf16>
              %swap3A_966 = arith.index_cast %mul3A_959 : i32 to index
              %swap3A_967 = tpu.vector_load %arg11[%swap3A_966] {strides = array<i32>} : memref<10016xbf16, #tpu.memory_space<vmem>>, vector<32xbf16>,
              tpu.vector_store %arg11[%swap3A_966], %min3A {strides = array<i32>} : memref<10016xbf16, #tpu.memory_space<vmem>>, vector<32xbf16>,
            }
            %while3A_948 = arith.constant 1 : i32
            scf.for %while3A_952 = %while3A_946 to %while3A_942 step %while3A_948  : i32 {
              %get3A_953 = arith.index_cast %sub3A_938 : i32 to index
              %get3A_954 = arith.index_cast %while3A_952 : i32 to index
              %get3A_955 = tpu.vector_load %arg9[%get3A_953, %get3A_954] {strides = array<i32>} : memref<2x528xi32, #tpu.memory_space<vmem>>, vector<16xi32>,
              %slice3A_956 = vector.extract_strided_slice %get3A_955 {offsets = [0], sizes = [1], strides = [1]} : vector<16xi32> to vector<1xi32>
              %squeeze3A_957 = vector.extract %slice3A_956[0] : i32 from vector<1xi32>
              %mul3A_958 = arith.constant 32 : i32
              %mul3A_959 = arith.muli %squeeze3A_957, %mul3A_958 : i32
              %get3A_960 = arith.index_cast %sub3A_938 : i32 to index
              %get3A_961 = arith.index_cast %while3A_952 : i32 to index
              %get3A_962 = arith.constant 0 : index
              %get3A_963 = tpu.vector_load %arg10[%get3A_960, %get3A_961, %get3A_962] {strides = array<i32>} : memref<2x512x32xbf16, #tpu.memory_space<vmem>>, vector<32xbf16>,
              %get3A_964 = arith.index_cast %mul3A_959 : i32 to index
              %get3A_965 = tpu.vector_load %arg11[%get3A_964] {strides = array<i32>} : memref<10016xbf16, #tpu.memory_space<vmem>>, vector<32xbf16>,
              %min3A = arith.minimumf %get3A_965, %get3A_963 : vector<32xbf16>
              %swap3A_966 = arith.index_cast %mul3A_959 : i32 to index
              %swap3A_967 = tpu.vector_load %arg11[%swap3A_966] {strides = array<i32>} : memref<10016xbf16, #tpu.memory_space<vmem>>, vector<32xbf16>,
              tpu.vector_store %arg11[%swap3A_966], %min3A {strides = array<i32>} : memref<10016xbf16, #tpu.memory_space<vmem>>, vector<32xbf16>,
            }
            %add3A_949 = arith.constant 1 : i32
            %add3A_950 = arith.addi %cond3A_754#1, %add3A_949 : i32
            %cond3A_951 = arith.constant 0 : i32
            scf.yield %cond3A_951, %add3A_950, %add3A_789 : i32, i32, i32
          } else {
            scf.yield %add3A_789, %cond3A_754#1, %cond3A_754#2 : i32, i32, i32
          }
          %scan3A_796 = arith.constant 5 : i32
          %scan3A_797 = arith.addi %scan3A_595, %scan3A_796 : i32
          %and3A_798 = arith.constant 1 : i32
          %and3A_799 = arith.andi %cond3A_795#1, %and3A_798 : i32
          %mul3A_800 = arith.constant 16 : i32
          %mul3A_801 = arith.muli %scan3A_797, %mul3A_800 : i32
          %get3A_802 = arith.index_cast %mul3A_801 : i32 to index
          %get3A_803 = tpu.vector_load %arg6[%get3A_802] {strides = array<i32>} : memref<16000xi32, #tpu.memory_space<vmem>>, vector<16xi32>,
          %mul3A_804 = arith.constant 16 : i32
          %mul3A_805 = arith.muli %scan3A_797, %mul3A_804 : i32
          %get3A_806 = arith.index_cast %mul3A_805 : i32 to index
          %get3A_807 = tpu.vector_load %arg7[%get3A_806] {strides = array<i32>} : memref<16000xi32, #tpu.memory_space<vmem>>, vector<16xi32>,
          %ge3A_808 = vector.broadcast %mul3A_2 : i32 to vector<16xi32>
          %ge3A_809 = arith.cmpi sge, %get3A_803, %ge3A_808 : vector<16xi32>
          %add3A_810 = arith.constant 313 : i32
          %add3A_811 = arith.addi %mul3A_2, %add3A_810 : i32
          %lt3A_812 = vector.broadcast %add3A_811 : i32 to vector<16xi32>
          %lt3A_813 = arith.cmpi slt, %get3A_803, %lt3A_812 : vector<16xi32>
          %and3A_814 = arith.andi %ge3A_809, %lt3A_813 : vector<16xi1>
          %all_reduce_population_count3A_815 = tpu.all_reduce %and3A_814 {dim = 0 : i64, kind = #tpu.reduction_kind<sum>} : vector<16xi1> -> vector<16xi32>
          %slice3A_816 = vector.extract_strided_slice %all_reduce_population_count3A_815 {offsets = [0], sizes = [1], strides = [1]} : vector<16xi32> to vector<1xi32>
          %squeeze3A_817 = vector.extract %slice3A_816[0] : i32 from vector<1xi32>
          %swap3A_818 = arith.constant 0 : i32
          %swap3A_819 = tpu.memref_slice %arg8[%and3A_799, %swap3A_818] : memref<2x512xi32, #tpu.memory_space<vmem>> -> memref<1x512xi32, #tpu.memory_space<vmem>>
          %swap3A_820 = tpu.memref_squeeze %swap3A_819 : memref<1x512xi32, #tpu.memory_space<vmem>> -> memref<512xi32, #tpu.memory_space<vmem>>
          %swap3A_821 = arith.index_cast %cond3A_795#0 : i32 to index
          %swap3A_822 = tpu.vector_load %swap3A_820[%swap3A_821] masked %and3A_814 {strides = array<i32>} : memref<512xi32, #tpu.memory_space<vmem>>, vector<16xi32>, vector<16xi1>
          tpu.vector_store %swap3A_820[%swap3A_821], %get3A_807 masked %and3A_814 {strides = array<i32>} : memref<512xi32, #tpu.memory_space<vmem>>, vector<16xi32>, vector<16xi1>
          %sub3A_823 = vector.broadcast %mul3A_2 : i32 to vector<16xi32>
          %sub3A_824 = arith.subi %get3A_803, %sub3A_823 : vector<16xi32>
          %swap3A_825 = arith.constant 0 : i32
          %swap3A_826 = tpu.memref_slice %arg9[%and3A_799, %swap3A_825] : memref<2x528xi32, #tpu.memory_space<vmem>> -> memref<1x528xi32, #tpu.memory_space<vmem>>
          %swap3A_827 = tpu.memref_squeeze %swap3A_826 : memref<1x528xi32, #tpu.memory_space<vmem>> -> memref<528xi32, #tpu.memory_space<vmem>>
          %swap3A_828 = arith.index_cast %cond3A_795#0 : i32 to index
          %swap3A_829 = tpu.vector_load %swap3A_827[%swap3A_828] masked %and3A_814 {strides = array<i32>} : memref<528xi32, #tpu.memory_space<vmem>>, vector<16xi32>, vector<16xi1>
          tpu.vector_store %swap3A_827[%swap3A_828], %sub3A_824 masked %and3A_814 {strides = array<i32>} : memref<528xi32, #tpu.memory_space<vmem>>, vector<16xi32>, vector<16xi1>
          %add3A_830 = arith.addi %cond3A_795#0, %squeeze3A_817 : i32
          %gt3A_831 = arith.constant 496 : i32
          %gt3A_832 = arith.cmpi sgt, %add3A_830, %gt3A_831 : i32
          %convert_element_type3A_833 = arith.extui %gt3A_832 : i1 to i32
          %cond3A_834 = arith.constant 0 : i32
          %cond3A_835 = arith.cmpi ne, %convert_element_type3A_833, %cond3A_834 : i32
          %cond3A_836:3 = scf.if %cond3A_835 -> (i32, i32, i32) {
            %and3A_919 = arith.constant 1 : i32
            %and3A_920 = arith.andi %cond3A_795#1, %and3A_919 : i32
            %gt3A_921 = arith.constant 0 : i32
            %gt3A_922 = arith.cmpi sgt, %cond3A_795#2, %gt3A_921 : i32
            %convert_element_type3A_923 = arith.extui %gt3A_922 : i1 to i32
            %cond3A_924 = arith.constant 0 : i32
            %cond3A_925 = arith.constant 0 : i32
            %cond3A_926 = arith.cmpi ne, %convert_element_type3A_923, %cond3A_925 : i32
            %cond3A_927 = scf.if %cond3A_926 -> (i32) {
              %dma_wait3A = arith.constant 0 : i32
              %dma_wait3A_952 = arith.constant 0 : i32
              %dma_wait3A_953 = arith.constant 0 : i32
              %dma_wait3A_954 = arith.constant 0 : i32
              %dma_wait3A_955 = tpu.memref_slice %arg10[%dma_wait3A_952, %dma_wait3A_953, %dma_wait3A_954] : memref<2x512x32xbf16, #tpu.memory_space<vmem>> -> memref<1x512x32xbf16, #tpu.memory_space<vmem>>
              %dma_wait3A_956 = tpu.memref_squeeze %dma_wait3A_955 : memref<1x512x32xbf16, #tpu.memory_space<vmem>> -> memref<512x32xbf16, #tpu.memory_space<vmem>>
              %dma_wait3A_957 = arith.constant 0 : i32
              %dma_wait3A_958 = tpu.memref_slice %arg8[%dma_wait3A, %dma_wait3A_957] : memref<2x512xi32, #tpu.memory_space<vmem>> -> memref<1x512xi32, #tpu.memory_space<vmem>>
              %dma_wait3A_959 = tpu.memref_squeeze %dma_wait3A_958 : memref<1x512xi32, #tpu.memory_space<vmem>> -> memref<512xi32, #tpu.memory_space<vmem>>
              %dma_wait3A_960 = arith.constant 0 : i32
              %dma_wait3A_961 = arith.constant 0 : i32
              %dma_wait3A_962 = tpu.memref_slice %arg2[%dma_wait3A_960, %dma_wait3A_961] : memref<20000x32xbf16, #tpu.memory_space<hbm>> -> memref<20000x32xbf16, #tpu.memory_space<hbm>>
              tpu.wait_indirect_dma semaphore(%arg12 : memref<!tpu.dma_semaphore, #tpu.memory_space<semaphore_mem>>) src(%dma_wait3A_962 : memref<20000x32xbf16, #tpu.memory_space<hbm>>) dst(%dma_wait3A_956 : memref<512x32xbf16, #tpu.memory_space<vmem>>)
              %cond3A_963 = arith.constant 0 : i32
              scf.yield %cond3A_963 : i32
            } else {
              %cond3A_952 = arith.constant 0 : i32
              scf.yield %cond3A_952 : i32
            }
            %dma_start3A = arith.constant 0 : i32
            %dma_start3A_928 = arith.constant 0 : i32
            %dma_start3A_929 = tpu.memref_slice %arg10[%and3A_920, %dma_start3A, %dma_start3A_928] : memref<2x512x32xbf16, #tpu.memory_space<vmem>> -> memref<1x512x32xbf16, #tpu.memory_space<vmem>>
            %dma_start3A_930 = tpu.memref_squeeze %dma_start3A_929 : memref<1x512x32xbf16, #tpu.memory_space<vmem>> -> memref<512x32xbf16, #tpu.memory_space<vmem>>
            %dma_start3A_931 = arith.constant 0 : i32
            %dma_start3A_932 = tpu.memref_slice %arg8[%and3A_920, %dma_start3A_931] : memref<2x512xi32, #tpu.memory_space<vmem>> -> memref<1x512xi32, #tpu.memory_space<vmem>>
            %dma_start3A_933 = tpu.memref_squeeze %dma_start3A_932 : memref<1x512xi32, #tpu.memory_space<vmem>> -> memref<512xi32, #tpu.memory_space<vmem>>
            %dma_start3A_934 = arith.constant 0 : i32
            %dma_start3A_935 = arith.constant 0 : i32
            %dma_start3A_936 = tpu.memref_slice %arg2[%dma_start3A_934, %dma_start3A_935] : memref<20000x32xbf16, #tpu.memory_space<hbm>> -> memref<20000x32xbf16, #tpu.memory_space<hbm>>
            tpu.enqueue_indirect_dma source(%dma_start3A_936 : memref<20000x32xbf16, #tpu.memory_space<hbm>>) target(%dma_start3A_930 : memref<512x32xbf16, #tpu.memory_space<vmem>>) offsets(%dma_start3A_933 : memref<512xi32, #tpu.memory_space<vmem>>) semaphore(%arg12 : memref<!tpu.dma_semaphore, #tpu.memory_space<semaphore_mem>>)
            %sub3A_937 = arith.constant 1 : i32
            %sub3A_938 = arith.subi %sub3A_937, %and3A_920 : i32
            %while3A_939 = arith.constant 0 : i32
            %while3A_940 = arith.constant 0 : i32
            %while3A_941 = arith.subi %cond3A_795#2, %while3A_940 : i32
            %while3A_942 = arith.addi %while3A_940, %while3A_941 : i32
            %while3A_943 = arith.constant 1 : i32
            %while3A_944 = arith.divsi %while3A_941, %while3A_943 : i32
            %while3A_945 = arith.muli %while3A_944, %while3A_943 : i32
            %while3A_946 = arith.addi %while3A_940, %while3A_945 : i32
            %while3A_947 = arith.constant 1 : i32
            scf.for %while3A_952 = %while3A_940 to %while3A_946 step %while3A_947  : i32 {
              %get3A_953 = arith.index_cast %sub3A_938 : i32 to index
              %get3A_954 = arith.index_cast %while3A_952 : i32 to index
              %get3A_955 = tpu.vector_load %arg9[%get3A_953, %get3A_954] {strides = array<i32>} : memref<2x528xi32, #tpu.memory_space<vmem>>, vector<16xi32>,
              %slice3A_956 = vector.extract_strided_slice %get3A_955 {offsets = [0], sizes = [1], strides = [1]} : vector<16xi32> to vector<1xi32>
              %squeeze3A_957 = vector.extract %slice3A_956[0] : i32 from vector<1xi32>
              %mul3A_958 = arith.constant 32 : i32
              %mul3A_959 = arith.muli %squeeze3A_957, %mul3A_958 : i32
              %get3A_960 = arith.index_cast %sub3A_938 : i32 to index
              %get3A_961 = arith.index_cast %while3A_952 : i32 to index
              %get3A_962 = arith.constant 0 : index
              %get3A_963 = tpu.vector_load %arg10[%get3A_960, %get3A_961, %get3A_962] {strides = array<i32>} : memref<2x512x32xbf16, #tpu.memory_space<vmem>>, vector<32xbf16>,
              %get3A_964 = arith.index_cast %mul3A_959 : i32 to index
              %get3A_965 = tpu.vector_load %arg11[%get3A_964] {strides = array<i32>} : memref<10016xbf16, #tpu.memory_space<vmem>>, vector<32xbf16>,
              %min3A = arith.minimumf %get3A_965, %get3A_963 : vector<32xbf16>
              %swap3A_966 = arith.index_cast %mul3A_959 : i32 to index
              %swap3A_967 = tpu.vector_load %arg11[%swap3A_966] {strides = array<i32>} : memref<10016xbf16, #tpu.memory_space<vmem>>, vector<32xbf16>,
              tpu.vector_store %arg11[%swap3A_966], %min3A {strides = array<i32>} : memref<10016xbf16, #tpu.memory_space<vmem>>, vector<32xbf16>,
            }
            %while3A_948 = arith.constant 1 : i32
            scf.for %while3A_952 = %while3A_946 to %while3A_942 step %while3A_948  : i32 {
              %get3A_953 = arith.index_cast %sub3A_938 : i32 to index
              %get3A_954 = arith.index_cast %while3A_952 : i32 to index
              %get3A_955 = tpu.vector_load %arg9[%get3A_953, %get3A_954] {strides = array<i32>} : memref<2x528xi32, #tpu.memory_space<vmem>>, vector<16xi32>,
              %slice3A_956 = vector.extract_strided_slice %get3A_955 {offsets = [0], sizes = [1], strides = [1]} : vector<16xi32> to vector<1xi32>
              %squeeze3A_957 = vector.extract %slice3A_956[0] : i32 from vector<1xi32>
              %mul3A_958 = arith.constant 32 : i32
              %mul3A_959 = arith.muli %squeeze3A_957, %mul3A_958 : i32
              %get3A_960 = arith.index_cast %sub3A_938 : i32 to index
              %get3A_961 = arith.index_cast %while3A_952 : i32 to index
              %get3A_962 = arith.constant 0 : index
              %get3A_963 = tpu.vector_load %arg10[%get3A_960, %get3A_961, %get3A_962] {strides = array<i32>} : memref<2x512x32xbf16, #tpu.memory_space<vmem>>, vector<32xbf16>,
              %get3A_964 = arith.index_cast %mul3A_959 : i32 to index
              %get3A_965 = tpu.vector_load %arg11[%get3A_964] {strides = array<i32>} : memref<10016xbf16, #tpu.memory_space<vmem>>, vector<32xbf16>,
              %min3A = arith.minimumf %get3A_965, %get3A_963 : vector<32xbf16>
              %swap3A_966 = arith.index_cast %mul3A_959 : i32 to index
              %swap3A_967 = tpu.vector_load %arg11[%swap3A_966] {strides = array<i32>} : memref<10016xbf16, #tpu.memory_space<vmem>>, vector<32xbf16>,
              tpu.vector_store %arg11[%swap3A_966], %min3A {strides = array<i32>} : memref<10016xbf16, #tpu.memory_space<vmem>>, vector<32xbf16>,
            }
            %add3A_949 = arith.constant 1 : i32
            %add3A_950 = arith.addi %cond3A_795#1, %add3A_949 : i32
            %cond3A_951 = arith.constant 0 : i32
            scf.yield %cond3A_951, %add3A_950, %add3A_830 : i32, i32, i32
          } else {
            scf.yield %add3A_830, %cond3A_795#1, %cond3A_795#2 : i32, i32, i32
          }
          %scan3A_837 = arith.constant 6 : i32
          %scan3A_838 = arith.addi %scan3A_595, %scan3A_837 : i32
          %and3A_839 = arith.constant 1 : i32
          %and3A_840 = arith.andi %cond3A_836#1, %and3A_839 : i32
          %mul3A_841 = arith.constant 16 : i32
          %mul3A_842 = arith.muli %scan3A_838, %mul3A_841 : i32
          %get3A_843 = arith.index_cast %mul3A_842 : i32 to index
          %get3A_844 = tpu.vector_load %arg6[%get3A_843] {strides = array<i32>} : memref<16000xi32, #tpu.memory_space<vmem>>, vector<16xi32>,
          %mul3A_845 = arith.constant 16 : i32
          %mul3A_846 = arith.muli %scan3A_838, %mul3A_845 : i32
          %get3A_847 = arith.index_cast %mul3A_846 : i32 to index
          %get3A_848 = tpu.vector_load %arg7[%get3A_847] {strides = array<i32>} : memref<16000xi32, #tpu.memory_space<vmem>>, vector<16xi32>,
          %ge3A_849 = vector.broadcast %mul3A_2 : i32 to vector<16xi32>
          %ge3A_850 = arith.cmpi sge, %get3A_844, %ge3A_849 : vector<16xi32>
          %add3A_851 = arith.constant 313 : i32
          %add3A_852 = arith.addi %mul3A_2, %add3A_851 : i32
          %lt3A_853 = vector.broadcast %add3A_852 : i32 to vector<16xi32>
          %lt3A_854 = arith.cmpi slt, %get3A_844, %lt3A_853 : vector<16xi32>
          %and3A_855 = arith.andi %ge3A_850, %lt3A_854 : vector<16xi1>
          %all_reduce_population_count3A_856 = tpu.all_reduce %and3A_855 {dim = 0 : i64, kind = #tpu.reduction_kind<sum>} : vector<16xi1> -> vector<16xi32>
          %slice3A_857 = vector.extract_strided_slice %all_reduce_population_count3A_856 {offsets = [0], sizes = [1], strides = [1]} : vector<16xi32> to vector<1xi32>
          %squeeze3A_858 = vector.extract %slice3A_857[0] : i32 from vector<1xi32>
          %swap3A_859 = arith.constant 0 : i32
          %swap3A_860 = tpu.memref_slice %arg8[%and3A_840, %swap3A_859] : memref<2x512xi32, #tpu.memory_space<vmem>> -> memref<1x512xi32, #tpu.memory_space<vmem>>
          %swap3A_861 = tpu.memref_squeeze %swap3A_860 : memref<1x512xi32, #tpu.memory_space<vmem>> -> memref<512xi32, #tpu.memory_space<vmem>>
          %swap3A_862 = arith.index_cast %cond3A_836#0 : i32 to index
          %swap3A_863 = tpu.vector_load %swap3A_861[%swap3A_862] masked %and3A_855 {strides = array<i32>} : memref<512xi32, #tpu.memory_space<vmem>>, vector<16xi32>, vector<16xi1>
          tpu.vector_store %swap3A_861[%swap3A_862], %get3A_848 masked %and3A_855 {strides = array<i32>} : memref<512xi32, #tpu.memory_space<vmem>>, vector<16xi32>, vector<16xi1>
          %sub3A_864 = vector.broadcast %mul3A_2 : i32 to vector<16xi32>
          %sub3A_865 = arith.subi %get3A_844, %sub3A_864 : vector<16xi32>
          %swap3A_866 = arith.constant 0 : i32
          %swap3A_867 = tpu.memref_slice %arg9[%and3A_840, %swap3A_866] : memref<2x528xi32, #tpu.memory_space<vmem>> -> memref<1x528xi32, #tpu.memory_space<vmem>>
          %swap3A_868 = tpu.memref_squeeze %swap3A_867 : memref<1x528xi32, #tpu.memory_space<vmem>> -> memref<528xi32, #tpu.memory_space<vmem>>
          %swap3A_869 = arith.index_cast %cond3A_836#0 : i32 to index
          %swap3A_870 = tpu.vector_load %swap3A_868[%swap3A_869] masked %and3A_855 {strides = array<i32>} : memref<528xi32, #tpu.memory_space<vmem>>, vector<16xi32>, vector<16xi1>
          tpu.vector_store %swap3A_868[%swap3A_869], %sub3A_865 masked %and3A_855 {strides = array<i32>} : memref<528xi32, #tpu.memory_space<vmem>>, vector<16xi32>, vector<16xi1>
          %add3A_871 = arith.addi %cond3A_836#0, %squeeze3A_858 : i32
          %gt3A_872 = arith.constant 496 : i32
          %gt3A_873 = arith.cmpi sgt, %add3A_871, %gt3A_872 : i32
          %convert_element_type3A_874 = arith.extui %gt3A_873 : i1 to i32
          %cond3A_875 = arith.constant 0 : i32
          %cond3A_876 = arith.cmpi ne, %convert_element_type3A_874, %cond3A_875 : i32
          %cond3A_877:3 = scf.if %cond3A_876 -> (i32, i32, i32) {
            %and3A_919 = arith.constant 1 : i32
            %and3A_920 = arith.andi %cond3A_836#1, %and3A_919 : i32
            %gt3A_921 = arith.constant 0 : i32
            %gt3A_922 = arith.cmpi sgt, %cond3A_836#2, %gt3A_921 : i32
            %convert_element_type3A_923 = arith.extui %gt3A_922 : i1 to i32
            %cond3A_924 = arith.constant 0 : i32
            %cond3A_925 = arith.constant 0 : i32
            %cond3A_926 = arith.cmpi ne, %convert_element_type3A_923, %cond3A_925 : i32
            %cond3A_927 = scf.if %cond3A_926 -> (i32) {
              %dma_wait3A = arith.constant 0 : i32
              %dma_wait3A_952 = arith.constant 0 : i32
              %dma_wait3A_953 = arith.constant 0 : i32
              %dma_wait3A_954 = arith.constant 0 : i32
              %dma_wait3A_955 = tpu.memref_slice %arg10[%dma_wait3A_952, %dma_wait3A_953, %dma_wait3A_954] : memref<2x512x32xbf16, #tpu.memory_space<vmem>> -> memref<1x512x32xbf16, #tpu.memory_space<vmem>>
              %dma_wait3A_956 = tpu.memref_squeeze %dma_wait3A_955 : memref<1x512x32xbf16, #tpu.memory_space<vmem>> -> memref<512x32xbf16, #tpu.memory_space<vmem>>
              %dma_wait3A_957 = arith.constant 0 : i32
              %dma_wait3A_958 = tpu.memref_slice %arg8[%dma_wait3A, %dma_wait3A_957] : memref<2x512xi32, #tpu.memory_space<vmem>> -> memref<1x512xi32, #tpu.memory_space<vmem>>
              %dma_wait3A_959 = tpu.memref_squeeze %dma_wait3A_958 : memref<1x512xi32, #tpu.memory_space<vmem>> -> memref<512xi32, #tpu.memory_space<vmem>>
              %dma_wait3A_960 = arith.constant 0 : i32
              %dma_wait3A_961 = arith.constant 0 : i32
              %dma_wait3A_962 = tpu.memref_slice %arg2[%dma_wait3A_960, %dma_wait3A_961] : memref<20000x32xbf16, #tpu.memory_space<hbm>> -> memref<20000x32xbf16, #tpu.memory_space<hbm>>
              tpu.wait_indirect_dma semaphore(%arg12 : memref<!tpu.dma_semaphore, #tpu.memory_space<semaphore_mem>>) src(%dma_wait3A_962 : memref<20000x32xbf16, #tpu.memory_space<hbm>>) dst(%dma_wait3A_956 : memref<512x32xbf16, #tpu.memory_space<vmem>>)
              %cond3A_963 = arith.constant 0 : i32
              scf.yield %cond3A_963 : i32
            } else {
              %cond3A_952 = arith.constant 0 : i32
              scf.yield %cond3A_952 : i32
            }
            %dma_start3A = arith.constant 0 : i32
            %dma_start3A_928 = arith.constant 0 : i32
            %dma_start3A_929 = tpu.memref_slice %arg10[%and3A_920, %dma_start3A, %dma_start3A_928] : memref<2x512x32xbf16, #tpu.memory_space<vmem>> -> memref<1x512x32xbf16, #tpu.memory_space<vmem>>
            %dma_start3A_930 = tpu.memref_squeeze %dma_start3A_929 : memref<1x512x32xbf16, #tpu.memory_space<vmem>> -> memref<512x32xbf16, #tpu.memory_space<vmem>>
            %dma_start3A_931 = arith.constant 0 : i32
            %dma_start3A_932 = tpu.memref_slice %arg8[%and3A_920, %dma_start3A_931] : memref<2x512xi32, #tpu.memory_space<vmem>> -> memref<1x512xi32, #tpu.memory_space<vmem>>
            %dma_start3A_933 = tpu.memref_squeeze %dma_start3A_932 : memref<1x512xi32, #tpu.memory_space<vmem>> -> memref<512xi32, #tpu.memory_space<vmem>>
            %dma_start3A_934 = arith.constant 0 : i32
            %dma_start3A_935 = arith.constant 0 : i32
            %dma_start3A_936 = tpu.memref_slice %arg2[%dma_start3A_934, %dma_start3A_935] : memref<20000x32xbf16, #tpu.memory_space<hbm>> -> memref<20000x32xbf16, #tpu.memory_space<hbm>>
            tpu.enqueue_indirect_dma source(%dma_start3A_936 : memref<20000x32xbf16, #tpu.memory_space<hbm>>) target(%dma_start3A_930 : memref<512x32xbf16, #tpu.memory_space<vmem>>) offsets(%dma_start3A_933 : memref<512xi32, #tpu.memory_space<vmem>>) semaphore(%arg12 : memref<!tpu.dma_semaphore, #tpu.memory_space<semaphore_mem>>)
            %sub3A_937 = arith.constant 1 : i32
            %sub3A_938 = arith.subi %sub3A_937, %and3A_920 : i32
            %while3A_939 = arith.constant 0 : i32
            %while3A_940 = arith.constant 0 : i32
            %while3A_941 = arith.subi %cond3A_836#2, %while3A_940 : i32
            %while3A_942 = arith.addi %while3A_940, %while3A_941 : i32
            %while3A_943 = arith.constant 1 : i32
            %while3A_944 = arith.divsi %while3A_941, %while3A_943 : i32
            %while3A_945 = arith.muli %while3A_944, %while3A_943 : i32
            %while3A_946 = arith.addi %while3A_940, %while3A_945 : i32
            %while3A_947 = arith.constant 1 : i32
            scf.for %while3A_952 = %while3A_940 to %while3A_946 step %while3A_947  : i32 {
              %get3A_953 = arith.index_cast %sub3A_938 : i32 to index
              %get3A_954 = arith.index_cast %while3A_952 : i32 to index
              %get3A_955 = tpu.vector_load %arg9[%get3A_953, %get3A_954] {strides = array<i32>} : memref<2x528xi32, #tpu.memory_space<vmem>>, vector<16xi32>,
              %slice3A_956 = vector.extract_strided_slice %get3A_955 {offsets = [0], sizes = [1], strides = [1]} : vector<16xi32> to vector<1xi32>
              %squeeze3A_957 = vector.extract %slice3A_956[0] : i32 from vector<1xi32>
              %mul3A_958 = arith.constant 32 : i32
              %mul3A_959 = arith.muli %squeeze3A_957, %mul3A_958 : i32
              %get3A_960 = arith.index_cast %sub3A_938 : i32 to index
              %get3A_961 = arith.index_cast %while3A_952 : i32 to index
              %get3A_962 = arith.constant 0 : index
              %get3A_963 = tpu.vector_load %arg10[%get3A_960, %get3A_961, %get3A_962] {strides = array<i32>} : memref<2x512x32xbf16, #tpu.memory_space<vmem>>, vector<32xbf16>,
              %get3A_964 = arith.index_cast %mul3A_959 : i32 to index
              %get3A_965 = tpu.vector_load %arg11[%get3A_964] {strides = array<i32>} : memref<10016xbf16, #tpu.memory_space<vmem>>, vector<32xbf16>,
              %min3A = arith.minimumf %get3A_965, %get3A_963 : vector<32xbf16>
              %swap3A_966 = arith.index_cast %mul3A_959 : i32 to index
              %swap3A_967 = tpu.vector_load %arg11[%swap3A_966] {strides = array<i32>} : memref<10016xbf16, #tpu.memory_space<vmem>>, vector<32xbf16>,
              tpu.vector_store %arg11[%swap3A_966], %min3A {strides = array<i32>} : memref<10016xbf16, #tpu.memory_space<vmem>>, vector<32xbf16>,
            }
            %while3A_948 = arith.constant 1 : i32
            scf.for %while3A_952 = %while3A_946 to %while3A_942 step %while3A_948  : i32 {
              %get3A_953 = arith.index_cast %sub3A_938 : i32 to index
              %get3A_954 = arith.index_cast %while3A_952 : i32 to index
              %get3A_955 = tpu.vector_load %arg9[%get3A_953, %get3A_954] {strides = array<i32>} : memref<2x528xi32, #tpu.memory_space<vmem>>, vector<16xi32>,
              %slice3A_956 = vector.extract_strided_slice %get3A_955 {offsets = [0], sizes = [1], strides = [1]} : vector<16xi32> to vector<1xi32>
              %squeeze3A_957 = vector.extract %slice3A_956[0] : i32 from vector<1xi32>
              %mul3A_958 = arith.constant 32 : i32
              %mul3A_959 = arith.muli %squeeze3A_957, %mul3A_958 : i32
              %get3A_960 = arith.index_cast %sub3A_938 : i32 to index
              %get3A_961 = arith.index_cast %while3A_952 : i32 to index
              %get3A_962 = arith.constant 0 : index
              %get3A_963 = tpu.vector_load %arg10[%get3A_960, %get3A_961, %get3A_962] {strides = array<i32>} : memref<2x512x32xbf16, #tpu.memory_space<vmem>>, vector<32xbf16>,
              %get3A_964 = arith.index_cast %mul3A_959 : i32 to index
              %get3A_965 = tpu.vector_load %arg11[%get3A_964] {strides = array<i32>} : memref<10016xbf16, #tpu.memory_space<vmem>>, vector<32xbf16>,
              %min3A = arith.minimumf %get3A_965, %get3A_963 : vector<32xbf16>
              %swap3A_966 = arith.index_cast %mul3A_959 : i32 to index
              %swap3A_967 = tpu.vector_load %arg11[%swap3A_966] {strides = array<i32>} : memref<10016xbf16, #tpu.memory_space<vmem>>, vector<32xbf16>,
              tpu.vector_store %arg11[%swap3A_966], %min3A {strides = array<i32>} : memref<10016xbf16, #tpu.memory_space<vmem>>, vector<32xbf16>,
            }
            %add3A_949 = arith.constant 1 : i32
            %add3A_950 = arith.addi %cond3A_836#1, %add3A_949 : i32
            %cond3A_951 = arith.constant 0 : i32
            scf.yield %cond3A_951, %add3A_950, %add3A_871 : i32, i32, i32
          } else {
            scf.yield %add3A_871, %cond3A_836#1, %cond3A_836#2 : i32, i32, i32
          }
          %scan3A_878 = arith.constant 7 : i32
          %scan3A_879 = arith.addi %scan3A_595, %scan3A_878 : i32
          %and3A_880 = arith.constant 1 : i32
          %and3A_881 = arith.andi %cond3A_877#1, %and3A_880 : i32
          %mul3A_882 = arith.constant 16 : i32
          %mul3A_883 = arith.muli %scan3A_879, %mul3A_882 : i32
          %get3A_884 = arith.index_cast %mul3A_883 : i32 to index
          %get3A_885 = tpu.vector_load %arg6[%get3A_884] {strides = array<i32>} : memref<16000xi32, #tpu.memory_space<vmem>>, vector<16xi32>,
          %mul3A_886 = arith.constant 16 : i32
          %mul3A_887 = arith.muli %scan3A_879, %mul3A_886 : i32
          %get3A_888 = arith.index_cast %mul3A_887 : i32 to index
          %get3A_889 = tpu.vector_load %arg7[%get3A_888] {strides = array<i32>} : memref<16000xi32, #tpu.memory_space<vmem>>, vector<16xi32>,
          %ge3A_890 = vector.broadcast %mul3A_2 : i32 to vector<16xi32>
          %ge3A_891 = arith.cmpi sge, %get3A_885, %ge3A_890 : vector<16xi32>
          %add3A_892 = arith.constant 313 : i32
          %add3A_893 = arith.addi %mul3A_2, %add3A_892 : i32
          %lt3A_894 = vector.broadcast %add3A_893 : i32 to vector<16xi32>
          %lt3A_895 = arith.cmpi slt, %get3A_885, %lt3A_894 : vector<16xi32>
          %and3A_896 = arith.andi %ge3A_891, %lt3A_895 : vector<16xi1>
          %all_reduce_population_count3A_897 = tpu.all_reduce %and3A_896 {dim = 0 : i64, kind = #tpu.reduction_kind<sum>} : vector<16xi1> -> vector<16xi32>
          %slice3A_898 = vector.extract_strided_slice %all_reduce_population_count3A_897 {offsets = [0], sizes = [1], strides = [1]} : vector<16xi32> to vector<1xi32>
          %squeeze3A_899 = vector.extract %slice3A_898[0] : i32 from vector<1xi32>
          %swap3A_900 = arith.constant 0 : i32
          %swap3A_901 = tpu.memref_slice %arg8[%and3A_881, %swap3A_900] : memref<2x512xi32, #tpu.memory_space<vmem>> -> memref<1x512xi32, #tpu.memory_space<vmem>>
          %swap3A_902 = tpu.memref_squeeze %swap3A_901 : memref<1x512xi32, #tpu.memory_space<vmem>> -> memref<512xi32, #tpu.memory_space<vmem>>
          %swap3A_903 = arith.index_cast %cond3A_877#0 : i32 to index
          %swap3A_904 = tpu.vector_load %swap3A_902[%swap3A_903] masked %and3A_896 {strides = array<i32>} : memref<512xi32, #tpu.memory_space<vmem>>, vector<16xi32>, vector<16xi1>
          tpu.vector_store %swap3A_902[%swap3A_903], %get3A_889 masked %and3A_896 {strides = array<i32>} : memref<512xi32, #tpu.memory_space<vmem>>, vector<16xi32>, vector<16xi1>
          %sub3A_905 = vector.broadcast %mul3A_2 : i32 to vector<16xi32>
          %sub3A_906 = arith.subi %get3A_885, %sub3A_905 : vector<16xi32>
          %swap3A_907 = arith.constant 0 : i32
          %swap3A_908 = tpu.memref_slice %arg9[%and3A_881, %swap3A_907] : memref<2x528xi32, #tpu.memory_space<vmem>> -> memref<1x528xi32, #tpu.memory_space<vmem>>
          %swap3A_909 = tpu.memref_squeeze %swap3A_908 : memref<1x528xi32, #tpu.memory_space<vmem>> -> memref<528xi32, #tpu.memory_space<vmem>>
          %swap3A_910 = arith.index_cast %cond3A_877#0 : i32 to index
          %swap3A_911 = tpu.vector_load %swap3A_909[%swap3A_910] masked %and3A_896 {strides = array<i32>} : memref<528xi32, #tpu.memory_space<vmem>>, vector<16xi32>, vector<16xi1>
          tpu.vector_store %swap3A_909[%swap3A_910], %sub3A_906 masked %and3A_896 {strides = array<i32>} : memref<528xi32, #tpu.memory_space<vmem>>, vector<16xi32>, vector<16xi1>
          %add3A_912 = arith.addi %cond3A_877#0, %squeeze3A_899 : i32
          %gt3A_913 = arith.constant 496 : i32
          %gt3A_914 = arith.cmpi sgt, %add3A_912, %gt3A_913 : i32
          %convert_element_type3A_915 = arith.extui %gt3A_914 : i1 to i32
          %cond3A_916 = arith.constant 0 : i32
          %cond3A_917 = arith.cmpi ne, %convert_element_type3A_915, %cond3A_916 : i32
          %cond3A_918:3 = scf.if %cond3A_917 -> (i32, i32, i32) {
            %and3A_919 = arith.constant 1 : i32
            %and3A_920 = arith.andi %cond3A_877#1, %and3A_919 : i32
            %gt3A_921 = arith.constant 0 : i32
            %gt3A_922 = arith.cmpi sgt, %cond3A_877#2, %gt3A_921 : i32
            %convert_element_type3A_923 = arith.extui %gt3A_922 : i1 to i32
            %cond3A_924 = arith.constant 0 : i32
            %cond3A_925 = arith.constant 0 : i32
            %cond3A_926 = arith.cmpi ne, %convert_element_type3A_923, %cond3A_925 : i32
            %cond3A_927 = scf.if %cond3A_926 -> (i32) {
              %dma_wait3A = arith.constant 0 : i32
              %dma_wait3A_952 = arith.constant 0 : i32
              %dma_wait3A_953 = arith.constant 0 : i32
              %dma_wait3A_954 = arith.constant 0 : i32
              %dma_wait3A_955 = tpu.memref_slice %arg10[%dma_wait3A_952, %dma_wait3A_953, %dma_wait3A_954] : memref<2x512x32xbf16, #tpu.memory_space<vmem>> -> memref<1x512x32xbf16, #tpu.memory_space<vmem>>
              %dma_wait3A_956 = tpu.memref_squeeze %dma_wait3A_955 : memref<1x512x32xbf16, #tpu.memory_space<vmem>> -> memref<512x32xbf16, #tpu.memory_space<vmem>>
              %dma_wait3A_957 = arith.constant 0 : i32
              %dma_wait3A_958 = tpu.memref_slice %arg8[%dma_wait3A, %dma_wait3A_957] : memref<2x512xi32, #tpu.memory_space<vmem>> -> memref<1x512xi32, #tpu.memory_space<vmem>>
              %dma_wait3A_959 = tpu.memref_squeeze %dma_wait3A_958 : memref<1x512xi32, #tpu.memory_space<vmem>> -> memref<512xi32, #tpu.memory_space<vmem>>
              %dma_wait3A_960 = arith.constant 0 : i32
              %dma_wait3A_961 = arith.constant 0 : i32
              %dma_wait3A_962 = tpu.memref_slice %arg2[%dma_wait3A_960, %dma_wait3A_961] : memref<20000x32xbf16, #tpu.memory_space<hbm>> -> memref<20000x32xbf16, #tpu.memory_space<hbm>>
              tpu.wait_indirect_dma semaphore(%arg12 : memref<!tpu.dma_semaphore, #tpu.memory_space<semaphore_mem>>) src(%dma_wait3A_962 : memref<20000x32xbf16, #tpu.memory_space<hbm>>) dst(%dma_wait3A_956 : memref<512x32xbf16, #tpu.memory_space<vmem>>)
              %cond3A_963 = arith.constant 0 : i32
              scf.yield %cond3A_963 : i32
            } else {
              %cond3A_952 = arith.constant 0 : i32
              scf.yield %cond3A_952 : i32
            }
            %dma_start3A = arith.constant 0 : i32
            %dma_start3A_928 = arith.constant 0 : i32
            %dma_start3A_929 = tpu.memref_slice %arg10[%and3A_920, %dma_start3A, %dma_start3A_928] : memref<2x512x32xbf16, #tpu.memory_space<vmem>> -> memref<1x512x32xbf16, #tpu.memory_space<vmem>>
            %dma_start3A_930 = tpu.memref_squeeze %dma_start3A_929 : memref<1x512x32xbf16, #tpu.memory_space<vmem>> -> memref<512x32xbf16, #tpu.memory_space<vmem>>
            %dma_start3A_931 = arith.constant 0 : i32
            %dma_start3A_932 = tpu.memref_slice %arg8[%and3A_920, %dma_start3A_931] : memref<2x512xi32, #tpu.memory_space<vmem>> -> memref<1x512xi32, #tpu.memory_space<vmem>>
            %dma_start3A_933 = tpu.memref_squeeze %dma_start3A_932 : memref<1x512xi32, #tpu.memory_space<vmem>> -> memref<512xi32, #tpu.memory_space<vmem>>
            %dma_start3A_934 = arith.constant 0 : i32
            %dma_start3A_935 = arith.constant 0 : i32
            %dma_start3A_936 = tpu.memref_slice %arg2[%dma_start3A_934, %dma_start3A_935] : memref<20000x32xbf16, #tpu.memory_space<hbm>> -> memref<20000x32xbf16, #tpu.memory_space<hbm>>
            tpu.enqueue_indirect_dma source(%dma_start3A_936 : memref<20000x32xbf16, #tpu.memory_space<hbm>>) target(%dma_start3A_930 : memref<512x32xbf16, #tpu.memory_space<vmem>>) offsets(%dma_start3A_933 : memref<512xi32, #tpu.memory_space<vmem>>) semaphore(%arg12 : memref<!tpu.dma_semaphore, #tpu.memory_space<semaphore_mem>>)
            %sub3A_937 = arith.constant 1 : i32
            %sub3A_938 = arith.subi %sub3A_937, %and3A_920 : i32
            %while3A_939 = arith.constant 0 : i32
            %while3A_940 = arith.constant 0 : i32
            %while3A_941 = arith.subi %cond3A_877#2, %while3A_940 : i32
            %while3A_942 = arith.addi %while3A_940, %while3A_941 : i32
            %while3A_943 = arith.constant 1 : i32
            %while3A_944 = arith.divsi %while3A_941, %while3A_943 : i32
            %while3A_945 = arith.muli %while3A_944, %while3A_943 : i32
            %while3A_946 = arith.addi %while3A_940, %while3A_945 : i32
            %while3A_947 = arith.constant 1 : i32
            scf.for %while3A_952 = %while3A_940 to %while3A_946 step %while3A_947  : i32 {
              %get3A_953 = arith.index_cast %sub3A_938 : i32 to index
              %get3A_954 = arith.index_cast %while3A_952 : i32 to index
              %get3A_955 = tpu.vector_load %arg9[%get3A_953, %get3A_954] {strides = array<i32>} : memref<2x528xi32, #tpu.memory_space<vmem>>, vector<16xi32>,
              %slice3A_956 = vector.extract_strided_slice %get3A_955 {offsets = [0], sizes = [1], strides = [1]} : vector<16xi32> to vector<1xi32>
              %squeeze3A_957 = vector.extract %slice3A_956[0] : i32 from vector<1xi32>
              %mul3A_958 = arith.constant 32 : i32
              %mul3A_959 = arith.muli %squeeze3A_957, %mul3A_958 : i32
              %get3A_960 = arith.index_cast %sub3A_938 : i32 to index
              %get3A_961 = arith.index_cast %while3A_952 : i32 to index
              %get3A_962 = arith.constant 0 : index
              %get3A_963 = tpu.vector_load %arg10[%get3A_960, %get3A_961, %get3A_962] {strides = array<i32>} : memref<2x512x32xbf16, #tpu.memory_space<vmem>>, vector<32xbf16>,
              %get3A_964 = arith.index_cast %mul3A_959 : i32 to index
              %get3A_965 = tpu.vector_load %arg11[%get3A_964] {strides = array<i32>} : memref<10016xbf16, #tpu.memory_space<vmem>>, vector<32xbf16>,
              %min3A = arith.minimumf %get3A_965, %get3A_963 : vector<32xbf16>
              %swap3A_966 = arith.index_cast %mul3A_959 : i32 to index
              %swap3A_967 = tpu.vector_load %arg11[%swap3A_966] {strides = array<i32>} : memref<10016xbf16, #tpu.memory_space<vmem>>, vector<32xbf16>,
              tpu.vector_store %arg11[%swap3A_966], %min3A {strides = array<i32>} : memref<10016xbf16, #tpu.memory_space<vmem>>, vector<32xbf16>,
            }
            %while3A_948 = arith.constant 1 : i32
            scf.for %while3A_952 = %while3A_946 to %while3A_942 step %while3A_948  : i32 {
              %get3A_953 = arith.index_cast %sub3A_938 : i32 to index
              %get3A_954 = arith.index_cast %while3A_952 : i32 to index
              %get3A_955 = tpu.vector_load %arg9[%get3A_953, %get3A_954] {strides = array<i32>} : memref<2x528xi32, #tpu.memory_space<vmem>>, vector<16xi32>,
              %slice3A_956 = vector.extract_strided_slice %get3A_955 {offsets = [0], sizes = [1], strides = [1]} : vector<16xi32> to vector<1xi32>
              %squeeze3A_957 = vector.extract %slice3A_956[0] : i32 from vector<1xi32>
              %mul3A_958 = arith.constant 32 : i32
              %mul3A_959 = arith.muli %squeeze3A_957, %mul3A_958 : i32
              %get3A_960 = arith.index_cast %sub3A_938 : i32 to index
              %get3A_961 = arith.index_cast %while3A_952 : i32 to index
              %get3A_962 = arith.constant 0 : index
              %get3A_963 = tpu.vector_load %arg10[%get3A_960, %get3A_961, %get3A_962] {strides = array<i32>} : memref<2x512x32xbf16, #tpu.memory_space<vmem>>, vector<32xbf16>,
              %get3A_964 = arith.index_cast %mul3A_959 : i32 to index
              %get3A_965 = tpu.vector_load %arg11[%get3A_964] {strides = array<i32>} : memref<10016xbf16, #tpu.memory_space<vmem>>, vector<32xbf16>,
              %min3A = arith.minimumf %get3A_965, %get3A_963 : vector<32xbf16>
              %swap3A_966 = arith.index_cast %mul3A_959 : i32 to index
              %swap3A_967 = tpu.vector_load %arg11[%swap3A_966] {strides = array<i32>} : memref<10016xbf16, #tpu.memory_space<vmem>>, vector<32xbf16>,
              tpu.vector_store %arg11[%swap3A_966], %min3A {strides = array<i32>} : memref<10016xbf16, #tpu.memory_space<vmem>>, vector<32xbf16>,
            }
            %add3A_949 = arith.constant 1 : i32
            %add3A_950 = arith.addi %cond3A_877#1, %add3A_949 : i32
            %cond3A_951 = arith.constant 0 : i32
            scf.yield %cond3A_951, %add3A_950, %add3A_912 : i32, i32, i32
          } else {
            scf.yield %add3A_912, %cond3A_877#1, %cond3A_877#2 : i32, i32, i32
          }
          scf.yield %cond3A_918#0, %cond3A_918#1, %cond3A_918#2 : i32, i32, i32
        }
        %scan3A_594 = arith.constant 1000 : i32
        scf.yield %scan3A_593#0, %scan3A_593#1, %scan3A_593#2 : i32, i32, i32
      }
      %scan3A_537 = arith.constant 10 : i32
      %and3A = arith.constant 1 : i32
      %and3A_538 = arith.andi %scan3A_536#1, %and3A : i32
      %gt3A = arith.constant 0 : i32
      %gt3A_539 = arith.cmpi sgt, %scan3A_536#2, %gt3A : i32
      %convert_element_type3A = arith.extui %gt3A_539 : i1 to i32
      %cond3A = arith.constant 0 : i32
      %cond3A_540 = arith.constant 0 : i32
      %cond3A_541 = arith.cmpi ne, %convert_element_type3A, %cond3A_540 : i32
      %cond3A_542 = scf.if %cond3A_541 -> (i32) {
        %dma_wait3A = arith.constant 0 : i32
        %dma_wait3A_575 = arith.constant 0 : i32
        %dma_wait3A_576 = arith.constant 0 : i32
        %dma_wait3A_577 = arith.constant 0 : i32
        %dma_wait3A_578 = tpu.memref_slice %arg10[%dma_wait3A_575, %dma_wait3A_576, %dma_wait3A_577] : memref<2x512x32xbf16, #tpu.memory_space<vmem>> -> memref<1x512x32xbf16, #tpu.memory_space<vmem>>
        %dma_wait3A_579 = tpu.memref_squeeze %dma_wait3A_578 : memref<1x512x32xbf16, #tpu.memory_space<vmem>> -> memref<512x32xbf16, #tpu.memory_space<vmem>>
        %dma_wait3A_580 = arith.constant 0 : i32
        %dma_wait3A_581 = tpu.memref_slice %arg8[%dma_wait3A, %dma_wait3A_580] : memref<2x512xi32, #tpu.memory_space<vmem>> -> memref<1x512xi32, #tpu.memory_space<vmem>>
        %dma_wait3A_582 = tpu.memref_squeeze %dma_wait3A_581 : memref<1x512xi32, #tpu.memory_space<vmem>> -> memref<512xi32, #tpu.memory_space<vmem>>
        %dma_wait3A_583 = arith.constant 0 : i32
        %dma_wait3A_584 = arith.constant 0 : i32
        %dma_wait3A_585 = tpu.memref_slice %arg2[%dma_wait3A_583, %dma_wait3A_584] : memref<20000x32xbf16, #tpu.memory_space<hbm>> -> memref<20000x32xbf16, #tpu.memory_space<hbm>>
        tpu.wait_indirect_dma semaphore(%arg12 : memref<!tpu.dma_semaphore, #tpu.memory_space<semaphore_mem>>) src(%dma_wait3A_585 : memref<20000x32xbf16, #tpu.memory_space<hbm>>) dst(%dma_wait3A_579 : memref<512x32xbf16, #tpu.memory_space<vmem>>)
        %cond3A_586 = arith.constant 0 : i32
        scf.yield %cond3A_586 : i32
      } else {
        %cond3A_575 = arith.constant 0 : i32
        scf.yield %cond3A_575 : i32
      }
      %sub3A = arith.constant 1 : i32
      %sub3A_543 = arith.subi %sub3A, %and3A_538 : i32
      %while3A = arith.constant 0 : i32
      %while3A_544 = arith.constant 0 : i32
      %while3A_545 = arith.subi %scan3A_536#2, %while3A_544 : i32
      %while3A_546 = arith.addi %while3A_544, %while3A_545 : i32
      %while3A_547 = arith.constant 1 : i32
      %while3A_548 = arith.divsi %while3A_545, %while3A_547 : i32
      %while3A_549 = arith.muli %while3A_548, %while3A_547 : i32
      %while3A_550 = arith.addi %while3A_544, %while3A_549 : i32
      %while3A_551 = arith.constant 1 : i32
      scf.for %while3A_575 = %while3A_544 to %while3A_550 step %while3A_551  : i32 {
        %get3A = arith.index_cast %sub3A_543 : i32 to index
        %get3A_576 = arith.index_cast %while3A_575 : i32 to index
        %get3A_577 = tpu.vector_load %arg9[%get3A, %get3A_576] {strides = array<i32>} : memref<2x528xi32, #tpu.memory_space<vmem>>, vector<16xi32>,
        %slice3A = vector.extract_strided_slice %get3A_577 {offsets = [0], sizes = [1], strides = [1]} : vector<16xi32> to vector<1xi32>
        %squeeze3A = vector.extract %slice3A[0] : i32 from vector<1xi32>
        %mul3A_578 = arith.constant 32 : i32
        %mul3A_579 = arith.muli %squeeze3A, %mul3A_578 : i32
        %get3A_580 = arith.index_cast %sub3A_543 : i32 to index
        %get3A_581 = arith.index_cast %while3A_575 : i32 to index
        %get3A_582 = arith.constant 0 : index
        %get3A_583 = tpu.vector_load %arg10[%get3A_580, %get3A_581, %get3A_582] {strides = array<i32>} : memref<2x512x32xbf16, #tpu.memory_space<vmem>>, vector<32xbf16>,
        %get3A_584 = arith.index_cast %mul3A_579 : i32 to index
        %get3A_585 = tpu.vector_load %arg11[%get3A_584] {strides = array<i32>} : memref<10016xbf16, #tpu.memory_space<vmem>>, vector<32xbf16>,
        %min3A = arith.minimumf %get3A_585, %get3A_583 : vector<32xbf16>
        %swap3A_586 = arith.index_cast %mul3A_579 : i32 to index
        %swap3A_587 = tpu.vector_load %arg11[%swap3A_586] {strides = array<i32>} : memref<10016xbf16, #tpu.memory_space<vmem>>, vector<32xbf16>,
        tpu.vector_store %arg11[%swap3A_586], %min3A {strides = array<i32>} : memref<10016xbf16, #tpu.memory_space<vmem>>, vector<32xbf16>,
      }
      %while3A_552 = arith.constant 1 : i32
      scf.for %while3A_575 = %while3A_550 to %while3A_546 step %while3A_552  : i32 {
        %get3A = arith.index_cast %sub3A_543 : i32 to index
        %get3A_576 = arith.index_cast %while3A_575 : i32 to index
        %get3A_577 = tpu.vector_load %arg9[%get3A, %get3A_576] {strides = array<i32>} : memref<2x528xi32, #tpu.memory_space<vmem>>, vector<16xi32>,
        %slice3A = vector.extract_strided_slice %get3A_577 {offsets = [0], sizes = [1], strides = [1]} : vector<16xi32> to vector<1xi32>
        %squeeze3A = vector.extract %slice3A[0] : i32 from vector<1xi32>
        %mul3A_578 = arith.constant 32 : i32
        %mul3A_579 = arith.muli %squeeze3A, %mul3A_578 : i32
        %get3A_580 = arith.index_cast %sub3A_543 : i32 to index
        %get3A_581 = arith.index_cast %while3A_575 : i32 to index
        %get3A_582 = arith.constant 0 : index
        %get3A_583 = tpu.vector_load %arg10[%get3A_580, %get3A_581, %get3A_582] {strides = array<i32>} : memref<2x512x32xbf16, #tpu.memory_space<vmem>>, vector<32xbf16>,
        %get3A_584 = arith.index_cast %mul3A_579 : i32 to index
        %get3A_585 = tpu.vector_load %arg11[%get3A_584] {strides = array<i32>} : memref<10016xbf16, #tpu.memory_space<vmem>>, vector<32xbf16>,
        %min3A = arith.minimumf %get3A_585, %get3A_583 : vector<32xbf16>
        %swap3A_586 = arith.index_cast %mul3A_579 : i32 to index
        %swap3A_587 = tpu.vector_load %arg11[%swap3A_586] {strides = array<i32>} : memref<10016xbf16, #tpu.memory_space<vmem>>, vector<32xbf16>,
        tpu.vector_store %arg11[%swap3A_586], %min3A {strides = array<i32>} : memref<10016xbf16, #tpu.memory_space<vmem>>, vector<32xbf16>,
      }
      %gt3A_553 = arith.constant 0 : i32
      %gt3A_554 = arith.cmpi sgt, %scan3A_536#0, %gt3A_553 : i32
      %convert_element_type3A_555 = arith.extui %gt3A_554 : i1 to i32
      %cond3A_556 = arith.constant 0 : i32
      %cond3A_557 = arith.constant 0 : i32
      %cond3A_558 = arith.cmpi ne, %convert_element_type3A_555, %cond3A_557 : i32
      %cond3A_559 = scf.if %cond3A_558 -> (i32) {
        %dma_start3A = arith.constant 0 : i32
        %dma_start3A_575 = arith.constant 0 : i32
        %dma_start3A_576 = tpu.memref_slice %arg10[%and3A_538, %dma_start3A, %dma_start3A_575] : memref<2x512x32xbf16, #tpu.memory_space<vmem>> -> memref<1x512x32xbf16, #tpu.memory_space<vmem>>
        %dma_start3A_577 = tpu.memref_squeeze %dma_start3A_576 : memref<1x512x32xbf16, #tpu.memory_space<vmem>> -> memref<512x32xbf16, #tpu.memory_space<vmem>>
        %dma_start3A_578 = arith.constant 0 : i32
        %dma_start3A_579 = tpu.memref_slice %arg8[%and3A_538, %dma_start3A_578] : memref<2x512xi32, #tpu.memory_space<vmem>> -> memref<1x512xi32, #tpu.memory_space<vmem>>
        %dma_start3A_580 = tpu.memref_squeeze %dma_start3A_579 : memref<1x512xi32, #tpu.memory_space<vmem>> -> memref<512xi32, #tpu.memory_space<vmem>>
        %dma_start3A_581 = arith.constant 0 : i32
        %dma_start3A_582 = arith.constant 0 : i32
        %dma_start3A_583 = tpu.memref_slice %arg2[%dma_start3A_581, %dma_start3A_582] : memref<20000x32xbf16, #tpu.memory_space<hbm>> -> memref<20000x32xbf16, #tpu.memory_space<hbm>>
        tpu.enqueue_indirect_dma source(%dma_start3A_583 : memref<20000x32xbf16, #tpu.memory_space<hbm>>) target(%dma_start3A_577 : memref<512x32xbf16, #tpu.memory_space<vmem>>) offsets(%dma_start3A_580 : memref<512xi32, #tpu.memory_space<vmem>>) semaphore(%arg12 : memref<!tpu.dma_semaphore, #tpu.memory_space<semaphore_mem>>)
        %dma_wait3A = arith.constant 0 : i32
        %dma_wait3A_584 = arith.constant 0 : i32
        %dma_wait3A_585 = tpu.memref_slice %arg10[%and3A_538, %dma_wait3A, %dma_wait3A_584] : memref<2x512x32xbf16, #tpu.memory_space<vmem>> -> memref<1x512x32xbf16, #tpu.memory_space<vmem>>
        %dma_wait3A_586 = tpu.memref_squeeze %dma_wait3A_585 : memref<1x512x32xbf16, #tpu.memory_space<vmem>> -> memref<512x32xbf16, #tpu.memory_space<vmem>>
        %dma_wait3A_587 = arith.constant 0 : i32
        %dma_wait3A_588 = tpu.memref_slice %arg8[%and3A_538, %dma_wait3A_587] : memref<2x512xi32, #tpu.memory_space<vmem>> -> memref<1x512xi32, #tpu.memory_space<vmem>>
        %dma_wait3A_589 = tpu.memref_squeeze %dma_wait3A_588 : memref<1x512xi32, #tpu.memory_space<vmem>> -> memref<512xi32, #tpu.memory_space<vmem>>
        %dma_wait3A_590 = arith.constant 0 : i32
        %dma_wait3A_591 = arith.constant 0 : i32
        %dma_wait3A_592 = tpu.memref_slice %arg2[%dma_wait3A_590, %dma_wait3A_591] : memref<20000x32xbf16, #tpu.memory_space<hbm>> -> memref<20000x32xbf16, #tpu.memory_space<hbm>>
        tpu.wait_indirect_dma semaphore(%arg12 : memref<!tpu.dma_semaphore, #tpu.memory_space<semaphore_mem>>) src(%dma_wait3A_592 : memref<20000x32xbf16, #tpu.memory_space<hbm>>) dst(%dma_wait3A_586 : memref<512x32xbf16, #tpu.memory_space<vmem>>)
        %cond3A_593 = arith.constant 0 : i32
        scf.yield %cond3A_593 : i32
      } else {
        %cond3A_575 = arith.constant 0 : i32
        scf.yield %cond3A_575 : i32
      }
      %while3A_560 = arith.constant 0 : i32
      %while3A_561 = arith.constant 0 : i32
      %while3A_562 = arith.subi %scan3A_536#0, %while3A_561 : i32
      %while3A_563 = arith.addi %while3A_561, %while3A_562 : i32
      %while3A_564 = arith.constant 1 : i32
      %while3A_565 = arith.divsi %while3A_562, %while3A_564 : i32
      %while3A_566 = arith.muli %while3A_565, %while3A_564 : i32
      %while3A_567 = arith.addi %while3A_561, %while3A_566 : i32
      %while3A_568 = arith.constant 1 : i32
      scf.for %while3A_575 = %while3A_561 to %while3A_567 step %while3A_568  : i32 {
        %get3A = arith.index_cast %and3A_538 : i32 to index
        %get3A_576 = arith.index_cast %while3A_575 : i32 to index
        %get3A_577 = tpu.vector_load %arg9[%get3A, %get3A_576] {strides = array<i32>} : memref<2x528xi32, #tpu.memory_space<vmem>>, vector<16xi32>,
        %slice3A = vector.extract_strided_slice %get3A_577 {offsets = [0], sizes = [1], strides = [1]} : vector<16xi32> to vector<1xi32>
        %squeeze3A = vector.extract %slice3A[0] : i32 from vector<1xi32>
        %mul3A_578 = arith.constant 32 : i32
        %mul3A_579 = arith.muli %squeeze3A, %mul3A_578 : i32
        %get3A_580 = arith.index_cast %and3A_538 : i32 to index
        %get3A_581 = arith.index_cast %while3A_575 : i32 to index
        %get3A_582 = arith.constant 0 : index
        %get3A_583 = tpu.vector_load %arg10[%get3A_580, %get3A_581, %get3A_582] {strides = array<i32>} : memref<2x512x32xbf16, #tpu.memory_space<vmem>>, vector<32xbf16>,
        %get3A_584 = arith.index_cast %mul3A_579 : i32 to index
        %get3A_585 = tpu.vector_load %arg11[%get3A_584] {strides = array<i32>} : memref<10016xbf16, #tpu.memory_space<vmem>>, vector<32xbf16>,
        %min3A = arith.minimumf %get3A_585, %get3A_583 : vector<32xbf16>
        %swap3A_586 = arith.index_cast %mul3A_579 : i32 to index
        %swap3A_587 = tpu.vector_load %arg11[%swap3A_586] {strides = array<i32>} : memref<10016xbf16, #tpu.memory_space<vmem>>, vector<32xbf16>,
        tpu.vector_store %arg11[%swap3A_586], %min3A {strides = array<i32>} : memref<10016xbf16, #tpu.memory_space<vmem>>, vector<32xbf16>,
      }
      %while3A_569 = arith.constant 1 : i32
      scf.for %while3A_575 = %while3A_567 to %while3A_563 step %while3A_569  : i32 {
        %get3A = arith.index_cast %and3A_538 : i32 to index
        %get3A_576 = arith.index_cast %while3A_575 : i32 to index
        %get3A_577 = tpu.vector_load %arg9[%get3A, %get3A_576] {strides = array<i32>} : memref<2x528xi32, #tpu.memory_space<vmem>>, vector<16xi32>,
        %slice3A = vector.extract_strided_slice %get3A_577 {offsets = [0], sizes = [1], strides = [1]} : vector<16xi32> to vector<1xi32>
        %squeeze3A = vector.extract %slice3A[0] : i32 from vector<1xi32>
        %mul3A_578 = arith.constant 32 : i32
        %mul3A_579 = arith.muli %squeeze3A, %mul3A_578 : i32
        %get3A_580 = arith.index_cast %and3A_538 : i32 to index
        %get3A_581 = arith.index_cast %while3A_575 : i32 to index
        %get3A_582 = arith.constant 0 : index
        %get3A_583 = tpu.vector_load %arg10[%get3A_580, %get3A_581, %get3A_582] {strides = array<i32>} : memref<2x512x32xbf16, #tpu.memory_space<vmem>>, vector<32xbf16>,
        %get3A_584 = arith.index_cast %mul3A_579 : i32 to index
        %get3A_585 = tpu.vector_load %arg11[%get3A_584] {strides = array<i32>} : memref<10016xbf16, #tpu.memory_space<vmem>>, vector<32xbf16>,
        %min3A = arith.minimumf %get3A_585, %get3A_583 : vector<32xbf16>
        %swap3A_586 = arith.index_cast %mul3A_579 : i32 to index
        %swap3A_587 = tpu.vector_load %arg11[%swap3A_586] {strides = array<i32>} : memref<10016xbf16, #tpu.memory_space<vmem>>, vector<32xbf16>,
        tpu.vector_store %arg11[%swap3A_586], %min3A {strides = array<i32>} : memref<10016xbf16, #tpu.memory_space<vmem>>, vector<32xbf16>,
      }
      %mul3A_570 = arith.constant 10016 : i32
      %mul3A_571 = arith.muli %scan3A_522, %mul3A_570 : i32
      %add3A_572 = arith.addi %mul3A_571, %mul3A_2 : i32
      %mul3A_573 = arith.constant 32 : i32
      %mul3A_574 = arith.muli %add3A_572, %mul3A_573 : i32
      "tpu.region"() ({
        %run_scoped3A = tpu.sem_alloc : memref<!tpu.dma_semaphore, #tpu.memory_space<semaphore_mem>>
        %dma_start3A = tpu.memref_slice %arg5[%mul3A_574] : memref<1923072xbf16, #tpu.memory_space<hbm>> -> memref<10016xbf16, #tpu.memory_space<hbm>>
        %dma_start3A_575 = tpu.memref_slice %arg5[%mul3A_574] : memref<1923072xbf16, #tpu.memory_space<hbm>> -> memref<10016xbf16, #tpu.memory_space<hbm>>
        tpu.enqueue_dma source(%arg11 : memref<10016xbf16, #tpu.memory_space<vmem>>) target(%dma_start3A_575 : memref<10016xbf16, #tpu.memory_space<hbm>>) target_semaphore(%run_scoped3A : memref<!tpu.dma_semaphore, #tpu.memory_space<semaphore_mem>>)
        %dma_wait3A = tpu.memref_slice %arg5[%mul3A_574] : memref<1923072xbf16, #tpu.memory_space<hbm>> -> memref<10016xbf16, #tpu.memory_space<hbm>>
        %dma_wait3A_576 = tpu.memref_slice %arg5[%mul3A_574] : memref<1923072xbf16, #tpu.memory_space<hbm>> -> memref<10016xbf16, #tpu.memory_space<hbm>>
        tpu.wait_dma2 semaphore(%run_scoped3A : memref<!tpu.dma_semaphore, #tpu.memory_space<semaphore_mem>>) src(%arg11 : memref<10016xbf16, #tpu.memory_space<vmem>>) dst(%dma_wait3A_576 : memref<10016xbf16, #tpu.memory_space<hbm>>)
        tpu.yield
      }) : () -> ()
    }
    %scan3A_521 = arith.constant 6 : i32
    return
  }
}

module attributes {stable_mosaic.version = 14 : i64} {
  func.func @_mlp3_body(%arg0: memref<10000x4xf32, #tpu.memory_space<vmem>>, %arg1: memref<10000x6xf32, #tpu.memory_space<vmem>>, %arg2: memref<10000x3xf32, #tpu.memory_space<vmem>>, %arg3: memref<4x32xf32, #tpu.memory_space<vmem>>, %arg4: memref<1x32xf32, #tpu.memory_space<vmem>>, %arg5: memref<6x32xf32, #tpu.memory_space<vmem>>, %arg6: memref<1x32xf32, #tpu.memory_space<vmem>>, %arg7: memref<3x32xf32, #tpu.memory_space<vmem>>, %arg8: memref<1x32xf32, #tpu.memory_space<vmem>>, %arg9: memref<10000x32xf32, #tpu.memory_space<vmem>>, %arg10: memref<10000x32xf32, #tpu.memory_space<vmem>>, %arg11: memref<10000x32xf32, #tpu.memory_space<vmem>>) attributes {dimension_semantics = [], scalar_prefetch = 0 : i64, scratch_operands = 0 : i64, tpu.core_type = #tpu.core_type<tc>} {
    %get3A = arith.constant 0 : index
    %get3A_0 = arith.constant 0 : index
    %get3A_1 = vector.load %arg0[%get3A, %get3A_0] : memref<10000x4xf32, #tpu.memory_space<vmem>>, vector<10000x4xf32>
    %get3A_2 = arith.constant 0 : index
    %get3A_3 = arith.constant 0 : index
    %get3A_4 = vector.load %arg3[%get3A_2, %get3A_3] : memref<4x32xf32, #tpu.memory_space<vmem>>, vector<4x32xf32>
    %dot_general3A = arith.constant dense<0.000000e+00> : vector<10000x32xf32>
    %dot_general3A_5 = tpu.matmul %get3A_1, %get3A_4, %dot_general3A {dimension_numbers = #tpu.dot_dimension_numbers<[1], [0], [0], [1], [0, 0, 1, 1], [], []>, transpose_lhs_hint = false} : vector<10000x4xf32>, vector<4x32xf32>, vector<10000x32xf32> -> vector<10000x32xf32>
    %get3A_6 = arith.constant 0 : index
    %get3A_7 = arith.constant 0 : index
    %get3A_8 = vector.load %arg4[%get3A_6, %get3A_7] : memref<1x32xf32, #tpu.memory_space<vmem>>, vector<1x32xf32>
    %add3A = vector.broadcast %get3A_8 : vector<1x32xf32> to vector<10000x32xf32>
    %add3A_9 = arith.addf %dot_general3A_5, %add3A : vector<10000x32xf32>
    %ge3A = arith.constant 0.000000e+00 : f32
    %ge3A_10 = vector.broadcast %ge3A : f32 to vector<10000x32xf32>
    %ge3A_11 = arith.cmpf oge, %add3A_9, %ge3A_10 : vector<10000x32xf32>
    %mul3A = arith.constant 0.00999999977 : f32
    %mul3A_12 = vector.broadcast %mul3A : f32 to vector<10000x32xf32>
    %mul3A_13 = arith.mulf %mul3A_12, %add3A_9 : vector<10000x32xf32>
    %select_n3A = arith.select %ge3A_11, %add3A_9, %mul3A_13 : vector<10000x32xi1>, vector<10000x32xf32>
    %swap3A = arith.constant 0 : index
    %swap3A_14 = arith.constant 0 : index
    %swap3A_15 = vector.load %arg9[%swap3A, %swap3A_14] : memref<10000x32xf32, #tpu.memory_space<vmem>>, vector<10000x32xf32>
    tpu.vector_store %arg9[%swap3A, %swap3A_14], %select_n3A {strides = array<i32>} : memref<10000x32xf32, #tpu.memory_space<vmem>>, vector<10000x32xf32>,
    %get3A_16 = arith.constant 0 : index
    %get3A_17 = arith.constant 0 : index
    %get3A_18 = vector.load %arg1[%get3A_16, %get3A_17] : memref<10000x6xf32, #tpu.memory_space<vmem>>, vector<10000x6xf32>
    %get3A_19 = arith.constant 0 : index
    %get3A_20 = arith.constant 0 : index
    %get3A_21 = vector.load %arg5[%get3A_19, %get3A_20] : memref<6x32xf32, #tpu.memory_space<vmem>>, vector<6x32xf32>
    %dot_general3A_22 = arith.constant dense<0.000000e+00> : vector<10000x32xf32>
    %dot_general3A_23 = tpu.matmul %get3A_18, %get3A_21, %dot_general3A_22 {dimension_numbers = #tpu.dot_dimension_numbers<[1], [0], [0], [1], [0, 0, 1, 1], [], []>, transpose_lhs_hint = false} : vector<10000x6xf32>, vector<6x32xf32>, vector<10000x32xf32> -> vector<10000x32xf32>
    %get3A_24 = arith.constant 0 : index
    %get3A_25 = arith.constant 0 : index
    %get3A_26 = vector.load %arg6[%get3A_24, %get3A_25] : memref<1x32xf32, #tpu.memory_space<vmem>>, vector<1x32xf32>
    %add3A_27 = vector.broadcast %get3A_26 : vector<1x32xf32> to vector<10000x32xf32>
    %add3A_28 = arith.addf %dot_general3A_23, %add3A_27 : vector<10000x32xf32>
    %ge3A_29 = arith.constant 0.000000e+00 : f32
    %ge3A_30 = vector.broadcast %ge3A_29 : f32 to vector<10000x32xf32>
    %ge3A_31 = arith.cmpf oge, %add3A_28, %ge3A_30 : vector<10000x32xf32>
    %mul3A_32 = arith.constant 0.00999999977 : f32
    %mul3A_33 = vector.broadcast %mul3A_32 : f32 to vector<10000x32xf32>
    %mul3A_34 = arith.mulf %mul3A_33, %add3A_28 : vector<10000x32xf32>
    %select_n3A_35 = arith.select %ge3A_31, %add3A_28, %mul3A_34 : vector<10000x32xi1>, vector<10000x32xf32>
    %swap3A_36 = arith.constant 0 : index
    %swap3A_37 = arith.constant 0 : index
    %swap3A_38 = vector.load %arg10[%swap3A_36, %swap3A_37] : memref<10000x32xf32, #tpu.memory_space<vmem>>, vector<10000x32xf32>
    tpu.vector_store %arg10[%swap3A_36, %swap3A_37], %select_n3A_35 {strides = array<i32>} : memref<10000x32xf32, #tpu.memory_space<vmem>>, vector<10000x32xf32>,
    %get3A_39 = arith.constant 0 : index
    %get3A_40 = arith.constant 0 : index
    %get3A_41 = vector.load %arg2[%get3A_39, %get3A_40] : memref<10000x3xf32, #tpu.memory_space<vmem>>, vector<10000x3xf32>
    %get3A_42 = arith.constant 0 : index
    %get3A_43 = arith.constant 0 : index
    %get3A_44 = vector.load %arg7[%get3A_42, %get3A_43] : memref<3x32xf32, #tpu.memory_space<vmem>>, vector<3x32xf32>
    %dot_general3A_45 = arith.constant dense<0.000000e+00> : vector<10000x32xf32>
    %dot_general3A_46 = tpu.matmul %get3A_41, %get3A_44, %dot_general3A_45 {dimension_numbers = #tpu.dot_dimension_numbers<[1], [0], [0], [1], [0, 0, 1, 1], [], []>, transpose_lhs_hint = false} : vector<10000x3xf32>, vector<3x32xf32>, vector<10000x32xf32> -> vector<10000x32xf32>
    %get3A_47 = arith.constant 0 : index
    %get3A_48 = arith.constant 0 : index
    %get3A_49 = vector.load %arg8[%get3A_47, %get3A_48] : memref<1x32xf32, #tpu.memory_space<vmem>>, vector<1x32xf32>
    %add3A_50 = vector.broadcast %get3A_49 : vector<1x32xf32> to vector<10000x32xf32>
    %add3A_51 = arith.addf %dot_general3A_46, %add3A_50 : vector<10000x32xf32>
    %ge3A_52 = arith.constant 0.000000e+00 : f32
    %ge3A_53 = vector.broadcast %ge3A_52 : f32 to vector<10000x32xf32>
    %ge3A_54 = arith.cmpf oge, %add3A_51, %ge3A_53 : vector<10000x32xf32>
    %mul3A_55 = arith.constant 0.00999999977 : f32
    %mul3A_56 = vector.broadcast %mul3A_55 : f32 to vector<10000x32xf32>
    %mul3A_57 = arith.mulf %mul3A_56, %add3A_51 : vector<10000x32xf32>
    %select_n3A_58 = arith.select %ge3A_54, %add3A_51, %mul3A_57 : vector<10000x32xi1>, vector<10000x32xf32>
    %swap3A_59 = arith.constant 0 : index
    %swap3A_60 = arith.constant 0 : index
    %swap3A_61 = vector.load %arg11[%swap3A_59, %swap3A_60] : memref<10000x32xf32, #tpu.memory_space<vmem>>, vector<10000x32xf32>
    tpu.vector_store %arg11[%swap3A_59, %swap3A_60], %select_n3A_58 {strides = array<i32>} : memref<10000x32xf32, #tpu.memory_space<vmem>>, vector<10000x32xf32>,
    return
  }
}

module attributes {stable_mosaic.version = 14 : i64} {
  func.func @_conv_body(%arg0: memref<10000x32xf32, #tpu.memory_space<vmem>>, %arg1: memref<10000x32xbf16, #tpu.memory_space<vmem>>, %arg2: memref<10000x32xbf16, #tpu.memory_space<vmem>>, %arg3: memref<32x32xf32, #tpu.memory_space<vmem>>, %arg4: memref<32x32xf32, #tpu.memory_space<vmem>>, %arg5: memref<1x32xf32, #tpu.memory_space<vmem>>, %arg6: memref<10000x32xf32, #tpu.memory_space<vmem>>) attributes {dimension_semantics = [], scalar_prefetch = 0 : i64, scratch_operands = 0 : i64, tpu.core_type = #tpu.core_type<tc>} {
    %get3A = arith.constant 0 : index
    %get3A_0 = arith.constant 0 : index
    %get3A_1 = vector.load %arg0[%get3A, %get3A_0] : memref<10000x32xf32, #tpu.memory_space<vmem>>, vector<10000x32xf32>
    %get3A_2 = arith.constant 0 : index
    %get3A_3 = arith.constant 0 : index
    %get3A_4 = vector.load %arg1[%get3A_2, %get3A_3] : memref<10000x32xbf16, #tpu.memory_space<vmem>>, vector<10000x32xbf16>
    %convert_element_type3A = arith.extf %get3A_4 : vector<10000x32xbf16> to vector<10000x32xf32>
    %get3A_5 = arith.constant 0 : index
    %get3A_6 = arith.constant 0 : index
    %get3A_7 = vector.load %arg2[%get3A_5, %get3A_6] : memref<10000x32xbf16, #tpu.memory_space<vmem>>, vector<10000x32xbf16>
    %convert_element_type3A_8 = arith.extf %get3A_7 : vector<10000x32xbf16> to vector<10000x32xf32>
    %lt3A = arith.constant 0x7F800000 : f32
    %lt3A_9 = vector.broadcast %lt3A : f32 to vector<10000x32xf32>
    %lt3A_10 = arith.cmpf olt, %convert_element_type3A, %lt3A_9 : vector<10000x32xf32>
    %sub3A = arith.subf %get3A_1, %convert_element_type3A : vector<10000x32xf32>
    %jit3A = arith.constant 0.000000e+00 : f32
    %broadcast_in_dim3A = vector.broadcast %jit3A : f32 to vector<10000x32xf32>
    %select_n3A = arith.select %lt3A_10, %sub3A, %broadcast_in_dim3A : vector<10000x32xi1>, vector<10000x32xf32>
    %lt3A_11 = arith.constant 0x7F800000 : f32
    %lt3A_12 = vector.broadcast %lt3A_11 : f32 to vector<10000x32xf32>
    %lt3A_13 = arith.cmpf olt, %convert_element_type3A_8, %lt3A_12 : vector<10000x32xf32>
    %sub3A_14 = arith.subf %get3A_1, %convert_element_type3A_8 : vector<10000x32xf32>
    %jit3A_15 = arith.constant 0.000000e+00 : f32
    %broadcast_in_dim3A_16 = vector.broadcast %jit3A_15 : f32 to vector<10000x32xf32>
    %select_n3A_17 = arith.select %lt3A_13, %sub3A_14, %broadcast_in_dim3A_16 : vector<10000x32xi1>, vector<10000x32xf32>
    %get3A_18 = arith.constant 0 : index
    %get3A_19 = arith.constant 0 : index
    %get3A_20 = vector.load %arg3[%get3A_18, %get3A_19] : memref<32x32xf32, #tpu.memory_space<vmem>>, vector<32x32xf32>
    %dot_general3A = arith.constant dense<0.000000e+00> : vector<10000x32xf32>
    %dot_general3A_21 = tpu.matmul %get3A_1, %get3A_20, %dot_general3A {dimension_numbers = #tpu.dot_dimension_numbers<[1], [0], [0], [1], [0, 0, 1, 1], [], []>, transpose_lhs_hint = false} : vector<10000x32xf32>, vector<32x32xf32>, vector<10000x32xf32> -> vector<10000x32xf32>
    %add3A = arith.addf %select_n3A, %select_n3A_17 : vector<10000x32xf32>
    %get3A_22 = arith.constant 0 : index
    %get3A_23 = arith.constant 0 : index
    %get3A_24 = vector.load %arg4[%get3A_22, %get3A_23] : memref<32x32xf32, #tpu.memory_space<vmem>>, vector<32x32xf32>
    %dot_general3A_25 = arith.constant dense<0.000000e+00> : vector<10000x32xf32>
    %dot_general3A_26 = tpu.matmul %add3A, %get3A_24, %dot_general3A_25 {dimension_numbers = #tpu.dot_dimension_numbers<[1], [0], [0], [1], [0, 0, 1, 1], [], []>, transpose_lhs_hint = false} : vector<10000x32xf32>, vector<32x32xf32>, vector<10000x32xf32> -> vector<10000x32xf32>
    %add3A_27 = arith.addf %dot_general3A_21, %dot_general3A_26 : vector<10000x32xf32>
    %get3A_28 = arith.constant 0 : index
    %get3A_29 = arith.constant 0 : index
    %get3A_30 = vector.load %arg5[%get3A_28, %get3A_29] : memref<1x32xf32, #tpu.memory_space<vmem>>, vector<1x32xf32>
    %add3A_31 = vector.broadcast %get3A_30 : vector<1x32xf32> to vector<10000x32xf32>
    %add3A_32 = arith.addf %add3A_27, %add3A_31 : vector<10000x32xf32>
    %ge3A = arith.constant 0.000000e+00 : f32
    %ge3A_33 = vector.broadcast %ge3A : f32 to vector<10000x32xf32>
    %ge3A_34 = arith.cmpf oge, %add3A_32, %ge3A_33 : vector<10000x32xf32>
    %mul3A = arith.constant 0.00999999977 : f32
    %mul3A_35 = vector.broadcast %mul3A : f32 to vector<10000x32xf32>
    %mul3A_36 = arith.mulf %mul3A_35, %add3A_32 : vector<10000x32xf32>
    %select_n3A_37 = arith.select %ge3A_34, %add3A_32, %mul3A_36 : vector<10000x32xi1>, vector<10000x32xf32>
    %add3A_38 = arith.addf %get3A_1, %select_n3A_37 : vector<10000x32xf32>
    %swap3A = arith.constant 0 : index
    %swap3A_39 = arith.constant 0 : index
    %swap3A_40 = vector.load %arg6[%swap3A, %swap3A_39] : memref<10000x32xf32, #tpu.memory_space<vmem>>, vector<10000x32xf32>
    tpu.vector_store %arg6[%swap3A, %swap3A_39], %add3A_38 {strides = array<i32>} : memref<10000x32xf32, #tpu.memory_space<vmem>>, vector<10000x32xf32>,
    return
  }
}

</mosaic_0001>

<sc_bundles>
// kernel: kernel.10.cloned.1.call-start
scs
__scs_entry_jumppad:
0x0: {  	(pc) =	sbr.rel $0x88, $3  }
0x1: {  	(tag) =	ssettag $0x0;
	lr =	simm.s32 $0x1  }
0x2: {  	[smem:$0x3F88] =	sst lr;
	_ =	strace $0xD0000000  }
0x3: {  	_ = 	snop  }
0x4: {  	_ = 	snop  }
0x5: {  	_ = 	snop  }
0x6: {  	_ = 	snop  }
0x7: {  	_ = 	snop  }
__scs_overlays_trampoline_lowered:
0x8: {  	[smem:$0x3F97] =	sst s0  }
0x9: {  	[smem:$0x3F98] =	sst s1  }
0xa: {  	[smem:$0x3F99] =	sst s2  }
0xb: {  	[smem:$0x3F9A] =	sst s3  }
0xc: {  	[smem:$0x3F9B] =	sst s4  }
0xd: {  	[smem:$0x3F9C] =	sst s5  }
0xe: {  	[smem:$0x3F9D] =	sst s6  }
0xf: {  	[smem:$0x3F9E] =	sst s7  }
0x10: {  	[smem:$0x3F9F] =	sst s8  }
0x11: {  	[smem:$0x3FA0] =	sst s9;
	s0 =	simm.s32 @!p0 $0x0  }
0x12: {  	s1 =	sld [smem:$0x3F86];
	s0 =	simm.s32 @p0 $0x1  }
0x13: {  	[smem:$0x3FA1] =	sst s0;
	s0 =	simm.s32 @!p1 $0x0  }
0x14: {  	s2 =	sld [smem:$0x3F85];
	s0 =	simm.s32 @p1 $0x1  }
0x15: {  	[smem:$0x3FA2] =	sst s0;
	s0 =	simm.s32 @!p2 $0x0  }
0x16: {  	s3 =	sld [smem:$0x3FDB];
	s0 =	simm.s32 @p2 $0x1  }
0x17: {  	s4 =	simm.s32 $0x1BF5;
	[smem:$0x3FA4] =	sst s0  }
0x18: {  	s0 =	sld [smem:$0x3F87];
	_ =	swait.ge [sflag:s4], $0x0  }
0x19: {  	s7 =	sld [smem:$0x3F88]  }
0x1a: {  	s8 =	sadd.s32 $0xFFFFE003, lr  }
0x1b: {  	s9 =	sadd.s32 $0xFFFFFEF7, lr;
	s5 =	simm.s32 $0xFFFFFFFF;
	p2 =	slt.u32 s8, $0xFFFFF086  }
0x1c: {  	p1 =	slt.u32 s9, $0xF7A;
	s5 =	simm.s32 @!p2 $0x0  }
0x1d: {  	s5 =	simm.s32 @p1 $0x1;
	p0 =	seq.s32 s7, s2  }
0x1e: {  	s7 =	smul.u32 @!p0 $0xF7A, s2;
	p2 =	seq.s32 @!p0 s5, $0x0  }
0x1f: {  	s9 =	smul.u32 $0xF7A, s1;
	s8 =	simm.s32 @!p0 $0x1BF5;
	p2 =	por !p2, p0  }
0x20: {  	[sflag:s8] =	ssyncset.s32 @!p0 $0xFFFFF086;
	s6 =	sadd.s32 @!p0 s3, s7;
	s7 =	simm.s32 @!p0 $0x108  }
0x21: {  	s3 =	sadd.s32 s3, s9;
	s6 =	sadd.s32 @!p0 $0x88, s6;
	s7 =	simm.s32 @p2 $0x1082  }
0x22: {  	[simem:s7], [sflag:s8] =	dma.local @!p0 [hbm:s6], $0xF7A  }
0x23: {  	s9 =	sor.u32 $0xD0000000, s2;
	s6 =	simm.s32 $0x108;
	_ =	swait.ge @!p0 [sflag:s8], $0x0  }
0x24: {  	s3 =	sadd.s32 $0x88, s3;
	s6 =	simm.s32 @!p1 $0x1082;
	[sflag:s4] =	ssyncset.s32 $0xFFFFF086  }
0x25: {  	[simem:s6], [sflag:s4] =	dma.local [hbm:s3], $0xF7A  }
0x26: {  	[smem:$0x3F88] =	sst s1;
	(tag) =	ssettag s2;
	_ =	strace s9  }
0x27: {  	s1 =	sld [smem:$0x3F98]  }
0x28: {  	s2 =	sld [smem:$0x3F99]  }
0x29: {  	s4 =	sld [smem:$0x3F9B]  }
0x2a: {  	p0 =	seq.s32 s5, $0x0;
	s5 =	sld [smem:$0x3F9C]  }
0x2b: {  	s6 =	sld [smem:$0x3F9D]  }
0x2c: {  	s7 =	sld [smem:$0x3F9E]  }
0x2d: {  	s3 =	simm.s32 $0x108;
	s8 =	sld [smem:$0x3F9F]  }
0x2e: {  	s3 =	simm.s32 @!p0 $0x1082;
	s9 =	sld [smem:$0x3FA0]  }
0x2f: {  	lr =	sadd.s32 s0, s3;
	s0 =	sld [smem:$0x3F97]  }
0x30: {  	s3 =	sld [smem:$0x3F9A]  }
0x31: {  	[smem:$0x3FA3] =	sst s10  }
0x32: {  	s10 =	sld [smem:$0x3FA1];
	_ =	sdelay $0x3  }
0x33: {  	p0 =	seq.s32 s10, $0x1;
	s10 =	sld [smem:$0x3FA3];
	_ =	sdelay $0x3  }
0x34: {  	[smem:$0x3FA3] =	sst s10  }
0x35: {  	s10 =	sld [smem:$0x3FA2];
	_ =	sdelay $0x3  }
0x36: {  	p1 =	seq.s32 s10, $0x1;
	s10 =	sld [smem:$0x3FA3];
	_ =	sdelay $0x3  }
0x37: {  	[smem:$0x3FA3] =	sst s10  }
0x38: {  	s10 =	sld [smem:$0x3FA4]  }
0x39: {  	_ = 	snop;
	(pc) =	sbr.ind lr, $3  }
0x3a: {  	_ = 	snop  }
0x3b: {  	_ = 	snop  }
0x3c: {  	p2 =	seq.s32 s10, $0x1;
	s10 =	sld [smem:$0x3FA3]  }
0x3d: {  	_ =	shalt  }
0x3e: {  	_ =	shalt  }
0x3f: {  	_ =	shalt  }
0x40: {  	_ =	shalt  }
0x41: {  	_ =	shalt  }
0x42: {  	_ =	shalt  }
0x43: {  	_ =	shalt  }
0x44: {  	_ =	shalt  }
0x45: {  	_ =	shalt  }
0x46: {  	_ =	shalt  }
0x47: {  	_ =	shalt  }
0x48: {  	_ =	shalt  }
0x49: {  	_ =	shalt  }
0x4a: {  	_ =	shalt  }
0x4b: {  	_ =	shalt  }
0x4c: {  	_ =	shalt  }
0x4d: {  	_ =	shalt  }
0x4e: {  	_ =	shalt  }
0x4f: {  	_ =	shalt  }
0x50: {  	_ =	shalt  }
0x51: {  	_ =	shalt  }
0x52: {  	_ =	shalt  }
0x53: {  	_ =	shalt  }
0x54: {  	_ =	shalt  }
0x55: {  	_ =	shalt  }
0x56: {  	_ =	shalt  }
0x57: {  	_ =	shalt  }
0x58: {  	_ =	shalt  }
0x59: {  	_ =	shalt  }
0x5a: {  	_ =	shalt  }
0x5b: {  	_ =	shalt  }
0x5c: {  	_ =	shalt  }
0x5d: {  	_ =	shalt  }
0x5e: {  	_ =	shalt  }
0x5f: {  	_ =	shalt  }
0x60: {  	_ =	shalt  }
0x61: {  	_ =	shalt  }
0x62: {  	_ =	shalt  }
0x63: {  	_ =	shalt  }
0x64: {  	_ =	shalt  }
0x65: {  	_ =	shalt  }
0x66: {  	_ =	shalt  }
0x67: {  	_ =	shalt  }
0x68: {  	_ =	shalt  }
0x69: {  	_ =	shalt  }
0x6a: {  	_ =	shalt  }
0x6b: {  	_ =	shalt  }
0x6c: {  	_ =	shalt  }
0x6d: {  	_ =	shalt  }
0x6e: {  	_ =	shalt  }
0x6f: {  	_ =	shalt  }
0x70: {  	_ =	shalt  }
0x71: {  	_ =	shalt  }
0x72: {  	_ =	shalt  }
0x73: {  	_ =	shalt  }
0x74: {  	_ =	shalt  }
0x75: {  	_ =	shalt  }
0x76: {  	_ =	shalt  }
0x77: {  	_ =	shalt  }
0x78: {  	_ =	shalt  }
0x79: {  	_ =	shalt  }
0x7a: {  	_ =	shalt  }
0x7b: {  	_ =	shalt  }
0x7c: {  	_ =	shalt  }
0x7d: {  	_ =	shalt  }
0x7e: {  	_ =	shalt  }
0x7f: {  	_ =	shalt  }
0x80: {  	_ =	shalt  }
0x81: {  	_ =	shalt  }
0x82: {  	_ =	shalt  }
0x83: {  	_ =	shalt  }
0x84: {  	_ =	shalt  }
0x85: {  	_ =	shalt  }
0x86: {  	_ =	shalt  }
0x87: {  	_ =	shalt  }
.Lfunc_end0:
.L_simem_size_0:
called_computation_lowered:
.L_overlay_start_0:
0x88: {  	s2 =	sld [smem:$0x3FD9]  }
0x89: {  	s3 =	sld [smem:$0x3FFE];
	_ =	sdelay $0x1  }
0x8a: {  	s1 =	srdreg.scid  }
0x8b: {  	s0 =	sand.u32 $0x1, s1  }
0x8c: {  	s14 =	sshll.u32 s0, $0xA;
	s2 =	sadd.s32 s3, s2  }
0x8d: {  	s2 =	sadd.s32 s2, s14  }
0x8e: {  	[smem:$0x3FAF] =	sst s2  }
0x8f: {  	_ = 	snop  }
0x90: {  	s2 =	sld [smem:$0x3FD0];
	_ =	sdelay $0x2  }
0x91: {  	s15 =	simm.s32 $0xA;
	s4 =	simm.s32 $0x10  }
0x92: {  	[smem:s4], [sflag:s15] =	dma.local [hbm:s2], $0x1  }
0x93: {  	_ =	swait.eq [sflag:s15], $0x1  }
0x94: {  	[sflag:s15] =	ssyncset.done $0x0  }
0x95: {  	[sflag:s15] =	ssyncadd.s32 $0xFFFFFFFF  }
0x96: {  	s16 =	sld [smem:$0x12];
	(tm) =	ssettm $0x1  }
0x97: {  	s17 =	sld [smem:$0x3FFB];
	_ =	sdelay $0x3  }
0x98: {  	_ =	strace s17  }
0x99: {  	s3 =	sld [smem:$0x3FFC];
	_ =	sdelay $0x3  }
0x9a: {  	_ =	strace s3  }
0x9b: {  	s3 =	sld [smem:$0x3FFD];
	_ =	sdelay $0x3  }
0x9c: {  	_ =	strace s3  }
0x9d: {  	_ =	strace $0x8FFFFFFF  }
0x9e: {  	s18 =	sld [smem:$0x3FDB];
	_ =	sdelay $0x1  }
0x9f: {  	s19 =	simm.s32 $_scs_section_size  }
0xa0: {  	s5 =	simm.s32 $_size__tile_overlayer_lowered;
	s6 =	simm.s32 $_tile_overlayer_lowered  }
0xa1: {  	s22 =	simm.s32 $0x1BFF;
	s21 =	sshll.u32 s6, $0x1;
	s3 =	sadd.s32 s19, s18  }
0xa2: {  	s7 =	simm.s32 $0x0;
	s20 =	sshll.u32 s5, $0x1;
	s5 =	sadd.s32 s21, s3  }
0xa3: {  	[timem:s7], [sflag:s22] =	dma.local [hbm:s5], s20  }
0xa4: {  	_ =	swait.ge [sflag:s22], s20  }
0xa5: {  	s4 =	ssub.s32 $0x0, s20;
	[sflag:s22] =	ssyncset.done $0x0  }
0xa6: {  	[sflag:s22] =	ssyncadd.s32 s4;
	_ =	sdelay $0x1  }
0xa7: {  	s23 =	simm.s32 $0x1B8B  }
0xa8: {  	_ =	swait.ge [sflag:s23], $0x1  }
0xa9: {  	[sflag:s23] =	ssyncset.done $0x0  }
0xaa: {  	s25 =	simm.s32 $0x1B8E;
	s24 =	sld [smem:$0x3FFE];
	[sflag:s23] =	ssyncadd.s32 $0xFFFFFFFF  }
0xab: {  	s26 =	simm.s32 $execute0_lowered;
	[smem:$0x3FD2] =	sst s25  }
0xac: {  	s5 =	sshll.u32 s26, $0x1;
	_ =	strace $0x80000046;
	[dreg:$0x1] =	wrdreg $0xFFFFFFFF  }
0xad: {  	s28 =	simm.s32 $_size_execute0_lowered;
	s3 =	sadd.s32 s3, s5;
	[dreg:$0x0] =	wrdreg $0x0  }
0xae: {  	s5 =	sshll.u32 s28, $0x1;
	[dreg:$0x2] =	wrdreg s3  }
0xaf: {  	[dreg:$0x3] =	wrdreg s5  }
0xb0: {  	[dreg:$0x4] =	wrdreg $0xC0  }
0xb1: {  	_ =	task [dreg:s7], $0x5FFFF  }
0xb2: {  	[dreg:$0x1] =	wrdreg $0xFFFFFFFF  }
0xb3: {  	[dreg:$0x0] =	wrdreg $0x60  }
0xb4: {  	[dreg:$0x2] =	wrdreg s16  }
0xb5: {  	[dreg:$0x3] =	wrdreg s24  }
0xb6: {  	[dreg:$0x4] =	wrdreg $0x9  }
0xb7: {  	_ =	task.clear_ibuf [dreg:s7], $0x5FFFF;
	_ =	strace $0x90000046  }
0xb8: {  	s29 =	simm.s32 $0x9;
	_ =	strace $0x80000048  }
0xb9: {  	_ =	swait.ge [sflag:s29], $0x1  }
0xba: {  	[sflag:s29] =	ssyncadd.s32 $0xFFFFFFFF  }
0xbb: {  	_ =	strace $0x90000048  }
0xbc: {  	_ =	sfence  }
0xbd: {  	s30 =	sld [smem:$0x0];
	_ =	sdelay $0x2  }
0xbe: {  	s31 =	sshll.u32 s1, $0xD;
	s1 =	sshrl.u32 s1, $0x2  }
0xbf: {  	s3 =	sand.u32 $0x4000, s31;
	s1 =	sadd.s32 s1, s30  }
0xc0: {  	s0 =	sor.u32 s3, s0;
	s1 =	sshll.u32 s1, $0x11  }
0xc1: {  	s0 =	sor.u32 s1, s0  }
0xc2: {  	s0 =	sadd.s32 $0x8F2B, s0  }
0xc3: {  	[sflag:s0] =	ssyncadd.remote.s32 $0x1  }
0xc4: {  	_ =	sfence.sel $0xFFFF  }
0xc5: {  	[dreg:$0x0] =	wrdreg $0xFFFFFFFF;
	(pc) =	sbr.abs _section_cstart, $3  }
0xc6: {  	[dreg:$0x1] =	wrdreg $0xFFFFFFFF  }
0xc7: {  	_ =	task.clear_ibuf [dreg:s7], $0x2FFFF;
	_ =	strace $0x9FFFFFFF  }
0xc8: {  	(tm) =	ssettm $0x7FFFFFFF  }
0xc9: {  	_ =	shalt  }
tec
execute0_lowered:
.L_overlay_start_1:
0x0: {  	(tag) =	ssettag $0x1  }
0x1: {  	s1 =	rddreg [dreg:$0x0]  }
0x2: {  	s7 =	rddreg [dreg:$0x1]  }
0x3: {  	s2 =	srdreg.scid;
	s3 =	simm.s32 $0x0;
	s0 =	stileid.u32  }
0x4: {  	s10 =	simm.s32 $0x3E80;
	s11 =	simm.s32 $0x1;
	s4 =	sand.u32 $0x1, s2  }
0x5: {  	s13 =	simm.s32 $0xC520;
	s14 =	simm.s32 $0x0;
	s5 =	sshll.u32 s4, $0x4  }
.Ltmp0:
0x6: {  	[smem:$0x7FF] =	sst s3;
	s31 =	sor.u32 s0, s5;
	(pc) =	sbr.rel .LBB2_1-.Ltmp0, $4  }
0x7: {  	s6 =	sadd.s32 $0x22400, s7;
	s8 =	ssub.s32 $0x2, s4;
	s4 =	smul.u32 $0x139, s31  }
0x8: {  	_ =	strace $0x80000047;
	s9 =	sshrl.u32 s8, $0x1;
	s5 =	sadd.s32 $0x4E00, s7  }
0x9: {  	v2 =	vimm.s32 $0x0;
	s7 =	sadd.s32 $0x66C00, s7;
	s8 =	ssub.s32 s8, s9;
	s12 =	sadd.s32 $0x139, s4  }
0xa: {  	v3 =	vimm.bf16 $+Inf;
	s9 =	simm.s32 $0x2;
	s8 =	smax.u32 s8, $0x1;
	v0 =	vmov s4;
	v1 =	vmov s12;
	s12 =	simm.s32 $0x200  }
.LBB2_73:
0xb: {  	s14 =	sadd.s32 $0x1, s14  }
0xc: {  	p0 =	sne.s32 s14, s8  }
.Ltmp1:
0xd: {  	_ = 	snop;
	(pc) =	sbr.rel @!p0 .LBB2_74-.Ltmp1, $1  }
0xe: {  	_ =	sdelay $0x3  }
.LBB2_1:
0xf: {  	[tilespmem:$0x7D00] =	vst v2  }
0x10: {  	[tilespmem:$0x8100] =	vst v2  }
0x11: {  	[tilespmem:$0x7D10] =	vst v2  }
0x12: {  	[tilespmem:$0x8110] =	vst v2  }
0x13: {  	[tilespmem:$0x7D20] =	vst v2  }
0x14: {  	[tilespmem:$0x8120] =	vst v2  }
0x15: {  	[tilespmem:$0x7D30] =	vst v2  }
0x16: {  	[tilespmem:$0x8130] =	vst v2  }
0x17: {  	[tilespmem:$0x7D40] =	vst v2  }
0x18: {  	[tilespmem:$0x8140] =	vst v2  }
0x19: {  	[tilespmem:$0x7D50] =	vst v2  }
0x1a: {  	[tilespmem:$0x8150] =	vst v2  }
0x1b: {  	[tilespmem:$0x7D60] =	vst v2  }
0x1c: {  	[tilespmem:$0x8160] =	vst v2  }
0x1d: {  	[tilespmem:$0x7D70] =	vst v2  }
0x1e: {  	[tilespmem:$0x8170] =	vst v2  }
0x1f: {  	[tilespmem:$0x7D80] =	vst v2  }
0x20: {  	[tilespmem:$0x8180] =	vst v2  }
0x21: {  	[tilespmem:$0x7D90] =	vst v2  }
0x22: {  	[tilespmem:$0x8190] =	vst v2  }
0x23: {  	[tilespmem:$0x7DA0] =	vst v2  }
0x24: {  	[tilespmem:$0x81A0] =	vst v2  }
0x25: {  	[tilespmem:$0x7DB0] =	vst v2  }
0x26: {  	[tilespmem:$0x81B0] =	vst v2  }
0x27: {  	[tilespmem:$0x7DC0] =	vst v2  }
0x28: {  	[tilespmem:$0x81C0] =	vst v2  }
0x29: {  	[tilespmem:$0x7DD0] =	vst v2  }
0x2a: {  	[tilespmem:$0x81D0] =	vst v2  }
0x2b: {  	[tilespmem:$0x7DE0] =	vst v2  }
0x2c: {  	[tilespmem:$0x81E0] =	vst v2  }
0x2d: {  	[tilespmem:$0x7DF0] =	vst v2  }
0x2e: {  	[tilespmem:$0x81F0] =	vst v2  }
0x2f: {  	[tilespmem:$0x7E00] =	vst v2  }
0x30: {  	[tilespmem:$0x8200] =	vst v2  }
0x31: {  	[tilespmem:$0x7E10] =	vst v2  }
0x32: {  	[tilespmem:$0x8210] =	vst v2  }
0x33: {  	[tilespmem:$0x7E20] =	vst v2  }
0x34: {  	[tilespmem:$0x8220] =	vst v2  }
0x35: {  	[tilespmem:$0x7E30] =	vst v2  }
0x36: {  	[tilespmem:$0x8230] =	vst v2  }
0x37: {  	[tilespmem:$0x7E40] =	vst v2  }
0x38: {  	[tilespmem:$0x8240] =	vst v2  }
0x39: {  	[tilespmem:$0x7E50] =	vst v2  }
0x3a: {  	[tilespmem:$0x8250] =	vst v2  }
0x3b: {  	[tilespmem:$0x7E60] =	vst v2  }
0x3c: {  	[tilespmem:$0x8260] =	vst v2  }
0x3d: {  	[tilespmem:$0x7E70] =	vst v2  }
0x3e: {  	[tilespmem:$0x8270] =	vst v2  }
0x3f: {  	[tilespmem:$0x7E80] =	vst v2  }
0x40: {  	[tilespmem:$0x8280] =	vst v2  }
0x41: {  	[tilespmem:$0x7E90] =	vst v2  }
0x42: {  	[tilespmem:$0x8290] =	vst v2  }
0x43: {  	[tilespmem:$0x7EA0] =	vst v2  }
0x44: {  	[tilespmem:$0x82A0] =	vst v2  }
0x45: {  	[tilespmem:$0x7EB0] =	vst v2  }
0x46: {  	[tilespmem:$0x82B0] =	vst v2  }
0x47: {  	[tilespmem:$0x7EC0] =	vst v2  }
0x48: {  	[tilespmem:$0x82C0] =	vst v2  }
0x49: {  	[tilespmem:$0x7ED0] =	vst v2  }
0x4a: {  	[tilespmem:$0x82D0] =	vst v2  }
0x4b: {  	[tilespmem:$0x7EE0] =	vst v2  }
0x4c: {  	[tilespmem:$0x82E0] =	vst v2  }
0x4d: {  	[tilespmem:$0x7EF0] =	vst v2  }
0x4e: {  	[tilespmem:$0x82F0] =	vst v2  }
0x4f: {  	[tilespmem:$0x7F00] =	vst v2  }
0x50: {  	[tilespmem:$0x8310] =	vst v2  }
0x51: {  	[tilespmem:$0x7F10] =	vst v2  }
0x52: {  	[tilespmem:$0x8320] =	vst v2  }
0x53: {  	[tilespmem:$0x7F20] =	vst v2  }
0x54: {  	[tilespmem:$0x8330] =	vst v2  }
0x55: {  	[tilespmem:$0x7F30] =	vst v2  }
0x56: {  	[tilespmem:$0x8340] =	vst v2  }
0x57: {  	[tilespmem:$0x7F40] =	vst v2  }
0x58: {  	[tilespmem:$0x8350] =	vst v2  }
0x59: {  	[tilespmem:$0x7F50] =	vst v2  }
0x5a: {  	[tilespmem:$0x8360] =	vst v2  }
0x5b: {  	[tilespmem:$0x7F60] =	vst v2  }
0x5c: {  	[tilespmem:$0x8370] =	vst v2  }
0x5d: {  	[tilespmem:$0x7F70] =	vst v2  }
0x5e: {  	[tilespmem:$0x8380] =	vst v2  }
0x5f: {  	[tilespmem:$0x7F80] =	vst v2  }
0x60: {  	[tilespmem:$0x8390] =	vst v2  }
0x61: {  	[tilespmem:$0x7F90] =	vst v2  }
0x62: {  	[tilespmem:$0x83A0] =	vst v2  }
0x63: {  	[tilespmem:$0x7FA0] =	vst v2  }
0x64: {  	[tilespmem:$0x83B0] =	vst v2  }
0x65: {  	[tilespmem:$0x7FB0] =	vst v2  }
0x66: {  	[tilespmem:$0x83C0] =	vst v2  }
0x67: {  	[tilespmem:$0x7FC0] =	vst v2  }
0x68: {  	[tilespmem:$0x83D0] =	vst v2  }
0x69: {  	[tilespmem:$0x7FD0] =	vst v2  }
0x6a: {  	[tilespmem:$0x83E0] =	vst v2  }
0x6b: {  	[tilespmem:$0x7FE0] =	vst v2  }
0x6c: {  	[tilespmem:$0x83F0] =	vst v2  }
0x6d: {  	[tilespmem:$0x7FF0] =	vst v2  }
0x6e: {  	[tilespmem:$0x8400] =	vst v2  }
0x6f: {  	[tilespmem:$0x8000] =	vst v2  }
0x70: {  	[tilespmem:$0x8410] =	vst v2  }
0x71: {  	[tilespmem:$0x8010] =	vst v2  }
0x72: {  	[tilespmem:$0x8420] =	vst v2  }
0x73: {  	[tilespmem:$0x8020] =	vst v2  }
0x74: {  	[tilespmem:$0x8430] =	vst v2  }
0x75: {  	[tilespmem:$0x8030] =	vst v2  }
0x76: {  	[tilespmem:$0x8440] =	vst v2  }
0x77: {  	[tilespmem:$0x8040] =	vst v2  }
0x78: {  	[tilespmem:$0x8450] =	vst v2  }
0x79: {  	[tilespmem:$0x8050] =	vst v2  }
0x7a: {  	[tilespmem:$0x8460] =	vst v2  }
0x7b: {  	[tilespmem:$0x8060] =	vst v2  }
0x7c: {  	[tilespmem:$0x8470] =	vst v2  }
0x7d: {  	[tilespmem:$0x8070] =	vst v2  }
0x7e: {  	[tilespmem:$0x8480] =	vst v2  }
0x7f: {  	[tilespmem:$0x8080] =	vst v2  }
0x80: {  	[tilespmem:$0x8490] =	vst v2  }
0x81: {  	[tilespmem:$0x8090] =	vst v2  }
0x82: {  	[tilespmem:$0x84A0] =	vst v2  }
0x83: {  	[tilespmem:$0x80A0] =	vst v2  }
0x84: {  	[tilespmem:$0x84B0] =	vst v2  }
0x85: {  	[tilespmem:$0x80B0] =	vst v2  }
0x86: {  	[tilespmem:$0x84C0] =	vst v2  }
0x87: {  	[tilespmem:$0x80C0] =	vst v2  }
0x88: {  	[tilespmem:$0x84D0] =	vst v2  }
0x89: {  	[tilespmem:$0x80D0] =	vst v2  }
.Ltmp2:
0x8a: {  	[tilespmem:$0x84E0] =	vst v2;
	(pc) =	sbr.rel .LBB2_2-.Ltmp2, $4  }
0x8b: {  	[tilespmem:$0x80E0] =	vst v2  }
0x8c: {  	[tilespmem:$0x84F0] =	vst v2  }
0x8d: {  	[tilespmem:$0x80F0] =	vst v2  }
0x8e: {  	[tilespmem:$0x8500] =	vst v2;
	s15 =	simm.s32 $0x0  }
.LBB2_71:
0x8f: {  	v4 =	vmin.bf16 v5, v4  }
0x90: {  	[tilespmem:s19+$0xC520] =	vst v4  }
.LBB2_72:
0x91: {  	s0 =	smul.u32 $0x2720, s15;
	_ =	sdelay $0x1  }
0x92: {  	s15 =	sadd.s32 $0x1, s15;
	s0 =	sadd.s32 s4, s0  }
0x93: {  	p0 =	sne.s32 s15, $0x6;
	s0 =	sshll.u32 s0, $0x1  }
.Ltmp3:
0x94: {  	s0 =	sadd.s32 s7, s0;
	(pc) =	sbr.rel @!p0 .LBB2_73-.Ltmp3, $4  }
0x95: {  	[hbm4b:s0+s3] =	stream.linear.scatter [tilespmem:s13], [sflag:$0x2], $0x1390, $0x38;
	[tilespmem:$0xD8B0] =	vst v63  }
0x96: {  	_ =	swait.ge [sflag:s9], $0x1390  }
0x97: {  	[sflag:s9] =	ssyncset.done $0x0  }
0x98: {  	[sflag:s9] =	ssyncadd.s32 $0xFFFFEC70  }
.LBB2_2:
0x99: {  	s16 =	simm.s32 $0x40;
	s17 =	simm.s32 $0x0  }
.LBB2_3:
0x9a: {  	p0 =	seq.s32 s16, $0x4E00;
	[tilespmem:s17+$0xC520] =	vst v3;
	s17 =	smov.u32 s16;
	s16 =	sadd.s32 $0x40, s16  }
.Ltmp4:
0x9b: {  	(pc) =	sbr.rel @!p0 .LBB2_3-.Ltmp4, $2  }
0x9c: {  	_ =	sdelay $0x2  }
0x9d: {  	s17 =	sshra.s32 s17, $0x2  }
.Ltmp5:
0x9e: {  	(pc) =	sbr.rel .LBB2_5-.Ltmp5, $3  }
0x9f: {  	_ =	sdelay $0x1  }
0xa0: {  	[tilespmem:s17+$0xC520] =	vst v3;
	s17 =	smul.u32 $0x27100, s15;
	s19 =	simm.s32 $0x0;
	s16 =	simm.s32 $0x0  }
0xa1: {  	s18 =	simm.s32 $0x0;
	s24 =	simm.s32 $0x0;
	s20 =	simm.s32 $0x0  }
.LBB2_63:
0xa2: {  	s20 =	sadd.s32 $0x1, s20  }
0xa3: {  	p0 =	sne.s32 s20, $0xA  }
.Ltmp6:
0xa4: {  	_ = 	snop;
	(pc) =	sbr.rel @!p0 .LBB2_64-.Ltmp6, $1  }
0xa5: {  	_ =	sdelay $0x3  }
.LBB2_5:
0xa6: {  	s21 =	smul.u32 $0x3E80, s20;
	_ =	sdelay $0x1  }
0xa7: {  	s21 =	sadd.s32 s17, s21  }
0xa8: {  	s21 =	sshrl.u32 s21, $0x3  }
0xa9: {  	s22 =	sadd.s32 s6, s21  }
0xaa: {  	[tilespmem:s19], [sflag:$0x2] =	stream.linear.gather [hbm4b:s22+s19], $0x3E80, $0x38;
	[tilespmem:$0xD8B0] =	vst v63  }
0xab: {  	_ =	swait.ge [sflag:s9], $0x3E80  }
0xac: {  	[sflag:s9] =	ssyncset.done $0x0  }
.Ltmp7:
0xad: {  	s21 =	sadd.s32 s5, s21;
	[sflag:s9] =	ssyncadd.s32 $0xFFFFC180;
	(pc) =	sbr.rel .LBB2_6-.Ltmp7, $4  }
0xae: {  	[tilespmem:s10], [sflag:$0x2] =	stream.linear.gather [hbm4b:s21+s19], $0x3E80, $0x38;
	[tilespmem:$0xD8B0] =	vst v63  }
0xaf: {  	_ =	swait.ge [sflag:s9], $0x3E80  }
0xb0: {  	[sflag:s9] =	ssyncset.done $0x0  }
0xb1: {  	s21 =	simm.s32 $0x0;
	[sflag:s9] =	ssyncadd.s32 $0xFFFFC180  }
.LBB2_57:
0xb2: {  	[tilespmem:s25], [sflag:$0x1] =	stream.indirect.gather [hbm4b:s1+s12], $0x10, s24, s12, $0xb8;
	[tilespmem:$0xD8B0] =	vst v63  }
.LBB2_61:
0xb3: {  	s18 =	sadd.s32 $0x1, s18  }
.LBB2_62:
0xb4: {  	p1 =	slt.u32 s21, $0x3E0  }
.Ltmp8:
0xb5: {  	_ = 	snop;
	(pc) =	sbr.rel @!p1 .LBB2_63-.Ltmp8, $3  }
0xb6: {  	_ =	sdelay $0x1  }
0xb7: {  	p0 =	sgt.s32 s22, $0x1F0;
	s24 =	smov.u32 s22;
	s0 =	sadd.s32 $0x8, s21  }
0xb8: {  	s24 =	simm.s32 @p0 $0x0;
	s16 =	smov.u32 @p0 s22;
	s21 =	smov.u32 s0  }
.LBB2_6:
0xb9: {  	s22 =	sshll.u32 s21, $0x4  }
0xba: {  	v4 =	vld [tilespmem:s22+$0x0];
	_ =	sdelay $0x4  }
0xbb: {  	vm0 =	vge.s32 v4, v0;
	vm1 =	vlt.s32 v4, v1  }
0xbc: {  	vm0 =	vmand vm0, vm1  }
0xbd: {  	v5 =	vmpcnt.ones.xlane vm0;
	_ =	sdelay $0x1  }
0xbe: {  	(v2sf) =	vpush v5, $0x0;
	_ =	sdelay $0xc  }
0xbf: {  	s23 =	sand.u32 $0x1, s18  }
0xc0: {  	s25 =	sshll.u32 s23, $0xB  }
0xc1: {  	s28 =	sshrl.u32 s25, $0x2;
	s30 =	spop (v2sf)  }
0xc2: {  	s29 =	sor.u32 $0x7D00, s28;
	v5 =	vld [tilespmem:s22+$0x3E80];
	s28 =	sadd.s32 s24, s30  }
0xc3: {  	s26 =	smul.u32 $0x840, s23;
	p0 =	slt.s32 s28, $0x1F1  }
.Ltmp9:
0xc4: {  	_ = 	snop;
	(pc) =	sbr.rel @p0 .LBB2_13-.Ltmp9, $4  }
0xc5: {  	_ = 	snop  }
0xc6: {  	s0 =	sshrl.u32 s26, $0x2;
	s31 =	sadd.s32 s24, s29  }
0xc7: {  	s0 =	sadd.s32 s24, s0;
	v4 =	vsub.s32 v4, v0;
	[tilespmem:s31+$0x0] =	vst.msk vm0, v5  }
0xc8: {  	[tilespmem:s0+$0x8100] =	vst.msk vm0, v4  }
0xc9: {  	p0 =	sgt.s32 s16, $0x0  }
.Ltmp10:
0xca: {  	_ = 	snop;
	(pc) =	sbr.rel @!p0 .LBB2_8-.Ltmp10, $3  }
0xcb: {  	_ =	sdelay $0x1  }
0xcc: {  	s0 =	sshll.u32 s23, $0xD  }
0xcd: {  	s24 =	sor.u32 $0x8520, s0  }
0xce: {  	_ =	swait.ge [sflag:s11], $0x2000  }
0xcf: {  	s0 =	sxor.u32 $0x1, s23;
	[sflag:s11] =	ssyncset.done $0x0  }
0xd0: {  	s23 =	smul.u32 $0x840, s0;
	[sflag:s11] =	ssyncadd.s32 $0xFFFFE000  }
0xd1: {  	[tilespmem:s24], [sflag:$0x1] =	stream.indirect.gather [hbm4b:s1+s12], $0x10, s29, s12, $0xb8;
	[tilespmem:$0xD8B0] =	vst v63  }
0xd2: {  	s23 =	sshrl.u32 s23, $0x2;
	s29 =	simm.s32 $0x0  }
0xd3: {  	s23 =	sadd.s32 $0x8100, s23;
	s25 =	sand.u32 $0x7FFFFFF8, s29  }
0xd4: {  	s24 =	sand.u32 $0x7, s29;
	s25 =	sadd.s32 s25, s23  }
0xd5: {  	s24 =	sadd.s32 s24, s25  }
0xd6: {  	v4 =	vld [tilespmem:s24+$0x0];
	_ =	sdelay $0x4  }
0xd7: {  	(v2sf) =	vpush v4, $0x0;
	_ =	sdelay $0xc  }
0xd8: {  	p0 =	sne.s32 s16, $0x1  }
.Ltmp11:
0xd9: {  	_ = 	snop;
	(pc) =	sbr.rel @!p0 .LBB2_11-.Ltmp11, $4  }
0xda: {  	s0 =	sshll.u32 s0, $0xD;
	s30 =	spop (v2sf)  }
0xdb: {  	s24 =	sor.u32 $0x8520, s0;
	s31 =	sshll.u32 s30, $0x6  }
0xdc: {  	v4 =	vld [tilespmem:s24+$0x0];
	s26 =	sshra.s32 s31, $0x2  }
0xdd: {  	s25 =	simm.s32 $0x1;
	v5 =	vld [tilespmem:s26+$0xC520]  }
.LBB2_10:
0xde: {  	_ =	sdelay $0x2  }
0xdf: {  	s0 =	sand.u32 $0x7FFFFFF8, s25;
	s29 =	smov.u32 s25;
	s25 =	sadd.s32 $0x1, s25  }
0xe0: {  	s29 =	sand.u32 $0x7, s29;
	s0 =	sadd.s32 s0, s23;
	p0 =	sne.s32 s16, s25;
	v4 =	vmin.bf16 v5, v4  }
0xe1: {  	s0 =	sadd.s32 s29, s0;
	[tilespmem:s26+$0xC520] =	vst v4  }
0xe2: {  	v4 =	vld [tilespmem:s0+$0x0];
	_ =	sdelay $0x4  }
0xe3: {  	(v2sf) =	vpush v4, $0x0;
	_ =	sdelay $0xd  }
.Ltmp12:
0xe4: {  	(pc) =	sbr.rel @p0 .LBB2_10-.Ltmp12, $4  }
0xe5: {  	s0 =	spop (v2sf)  }
0xe6: {  	s24 =	sadd.s32 $0x10, s24;
	s0 =	sshll.u32 s0, $0x6  }
0xe7: {  	v4 =	vld [tilespmem:s24+$0x0];
	s26 =	sshra.s32 s0, $0x2  }
0xe8: {  	v5 =	vld [tilespmem:s26+$0xC520]  }
.LBB2_11:
0xe9: {  	_ = 	snop  }
.Ltmp13:
0xea: {  	_ = 	snop;
	(pc) =	sbr.rel .LBB2_12-.Ltmp13, $3  }
0xeb: {  	_ =	sdelay $0x1  }
0xec: {  	v4 =	vmin.bf16 v5, v4  }
0xed: {  	[tilespmem:s26+$0xC520] =	vst v4  }
.LBB2_8:
0xee: {  	[tilespmem:s24], [sflag:$0x1] =	stream.indirect.gather [hbm4b:s1+s12], $0x10, s29, s12, $0xb8;
	[tilespmem:$0xD8B0] =	vst v63  }
.LBB2_12:
0xef: {  	s18 =	sadd.s32 $0x1, s18  }
0xf0: {  	s23 =	sand.u32 $0x1, s18  }
0xf1: {  	s25 =	sshll.u32 s23, $0xB;
	s26 =	smul.u32 $0x840, s23  }
.LBB2_13:
0xf2: {  	s0 =	sor.u32 $0x10, s22  }
0xf3: {  	v4 =	vld [tilespmem:s0+$0x0];
	_ =	sdelay $0x4  }
0xf4: {  	vm0 =	vge.s32 v4, v0;
	vm1 =	vlt.s32 v4, v1  }
0xf5: {  	vm0 =	vmand vm0, vm1  }
0xf6: {  	v5 =	vmpcnt.ones.xlane vm0;
	_ =	sdelay $0x1  }
0xf7: {  	(v2sf) =	vpush v5, $0x0;
	_ =	sdelay $0xd  }
0xf8: {  	p0 =	sgt.s32 s28, $0x1F0;
	s0 =	smov.u32 s28  }
0xf9: {  	s24 =	sshrl.u32 s25, $0x2;
	s0 =	simm.s32 @p0 $0x0;
	s30 =	spop (v2sf)  }
0xfa: {  	s29 =	sadd.s32 $0x7D00, s24;
	v5 =	vld [tilespmem:s22+$0x3E90];
	s24 =	sadd.s32 s0, s30  }
0xfb: {  	p1 =	slt.s32 s24, $0x1F1  }
.Ltmp14:
0xfc: {  	_ = 	snop;
	(pc) =	sbr.rel @p1 .LBB2_20-.Ltmp14, $4  }
0xfd: {  	_ = 	snop  }
0xfe: {  	s2 =	sshrl.u32 s26, $0x2;
	s31 =	sadd.s32 s0, s29  }
0xff: {  	v4 =	vsub.s32 v4, v0;
	[tilespmem:s31+$0x0] =	vst.msk vm0, v5;
	s0 =	sadd.s32 s0, s2  }
0x100: {  	s16 =	smov.u32 @p0 s28;
	[tilespmem:s0+$0x8100] =	vst.msk vm0, v4  }
0x101: {  	p0 =	sgt.s32 s16, $0x0  }
.Ltmp15:
0x102: {  	_ = 	snop;
	(pc) =	sbr.rel @!p0 .LBB2_15-.Ltmp15, $3  }
0x103: {  	_ =	sdelay $0x1  }
0x104: {  	s0 =	sshll.u32 s23, $0xD  }
0x105: {  	s25 =	sor.u32 $0x8520, s0  }
0x106: {  	_ =	swait.ge [sflag:s11], $0x2000  }
0x107: {  	s0 =	sxor.u32 $0x1, s23;
	[sflag:s11] =	ssyncset.done $0x0  }
0x108: {  	s2 =	smul.u32 $0x840, s0;
	[sflag:s11] =	ssyncadd.s32 $0xFFFFE000  }
0x109: {  	[tilespmem:s25], [sflag:$0x1] =	stream.indirect.gather [hbm4b:s1+s12], $0x10, s29, s12, $0xb8;
	[tilespmem:$0xD8B0] =	vst v63  }
0x10a: {  	s26 =	simm.s32 $0x0;
	s2 =	sshrl.u32 s2, $0x2  }
0x10b: {  	s29 =	sand.u32 $0x7FFFFFF8, s26;
	s23 =	sadd.s32 $0x8100, s2  }
0x10c: {  	s25 =	sand.u32 $0x7, s26;
	s2 =	sadd.s32 s29, s23  }
0x10d: {  	s2 =	sadd.s32 s25, s2  }
0x10e: {  	v4 =	vld [tilespmem:s2+$0x0];
	_ =	sdelay $0x4  }
0x10f: {  	(v2sf) =	vpush v4, $0x0;
	_ =	sdelay $0xc  }
0x110: {  	p0 =	sne.s32 s16, $0x1  }
.Ltmp16:
0x111: {  	_ = 	snop;
	(pc) =	sbr.rel @!p0 .LBB2_18-.Ltmp16, $4  }
0x112: {  	s0 =	sshll.u32 s0, $0xD;
	s30 =	spop (v2sf)  }
0x113: {  	s25 =	sor.u32 $0x8520, s0;
	s31 =	sshll.u32 s30, $0x6  }
0x114: {  	v4 =	vld [tilespmem:s25+$0x0];
	s28 =	sshra.s32 s31, $0x2  }
0x115: {  	s26 =	simm.s32 $0x1;
	v5 =	vld [tilespmem:s28+$0xC520]  }
.LBB2_17:
0x116: {  	_ =	sdelay $0x2  }
0x117: {  	s0 =	sand.u32 $0x7FFFFFF8, s26;
	s2 =	smov.u32 s26;
	s26 =	sadd.s32 $0x1, s26  }
0x118: {  	s2 =	sand.u32 $0x7, s2;
	s0 =	sadd.s32 s0, s23;
	p0 =	sne.s32 s16, s26;
	v4 =	vmin.bf16 v5, v4  }
0x119: {  	s0 =	sadd.s32 s2, s0;
	[tilespmem:s28+$0xC520] =	vst v4  }
0x11a: {  	v4 =	vld [tilespmem:s0+$0x0];
	_ =	sdelay $0x4  }
0x11b: {  	(v2sf) =	vpush v4, $0x0;
	_ =	sdelay $0xd  }
.Ltmp17:
0x11c: {  	(pc) =	sbr.rel @p0 .LBB2_17-.Ltmp17, $4  }
0x11d: {  	s0 =	spop (v2sf)  }
0x11e: {  	s25 =	sadd.s32 $0x10, s25;
	s0 =	sshll.u32 s0, $0x6  }
0x11f: {  	v4 =	vld [tilespmem:s25+$0x0];
	s28 =	sshra.s32 s0, $0x2  }
0x120: {  	v5 =	vld [tilespmem:s28+$0xC520]  }
.LBB2_18:
0x121: {  	_ = 	snop  }
.Ltmp18:
0x122: {  	_ = 	snop;
	(pc) =	sbr.rel .LBB2_19-.Ltmp18, $3  }
0x123: {  	_ =	sdelay $0x1  }
0x124: {  	v4 =	vmin.bf16 v5, v4  }
0x125: {  	[tilespmem:s28+$0xC520] =	vst v4  }
.LBB2_15:
0x126: {  	[tilespmem:s25], [sflag:$0x1] =	stream.indirect.gather [hbm4b:s1+s12], $0x10, s29, s12, $0xb8;
	[tilespmem:$0xD8B0] =	vst v63  }
.LBB2_19:
0x127: {  	s18 =	sadd.s32 $0x1, s18  }
0x128: {  	s23 =	sand.u32 $0x1, s18  }
0x129: {  	s25 =	sshll.u32 s23, $0xB;
	s26 =	smul.u32 $0x840, s23  }
.LBB2_20:
0x12a: {  	s0 =	sor.u32 $0x20, s22  }
0x12b: {  	v4 =	vld [tilespmem:s0+$0x0];
	_ =	sdelay $0x4  }
0x12c: {  	vm0 =	vge.s32 v4, v0;
	vm1 =	vlt.s32 v4, v1  }
0x12d: {  	vm0 =	vmand vm0, vm1  }
0x12e: {  	v5 =	vmpcnt.ones.xlane vm0;
	_ =	sdelay $0x1  }
0x12f: {  	(v2sf) =	vpush v5, $0x0;
	_ =	sdelay $0xd  }
0x130: {  	p0 =	sgt.s32 s24, $0x1F0;
	s0 =	smov.u32 s24  }
0x131: {  	s0 =	simm.s32 @p0 $0x0;
	s28 =	spop (v2sf)  }
0x132: {  	v5 =	vld [tilespmem:s22+$0x3EA0];
	s28 =	sadd.s32 s0, s28  }
0x133: {  	p1 =	slt.s32 s28, $0x1F1  }
.Ltmp19:
0x134: {  	s2 =	sshrl.u32 s25, $0x2;
	(pc) =	sbr.rel @p1 .LBB2_27-.Ltmp19, $4  }
0x135: {  	s29 =	sadd.s32 $0x7D00, s2  }
0x136: {  	s30 =	sshrl.u32 s26, $0x2;
	s2 =	sadd.s32 s0, s29  }
0x137: {  	v4 =	vsub.s32 v4, v0;
	[tilespmem:s2+$0x0] =	vst.msk vm0, v5;
	s0 =	sadd.s32 s0, s30  }
0x138: {  	s16 =	smov.u32 @p0 s24;
	[tilespmem:s0+$0x8100] =	vst.msk vm0, v4  }
0x139: {  	p0 =	sgt.s32 s16, $0x0  }
.Ltmp20:
0x13a: {  	_ = 	snop;
	(pc) =	sbr.rel @!p0 .LBB2_22-.Ltmp20, $3  }
0x13b: {  	_ =	sdelay $0x1  }
0x13c: {  	s0 =	sshll.u32 s23, $0xD  }
0x13d: {  	s24 =	sor.u32 $0x8520, s0  }
0x13e: {  	_ =	swait.ge [sflag:s11], $0x2000  }
0x13f: {  	s0 =	sxor.u32 $0x1, s23;
	[sflag:s11] =	ssyncset.done $0x0  }
0x140: {  	s2 =	smul.u32 $0x840, s0;
	[sflag:s11] =	ssyncadd.s32 $0xFFFFE000  }
0x141: {  	[tilespmem:s24], [sflag:$0x1] =	stream.indirect.gather [hbm4b:s1+s12], $0x10, s29, s12, $0xb8;
	[tilespmem:$0xD8B0] =	vst v63  }
0x142: {  	s26 =	simm.s32 $0x0;
	s2 =	sshrl.u32 s2, $0x2  }
0x143: {  	s29 =	sand.u32 $0x7FFFFFF8, s26;
	s23 =	sadd.s32 $0x8100, s2  }
0x144: {  	s24 =	sand.u32 $0x7, s26;
	s2 =	sadd.s32 s29, s23  }
0x145: {  	s2 =	sadd.s32 s24, s2  }
0x146: {  	v4 =	vld [tilespmem:s2+$0x0];
	_ =	sdelay $0x4  }
0x147: {  	(v2sf) =	vpush v4, $0x0;
	_ =	sdelay $0xc  }
0x148: {  	p0 =	sne.s32 s16, $0x1  }
.Ltmp21:
0x149: {  	_ = 	snop;
	(pc) =	sbr.rel @!p0 .LBB2_25-.Ltmp21, $4  }
0x14a: {  	s0 =	sshll.u32 s0, $0xD;
	s30 =	spop (v2sf)  }
0x14b: {  	s24 =	sor.u32 $0x8520, s0;
	s31 =	sshll.u32 s30, $0x6  }
0x14c: {  	v4 =	vld [tilespmem:s24+$0x0];
	s26 =	sshra.s32 s31, $0x2  }
0x14d: {  	s25 =	simm.s32 $0x1;
	v5 =	vld [tilespmem:s26+$0xC520]  }
.LBB2_24:
0x14e: {  	_ =	sdelay $0x2  }
0x14f: {  	s0 =	sand.u32 $0x7FFFFFF8, s25;
	s2 =	smov.u32 s25;
	s25 =	sadd.s32 $0x1, s25  }
0x150: {  	s2 =	sand.u32 $0x7, s2;
	s0 =	sadd.s32 s0, s23;
	p0 =	sne.s32 s16, s25;
	v4 =	vmin.bf16 v5, v4  }
0x151: {  	s0 =	sadd.s32 s2, s0;
	[tilespmem:s26+$0xC520] =	vst v4  }
0x152: {  	v4 =	vld [tilespmem:s0+$0x0];
	_ =	sdelay $0x4  }
0x153: {  	(v2sf) =	vpush v4, $0x0;
	_ =	sdelay $0xd  }
.Ltmp22:
0x154: {  	(pc) =	sbr.rel @p0 .LBB2_24-.Ltmp22, $4  }
0x155: {  	s0 =	spop (v2sf)  }
0x156: {  	s24 =	sadd.s32 $0x10, s24;
	s0 =	sshll.u32 s0, $0x6  }
0x157: {  	v4 =	vld [tilespmem:s24+$0x0];
	s26 =	sshra.s32 s0, $0x2  }
0x158: {  	v5 =	vld [tilespmem:s26+$0xC520]  }
.LBB2_25:
0x159: {  	_ = 	snop  }
.Ltmp23:
0x15a: {  	_ = 	snop;
	(pc) =	sbr.rel .LBB2_26-.Ltmp23, $3  }
0x15b: {  	_ =	sdelay $0x1  }
0x15c: {  	v4 =	vmin.bf16 v5, v4  }
0x15d: {  	[tilespmem:s26+$0xC520] =	vst v4  }
.LBB2_22:
0x15e: {  	[tilespmem:s24], [sflag:$0x1] =	stream.indirect.gather [hbm4b:s1+s12], $0x10, s29, s12, $0xb8;
	[tilespmem:$0xD8B0] =	vst v63  }
.LBB2_26:
0x15f: {  	s18 =	sadd.s32 $0x1, s18  }
0x160: {  	s23 =	sand.u32 $0x1, s18  }
0x161: {  	s25 =	sshll.u32 s23, $0xB;
	s26 =	smul.u32 $0x840, s23  }
.LBB2_27:
0x162: {  	s0 =	sor.u32 $0x30, s22  }
0x163: {  	v4 =	vld [tilespmem:s0+$0x0];
	_ =	sdelay $0x4  }
0x164: {  	vm0 =	vge.s32 v4, v0;
	vm1 =	vlt.s32 v4, v1  }
0x165: {  	vm0 =	vmand vm0, vm1  }
0x166: {  	v5 =	vmpcnt.ones.xlane vm0;
	_ =	sdelay $0x1  }
0x167: {  	(v2sf) =	vpush v5, $0x0;
	_ =	sdelay $0xd  }
0x168: {  	p0 =	sgt.s32 s28, $0x1F0;
	s0 =	smov.u32 s28  }
0x169: {  	s0 =	simm.s32 @p0 $0x0;
	s24 =	spop (v2sf)  }
0x16a: {  	v5 =	vld [tilespmem:s22+$0x3EB0];
	s24 =	sadd.s32 s0, s24  }
0x16b: {  	p1 =	slt.s32 s24, $0x1F1  }
.Ltmp24:
0x16c: {  	s2 =	sshrl.u32 s25, $0x2;
	(pc) =	sbr.rel @p1 .LBB2_34-.Ltmp24, $4  }
0x16d: {  	s29 =	sadd.s32 $0x7D00, s2  }
0x16e: {  	s30 =	sshrl.u32 s26, $0x2;
	s2 =	sadd.s32 s0, s29  }
0x16f: {  	v4 =	vsub.s32 v4, v0;
	[tilespmem:s2+$0x0] =	vst.msk vm0, v5;
	s0 =	sadd.s32 s0, s30  }
0x170: {  	s16 =	smov.u32 @p0 s28;
	[tilespmem:s0+$0x8100] =	vst.msk vm0, v4  }
0x171: {  	p0 =	sgt.s32 s16, $0x0  }
.Ltmp25:
0x172: {  	_ = 	snop;
	(pc) =	sbr.rel @!p0 .LBB2_29-.Ltmp25, $3  }
0x173: {  	_ =	sdelay $0x1  }
0x174: {  	s0 =	sshll.u32 s23, $0xD  }
0x175: {  	s25 =	sor.u32 $0x8520, s0  }
0x176: {  	_ =	swait.ge [sflag:s11], $0x2000  }
0x177: {  	s0 =	sxor.u32 $0x1, s23;
	[sflag:s11] =	ssyncset.done $0x0  }
0x178: {  	s2 =	smul.u32 $0x840, s0;
	[sflag:s11] =	ssyncadd.s32 $0xFFFFE000  }
0x179: {  	[tilespmem:s25], [sflag:$0x1] =	stream.indirect.gather [hbm4b:s1+s12], $0x10, s29, s12, $0xb8;
	[tilespmem:$0xD8B0] =	vst v63  }
0x17a: {  	s26 =	simm.s32 $0x0;
	s2 =	sshrl.u32 s2, $0x2  }
0x17b: {  	s29 =	sand.u32 $0x7FFFFFF8, s26;
	s23 =	sadd.s32 $0x8100, s2  }
0x17c: {  	s25 =	sand.u32 $0x7, s26;
	s2 =	sadd.s32 s29, s23  }
0x17d: {  	s2 =	sadd.s32 s25, s2  }
0x17e: {  	v4 =	vld [tilespmem:s2+$0x0];
	_ =	sdelay $0x4  }
0x17f: {  	(v2sf) =	vpush v4, $0x0;
	_ =	sdelay $0xc  }
0x180: {  	p0 =	sne.s32 s16, $0x1  }
.Ltmp26:
0x181: {  	_ = 	snop;
	(pc) =	sbr.rel @!p0 .LBB2_32-.Ltmp26, $4  }
0x182: {  	s0 =	sshll.u32 s0, $0xD;
	s30 =	spop (v2sf)  }
0x183: {  	s25 =	sor.u32 $0x8520, s0;
	s31 =	sshll.u32 s30, $0x6  }
0x184: {  	v4 =	vld [tilespmem:s25+$0x0];
	s28 =	sshra.s32 s31, $0x2  }
0x185: {  	s26 =	simm.s32 $0x1;
	v5 =	vld [tilespmem:s28+$0xC520]  }
.LBB2_31:
0x186: {  	_ =	sdelay $0x2  }
0x187: {  	s0 =	sand.u32 $0x7FFFFFF8, s26;
	s2 =	smov.u32 s26;
	s26 =	sadd.s32 $0x1, s26  }
0x188: {  	s2 =	sand.u32 $0x7, s2;
	s0 =	sadd.s32 s0, s23;
	p0 =	sne.s32 s16, s26;
	v4 =	vmin.bf16 v5, v4  }
0x189: {  	s0 =	sadd.s32 s2, s0;
	[tilespmem:s28+$0xC520] =	vst v4  }
0x18a: {  	v4 =	vld [tilespmem:s0+$0x0];
	_ =	sdelay $0x4  }
0x18b: {  	(v2sf) =	vpush v4, $0x0;
	_ =	sdelay $0xd  }
.Ltmp27:
0x18c: {  	(pc) =	sbr.rel @p0 .LBB2_31-.Ltmp27, $4  }
0x18d: {  	s0 =	spop (v2sf)  }
0x18e: {  	s25 =	sadd.s32 $0x10, s25;
	s0 =	sshll.u32 s0, $0x6  }
0x18f: {  	v4 =	vld [tilespmem:s25+$0x0];
	s28 =	sshra.s32 s0, $0x2  }
0x190: {  	v5 =	vld [tilespmem:s28+$0xC520]  }
.LBB2_32:
0x191: {  	_ = 	snop  }
.Ltmp28:
0x192: {  	_ = 	snop;
	(pc) =	sbr.rel .LBB2_33-.Ltmp28, $3  }
0x193: {  	_ =	sdelay $0x1  }
0x194: {  	v4 =	vmin.bf16 v5, v4  }
0x195: {  	[tilespmem:s28+$0xC520] =	vst v4  }
.LBB2_29:
0x196: {  	[tilespmem:s25], [sflag:$0x1] =	stream.indirect.gather [hbm4b:s1+s12], $0x10, s29, s12, $0xb8;
	[tilespmem:$0xD8B0] =	vst v63  }
.LBB2_33:
0x197: {  	s18 =	sadd.s32 $0x1, s18  }
0x198: {  	s23 =	sand.u32 $0x1, s18  }
0x199: {  	s25 =	sshll.u32 s23, $0xB;
	s26 =	smul.u32 $0x840, s23  }
.LBB2_34:
0x19a: {  	s0 =	sor.u32 $0x40, s22  }
0x19b: {  	v4 =	vld [tilespmem:s0+$0x0];
	_ =	sdelay $0x4  }
0x19c: {  	vm0 =	vge.s32 v4, v0;
	vm1 =	vlt.s32 v4, v1  }
0x19d: {  	vm0 =	vmand vm0, vm1  }
0x19e: {  	v5 =	vmpcnt.ones.xlane vm0;
	_ =	sdelay $0x1  }
0x19f: {  	(v2sf) =	vpush v5, $0x0;
	_ =	sdelay $0xd  }
0x1a0: {  	p0 =	sgt.s32 s24, $0x1F0;
	s0 =	smov.u32 s24  }
0x1a1: {  	s0 =	simm.s32 @p0 $0x0;
	s28 =	spop (v2sf)  }
0x1a2: {  	v5 =	vld [tilespmem:s22+$0x3EC0];
	s28 =	sadd.s32 s0, s28  }
0x1a3: {  	p1 =	slt.s32 s28, $0x1F1  }
.Ltmp29:
0x1a4: {  	s2 =	sshrl.u32 s25, $0x2;
	(pc) =	sbr.rel @p1 .LBB2_41-.Ltmp29, $4  }
0x1a5: {  	s29 =	sadd.s32 $0x7D00, s2  }
0x1a6: {  	s30 =	sshrl.u32 s26, $0x2;
	s2 =	sadd.s32 s0, s29  }
0x1a7: {  	v4 =	vsub.s32 v4, v0;
	[tilespmem:s2+$0x0] =	vst.msk vm0, v5;
	s0 =	sadd.s32 s0, s30  }
0x1a8: {  	s16 =	smov.u32 @p0 s24;
	[tilespmem:s0+$0x8100] =	vst.msk vm0, v4  }
0x1a9: {  	p0 =	sgt.s32 s16, $0x0  }
.Ltmp30:
0x1aa: {  	_ = 	snop;
	(pc) =	sbr.rel @!p0 .LBB2_36-.Ltmp30, $3  }
0x1ab: {  	_ =	sdelay $0x1  }
0x1ac: {  	s0 =	sshll.u32 s23, $0xD  }
0x1ad: {  	s24 =	sor.u32 $0x8520, s0  }
0x1ae: {  	_ =	swait.ge [sflag:s11], $0x2000  }
0x1af: {  	s0 =	sxor.u32 $0x1, s23;
	[sflag:s11] =	ssyncset.done $0x0  }
0x1b0: {  	s2 =	smul.u32 $0x840, s0;
	[sflag:s11] =	ssyncadd.s32 $0xFFFFE000  }
0x1b1: {  	[tilespmem:s24], [sflag:$0x1] =	stream.indirect.gather [hbm4b:s1+s12], $0x10, s29, s12, $0xb8;
	[tilespmem:$0xD8B0] =	vst v63  }
0x1b2: {  	s26 =	simm.s32 $0x0;
	s2 =	sshrl.u32 s2, $0x2  }
0x1b3: {  	s29 =	sand.u32 $0x7FFFFFF8, s26;
	s23 =	sadd.s32 $0x8100, s2  }
0x1b4: {  	s24 =	sand.u32 $0x7, s26;
	s2 =	sadd.s32 s29, s23  }
0x1b5: {  	s2 =	sadd.s32 s24, s2  }
0x1b6: {  	v4 =	vld [tilespmem:s2+$0x0];
	_ =	sdelay $0x4  }
0x1b7: {  	(v2sf) =	vpush v4, $0x0;
	_ =	sdelay $0xc  }
0x1b8: {  	p0 =	sne.s32 s16, $0x1  }
.Ltmp31:
0x1b9: {  	_ = 	snop;
	(pc) =	sbr.rel @!p0 .LBB2_39-.Ltmp31, $4  }
0x1ba: {  	s0 =	sshll.u32 s0, $0xD;
	s30 =	spop (v2sf)  }
0x1bb: {  	s24 =	sor.u32 $0x8520, s0;
	s31 =	sshll.u32 s30, $0x6  }
0x1bc: {  	v4 =	vld [tilespmem:s24+$0x0];
	s26 =	sshra.s32 s31, $0x2  }
0x1bd: {  	s25 =	simm.s32 $0x1;
	v5 =	vld [tilespmem:s26+$0xC520]  }
.LBB2_38:
0x1be: {  	_ =	sdelay $0x2  }
0x1bf: {  	s0 =	sand.u32 $0x7FFFFFF8, s25;
	s2 =	smov.u32 s25;
	s25 =	sadd.s32 $0x1, s25  }
0x1c0: {  	s2 =	sand.u32 $0x7, s2;
	s0 =	sadd.s32 s0, s23;
	p0 =	sne.s32 s16, s25;
	v4 =	vmin.bf16 v5, v4  }
0x1c1: {  	s0 =	sadd.s32 s2, s0;
	[tilespmem:s26+$0xC520] =	vst v4  }
0x1c2: {  	v4 =	vld [tilespmem:s0+$0x0];
	_ =	sdelay $0x4  }
0x1c3: {  	(v2sf) =	vpush v4, $0x0;
	_ =	sdelay $0xd  }
.Ltmp32:
0x1c4: {  	(pc) =	sbr.rel @p0 .LBB2_38-.Ltmp32, $4  }
0x1c5: {  	s0 =	spop (v2sf)  }
0x1c6: {  	s24 =	sadd.s32 $0x10, s24;
	s0 =	sshll.u32 s0, $0x6  }
0x1c7: {  	v4 =	vld [tilespmem:s24+$0x0];
	s26 =	sshra.s32 s0, $0x2  }
0x1c8: {  	v5 =	vld [tilespmem:s26+$0xC520]  }
.LBB2_39:
0x1c9: {  	_ = 	snop  }
.Ltmp33:
0x1ca: {  	_ = 	snop;
	(pc) =	sbr.rel .LBB2_40-.Ltmp33, $3  }
0x1cb: {  	_ =	sdelay $0x1  }
0x1cc: {  	v4 =	vmin.bf16 v5, v4  }
0x1cd: {  	[tilespmem:s26+$0xC520] =	vst v4  }
.LBB2_36:
0x1ce: {  	[tilespmem:s24], [sflag:$0x1] =	stream.indirect.gather [hbm4b:s1+s12], $0x10, s29, s12, $0xb8;
	[tilespmem:$0xD8B0] =	vst v63  }
.LBB2_40:
0x1cf: {  	s18 =	sadd.s32 $0x1, s18  }
0x1d0: {  	s23 =	sand.u32 $0x1, s18  }
0x1d1: {  	s25 =	sshll.u32 s23, $0xB;
	s26 =	smul.u32 $0x840, s23  }
.LBB2_41:
0x1d2: {  	s0 =	sor.u32 $0x50, s22  }
0x1d3: {  	v4 =	vld [tilespmem:s0+$0x0];
	_ =	sdelay $0x4  }
0x1d4: {  	vm0 =	vge.s32 v4, v0;
	vm1 =	vlt.s32 v4, v1  }
0x1d5: {  	vm0 =	vmand vm0, vm1  }
0x1d6: {  	v5 =	vmpcnt.ones.xlane vm0;
	_ =	sdelay $0x1  }
0x1d7: {  	(v2sf) =	vpush v5, $0x0;
	_ =	sdelay $0xd  }
0x1d8: {  	p0 =	sgt.s32 s28, $0x1F0;
	s0 =	smov.u32 s28  }
0x1d9: {  	s0 =	simm.s32 @p0 $0x0;
	s24 =	spop (v2sf)  }
0x1da: {  	v5 =	vld [tilespmem:s22+$0x3ED0];
	s24 =	sadd.s32 s0, s24  }
0x1db: {  	p1 =	slt.s32 s24, $0x1F1  }
.Ltmp34:
0x1dc: {  	s2 =	sshrl.u32 s25, $0x2;
	(pc) =	sbr.rel @p1 .LBB2_48-.Ltmp34, $4  }
0x1dd: {  	s29 =	sadd.s32 $0x7D00, s2  }
0x1de: {  	s30 =	sshrl.u32 s26, $0x2;
	s2 =	sadd.s32 s0, s29  }
0x1df: {  	v4 =	vsub.s32 v4, v0;
	[tilespmem:s2+$0x0] =	vst.msk vm0, v5;
	s0 =	sadd.s32 s0, s30  }
0x1e0: {  	s16 =	smov.u32 @p0 s28;
	[tilespmem:s0+$0x8100] =	vst.msk vm0, v4  }
0x1e1: {  	p0 =	sgt.s32 s16, $0x0  }
.Ltmp35:
0x1e2: {  	_ = 	snop;
	(pc) =	sbr.rel @!p0 .LBB2_43-.Ltmp35, $3  }
0x1e3: {  	_ =	sdelay $0x1  }
0x1e4: {  	s0 =	sshll.u32 s23, $0xD  }
0x1e5: {  	s25 =	sor.u32 $0x8520, s0  }
0x1e6: {  	_ =	swait.ge [sflag:s11], $0x2000  }
0x1e7: {  	s0 =	sxor.u32 $0x1, s23;
	[sflag:s11] =	ssyncset.done $0x0  }
0x1e8: {  	s2 =	smul.u32 $0x840, s0;
	[sflag:s11] =	ssyncadd.s32 $0xFFFFE000  }
0x1e9: {  	[tilespmem:s25], [sflag:$0x1] =	stream.indirect.gather [hbm4b:s1+s12], $0x10, s29, s12, $0xb8;
	[tilespmem:$0xD8B0] =	vst v63  }
0x1ea: {  	s26 =	simm.s32 $0x0;
	s2 =	sshrl.u32 s2, $0x2  }
0x1eb: {  	s29 =	sand.u32 $0x7FFFFFF8, s26;
	s23 =	sadd.s32 $0x8100, s2  }
0x1ec: {  	s25 =	sand.u32 $0x7, s26;
	s2 =	sadd.s32 s29, s23  }
0x1ed: {  	s2 =	sadd.s32 s25, s2  }
0x1ee: {  	v4 =	vld [tilespmem:s2+$0x0];
	_ =	sdelay $0x4  }
0x1ef: {  	(v2sf) =	vpush v4, $0x0;
	_ =	sdelay $0xc  }
0x1f0: {  	p0 =	sne.s32 s16, $0x1  }
.Ltmp36:
0x1f1: {  	_ = 	snop;
	(pc) =	sbr.rel @!p0 .LBB2_46-.Ltmp36, $4  }
0x1f2: {  	s0 =	sshll.u32 s0, $0xD;
	s30 =	spop (v2sf)  }
0x1f3: {  	s25 =	sor.u32 $0x8520, s0;
	s31 =	sshll.u32 s30, $0x6  }
0x1f4: {  	v4 =	vld [tilespmem:s25+$0x0];
	s28 =	sshra.s32 s31, $0x2  }
0x1f5: {  	s26 =	simm.s32 $0x1;
	v5 =	vld [tilespmem:s28+$0xC520]  }
.LBB2_45:
0x1f6: {  	_ =	sdelay $0x2  }
0x1f7: {  	s0 =	sand.u32 $0x7FFFFFF8, s26;
	s2 =	smov.u32 s26;
	s26 =	sadd.s32 $0x1, s26  }
0x1f8: {  	s2 =	sand.u32 $0x7, s2;
	s0 =	sadd.s32 s0, s23;
	p0 =	sne.s32 s16, s26;
	v4 =	vmin.bf16 v5, v4  }
0x1f9: {  	s0 =	sadd.s32 s2, s0;
	[tilespmem:s28+$0xC520] =	vst v4  }
0x1fa: {  	v4 =	vld [tilespmem:s0+$0x0];
	_ =	sdelay $0x4  }
0x1fb: {  	(v2sf) =	vpush v4, $0x0;
	_ =	sdelay $0xd  }
.Ltmp37:
0x1fc: {  	(pc) =	sbr.rel @p0 .LBB2_45-.Ltmp37, $4  }
0x1fd: {  	s0 =	spop (v2sf)  }
0x1fe: {  	s25 =	sadd.s32 $0x10, s25;
	s0 =	sshll.u32 s0, $0x6  }
0x1ff: {  	v4 =	vld [tilespmem:s25+$0x0];
	s28 =	sshra.s32 s0, $0x2  }
0x200: {  	v5 =	vld [tilespmem:s28+$0xC520]  }
.LBB2_46:
0x201: {  	_ = 	snop  }
.Ltmp38:
0x202: {  	_ = 	snop;
	(pc) =	sbr.rel .LBB2_47-.Ltmp38, $3  }
0x203: {  	_ =	sdelay $0x1  }
0x204: {  	v4 =	vmin.bf16 v5, v4  }
0x205: {  	[tilespmem:s28+$0xC520] =	vst v4  }
.LBB2_43:
0x206: {  	[tilespmem:s25], [sflag:$0x1] =	stream.indirect.gather [hbm4b:s1+s12], $0x10, s29, s12, $0xb8;
	[tilespmem:$0xD8B0] =	vst v63  }
.LBB2_47:
0x207: {  	s18 =	sadd.s32 $0x1, s18  }
0x208: {  	s23 =	sand.u32 $0x1, s18  }
0x209: {  	s25 =	sshll.u32 s23, $0xB;
	s26 =	smul.u32 $0x840, s23  }
.LBB2_48:
0x20a: {  	s0 =	sor.u32 $0x60, s22  }
0x20b: {  	v4 =	vld [tilespmem:s0+$0x0];
	_ =	sdelay $0x4  }
0x20c: {  	vm0 =	vge.s32 v4, v0;
	vm1 =	vlt.s32 v4, v1  }
0x20d: {  	vm0 =	vmand vm0, vm1  }
0x20e: {  	v5 =	vmpcnt.ones.xlane vm0;
	_ =	sdelay $0x1  }
0x20f: {  	(v2sf) =	vpush v5, $0x0;
	_ =	sdelay $0xd  }
0x210: {  	p0 =	sgt.s32 s24, $0x1F0;
	s0 =	smov.u32 s24  }
0x211: {  	s0 =	simm.s32 @p0 $0x0;
	s28 =	spop (v2sf)  }
0x212: {  	v5 =	vld [tilespmem:s22+$0x3EE0];
	s28 =	sadd.s32 s0, s28  }
0x213: {  	p1 =	slt.s32 s28, $0x1F1  }
.Ltmp39:
0x214: {  	s2 =	sshrl.u32 s25, $0x2;
	(pc) =	sbr.rel @p1 .LBB2_55-.Ltmp39, $4  }
0x215: {  	s29 =	sadd.s32 $0x7D00, s2  }
0x216: {  	s30 =	sshrl.u32 s26, $0x2;
	s2 =	sadd.s32 s0, s29  }
0x217: {  	v4 =	vsub.s32 v4, v0;
	[tilespmem:s2+$0x0] =	vst.msk vm0, v5;
	s0 =	sadd.s32 s0, s30  }
0x218: {  	s16 =	smov.u32 @p0 s24;
	[tilespmem:s0+$0x8100] =	vst.msk vm0, v4  }
0x219: {  	p0 =	sgt.s32 s16, $0x0  }
.Ltmp40:
0x21a: {  	_ = 	snop;
	(pc) =	sbr.rel @!p0 .LBB2_50-.Ltmp40, $3  }
0x21b: {  	_ =	sdelay $0x1  }
0x21c: {  	s0 =	sshll.u32 s23, $0xD  }
0x21d: {  	s24 =	sor.u32 $0x8520, s0  }
0x21e: {  	_ =	swait.ge [sflag:s11], $0x2000  }
0x21f: {  	s0 =	sxor.u32 $0x1, s23;
	[sflag:s11] =	ssyncset.done $0x0  }
0x220: {  	s2 =	smul.u32 $0x840, s0;
	[sflag:s11] =	ssyncadd.s32 $0xFFFFE000  }
0x221: {  	[tilespmem:s24], [sflag:$0x1] =	stream.indirect.gather [hbm4b:s1+s12], $0x10, s29, s12, $0xb8;
	[tilespmem:$0xD8B0] =	vst v63  }
0x222: {  	s26 =	simm.s32 $0x0;
	s2 =	sshrl.u32 s2, $0x2  }
0x223: {  	s29 =	sand.u32 $0x7FFFFFF8, s26;
	s23 =	sadd.s32 $0x8100, s2  }
0x224: {  	s24 =	sand.u32 $0x7, s26;
	s2 =	sadd.s32 s29, s23  }
0x225: {  	s2 =	sadd.s32 s24, s2  }
0x226: {  	v4 =	vld [tilespmem:s2+$0x0];
	_ =	sdelay $0x4  }
0x227: {  	(v2sf) =	vpush v4, $0x0;
	_ =	sdelay $0xc  }
0x228: {  	p0 =	sne.s32 s16, $0x1  }
.Ltmp41:
0x229: {  	_ = 	snop;
	(pc) =	sbr.rel @!p0 .LBB2_53-.Ltmp41, $4  }
0x22a: {  	s0 =	sshll.u32 s0, $0xD;
	s30 =	spop (v2sf)  }
0x22b: {  	s24 =	sor.u32 $0x8520, s0;
	s31 =	sshll.u32 s30, $0x6  }
0x22c: {  	v4 =	vld [tilespmem:s24+$0x0];
	s26 =	sshra.s32 s31, $0x2  }
0x22d: {  	s25 =	simm.s32 $0x1;
	v5 =	vld [tilespmem:s26+$0xC520]  }
.LBB2_52:
0x22e: {  	_ =	sdelay $0x2  }
0x22f: {  	s0 =	sand.u32 $0x7FFFFFF8, s25;
	s2 =	smov.u32 s25;
	s25 =	sadd.s32 $0x1, s25  }
0x230: {  	s2 =	sand.u32 $0x7, s2;
	s0 =	sadd.s32 s0, s23;
	p0 =	sne.s32 s16, s25;
	v4 =	vmin.bf16 v5, v4  }
0x231: {  	s0 =	sadd.s32 s2, s0;
	[tilespmem:s26+$0xC520] =	vst v4  }
0x232: {  	v4 =	vld [tilespmem:s0+$0x0];
	_ =	sdelay $0x4  }
0x233: {  	(v2sf) =	vpush v4, $0x0;
	_ =	sdelay $0xd  }
.Ltmp42:
0x234: {  	(pc) =	sbr.rel @p0 .LBB2_52-.Ltmp42, $4  }
0x235: {  	s0 =	spop (v2sf)  }
0x236: {  	s24 =	sadd.s32 $0x10, s24;
	s0 =	sshll.u32 s0, $0x6  }
0x237: {  	v4 =	vld [tilespmem:s24+$0x0];
	s26 =	sshra.s32 s0, $0x2  }
0x238: {  	v5 =	vld [tilespmem:s26+$0xC520]  }
.LBB2_53:
0x239: {  	_ = 	snop  }
.Ltmp43:
0x23a: {  	_ = 	snop;
	(pc) =	sbr.rel .LBB2_54-.Ltmp43, $3  }
0x23b: {  	_ =	sdelay $0x1  }
0x23c: {  	v4 =	vmin.bf16 v5, v4  }
0x23d: {  	[tilespmem:s26+$0xC520] =	vst v4  }
.LBB2_50:
0x23e: {  	[tilespmem:s24], [sflag:$0x1] =	stream.indirect.gather [hbm4b:s1+s12], $0x10, s29, s12, $0xb8;
	[tilespmem:$0xD8B0] =	vst v63  }
.LBB2_54:
0x23f: {  	s18 =	sadd.s32 $0x1, s18  }
0x240: {  	s23 =	sand.u32 $0x1, s18  }
0x241: {  	s25 =	sshll.u32 s23, $0xB;
	s26 =	smul.u32 $0x840, s23  }
.LBB2_55:
0x242: {  	s0 =	sor.u32 $0x70, s22  }
0x243: {  	v4 =	vld [tilespmem:s0+$0x0];
	_ =	sdelay $0x4  }
0x244: {  	vm0 =	vge.s32 v4, v0;
	vm1 =	vlt.s32 v4, v1  }
0x245: {  	vm0 =	vmand vm0, vm1  }
0x246: {  	v5 =	vmpcnt.ones.xlane vm0;
	_ =	sdelay $0x1  }
0x247: {  	(v2sf) =	vpush v5, $0x0;
	_ =	sdelay $0xd  }
0x248: {  	p0 =	sgt.s32 s28, $0x1F0;
	s0 =	smov.u32 s28  }
0x249: {  	s0 =	simm.s32 @p0 $0x0;
	s30 =	spop (v2sf)  }
0x24a: {  	v5 =	vld [tilespmem:s22+$0x3EF0];
	s22 =	sadd.s32 s0, s30  }
0x24b: {  	p1 =	slt.s32 s22, $0x1F1  }
.Ltmp44:
0x24c: {  	s2 =	sshrl.u32 s25, $0x2;
	(pc) =	sbr.rel @p1 .LBB2_62-.Ltmp44, $4  }
0x24d: {  	s24 =	sadd.s32 $0x7D00, s2  }
0x24e: {  	s31 =	sshrl.u32 s26, $0x2;
	s2 =	sadd.s32 s0, s24  }
0x24f: {  	v4 =	vsub.s32 v4, v0;
	[tilespmem:s2+$0x0] =	vst.msk vm0, v5;
	s0 =	sadd.s32 s0, s31  }
0x250: {  	s16 =	smov.u32 @p0 s28;
	[tilespmem:s0+$0x8100] =	vst.msk vm0, v4  }
0x251: {  	p0 =	sgt.s32 s16, $0x0  }
.Ltmp45:
0x252: {  	_ = 	snop;
	(pc) =	sbr.rel @!p0 .LBB2_57-.Ltmp45, $3  }
0x253: {  	_ =	sdelay $0x1  }
0x254: {  	s0 =	sshll.u32 s23, $0xD  }
0x255: {  	s25 =	sor.u32 $0x8520, s0  }
0x256: {  	_ =	swait.ge [sflag:s11], $0x2000  }
0x257: {  	s0 =	sxor.u32 $0x1, s23;
	[sflag:s11] =	ssyncset.done $0x0  }
0x258: {  	s2 =	smul.u32 $0x840, s0;
	[sflag:s11] =	ssyncadd.s32 $0xFFFFE000  }
0x259: {  	[tilespmem:s25], [sflag:$0x1] =	stream.indirect.gather [hbm4b:s1+s12], $0x10, s24, s12, $0xb8;
	[tilespmem:$0xD8B0] =	vst v63  }
0x25a: {  	s28 =	simm.s32 $0x0;
	s2 =	sshrl.u32 s2, $0x2  }
0x25b: {  	s29 =	sand.u32 $0x7FFFFFF8, s28;
	s23 =	sadd.s32 $0x8100, s2  }
0x25c: {  	s24 =	sand.u32 $0x7, s28;
	s2 =	sadd.s32 s29, s23  }
0x25d: {  	s2 =	sadd.s32 s24, s2  }
0x25e: {  	v4 =	vld [tilespmem:s2+$0x0];
	_ =	sdelay $0x4  }
0x25f: {  	(v2sf) =	vpush v4, $0x0;
	_ =	sdelay $0xc  }
0x260: {  	p0 =	sne.s32 s16, $0x1  }
.Ltmp46:
0x261: {  	_ = 	snop;
	(pc) =	sbr.rel @!p0 .LBB2_60-.Ltmp46, $4  }
0x262: {  	s0 =	sshll.u32 s0, $0xD;
	s30 =	spop (v2sf)  }
0x263: {  	s24 =	sor.u32 $0x8520, s0;
	s31 =	sshll.u32 s30, $0x6  }
0x264: {  	v4 =	vld [tilespmem:s24+$0x0];
	s26 =	sshra.s32 s31, $0x2  }
0x265: {  	s25 =	simm.s32 $0x1;
	v5 =	vld [tilespmem:s26+$0xC520]  }
.LBB2_59:
0x266: {  	_ =	sdelay $0x2  }
0x267: {  	s0 =	sand.u32 $0x7FFFFFF8, s25;
	s2 =	smov.u32 s25;
	s25 =	sadd.s32 $0x1, s25  }
0x268: {  	s2 =	sand.u32 $0x7, s2;
	s0 =	sadd.s32 s0, s23;
	p0 =	sne.s32 s16, s25;
	v4 =	vmin.bf16 v5, v4  }
0x269: {  	s0 =	sadd.s32 s2, s0;
	[tilespmem:s26+$0xC520] =	vst v4  }
0x26a: {  	v4 =	vld [tilespmem:s0+$0x0];
	_ =	sdelay $0x4  }
0x26b: {  	(v2sf) =	vpush v4, $0x0;
	_ =	sdelay $0xd  }
.Ltmp47:
0x26c: {  	(pc) =	sbr.rel @p0 .LBB2_59-.Ltmp47, $4  }
0x26d: {  	s0 =	spop (v2sf)  }
0x26e: {  	s24 =	sadd.s32 $0x10, s24;
	s0 =	sshll.u32 s0, $0x6  }
0x26f: {  	v4 =	vld [tilespmem:s24+$0x0];
	s26 =	sshra.s32 s0, $0x2  }
0x270: {  	v5 =	vld [tilespmem:s26+$0xC520]  }
.LBB2_60:
0x271: {  	_ = 	snop  }
.Ltmp48:
0x272: {  	_ = 	snop;
	(pc) =	sbr.rel .LBB2_61-.Ltmp48, $3  }
0x273: {  	_ =	sdelay $0x1  }
0x274: {  	v4 =	vmin.bf16 v5, v4  }
0x275: {  	[tilespmem:s26+$0xC520] =	vst v4  }
.LBB2_64:
0x276: {  	p0 =	slt.s32 s16, $0x1  }
.Ltmp49:
0x277: {  	_ = 	snop;
	(pc) =	sbr.rel @p0 .LBB2_68-.Ltmp49, $2  }
0x278: {  	_ =	sdelay $0x2  }
0x279: {  	s17 =	sand.u32 $0x1, s18  }
0x27a: {  	s0 =	sxor.u32 $0x1, s17  }
0x27b: {  	s2 =	smul.u32 $0x840, s0;
	_ =	sdelay $0x1  }
0x27c: {  	s19 =	simm.s32 $0x0;
	s2 =	sshrl.u32 s2, $0x2  }
0x27d: {  	_ =	swait.ge [sflag:s11], $0x2000;
	s29 =	sand.u32 $0x7FFFFFF8, s19;
	s18 =	sadd.s32 $0x8100, s2  }
0x27e: {  	[sflag:s11] =	ssyncset.done $0x0;
	s19 =	sand.u32 $0x7, s19;
	s2 =	sadd.s32 s29, s18  }
0x27f: {  	[sflag:s11] =	ssyncadd.s32 $0xFFFFE000;
	s2 =	sadd.s32 s19, s2  }
0x280: {  	v4 =	vld [tilespmem:s2+$0x0];
	_ =	sdelay $0x4  }
0x281: {  	(v2sf) =	vpush v4, $0x0;
	_ =	sdelay $0xc  }
0x282: {  	p0 =	sne.s32 s16, $0x1  }
.Ltmp50:
0x283: {  	_ = 	snop;
	(pc) =	sbr.rel @!p0 .LBB2_67-.Ltmp50, $4  }
0x284: {  	s0 =	sshll.u32 s0, $0xD;
	s30 =	spop (v2sf)  }
0x285: {  	s19 =	sor.u32 $0x8520, s0;
	s31 =	sshll.u32 s30, $0x6  }
0x286: {  	v4 =	vld [tilespmem:s19+$0x0];
	s21 =	sshra.s32 s31, $0x2  }
0x287: {  	s20 =	simm.s32 $0x1;
	v5 =	vld [tilespmem:s21+$0xC520]  }
.LBB2_66:
0x288: {  	_ =	sdelay $0x2  }
0x289: {  	s0 =	sand.u32 $0x7FFFFFF8, s20;
	s2 =	smov.u32 s20;
	s20 =	sadd.s32 $0x1, s20  }
0x28a: {  	s2 =	sand.u32 $0x7, s2;
	s0 =	sadd.s32 s0, s18;
	p0 =	sne.s32 s16, s20;
	v4 =	vmin.bf16 v5, v4  }
0x28b: {  	s0 =	sadd.s32 s2, s0;
	[tilespmem:s21+$0xC520] =	vst v4  }
0x28c: {  	v4 =	vld [tilespmem:s0+$0x0];
	_ =	sdelay $0x4  }
0x28d: {  	(v2sf) =	vpush v4, $0x0;
	_ =	sdelay $0xd  }
.Ltmp51:
0x28e: {  	(pc) =	sbr.rel @p0 .LBB2_66-.Ltmp51, $4  }
0x28f: {  	s0 =	spop (v2sf)  }
0x290: {  	s19 =	sadd.s32 $0x10, s19;
	s0 =	sshll.u32 s0, $0x6  }
0x291: {  	v4 =	vld [tilespmem:s19+$0x0];
	s21 =	sshra.s32 s0, $0x2  }
0x292: {  	v5 =	vld [tilespmem:s21+$0xC520]  }
.LBB2_67:
0x293: {  	_ =	sdelay $0x3  }
0x294: {  	v4 =	vmin.bf16 v5, v4  }
0x295: {  	[tilespmem:s21+$0xC520] =	vst v4  }
.LBB2_68:
0x296: {  	p0 =	slt.s32 s24, $0x1  }
.Ltmp52:
0x297: {  	_ = 	snop;
	(pc) =	sbr.rel @p0 .LBB2_72-.Ltmp52, $1  }
0x298: {  	_ =	sdelay $0x3  }
0x299: {  	s0 =	sshll.u32 s17, $0xD;
	s2 =	sshll.u32 s17, $0x9  }
0x29a: {  	s26 =	smul.u32 $0x840, s17;
	s16 =	sor.u32 $0x8520, s0;
	s25 =	sor.u32 $0x7D00, s2  }
0x29b: {  	[tilespmem:s16], [sflag:$0x1] =	stream.indirect.gather [hbm4b:s1+s12], $0x10, s25, s12, $0xb8;
	[tilespmem:$0xD8B0] =	vst v63  }
0x29c: {  	s29 =	simm.s32 $0x0;
	s28 =	sshrl.u32 s26, $0x2  }
0x29d: {  	s30 =	sand.u32 $0x7FFFFFF8, s29;
	_ =	swait.ge [sflag:s11], $0x2000;
	s17 =	sadd.s32 $0x8100, s28  }
0x29e: {  	s2 =	sand.u32 $0x7, s29;
	[sflag:s11] =	ssyncset.done $0x0;
	s0 =	sadd.s32 s30, s17  }
0x29f: {  	[sflag:s11] =	ssyncadd.s32 $0xFFFFE000;
	s0 =	sadd.s32 s2, s0  }
0x2a0: {  	v4 =	vld [tilespmem:s0+$0x0];
	_ =	sdelay $0x4  }
0x2a1: {  	(v2sf) =	vpush v4, $0x0;
	_ =	sdelay $0xe  }
0x2a2: {  	s31 =	spop (v2sf)  }
0x2a3: {  	s0 =	sshll.u32 s31, $0x6  }
0x2a4: {  	p0 =	sne.s32 s24, $0x1;
	v4 =	vld [tilespmem:s16+$0x0];
	s19 =	sshra.s32 s0, $0x2  }
.Ltmp53:
0x2a5: {  	v5 =	vld [tilespmem:s19+$0xC520];
	(pc) =	sbr.rel @!p0 .LBB2_71-.Ltmp53, $2  }
0x2a6: {  	_ =	sdelay $0x2  }
0x2a7: {  	s18 =	simm.s32 $0x1  }
.LBB2_70:
0x2a8: {  	s0 =	sand.u32 $0x7FFFFFF8, s18;
	s2 =	smov.u32 s18;
	s18 =	sadd.s32 $0x1, s18  }
0x2a9: {  	v4 =	vmin.bf16 v5, v4;
	s2 =	sand.u32 $0x7, s2;
	s0 =	sadd.s32 s0, s17;
	p0 =	sne.s32 s24, s18  }
0x2aa: {  	s0 =	sadd.s32 s2, s0;
	[tilespmem:s19+$0xC520] =	vst v4  }
0x2ab: {  	v4 =	vld [tilespmem:s0+$0x0];
	_ =	sdelay $0x4  }
0x2ac: {  	(v2sf) =	vpush v4, $0x0;
	_ =	sdelay $0xd  }
.Ltmp54:
0x2ad: {  	(pc) =	sbr.rel @p0 .LBB2_70-.Ltmp54, $4  }
0x2ae: {  	s0 =	spop (v2sf)  }
0x2af: {  	s16 =	sadd.s32 $0x10, s16;
	s0 =	sshll.u32 s0, $0x6  }
0x2b0: {  	v4 =	vld [tilespmem:s16+$0x0];
	s19 =	sshra.s32 s0, $0x2  }
0x2b1: {  	v5 =	vld [tilespmem:s19+$0xC520]  }
.Ltmp55:
0x2b2: {  	_ = 	snop;
	(pc) =	sbr.rel .LBB2_71-.Ltmp55, $1  }
0x2b3: {  	_ =	sdelay $0x3  }
.LBB2_74:
0x2b4: {  	_ =	sfence.sel $0x180000  }
0x2b5: {  	[bflag:$0x0] =	sbarrier.arrive $0xFFFF  }
0x2b6: {  	_ =	strace $0x90000047  }
0x2b7: {  	s0 =	stileid.u32;
	[bflag:$0x2] =	sbarrier.arrive $0xFFFF  }
0x2b8: {  	p0 =	sne.s32 s0, $0x0;
	s0 =	rddreg [dreg:$0x2]  }
0x2b9: {  	s0 =	sadd.s32 @!p0 $0x100000, s0  }
0x2ba: {  	[sflag:s0] =	ssyncadd.tile.s32 @!p0 $0x1;
	_ =	shalt  }
.Lfunc_end2:
_tile_overlayer_lowered:
.L_overlay_start_2:
0x2bb: {  	(tag) =	ssettag $0x2  }
0x2bc: {  	s0 =	rddreg [dreg:$0x0];
	s2 =	stileid.u32  }
0x2bd: {  	s1 =	rddreg [dreg:$0x1];
	p0 =	sne.s32 s2, $0x0  }
0x2be: {  	s3 =	rddreg [dreg:$0x2];
	[bflag:$0x3] =	sbarrier.arrive $0xFFFF;
	s2 =	simm.s32 @!p0 $0x1C02  }
0x2bf: {  	[timem:s3], [sflag:s2] =	dma.local @!p0 [hbm:s0], s1  }
0x2c0: {  	s0 =	simm.s32 @!p0 $0x2  }
0x2c1: {  	_ =	swait.ge @!p0 [sflag:s0], s1  }
0x2c2: {  	s1 =	ssub.s32 @!p0 $0x0, s1;
	[sflag:s0] =	ssyncset.done @!p0 $0x0  }
0x2c3: {  	[sflag:s0] =	ssyncadd.s32 @!p0 s1  }
0x2c4: {  	[bflag:$0x3] =	sbarrier.arrive $0xFFFF  }
0x2c5: {  	_ =	shalt  }

// kernel: kernel.13.cloned.1.call-start
scs
__scs_entry_jumppad:
0x0: {  	(pc) =	sbr.rel $0x88, $3  }
0x1: {  	(tag) =	ssettag $0x0;
	lr =	simm.s32 $0x1  }
0x2: {  	[smem:$0x3F88] =	sst lr;
	_ =	strace $0xD0000000  }
0x3: {  	_ = 	snop  }
0x4: {  	_ = 	snop  }
0x5: {  	_ = 	snop  }
0x6: {  	_ = 	snop  }
0x7: {  	_ = 	snop  }
__scs_overlays_trampoline_lowered:
0x8: {  	[smem:$0x3F97] =	sst s0  }
0x9: {  	[smem:$0x3F98] =	sst s1  }
0xa: {  	[smem:$0x3F99] =	sst s2  }
0xb: {  	[smem:$0x3F9A] =	sst s3  }
0xc: {  	[smem:$0x3F9B] =	sst s4  }
0xd: {  	[smem:$0x3F9C] =	sst s5  }
0xe: {  	[smem:$0x3F9D] =	sst s6  }
0xf: {  	[smem:$0x3F9E] =	sst s7  }
0x10: {  	[smem:$0x3F9F] =	sst s8  }
0x11: {  	[smem:$0x3FA0] =	sst s9;
	s0 =	simm.s32 @!p0 $0x0  }
0x12: {  	s1 =	sld [smem:$0x3F86];
	s0 =	simm.s32 @p0 $0x1  }
0x13: {  	[smem:$0x3FA1] =	sst s0;
	s0 =	simm.s32 @!p1 $0x0  }
0x14: {  	s2 =	sld [smem:$0x3F85];
	s0 =	simm.s32 @p1 $0x1  }
0x15: {  	[smem:$0x3FA2] =	sst s0;
	s0 =	simm.s32 @!p2 $0x0  }
0x16: {  	s3 =	sld [smem:$0x3FDB];
	s0 =	simm.s32 @p2 $0x1  }
0x17: {  	s4 =	simm.s32 $0x1BF5;
	[smem:$0x3FA4] =	sst s0  }
0x18: {  	s0 =	sld [smem:$0x3F87];
	_ =	swait.ge [sflag:s4], $0x0  }
0x19: {  	s7 =	sld [smem:$0x3F88]  }
0x1a: {  	s8 =	sadd.s32 $0xFFFFE003, lr  }
0x1b: {  	s9 =	sadd.s32 $0xFFFFFEF7, lr;
	s5 =	simm.s32 $0xFFFFFFFF;
	p2 =	slt.u32 s8, $0xFFFFF086  }
0x1c: {  	p1 =	slt.u32 s9, $0xF7A;
	s5 =	simm.s32 @!p2 $0x0  }
0x1d: {  	s5 =	simm.s32 @p1 $0x1;
	p0 =	seq.s32 s7, s2  }
0x1e: {  	s7 =	smul.u32 @!p0 $0xF7A, s2;
	p2 =	seq.s32 @!p0 s5, $0x0  }
0x1f: {  	s9 =	smul.u32 $0xF7A, s1;
	s8 =	simm.s32 @!p0 $0x1BF5;
	p2 =	por !p2, p0  }
0x20: {  	[sflag:s8] =	ssyncset.s32 @!p0 $0xFFFFF086;
	s6 =	sadd.s32 @!p0 s3, s7;
	s7 =	simm.s32 @!p0 $0x108  }
0x21: {  	s3 =	sadd.s32 s3, s9;
	s6 =	sadd.s32 @!p0 $0x88, s6;
	s7 =	simm.s32 @p2 $0x1082  }
0x22: {  	[simem:s7], [sflag:s8] =	dma.local @!p0 [hbm:s6], $0xF7A  }
0x23: {  	s9 =	sor.u32 $0xD0000000, s2;
	s6 =	simm.s32 $0x108;
	_ =	swait.ge @!p0 [sflag:s8], $0x0  }
0x24: {  	s3 =	sadd.s32 $0x88, s3;
	s6 =	simm.s32 @!p1 $0x1082;
	[sflag:s4] =	ssyncset.s32 $0xFFFFF086  }
0x25: {  	[simem:s6], [sflag:s4] =	dma.local [hbm:s3], $0xF7A  }
0x26: {  	[smem:$0x3F88] =	sst s1;
	(tag) =	ssettag s2;
	_ =	strace s9  }
0x27: {  	s1 =	sld [smem:$0x3F98]  }
0x28: {  	s2 =	sld [smem:$0x3F99]  }
0x29: {  	s4 =	sld [smem:$0x3F9B]  }
0x2a: {  	p0 =	seq.s32 s5, $0x0;
	s5 =	sld [smem:$0x3F9C]  }
0x2b: {  	s6 =	sld [smem:$0x3F9D]  }
0x2c: {  	s7 =	sld [smem:$0x3F9E]  }
0x2d: {  	s3 =	simm.s32 $0x108;
	s8 =	sld [smem:$0x3F9F]  }
0x2e: {  	s3 =	simm.s32 @!p0 $0x1082;
	s9 =	sld [smem:$0x3FA0]  }
0x2f: {  	lr =	sadd.s32 s0, s3;
	s0 =	sld [smem:$0x3F97]  }
0x30: {  	s3 =	sld [smem:$0x3F9A]  }
0x31: {  	[smem:$0x3FA3] =	sst s10  }
0x32: {  	s10 =	sld [smem:$0x3FA1];
	_ =	sdelay $0x3  }
0x33: {  	p0 =	seq.s32 s10, $0x1;
	s10 =	sld [smem:$0x3FA3];
	_ =	sdelay $0x3  }
0x34: {  	[smem:$0x3FA3] =	sst s10  }
0x35: {  	s10 =	sld [smem:$0x3FA2];
	_ =	sdelay $0x3  }
0x36: {  	p1 =	seq.s32 s10, $0x1;
	s10 =	sld [smem:$0x3FA3];
	_ =	sdelay $0x3  }
0x37: {  	[smem:$0x3FA3] =	sst s10  }
0x38: {  	s10 =	sld [smem:$0x3FA4]  }
0x39: {  	_ = 	snop;
	(pc) =	sbr.ind lr, $3  }
0x3a: {  	_ = 	snop  }
0x3b: {  	_ = 	snop  }
0x3c: {  	p2 =	seq.s32 s10, $0x1;
	s10 =	sld [smem:$0x3FA3]  }
0x3d: {  	_ =	shalt  }
0x3e: {  	_ =	shalt  }
0x3f: {  	_ =	shalt  }
0x40: {  	_ =	shalt  }
0x41: {  	_ =	shalt  }
0x42: {  	_ =	shalt  }
0x43: {  	_ =	shalt  }
0x44: {  	_ =	shalt  }
0x45: {  	_ =	shalt  }
0x46: {  	_ =	shalt  }
0x47: {  	_ =	shalt  }
0x48: {  	_ =	shalt  }
0x49: {  	_ =	shalt  }
0x4a: {  	_ =	shalt  }
0x4b: {  	_ =	shalt  }
0x4c: {  	_ =	shalt  }
0x4d: {  	_ =	shalt  }
0x4e: {  	_ =	shalt  }
0x4f: {  	_ =	shalt  }
0x50: {  	_ =	shalt  }
0x51: {  	_ =	shalt  }
0x52: {  	_ =	shalt  }
0x53: {  	_ =	shalt  }
0x54: {  	_ =	shalt  }
0x55: {  	_ =	shalt  }
0x56: {  	_ =	shalt  }
0x57: {  	_ =	shalt  }
0x58: {  	_ =	shalt  }
0x59: {  	_ =	shalt  }
0x5a: {  	_ =	shalt  }
0x5b: {  	_ =	shalt  }
0x5c: {  	_ =	shalt  }
0x5d: {  	_ =	shalt  }
0x5e: {  	_ =	shalt  }
0x5f: {  	_ =	shalt  }
0x60: {  	_ =	shalt  }
0x61: {  	_ =	shalt  }
0x62: {  	_ =	shalt  }
0x63: {  	_ =	shalt  }
0x64: {  	_ =	shalt  }
0x65: {  	_ =	shalt  }
0x66: {  	_ =	shalt  }
0x67: {  	_ =	shalt  }
0x68: {  	_ =	shalt  }
0x69: {  	_ =	shalt  }
0x6a: {  	_ =	shalt  }
0x6b: {  	_ =	shalt  }
0x6c: {  	_ =	shalt  }
0x6d: {  	_ =	shalt  }
0x6e: {  	_ =	shalt  }
0x6f: {  	_ =	shalt  }
0x70: {  	_ =	shalt  }
0x71: {  	_ =	shalt  }
0x72: {  	_ =	shalt  }
0x73: {  	_ =	shalt  }
0x74: {  	_ =	shalt  }
0x75: {  	_ =	shalt  }
0x76: {  	_ =	shalt  }
0x77: {  	_ =	shalt  }
0x78: {  	_ =	shalt  }
0x79: {  	_ =	shalt  }
0x7a: {  	_ =	shalt  }
0x7b: {  	_ =	shalt  }
0x7c: {  	_ =	shalt  }
0x7d: {  	_ =	shalt  }
0x7e: {  	_ =	shalt  }
0x7f: {  	_ =	shalt  }
0x80: {  	_ =	shalt  }
0x81: {  	_ =	shalt  }
0x82: {  	_ =	shalt  }
0x83: {  	_ =	shalt  }
0x84: {  	_ =	shalt  }
0x85: {  	_ =	shalt  }
0x86: {  	_ =	shalt  }
0x87: {  	_ =	shalt  }
.Lfunc_end0:
.L_simem_size_0:
called_computation.1_lowered:
.L_overlay_start_0:
0x88: {  	s2 =	sld [smem:$0x3FD9]  }
0x89: {  	s3 =	sld [smem:$0x3FFE];
	_ =	sdelay $0x1  }
0x8a: {  	s1 =	srdreg.scid  }
0x8b: {  	s0 =	sand.u32 $0x1, s1  }
0x8c: {  	s14 =	sshll.u32 s0, $0xA;
	s2 =	sadd.s32 s3, s2  }
0x8d: {  	s2 =	sadd.s32 s2, s14  }
0x8e: {  	[smem:$0x3FAF] =	sst s2  }
0x8f: {  	_ = 	snop  }
0x90: {  	s2 =	sld [smem:$0x3FD0];
	_ =	sdelay $0x2  }
0x91: {  	s15 =	simm.s32 $0xA;
	s4 =	simm.s32 $0x10  }
0x92: {  	[smem:s4], [sflag:s15] =	dma.local [hbm:s2], $0x1  }
0x93: {  	_ =	swait.eq [sflag:s15], $0x1  }
0x94: {  	[sflag:s15] =	ssyncset.done $0x0  }
0x95: {  	[sflag:s15] =	ssyncadd.s32 $0xFFFFFFFF  }
0x96: {  	s16 =	sld [smem:$0x11];
	(tm) =	ssettm $0x1  }
0x97: {  	s17 =	sld [smem:$0x3FFB];
	_ =	sdelay $0x3  }
0x98: {  	_ =	strace s17  }
0x99: {  	s3 =	sld [smem:$0x3FFC];
	_ =	sdelay $0x3  }
0x9a: {  	_ =	strace s3  }
0x9b: {  	s3 =	sld [smem:$0x3FFD];
	_ =	sdelay $0x3  }
0x9c: {  	_ =	strace s3  }
0x9d: {  	_ =	strace $0x8FFFFFFF  }
0x9e: {  	s18 =	sld [smem:$0x3FDB];
	_ =	sdelay $0x1  }
0x9f: {  	s19 =	simm.s32 $_scs_section_size  }
0xa0: {  	s5 =	simm.s32 $_size__tile_overlayer_lowered;
	s6 =	simm.s32 $_tile_overlayer_lowered  }
0xa1: {  	s22 =	simm.s32 $0x1BFF;
	s21 =	sshll.u32 s6, $0x1;
	s3 =	sadd.s32 s19, s18  }
0xa2: {  	s7 =	simm.s32 $0x0;
	s20 =	sshll.u32 s5, $0x1;
	s5 =	sadd.s32 s21, s3  }
0xa3: {  	[timem:s7], [sflag:s22] =	dma.local [hbm:s5], s20  }
0xa4: {  	_ =	swait.ge [sflag:s22], s20  }
0xa5: {  	s4 =	ssub.s32 $0x0, s20;
	[sflag:s22] =	ssyncset.done $0x0  }
0xa6: {  	[sflag:s22] =	ssyncadd.s32 s4;
	_ =	sdelay $0x1  }
0xa7: {  	s23 =	simm.s32 $0x1B8B  }
0xa8: {  	_ =	swait.ge [sflag:s23], $0x1  }
0xa9: {  	[sflag:s23] =	ssyncset.done $0x0  }
0xaa: {  	s25 =	simm.s32 $0x1B8E;
	s24 =	sld [smem:$0x3FFE];
	[sflag:s23] =	ssyncadd.s32 $0xFFFFFFFF  }
0xab: {  	s26 =	simm.s32 $execute0_lowered;
	[smem:$0x3FD2] =	sst s25  }
0xac: {  	s5 =	sshll.u32 s26, $0x1;
	_ =	strace $0x80000049;
	[dreg:$0x1] =	wrdreg $0xFFFFFFFF  }
0xad: {  	s28 =	simm.s32 $_size_execute0_lowered;
	s3 =	sadd.s32 s3, s5;
	[dreg:$0x0] =	wrdreg $0x0  }
0xae: {  	s5 =	sshll.u32 s28, $0x1;
	[dreg:$0x2] =	wrdreg s3  }
0xaf: {  	[dreg:$0x3] =	wrdreg s5  }
0xb0: {  	[dreg:$0x4] =	wrdreg $0xC0  }
0xb1: {  	_ =	task [dreg:s7], $0x5FFFF  }
0xb2: {  	[dreg:$0x1] =	wrdreg $0xFFFFFFFF  }
0xb3: {  	[dreg:$0x0] =	wrdreg $0x60  }
0xb4: {  	[dreg:$0x2] =	wrdreg s16  }
0xb5: {  	[dreg:$0x3] =	wrdreg s24  }
0xb6: {  	[dreg:$0x4] =	wrdreg $0x9  }
0xb7: {  	_ =	task.clear_ibuf [dreg:s7], $0x5FFFF;
	_ =	strace $0x90000049  }
0xb8: {  	s29 =	simm.s32 $0x9;
	_ =	strace $0x8000004B  }
0xb9: {  	_ =	swait.ge [sflag:s29], $0x1  }
0xba: {  	[sflag:s29] =	ssyncadd.s32 $0xFFFFFFFF  }
0xbb: {  	_ =	strace $0x9000004B  }
0xbc: {  	_ =	sfence  }
0xbd: {  	s30 =	sld [smem:$0x0];
	_ =	sdelay $0x2  }
0xbe: {  	s31 =	sshll.u32 s1, $0xD;
	s1 =	sshrl.u32 s1, $0x2  }
0xbf: {  	s3 =	sand.u32 $0x4000, s31;
	s1 =	sadd.s32 s1, s30  }
0xc0: {  	s0 =	sor.u32 s3, s0;
	s1 =	sshll.u32 s1, $0x11  }
0xc1: {  	s0 =	sor.u32 s1, s0  }
0xc2: {  	s0 =	sadd.s32 $0x8F2B, s0  }
0xc3: {  	[sflag:s0] =	ssyncadd.remote.s32 $0x1  }
0xc4: {  	_ =	sfence.sel $0xFFFF  }
0xc5: {  	[dreg:$0x0] =	wrdreg $0xFFFFFFFF;
	(pc) =	sbr.abs _section_cstart, $3  }
0xc6: {  	[dreg:$0x1] =	wrdreg $0xFFFFFFFF  }
0xc7: {  	_ =	task.clear_ibuf [dreg:s7], $0x2FFFF;
	_ =	strace $0x9FFFFFFF  }
0xc8: {  	(tm) =	ssettm $0x7FFFFFFF  }
0xc9: {  	_ =	shalt  }
tec
execute0_lowered:
.L_overlay_start_1:
0x0: {  	(tag) =	ssettag $0x1  }
0x1: {  	s1 =	rddreg [dreg:$0x0]  }
0x2: {  	s7 =	rddreg [dreg:$0x1]  }
0x3: {  	s2 =	srdreg.scid;
	s3 =	simm.s32 $0x0;
	s0 =	stileid.u32  }
0x4: {  	s10 =	simm.s32 $0x3E80;
	s11 =	simm.s32 $0x1;
	s4 =	sand.u32 $0x1, s2  }
0x5: {  	s13 =	simm.s32 $0xC520;
	s14 =	simm.s32 $0x0;
	s5 =	sshll.u32 s4, $0x4  }
.Ltmp0:
0x6: {  	[smem:$0x7FF] =	sst s3;
	s31 =	sor.u32 s0, s5;
	(pc) =	sbr.rel .LBB2_1-.Ltmp0, $4  }
0x7: {  	s6 =	sadd.s32 $0x84200, s7;
	s8 =	ssub.s32 $0x2, s4;
	s4 =	smul.u32 $0x139, s31  }
0x8: {  	_ =	strace $0x8000004A;
	s9 =	sshrl.u32 s8, $0x1;
	s5 =	sadd.s32 $0x97C00, s7  }
0x9: {  	v2 =	vimm.s32 $0x0;
	s7 =	sadd.s32 $0x2C200, s7;
	s8 =	ssub.s32 s8, s9;
	s12 =	sadd.s32 $0x139, s4  }
0xa: {  	v3 =	vimm.bf16 $+Inf;
	s9 =	simm.s32 $0x2;
	s8 =	smax.u32 s8, $0x1;
	v0 =	vmov s4;
	v1 =	vmov s12;
	s12 =	simm.s32 $0x200  }
.LBB2_73:
0xb: {  	s14 =	sadd.s32 $0x1, s14  }
0xc: {  	p0 =	sne.s32 s14, s8  }
.Ltmp1:
0xd: {  	_ = 	snop;
	(pc) =	sbr.rel @!p0 .LBB2_74-.Ltmp1, $1  }
0xe: {  	_ =	sdelay $0x3  }
.LBB2_1:
0xf: {  	[tilespmem:$0x7D00] =	vst v2  }
0x10: {  	[tilespmem:$0x8100] =	vst v2  }
0x11: {  	[tilespmem:$0x7D10] =	vst v2  }
0x12: {  	[tilespmem:$0x8110] =	vst v2  }
0x13: {  	[tilespmem:$0x7D20] =	vst v2  }
0x14: {  	[tilespmem:$0x8120] =	vst v2  }
0x15: {  	[tilespmem:$0x7D30] =	vst v2  }
0x16: {  	[tilespmem:$0x8130] =	vst v2  }
0x17: {  	[tilespmem:$0x7D40] =	vst v2  }
0x18: {  	[tilespmem:$0x8140] =	vst v2  }
0x19: {  	[tilespmem:$0x7D50] =	vst v2  }
0x1a: {  	[tilespmem:$0x8150] =	vst v2  }
0x1b: {  	[tilespmem:$0x7D60] =	vst v2  }
0x1c: {  	[tilespmem:$0x8160] =	vst v2  }
0x1d: {  	[tilespmem:$0x7D70] =	vst v2  }
0x1e: {  	[tilespmem:$0x8170] =	vst v2  }
0x1f: {  	[tilespmem:$0x7D80] =	vst v2  }
0x20: {  	[tilespmem:$0x8180] =	vst v2  }
0x21: {  	[tilespmem:$0x7D90] =	vst v2  }
0x22: {  	[tilespmem:$0x8190] =	vst v2  }
0x23: {  	[tilespmem:$0x7DA0] =	vst v2  }
0x24: {  	[tilespmem:$0x81A0] =	vst v2  }
0x25: {  	[tilespmem:$0x7DB0] =	vst v2  }
0x26: {  	[tilespmem:$0x81B0] =	vst v2  }
0x27: {  	[tilespmem:$0x7DC0] =	vst v2  }
0x28: {  	[tilespmem:$0x81C0] =	vst v2  }
0x29: {  	[tilespmem:$0x7DD0] =	vst v2  }
0x2a: {  	[tilespmem:$0x81D0] =	vst v2  }
0x2b: {  	[tilespmem:$0x7DE0] =	vst v2  }
0x2c: {  	[tilespmem:$0x81E0] =	vst v2  }
0x2d: {  	[tilespmem:$0x7DF0] =	vst v2  }
0x2e: {  	[tilespmem:$0x81F0] =	vst v2  }
0x2f: {  	[tilespmem:$0x7E00] =	vst v2  }
0x30: {  	[tilespmem:$0x8200] =	vst v2  }
0x31: {  	[tilespmem:$0x7E10] =	vst v2  }
0x32: {  	[tilespmem:$0x8210] =	vst v2  }
0x33: {  	[tilespmem:$0x7E20] =	vst v2  }
0x34: {  	[tilespmem:$0x8220] =	vst v2  }
0x35: {  	[tilespmem:$0x7E30] =	vst v2  }
0x36: {  	[tilespmem:$0x8230] =	vst v2  }
0x37: {  	[tilespmem:$0x7E40] =	vst v2  }
0x38: {  	[tilespmem:$0x8240] =	vst v2  }
0x39: {  	[tilespmem:$0x7E50] =	vst v2  }
0x3a: {  	[tilespmem:$0x8250] =	vst v2  }
0x3b: {  	[tilespmem:$0x7E60] =	vst v2  }
0x3c: {  	[tilespmem:$0x8260] =	vst v2  }
0x3d: {  	[tilespmem:$0x7E70] =	vst v2  }
0x3e: {  	[tilespmem:$0x8270] =	vst v2  }
0x3f: {  	[tilespmem:$0x7E80] =	vst v2  }
0x40: {  	[tilespmem:$0x8280] =	vst v2  }
0x41: {  	[tilespmem:$0x7E90] =	vst v2  }
0x42: {  	[tilespmem:$0x8290] =	vst v2  }
0x43: {  	[tilespmem:$0x7EA0] =	vst v2  }
0x44: {  	[tilespmem:$0x82A0] =	vst v2  }
0x45: {  	[tilespmem:$0x7EB0] =	vst v2  }
0x46: {  	[tilespmem:$0x82B0] =	vst v2  }
0x47: {  	[tilespmem:$0x7EC0] =	vst v2  }
0x48: {  	[tilespmem:$0x82C0] =	vst v2  }
0x49: {  	[tilespmem:$0x7ED0] =	vst v2  }
0x4a: {  	[tilespmem:$0x82D0] =	vst v2  }
0x4b: {  	[tilespmem:$0x7EE0] =	vst v2  }
0x4c: {  	[tilespmem:$0x82E0] =	vst v2  }
0x4d: {  	[tilespmem:$0x7EF0] =	vst v2  }
0x4e: {  	[tilespmem:$0x82F0] =	vst v2  }
0x4f: {  	[tilespmem:$0x7F00] =	vst v2  }
0x50: {  	[tilespmem:$0x8310] =	vst v2  }
0x51: {  	[tilespmem:$0x7F10] =	vst v2  }
0x52: {  	[tilespmem:$0x8320] =	vst v2  }
0x53: {  	[tilespmem:$0x7F20] =	vst v2  }
0x54: {  	[tilespmem:$0x8330] =	vst v2  }
0x55: {  	[tilespmem:$0x7F30] =	vst v2  }
0x56: {  	[tilespmem:$0x8340] =	vst v2  }
0x57: {  	[tilespmem:$0x7F40] =	vst v2  }
0x58: {  	[tilespmem:$0x8350] =	vst v2  }
0x59: {  	[tilespmem:$0x7F50] =	vst v2  }
0x5a: {  	[tilespmem:$0x8360] =	vst v2  }
0x5b: {  	[tilespmem:$0x7F60] =	vst v2  }
0x5c: {  	[tilespmem:$0x8370] =	vst v2  }
0x5d: {  	[tilespmem:$0x7F70] =	vst v2  }
0x5e: {  	[tilespmem:$0x8380] =	vst v2  }
0x5f: {  	[tilespmem:$0x7F80] =	vst v2  }
0x60: {  	[tilespmem:$0x8390] =	vst v2  }
0x61: {  	[tilespmem:$0x7F90] =	vst v2  }
0x62: {  	[tilespmem:$0x83A0] =	vst v2  }
0x63: {  	[tilespmem:$0x7FA0] =	vst v2  }
0x64: {  	[tilespmem:$0x83B0] =	vst v2  }
0x65: {  	[tilespmem:$0x7FB0] =	vst v2  }
0x66: {  	[tilespmem:$0x83C0] =	vst v2  }
0x67: {  	[tilespmem:$0x7FC0] =	vst v2  }
0x68: {  	[tilespmem:$0x83D0] =	vst v2  }
0x69: {  	[tilespmem:$0x7FD0] =	vst v2  }
0x6a: {  	[tilespmem:$0x83E0] =	vst v2  }
0x6b: {  	[tilespmem:$0x7FE0] =	vst v2  }
0x6c: {  	[tilespmem:$0x83F0] =	vst v2  }
0x6d: {  	[tilespmem:$0x7FF0] =	vst v2  }
0x6e: {  	[tilespmem:$0x8400] =	vst v2  }
0x6f: {  	[tilespmem:$0x8000] =	vst v2  }
0x70: {  	[tilespmem:$0x8410] =	vst v2  }
0x71: {  	[tilespmem:$0x8010] =	vst v2  }
0x72: {  	[tilespmem:$0x8420] =	vst v2  }
0x73: {  	[tilespmem:$0x8020] =	vst v2  }
0x74: {  	[tilespmem:$0x8430] =	vst v2  }
0x75: {  	[tilespmem:$0x8030] =	vst v2  }
0x76: {  	[tilespmem:$0x8440] =	vst v2  }
0x77: {  	[tilespmem:$0x8040] =	vst v2  }
0x78: {  	[tilespmem:$0x8450] =	vst v2  }
0x79: {  	[tilespmem:$0x8050] =	vst v2  }
0x7a: {  	[tilespmem:$0x8460] =	vst v2  }
0x7b: {  	[tilespmem:$0x8060] =	vst v2  }
0x7c: {  	[tilespmem:$0x8470] =	vst v2  }
0x7d: {  	[tilespmem:$0x8070] =	vst v2  }
0x7e: {  	[tilespmem:$0x8480] =	vst v2  }
0x7f: {  	[tilespmem:$0x8080] =	vst v2  }
0x80: {  	[tilespmem:$0x8490] =	vst v2  }
0x81: {  	[tilespmem:$0x8090] =	vst v2  }
0x82: {  	[tilespmem:$0x84A0] =	vst v2  }
0x83: {  	[tilespmem:$0x80A0] =	vst v2  }
0x84: {  	[tilespmem:$0x84B0] =	vst v2  }
0x85: {  	[tilespmem:$0x80B0] =	vst v2  }
0x86: {  	[tilespmem:$0x84C0] =	vst v2  }
0x87: {  	[tilespmem:$0x80C0] =	vst v2  }
0x88: {  	[tilespmem:$0x84D0] =	vst v2  }
0x89: {  	[tilespmem:$0x80D0] =	vst v2  }
.Ltmp2:
0x8a: {  	[tilespmem:$0x84E0] =	vst v2;
	(pc) =	sbr.rel .LBB2_2-.Ltmp2, $4  }
0x8b: {  	[tilespmem:$0x80E0] =	vst v2  }
0x8c: {  	[tilespmem:$0x84F0] =	vst v2  }
0x8d: {  	[tilespmem:$0x80F0] =	vst v2  }
0x8e: {  	[tilespmem:$0x8500] =	vst v2;
	s15 =	simm.s32 $0x0  }
.LBB2_71:
0x8f: {  	v4 =	vmin.bf16 v5, v4  }
0x90: {  	[tilespmem:s19+$0xC520] =	vst v4  }
.LBB2_72:
0x91: {  	s0 =	smul.u32 $0x2720, s15;
	_ =	sdelay $0x1  }
0x92: {  	s15 =	sadd.s32 $0x1, s15;
	s0 =	sadd.s32 s4, s0  }
0x93: {  	p0 =	sne.s32 s15, $0x4;
	s0 =	sshll.u32 s0, $0x1  }
.Ltmp3:
0x94: {  	s0 =	sadd.s32 s7, s0;
	(pc) =	sbr.rel @!p0 .LBB2_73-.Ltmp3, $4  }
0x95: {  	[hbm4b:s0+s3] =	stream.linear.scatter [tilespmem:s13], [sflag:$0x2], $0x1390, $0x38;
	[tilespmem:$0xD8B0] =	vst v63  }
0x96: {  	_ =	swait.ge [sflag:s9], $0x1390  }
0x97: {  	[sflag:s9] =	ssyncset.done $0x0  }
0x98: {  	[sflag:s9] =	ssyncadd.s32 $0xFFFFEC70  }
.LBB2_2:
0x99: {  	s16 =	simm.s32 $0x40;
	s17 =	simm.s32 $0x0  }
.LBB2_3:
0x9a: {  	p0 =	seq.s32 s16, $0x4E00;
	[tilespmem:s17+$0xC520] =	vst v3;
	s17 =	smov.u32 s16;
	s16 =	sadd.s32 $0x40, s16  }
.Ltmp4:
0x9b: {  	(pc) =	sbr.rel @!p0 .LBB2_3-.Ltmp4, $2  }
0x9c: {  	_ =	sdelay $0x2  }
0x9d: {  	s17 =	sshra.s32 s17, $0x2  }
.Ltmp5:
0x9e: {  	(pc) =	sbr.rel .LBB2_5-.Ltmp5, $3  }
0x9f: {  	_ =	sdelay $0x1  }
0xa0: {  	[tilespmem:s17+$0xC520] =	vst v3;
	s17 =	smul.u32 $0x27100, s15;
	s19 =	simm.s32 $0x0;
	s16 =	simm.s32 $0x0  }
0xa1: {  	s18 =	simm.s32 $0x0;
	s24 =	simm.s32 $0x0;
	s20 =	simm.s32 $0x0  }
.LBB2_63:
0xa2: {  	s20 =	sadd.s32 $0x1, s20  }
0xa3: {  	p0 =	sne.s32 s20, $0xA  }
.Ltmp6:
0xa4: {  	_ = 	snop;
	(pc) =	sbr.rel @!p0 .LBB2_64-.Ltmp6, $1  }
0xa5: {  	_ =	sdelay $0x3  }
.LBB2_5:
0xa6: {  	s21 =	smul.u32 $0x3E80, s20;
	_ =	sdelay $0x1  }
0xa7: {  	s21 =	sadd.s32 s17, s21  }
0xa8: {  	s21 =	sshrl.u32 s21, $0x3  }
0xa9: {  	s22 =	sadd.s32 s6, s21  }
0xaa: {  	[tilespmem:s19], [sflag:$0x2] =	stream.linear.gather [hbm4b:s22+s19], $0x3E80, $0x38;
	[tilespmem:$0xD8B0] =	vst v63  }
0xab: {  	_ =	swait.ge [sflag:s9], $0x3E80  }
0xac: {  	[sflag:s9] =	ssyncset.done $0x0  }
.Ltmp7:
0xad: {  	s21 =	sadd.s32 s5, s21;
	[sflag:s9] =	ssyncadd.s32 $0xFFFFC180;
	(pc) =	sbr.rel .LBB2_6-.Ltmp7, $4  }
0xae: {  	[tilespmem:s10], [sflag:$0x2] =	stream.linear.gather [hbm4b:s21+s19], $0x3E80, $0x38;
	[tilespmem:$0xD8B0] =	vst v63  }
0xaf: {  	_ =	swait.ge [sflag:s9], $0x3E80  }
0xb0: {  	[sflag:s9] =	ssyncset.done $0x0  }
0xb1: {  	s21 =	simm.s32 $0x0;
	[sflag:s9] =	ssyncadd.s32 $0xFFFFC180  }
.LBB2_57:
0xb2: {  	[tilespmem:s25], [sflag:$0x1] =	stream.indirect.gather [hbm4b:s1+s12], $0x10, s24, s12, $0xb8;
	[tilespmem:$0xD8B0] =	vst v63  }
.LBB2_61:
0xb3: {  	s18 =	sadd.s32 $0x1, s18  }
.LBB2_62:
0xb4: {  	p1 =	slt.u32 s21, $0x3E0  }
.Ltmp8:
0xb5: {  	_ = 	snop;
	(pc) =	sbr.rel @!p1 .LBB2_63-.Ltmp8, $3  }
0xb6: {  	_ =	sdelay $0x1  }
0xb7: {  	p0 =	sgt.s32 s22, $0x1F0;
	s24 =	smov.u32 s22;
	s0 =	sadd.s32 $0x8, s21  }
0xb8: {  	s24 =	simm.s32 @p0 $0x0;
	s16 =	smov.u32 @p0 s22;
	s21 =	smov.u32 s0  }
.LBB2_6:
0xb9: {  	s22 =	sshll.u32 s21, $0x4  }
0xba: {  	v4 =	vld [tilespmem:s22+$0x0];
	_ =	sdelay $0x4  }
0xbb: {  	vm0 =	vge.s32 v4, v0;
	vm1 =	vlt.s32 v4, v1  }
0xbc: {  	vm0 =	vmand vm0, vm1  }
0xbd: {  	v5 =	vmpcnt.ones.xlane vm0;
	_ =	sdelay $0x1  }
0xbe: {  	(v2sf) =	vpush v5, $0x0;
	_ =	sdelay $0xc  }
0xbf: {  	s23 =	sand.u32 $0x1, s18  }
0xc0: {  	s25 =	sshll.u32 s23, $0xB  }
0xc1: {  	s28 =	sshrl.u32 s25, $0x2;
	s30 =	spop (v2sf)  }
0xc2: {  	s29 =	sor.u32 $0x7D00, s28;
	v5 =	vld [tilespmem:s22+$0x3E80];
	s28 =	sadd.s32 s24, s30  }
0xc3: {  	s26 =	smul.u32 $0x840, s23;
	p0 =	slt.s32 s28, $0x1F1  }
.Ltmp9:
0xc4: {  	_ = 	snop;
	(pc) =	sbr.rel @p0 .LBB2_13-.Ltmp9, $4  }
0xc5: {  	_ = 	snop  }
0xc6: {  	s0 =	sshrl.u32 s26, $0x2;
	s31 =	sadd.s32 s24, s29  }
0xc7: {  	s0 =	sadd.s32 s24, s0;
	v4 =	vsub.s32 v4, v0;
	[tilespmem:s31+$0x0] =	vst.msk vm0, v5  }
0xc8: {  	[tilespmem:s0+$0x8100] =	vst.msk vm0, v4  }
0xc9: {  	p0 =	sgt.s32 s16, $0x0  }
.Ltmp10:
0xca: {  	_ = 	snop;
	(pc) =	sbr.rel @!p0 .LBB2_8-.Ltmp10, $3  }
0xcb: {  	_ =	sdelay $0x1  }
0xcc: {  	s0 =	sshll.u32 s23, $0xD  }
0xcd: {  	s24 =	sor.u32 $0x8520, s0  }
0xce: {  	_ =	swait.ge [sflag:s11], $0x2000  }
0xcf: {  	s0 =	sxor.u32 $0x1, s23;
	[sflag:s11] =	ssyncset.done $0x0  }
0xd0: {  	s23 =	smul.u32 $0x840, s0;
	[sflag:s11] =	ssyncadd.s32 $0xFFFFE000  }
0xd1: {  	[tilespmem:s24], [sflag:$0x1] =	stream.indirect.gather [hbm4b:s1+s12], $0x10, s29, s12, $0xb8;
	[tilespmem:$0xD8B0] =	vst v63  }
0xd2: {  	s23 =	sshrl.u32 s23, $0x2;
	s29 =	simm.s32 $0x0  }
0xd3: {  	s23 =	sadd.s32 $0x8100, s23;
	s25 =	sand.u32 $0x7FFFFFF8, s29  }
0xd4: {  	s24 =	sand.u32 $0x7, s29;
	s25 =	sadd.s32 s25, s23  }
0xd5: {  	s24 =	sadd.s32 s24, s25  }
0xd6: {  	v4 =	vld [tilespmem:s24+$0x0];
	_ =	sdelay $0x4  }
0xd7: {  	(v2sf) =	vpush v4, $0x0;
	_ =	sdelay $0xc  }
0xd8: {  	p0 =	sne.s32 s16, $0x1  }
.Ltmp11:
0xd9: {  	_ = 	snop;
	(pc) =	sbr.rel @!p0 .LBB2_11-.Ltmp11, $4  }
0xda: {  	s0 =	sshll.u32 s0, $0xD;
	s30 =	spop (v2sf)  }
0xdb: {  	s24 =	sor.u32 $0x8520, s0;
	s31 =	sshll.u32 s30, $0x6  }
0xdc: {  	v4 =	vld [tilespmem:s24+$0x0];
	s26 =	sshra.s32 s31, $0x2  }
0xdd: {  	s25 =	simm.s32 $0x1;
	v5 =	vld [tilespmem:s26+$0xC520]  }
.LBB2_10:
0xde: {  	_ =	sdelay $0x2  }
0xdf: {  	s0 =	sand.u32 $0x7FFFFFF8, s25;
	s29 =	smov.u32 s25;
	s25 =	sadd.s32 $0x1, s25  }
0xe0: {  	s29 =	sand.u32 $0x7, s29;
	s0 =	sadd.s32 s0, s23;
	p0 =	sne.s32 s16, s25;
	v4 =	vmin.bf16 v5, v4  }
0xe1: {  	s0 =	sadd.s32 s29, s0;
	[tilespmem:s26+$0xC520] =	vst v4  }
0xe2: {  	v4 =	vld [tilespmem:s0+$0x0];
	_ =	sdelay $0x4  }
0xe3: {  	(v2sf) =	vpush v4, $0x0;
	_ =	sdelay $0xd  }
.Ltmp12:
0xe4: {  	(pc) =	sbr.rel @p0 .LBB2_10-.Ltmp12, $4  }
0xe5: {  	s0 =	spop (v2sf)  }
0xe6: {  	s24 =	sadd.s32 $0x10, s24;
	s0 =	sshll.u32 s0, $0x6  }
0xe7: {  	v4 =	vld [tilespmem:s24+$0x0];
	s26 =	sshra.s32 s0, $0x2  }
0xe8: {  	v5 =	vld [tilespmem:s26+$0xC520]  }
.LBB2_11:
0xe9: {  	_ = 	snop  }
.Ltmp13:
0xea: {  	_ = 	snop;
	(pc) =	sbr.rel .LBB2_12-.Ltmp13, $3  }
0xeb: {  	_ =	sdelay $0x1  }
0xec: {  	v4 =	vmin.bf16 v5, v4  }
0xed: {  	[tilespmem:s26+$0xC520] =	vst v4  }
.LBB2_8:
0xee: {  	[tilespmem:s24], [sflag:$0x1] =	stream.indirect.gather [hbm4b:s1+s12], $0x10, s29, s12, $0xb8;
	[tilespmem:$0xD8B0] =	vst v63  }
.LBB2_12:
0xef: {  	s18 =	sadd.s32 $0x1, s18  }
0xf0: {  	s23 =	sand.u32 $0x1, s18  }
0xf1: {  	s25 =	sshll.u32 s23, $0xB;
	s26 =	smul.u32 $0x840, s23  }
.LBB2_13:
0xf2: {  	s0 =	sor.u32 $0x10, s22  }
0xf3: {  	v4 =	vld [tilespmem:s0+$0x0];
	_ =	sdelay $0x4  }
0xf4: {  	vm0 =	vge.s32 v4, v0;
	vm1 =	vlt.s32 v4, v1  }
0xf5: {  	vm0 =	vmand vm0, vm1  }
0xf6: {  	v5 =	vmpcnt.ones.xlane vm0;
	_ =	sdelay $0x1  }
0xf7: {  	(v2sf) =	vpush v5, $0x0;
	_ =	sdelay $0xd  }
0xf8: {  	p0 =	sgt.s32 s28, $0x1F0;
	s0 =	smov.u32 s28  }
0xf9: {  	s24 =	sshrl.u32 s25, $0x2;
	s0 =	simm.s32 @p0 $0x0;
	s30 =	spop (v2sf)  }
0xfa: {  	s29 =	sadd.s32 $0x7D00, s24;
	v5 =	vld [tilespmem:s22+$0x3E90];
	s24 =	sadd.s32 s0, s30  }
0xfb: {  	p1 =	slt.s32 s24, $0x1F1  }
.Ltmp14:
0xfc: {  	_ = 	snop;
	(pc) =	sbr.rel @p1 .LBB2_20-.Ltmp14, $4  }
0xfd: {  	_ = 	snop  }
0xfe: {  	s2 =	sshrl.u32 s26, $0x2;
	s31 =	sadd.s32 s0, s29  }
0xff: {  	v4 =	vsub.s32 v4, v0;
	[tilespmem:s31+$0x0] =	vst.msk vm0, v5;
	s0 =	sadd.s32 s0, s2  }
0x100: {  	s16 =	smov.u32 @p0 s28;
	[tilespmem:s0+$0x8100] =	vst.msk vm0, v4  }
0x101: {  	p0 =	sgt.s32 s16, $0x0  }
.Ltmp15:
0x102: {  	_ = 	snop;
	(pc) =	sbr.rel @!p0 .LBB2_15-.Ltmp15, $3  }
0x103: {  	_ =	sdelay $0x1  }
0x104: {  	s0 =	sshll.u32 s23, $0xD  }
0x105: {  	s25 =	sor.u32 $0x8520, s0  }
0x106: {  	_ =	swait.ge [sflag:s11], $0x2000  }
0x107: {  	s0 =	sxor.u32 $0x1, s23;
	[sflag:s11] =	ssyncset.done $0x0  }
0x108: {  	s2 =	smul.u32 $0x840, s0;
	[sflag:s11] =	ssyncadd.s32 $0xFFFFE000  }
0x109: {  	[tilespmem:s25], [sflag:$0x1] =	stream.indirect.gather [hbm4b:s1+s12], $0x10, s29, s12, $0xb8;
	[tilespmem:$0xD8B0] =	vst v63  }
0x10a: {  	s26 =	simm.s32 $0x0;
	s2 =	sshrl.u32 s2, $0x2  }
0x10b: {  	s29 =	sand.u32 $0x7FFFFFF8, s26;
	s23 =	sadd.s32 $0x8100, s2  }
0x10c: {  	s25 =	sand.u32 $0x7, s26;
	s2 =	sadd.s32 s29, s23  }
0x10d: {  	s2 =	sadd.s32 s25, s2  }
0x10e: {  	v4 =	vld [tilespmem:s2+$0x0];
	_ =	sdelay $0x4  }
0x10f: {  	(v2sf) =	vpush v4, $0x0;
	_ =	sdelay $0xc  }
0x110: {  	p0 =	sne.s32 s16, $0x1  }
.Ltmp16:
0x111: {  	_ = 	snop;
	(pc) =	sbr.rel @!p0 .LBB2_18-.Ltmp16, $4  }
0x112: {  	s0 =	sshll.u32 s0, $0xD;
	s30 =	spop (v2sf)  }
0x113: {  	s25 =	sor.u32 $0x8520, s0;
	s31 =	sshll.u32 s30, $0x6  }
0x114: {  	v4 =	vld [tilespmem:s25+$0x0];
	s28 =	sshra.s32 s31, $0x2  }
0x115: {  	s26 =	simm.s32 $0x1;
	v5 =	vld [tilespmem:s28+$0xC520]  }
.LBB2_17:
0x116: {  	_ =	sdelay $0x2  }
0x117: {  	s0 =	sand.u32 $0x7FFFFFF8, s26;
	s2 =	smov.u32 s26;
	s26 =	sadd.s32 $0x1, s26  }
0x118: {  	s2 =	sand.u32 $0x7, s2;
	s0 =	sadd.s32 s0, s23;
	p0 =	sne.s32 s16, s26;
	v4 =	vmin.bf16 v5, v4  }
0x119: {  	s0 =	sadd.s32 s2, s0;
	[tilespmem:s28+$0xC520] =	vst v4  }
0x11a: {  	v4 =	vld [tilespmem:s0+$0x0];
	_ =	sdelay $0x4  }
0x11b: {  	(v2sf) =	vpush v4, $0x0;
	_ =	sdelay $0xd  }
.Ltmp17:
0x11c: {  	(pc) =	sbr.rel @p0 .LBB2_17-.Ltmp17, $4  }
0x11d: {  	s0 =	spop (v2sf)  }
0x11e: {  	s25 =	sadd.s32 $0x10, s25;
	s0 =	sshll.u32 s0, $0x6  }
0x11f: {  	v4 =	vld [tilespmem:s25+$0x0];
	s28 =	sshra.s32 s0, $0x2  }
0x120: {  	v5 =	vld [tilespmem:s28+$0xC520]  }
.LBB2_18:
0x121: {  	_ = 	snop  }
.Ltmp18:
0x122: {  	_ = 	snop;
	(pc) =	sbr.rel .LBB2_19-.Ltmp18, $3  }
0x123: {  	_ =	sdelay $0x1  }
0x124: {  	v4 =	vmin.bf16 v5, v4  }
0x125: {  	[tilespmem:s28+$0xC520] =	vst v4  }
.LBB2_15:
0x126: {  	[tilespmem:s25], [sflag:$0x1] =	stream.indirect.gather [hbm4b:s1+s12], $0x10, s29, s12, $0xb8;
	[tilespmem:$0xD8B0] =	vst v63  }
.LBB2_19:
0x127: {  	s18 =	sadd.s32 $0x1, s18  }
0x128: {  	s23 =	sand.u32 $0x1, s18  }
0x129: {  	s25 =	sshll.u32 s23, $0xB;
	s26 =	smul.u32 $0x840, s23  }
.LBB2_20:
0x12a: {  	s0 =	sor.u32 $0x20, s22  }
0x12b: {  	v4 =	vld [tilespmem:s0+$0x0];
	_ =	sdelay $0x4  }
0x12c: {  	vm0 =	vge.s32 v4, v0;
	vm1 =	vlt.s32 v4, v1  }
0x12d: {  	vm0 =	vmand vm0, vm1  }
0x12e: {  	v5 =	vmpcnt.ones.xlane vm0;
	_ =	sdelay $0x1  }
0x12f: {  	(v2sf) =	vpush v5, $0x0;
	_ =	sdelay $0xd  }
0x130: {  	p0 =	sgt.s32 s24, $0x1F0;
	s0 =	smov.u32 s24  }
0x131: {  	s0 =	simm.s32 @p0 $0x0;
	s28 =	spop (v2sf)  }
0x132: {  	v5 =	vld [tilespmem:s22+$0x3EA0];
	s28 =	sadd.s32 s0, s28  }
0x133: {  	p1 =	slt.s32 s28, $0x1F1  }
.Ltmp19:
0x134: {  	s2 =	sshrl.u32 s25, $0x2;
	(pc) =	sbr.rel @p1 .LBB2_27-.Ltmp19, $4  }
0x135: {  	s29 =	sadd.s32 $0x7D00, s2  }
0x136: {  	s30 =	sshrl.u32 s26, $0x2;
	s2 =	sadd.s32 s0, s29  }
0x137: {  	v4 =	vsub.s32 v4, v0;
	[tilespmem:s2+$0x0] =	vst.msk vm0, v5;
	s0 =	sadd.s32 s0, s30  }
0x138: {  	s16 =	smov.u32 @p0 s24;
	[tilespmem:s0+$0x8100] =	vst.msk vm0, v4  }
0x139: {  	p0 =	sgt.s32 s16, $0x0  }
.Ltmp20:
0x13a: {  	_ = 	snop;
	(pc) =	sbr.rel @!p0 .LBB2_22-.Ltmp20, $3  }
0x13b: {  	_ =	sdelay $0x1  }
0x13c: {  	s0 =	sshll.u32 s23, $0xD  }
0x13d: {  	s24 =	sor.u32 $0x8520, s0  }
0x13e: {  	_ =	swait.ge [sflag:s11], $0x2000  }
0x13f: {  	s0 =	sxor.u32 $0x1, s23;
	[sflag:s11] =	ssyncset.done $0x0  }
0x140: {  	s2 =	smul.u32 $0x840, s0;
	[sflag:s11] =	ssyncadd.s32 $0xFFFFE000  }
0x141: {  	[tilespmem:s24], [sflag:$0x1] =	stream.indirect.gather [hbm4b:s1+s12], $0x10, s29, s12, $0xb8;
	[tilespmem:$0xD8B0] =	vst v63  }
0x142: {  	s26 =	simm.s32 $0x0;
	s2 =	sshrl.u32 s2, $0x2  }
0x143: {  	s29 =	sand.u32 $0x7FFFFFF8, s26;
	s23 =	sadd.s32 $0x8100, s2  }
0x144: {  	s24 =	sand.u32 $0x7, s26;
	s2 =	sadd.s32 s29, s23  }
0x145: {  	s2 =	sadd.s32 s24, s2  }
0x146: {  	v4 =	vld [tilespmem:s2+$0x0];
	_ =	sdelay $0x4  }
0x147: {  	(v2sf) =	vpush v4, $0x0;
	_ =	sdelay $0xc  }
0x148: {  	p0 =	sne.s32 s16, $0x1  }
.Ltmp21:
0x149: {  	_ = 	snop;
	(pc) =	sbr.rel @!p0 .LBB2_25-.Ltmp21, $4  }
0x14a: {  	s0 =	sshll.u32 s0, $0xD;
	s30 =	spop (v2sf)  }
0x14b: {  	s24 =	sor.u32 $0x8520, s0;
	s31 =	sshll.u32 s30, $0x6  }
0x14c: {  	v4 =	vld [tilespmem:s24+$0x0];
	s26 =	sshra.s32 s31, $0x2  }
0x14d: {  	s25 =	simm.s32 $0x1;
	v5 =	vld [tilespmem:s26+$0xC520]  }
.LBB2_24:
0x14e: {  	_ =	sdelay $0x2  }
0x14f: {  	s0 =	sand.u32 $0x7FFFFFF8, s25;
	s2 =	smov.u32 s25;
	s25 =	sadd.s32 $0x1, s25  }
0x150: {  	s2 =	sand.u32 $0x7, s2;
	s0 =	sadd.s32 s0, s23;
	p0 =	sne.s32 s16, s25;
	v4 =	vmin.bf16 v5, v4  }
0x151: {  	s0 =	sadd.s32 s2, s0;
	[tilespmem:s26+$0xC520] =	vst v4  }
0x152: {  	v4 =	vld [tilespmem:s0+$0x0];
	_ =	sdelay $0x4  }
0x153: {  	(v2sf) =	vpush v4, $0x0;
	_ =	sdelay $0xd  }
.Ltmp22:
0x154: {  	(pc) =	sbr.rel @p0 .LBB2_24-.Ltmp22, $4  }
0x155: {  	s0 =	spop (v2sf)  }
0x156: {  	s24 =	sadd.s32 $0x10, s24;
	s0 =	sshll.u32 s0, $0x6  }
0x157: {  	v4 =	vld [tilespmem:s24+$0x0];
	s26 =	sshra.s32 s0, $0x2  }
0x158: {  	v5 =	vld [tilespmem:s26+$0xC520]  }
.LBB2_25:
0x159: {  	_ = 	snop  }
.Ltmp23:
0x15a: {  	_ = 	snop;
	(pc) =	sbr.rel .LBB2_26-.Ltmp23, $3  }
0x15b: {  	_ =	sdelay $0x1  }
0x15c: {  	v4 =	vmin.bf16 v5, v4  }
0x15d: {  	[tilespmem:s26+$0xC520] =	vst v4  }
.LBB2_22:
0x15e: {  	[tilespmem:s24], [sflag:$0x1] =	stream.indirect.gather [hbm4b:s1+s12], $0x10, s29, s12, $0xb8;
	[tilespmem:$0xD8B0] =	vst v63  }
.LBB2_26:
0x15f: {  	s18 =	sadd.s32 $0x1, s18  }
0x160: {  	s23 =	sand.u32 $0x1, s18  }
0x161: {  	s25 =	sshll.u32 s23, $0xB;
	s26 =	smul.u32 $0x840, s23  }
.LBB2_27:
0x162: {  	s0 =	sor.u32 $0x30, s22  }
0x163: {  	v4 =	vld [tilespmem:s0+$0x0];
	_ =	sdelay $0x4  }
0x164: {  	vm0 =	vge.s32 v4, v0;
	vm1 =	vlt.s32 v4, v1  }
0x165: {  	vm0 =	vmand vm0, vm1  }
0x166: {  	v5 =	vmpcnt.ones.xlane vm0;
	_ =	sdelay $0x1  }
0x167: {  	(v2sf) =	vpush v5, $0x0;
	_ =	sdelay $0xd  }
0x168: {  	p0 =	sgt.s32 s28, $0x1F0;
	s0 =	smov.u32 s28  }
0x169: {  	s0 =	simm.s32 @p0 $0x0;
	s24 =	spop (v2sf)  }
0x16a: {  	v5 =	vld [tilespmem:s22+$0x3EB0];
	s24 =	sadd.s32 s0, s24  }
0x16b: {  	p1 =	slt.s32 s24, $0x1F1  }
.Ltmp24:
0x16c: {  	s2 =	sshrl.u32 s25, $0x2;
	(pc) =	sbr.rel @p1 .LBB2_34-.Ltmp24, $4  }
0x16d: {  	s29 =	sadd.s32 $0x7D00, s2  }
0x16e: {  	s30 =	sshrl.u32 s26, $0x2;
	s2 =	sadd.s32 s0, s29  }
0x16f: {  	v4 =	vsub.s32 v4, v0;
	[tilespmem:s2+$0x0] =	vst.msk vm0, v5;
	s0 =	sadd.s32 s0, s30  }
0x170: {  	s16 =	smov.u32 @p0 s28;
	[tilespmem:s0+$0x8100] =	vst.msk vm0, v4  }
0x171: {  	p0 =	sgt.s32 s16, $0x0  }
.Ltmp25:
0x172: {  	_ = 	snop;
	(pc) =	sbr.rel @!p0 .LBB2_29-.Ltmp25, $3  }
0x173: {  	_ =	sdelay $0x1  }
0x174: {  	s0 =	sshll.u32 s23, $0xD  }
0x175: {  	s25 =	sor.u32 $0x8520, s0  }
0x176: {  	_ =	swait.ge [sflag:s11], $0x2000  }
0x177: {  	s0 =	sxor.u32 $0x1, s23;
	[sflag:s11] =	ssyncset.done $0x0  }
0x178: {  	s2 =	smul.u32 $0x840, s0;
	[sflag:s11] =	ssyncadd.s32 $0xFFFFE000  }
0x179: {  	[tilespmem:s25], [sflag:$0x1] =	stream.indirect.gather [hbm4b:s1+s12], $0x10, s29, s12, $0xb8;
	[tilespmem:$0xD8B0] =	vst v63  }
0x17a: {  	s26 =	simm.s32 $0x0;
	s2 =	sshrl.u32 s2, $0x2  }
0x17b: {  	s29 =	sand.u32 $0x7FFFFFF8, s26;
	s23 =	sadd.s32 $0x8100, s2  }
0x17c: {  	s25 =	sand.u32 $0x7, s26;
	s2 =	sadd.s32 s29, s23  }
0x17d: {  	s2 =	sadd.s32 s25, s2  }
0x17e: {  	v4 =	vld [tilespmem:s2+$0x0];
	_ =	sdelay $0x4  }
0x17f: {  	(v2sf) =	vpush v4, $0x0;
	_ =	sdelay $0xc  }
0x180: {  	p0 =	sne.s32 s16, $0x1  }
.Ltmp26:
0x181: {  	_ = 	snop;
	(pc) =	sbr.rel @!p0 .LBB2_32-.Ltmp26, $4  }
0x182: {  	s0 =	sshll.u32 s0, $0xD;
	s30 =	spop (v2sf)  }
0x183: {  	s25 =	sor.u32 $0x8520, s0;
	s31 =	sshll.u32 s30, $0x6  }
0x184: {  	v4 =	vld [tilespmem:s25+$0x0];
	s28 =	sshra.s32 s31, $0x2  }
0x185: {  	s26 =	simm.s32 $0x1;
	v5 =	vld [tilespmem:s28+$0xC520]  }
.LBB2_31:
0x186: {  	_ =	sdelay $0x2  }
0x187: {  	s0 =	sand.u32 $0x7FFFFFF8, s26;
	s2 =	smov.u32 s26;
	s26 =	sadd.s32 $0x1, s26  }
0x188: {  	s2 =	sand.u32 $0x7, s2;
	s0 =	sadd.s32 s0, s23;
	p0 =	sne.s32 s16, s26;
	v4 =	vmin.bf16 v5, v4  }
0x189: {  	s0 =	sadd.s32 s2, s0;
	[tilespmem:s28+$0xC520] =	vst v4  }
0x18a: {  	v4 =	vld [tilespmem:s0+$0x0];
	_ =	sdelay $0x4  }
0x18b: {  	(v2sf) =	vpush v4, $0x0;
	_ =	sdelay $0xd  }
.Ltmp27:
0x18c: {  	(pc) =	sbr.rel @p0 .LBB2_31-.Ltmp27, $4  }
0x18d: {  	s0 =	spop (v2sf)  }
0x18e: {  	s25 =	sadd.s32 $0x10, s25;
	s0 =	sshll.u32 s0, $0x6  }
0x18f: {  	v4 =	vld [tilespmem:s25+$0x0];
	s28 =	sshra.s32 s0, $0x2  }
0x190: {  	v5 =	vld [tilespmem:s28+$0xC520]  }
.LBB2_32:
0x191: {  	_ = 	snop  }
.Ltmp28:
0x192: {  	_ = 	snop;
	(pc) =	sbr.rel .LBB2_33-.Ltmp28, $3  }
0x193: {  	_ =	sdelay $0x1  }
0x194: {  	v4 =	vmin.bf16 v5, v4  }
0x195: {  	[tilespmem:s28+$0xC520] =	vst v4  }
.LBB2_29:
0x196: {  	[tilespmem:s25], [sflag:$0x1] =	stream.indirect.gather [hbm4b:s1+s12], $0x10, s29, s12, $0xb8;
	[tilespmem:$0xD8B0] =	vst v63  }
.LBB2_33:
0x197: {  	s18 =	sadd.s32 $0x1, s18  }
0x198: {  	s23 =	sand.u32 $0x1, s18  }
0x199: {  	s25 =	sshll.u32 s23, $0xB;
	s26 =	smul.u32 $0x840, s23  }
.LBB2_34:
0x19a: {  	s0 =	sor.u32 $0x40, s22  }
0x19b: {  	v4 =	vld [tilespmem:s0+$0x0];
	_ =	sdelay $0x4  }
0x19c: {  	vm0 =	vge.s32 v4, v0;
	vm1 =	vlt.s32 v4, v1  }
0x19d: {  	vm0 =	vmand vm0, vm1  }
0x19e: {  	v5 =	vmpcnt.ones.xlane vm0;
	_ =	sdelay $0x1  }
0x19f: {  	(v2sf) =	vpush v5, $0x0;
	_ =	sdelay $0xd  }
0x1a0: {  	p0 =	sgt.s32 s24, $0x1F0;
	s0 =	smov.u32 s24  }
0x1a1: {  	s0 =	simm.s32 @p0 $0x0;
	s28 =	spop (v2sf)  }
0x1a2: {  	v5 =	vld [tilespmem:s22+$0x3EC0];
	s28 =	sadd.s32 s0, s28  }
0x1a3: {  	p1 =	slt.s32 s28, $0x1F1  }
.Ltmp29:
0x1a4: {  	s2 =	sshrl.u32 s25, $0x2;
	(pc) =	sbr.rel @p1 .LBB2_41-.Ltmp29, $4  }
0x1a5: {  	s29 =	sadd.s32 $0x7D00, s2  }
0x1a6: {  	s30 =	sshrl.u32 s26, $0x2;
	s2 =	sadd.s32 s0, s29  }
0x1a7: {  	v4 =	vsub.s32 v4, v0;
	[tilespmem:s2+$0x0] =	vst.msk vm0, v5;
	s0 =	sadd.s32 s0, s30  }
0x1a8: {  	s16 =	smov.u32 @p0 s24;
	[tilespmem:s0+$0x8100] =	vst.msk vm0, v4  }
0x1a9: {  	p0 =	sgt.s32 s16, $0x0  }
.Ltmp30:
0x1aa: {  	_ = 	snop;
	(pc) =	sbr.rel @!p0 .LBB2_36-.Ltmp30, $3  }
0x1ab: {  	_ =	sdelay $0x1  }
0x1ac: {  	s0 =	sshll.u32 s23, $0xD  }
0x1ad: {  	s24 =	sor.u32 $0x8520, s0  }
0x1ae: {  	_ =	swait.ge [sflag:s11], $0x2000  }
0x1af: {  	s0 =	sxor.u32 $0x1, s23;
	[sflag:s11] =	ssyncset.done $0x0  }
0x1b0: {  	s2 =	smul.u32 $0x840, s0;
	[sflag:s11] =	ssyncadd.s32 $0xFFFFE000  }
0x1b1: {  	[tilespmem:s24], [sflag:$0x1] =	stream.indirect.gather [hbm4b:s1+s12], $0x10, s29, s12, $0xb8;
	[tilespmem:$0xD8B0] =	vst v63  }
0x1b2: {  	s26 =	simm.s32 $0x0;
	s2 =	sshrl.u32 s2, $0x2  }
0x1b3: {  	s29 =	sand.u32 $0x7FFFFFF8, s26;
	s23 =	sadd.s32 $0x8100, s2  }
0x1b4: {  	s24 =	sand.u32 $0x7, s26;
	s2 =	sadd.s32 s29, s23  }
0x1b5: {  	s2 =	sadd.s32 s24, s2  }
0x1b6: {  	v4 =	vld [tilespmem:s2+$0x0];
	_ =	sdelay $0x4  }
0x1b7: {  	(v2sf) =	vpush v4, $0x0;
	_ =	sdelay $0xc  }
0x1b8: {  	p0 =	sne.s32 s16, $0x1  }
.Ltmp31:
0x1b9: {  	_ = 	snop;
	(pc) =	sbr.rel @!p0 .LBB2_39-.Ltmp31, $4  }
0x1ba: {  	s0 =	sshll.u32 s0, $0xD;
	s30 =	spop (v2sf)  }
0x1bb: {  	s24 =	sor.u32 $0x8520, s0;
	s31 =	sshll.u32 s30, $0x6  }
0x1bc: {  	v4 =	vld [tilespmem:s24+$0x0];
	s26 =	sshra.s32 s31, $0x2  }
0x1bd: {  	s25 =	simm.s32 $0x1;
	v5 =	vld [tilespmem:s26+$0xC520]  }
.LBB2_38:
0x1be: {  	_ =	sdelay $0x2  }
0x1bf: {  	s0 =	sand.u32 $0x7FFFFFF8, s25;
	s2 =	smov.u32 s25;
	s25 =	sadd.s32 $0x1, s25  }
0x1c0: {  	s2 =	sand.u32 $0x7, s2;
	s0 =	sadd.s32 s0, s23;
	p0 =	sne.s32 s16, s25;
	v4 =	vmin.bf16 v5, v4  }
0x1c1: {  	s0 =	sadd.s32 s2, s0;
	[tilespmem:s26+$0xC520] =	vst v4  }
0x1c2: {  	v4 =	vld [tilespmem:s0+$0x0];
	_ =	sdelay $0x4  }
0x1c3: {  	(v2sf) =	vpush v4, $0x0;
	_ =	sdelay $0xd  }
.Ltmp32:
0x1c4: {  	(pc) =	sbr.rel @p0 .LBB2_38-.Ltmp32, $4  }
0x1c5: {  	s0 =	spop (v2sf)  }
0x1c6: {  	s24 =	sadd.s32 $0x10, s24;
	s0 =	sshll.u32 s0, $0x6  }
0x1c7: {  	v4 =	vld [tilespmem:s24+$0x0];
	s26 =	sshra.s32 s0, $0x2  }
0x1c8: {  	v5 =	vld [tilespmem:s26+$0xC520]  }
.LBB2_39:
0x1c9: {  	_ = 	snop  }
.Ltmp33:
0x1ca: {  	_ = 	snop;
	(pc) =	sbr.rel .LBB2_40-.Ltmp33, $3  }
0x1cb: {  	_ =	sdelay $0x1  }
0x1cc: {  	v4 =	vmin.bf16 v5, v4  }
0x1cd: {  	[tilespmem:s26+$0xC520] =	vst v4  }
.LBB2_36:
0x1ce: {  	[tilespmem:s24], [sflag:$0x1] =	stream.indirect.gather [hbm4b:s1+s12], $0x10, s29, s12, $0xb8;
	[tilespmem:$0xD8B0] =	vst v63  }
.LBB2_40:
0x1cf: {  	s18 =	sadd.s32 $0x1, s18  }
0x1d0: {  	s23 =	sand.u32 $0x1, s18  }
0x1d1: {  	s25 =	sshll.u32 s23, $0xB;
	s26 =	smul.u32 $0x840, s23  }
.LBB2_41:
0x1d2: {  	s0 =	sor.u32 $0x50, s22  }
0x1d3: {  	v4 =	vld [tilespmem:s0+$0x0];
	_ =	sdelay $0x4  }
0x1d4: {  	vm0 =	vge.s32 v4, v0;
	vm1 =	vlt.s32 v4, v1  }
0x1d5: {  	vm0 =	vmand vm0, vm1  }
0x1d6: {  	v5 =	vmpcnt.ones.xlane vm0;
	_ =	sdelay $0x1  }
0x1d7: {  	(v2sf) =	vpush v5, $0x0;
	_ =	sdelay $0xd  }
0x1d8: {  	p0 =	sgt.s32 s28, $0x1F0;
	s0 =	smov.u32 s28  }
0x1d9: {  	s0 =	simm.s32 @p0 $0x0;
	s24 =	spop (v2sf)  }
0x1da: {  	v5 =	vld [tilespmem:s22+$0x3ED0];
	s24 =	sadd.s32 s0, s24  }
0x1db: {  	p1 =	slt.s32 s24, $0x1F1  }
.Ltmp34:
0x1dc: {  	s2 =	sshrl.u32 s25, $0x2;
	(pc) =	sbr.rel @p1 .LBB2_48-.Ltmp34, $4  }
0x1dd: {  	s29 =	sadd.s32 $0x7D00, s2  }
0x1de: {  	s30 =	sshrl.u32 s26, $0x2;
	s2 =	sadd.s32 s0, s29  }
0x1df: {  	v4 =	vsub.s32 v4, v0;
	[tilespmem:s2+$0x0] =	vst.msk vm0, v5;
	s0 =	sadd.s32 s0, s30  }
0x1e0: {  	s16 =	smov.u32 @p0 s28;
	[tilespmem:s0+$0x8100] =	vst.msk vm0, v4  }
0x1e1: {  	p0 =	sgt.s32 s16, $0x0  }
.Ltmp35:
0x1e2: {  	_ = 	snop;
	(pc) =	sbr.rel @!p0 .LBB2_43-.Ltmp35, $3  }
0x1e3: {  	_ =	sdelay $0x1  }
0x1e4: {  	s0 =	sshll.u32 s23, $0xD  }
0x1e5: {  	s25 =	sor.u32 $0x8520, s0  }
0x1e6: {  	_ =	swait.ge [sflag:s11], $0x2000  }
0x1e7: {  	s0 =	sxor.u32 $0x1, s23;
	[sflag:s11] =	ssyncset.done $0x0  }
0x1e8: {  	s2 =	smul.u32 $0x840, s0;
	[sflag:s11] =	ssyncadd.s32 $0xFFFFE000  }
0x1e9: {  	[tilespmem:s25], [sflag:$0x1] =	stream.indirect.gather [hbm4b:s1+s12], $0x10, s29, s12, $0xb8;
	[tilespmem:$0xD8B0] =	vst v63  }
0x1ea: {  	s26 =	simm.s32 $0x0;
	s2 =	sshrl.u32 s2, $0x2  }
0x1eb: {  	s29 =	sand.u32 $0x7FFFFFF8, s26;
	s23 =	sadd.s32 $0x8100, s2  }
0x1ec: {  	s25 =	sand.u32 $0x7, s26;
	s2 =	sadd.s32 s29, s23  }
0x1ed: {  	s2 =	sadd.s32 s25, s2  }
0x1ee: {  	v4 =	vld [tilespmem:s2+$0x0];
	_ =	sdelay $0x4  }
0x1ef: {  	(v2sf) =	vpush v4, $0x0;
	_ =	sdelay $0xc  }
0x1f0: {  	p0 =	sne.s32 s16, $0x1  }
.Ltmp36:
0x1f1: {  	_ = 	snop;
	(pc) =	sbr.rel @!p0 .LBB2_46-.Ltmp36, $4  }
0x1f2: {  	s0 =	sshll.u32 s0, $0xD;
	s30 =	spop (v2sf)  }
0x1f3: {  	s25 =	sor.u32 $0x8520, s0;
	s31 =	sshll.u32 s30, $0x6  }
0x1f4: {  	v4 =	vld [tilespmem:s25+$0x0];
	s28 =	sshra.s32 s31, $0x2  }
0x1f5: {  	s26 =	simm.s32 $0x1;
	v5 =	vld [tilespmem:s28+$0xC520]  }
.LBB2_45:
0x1f6: {  	_ =	sdelay $0x2  }
0x1f7: {  	s0 =	sand.u32 $0x7FFFFFF8, s26;
	s2 =	smov.u32 s26;
	s26 =	sadd.s32 $0x1, s26  }
0x1f8: {  	s2 =	sand.u32 $0x7, s2;
	s0 =	sadd.s32 s0, s23;
	p0 =	sne.s32 s16, s26;
	v4 =	vmin.bf16 v5, v4  }
0x1f9: {  	s0 =	sadd.s32 s2, s0;
	[tilespmem:s28+$0xC520] =	vst v4  }
0x1fa: {  	v4 =	vld [tilespmem:s0+$0x0];
	_ =	sdelay $0x4  }
0x1fb: {  	(v2sf) =	vpush v4, $0x0;
	_ =	sdelay $0xd  }
.Ltmp37:
0x1fc: {  	(pc) =	sbr.rel @p0 .LBB2_45-.Ltmp37, $4  }
0x1fd: {  	s0 =	spop (v2sf)  }
0x1fe: {  	s25 =	sadd.s32 $0x10, s25;
	s0 =	sshll.u32 s0, $0x6  }
0x1ff: {  	v4 =	vld [tilespmem:s25+$0x0];
	s28 =	sshra.s32 s0, $0x2  }
0x200: {  	v5 =	vld [tilespmem:s28+$0xC520]  }
.LBB2_46:
0x201: {  	_ = 	snop  }
.Ltmp38:
0x202: {  	_ = 	snop;
	(pc) =	sbr.rel .LBB2_47-.Ltmp38, $3  }
0x203: {  	_ =	sdelay $0x1  }
0x204: {  	v4 =	vmin.bf16 v5, v4  }
0x205: {  	[tilespmem:s28+$0xC520] =	vst v4  }
.LBB2_43:
0x206: {  	[tilespmem:s25], [sflag:$0x1] =	stream.indirect.gather [hbm4b:s1+s12], $0x10, s29, s12, $0xb8;
	[tilespmem:$0xD8B0] =	vst v63  }
.LBB2_47:
0x207: {  	s18 =	sadd.s32 $0x1, s18  }
0x208: {  	s23 =	sand.u32 $0x1, s18  }
0x209: {  	s25 =	sshll.u32 s23, $0xB;
	s26 =	smul.u32 $0x840, s23  }
.LBB2_48:
0x20a: {  	s0 =	sor.u32 $0x60, s22  }
0x20b: {  	v4 =	vld [tilespmem:s0+$0x0];
	_ =	sdelay $0x4  }
0x20c: {  	vm0 =	vge.s32 v4, v0;
	vm1 =	vlt.s32 v4, v1  }
0x20d: {  	vm0 =	vmand vm0, vm1  }
0x20e: {  	v5 =	vmpcnt.ones.xlane vm0;
	_ =	sdelay $0x1  }
0x20f: {  	(v2sf) =	vpush v5, $0x0;
	_ =	sdelay $0xd  }
0x210: {  	p0 =	sgt.s32 s24, $0x1F0;
	s0 =	smov.u32 s24  }
0x211: {  	s0 =	simm.s32 @p0 $0x0;
	s28 =	spop (v2sf)  }
0x212: {  	v5 =	vld [tilespmem:s22+$0x3EE0];
	s28 =	sadd.s32 s0, s28  }
0x213: {  	p1 =	slt.s32 s28, $0x1F1  }
.Ltmp39:
0x214: {  	s2 =	sshrl.u32 s25, $0x2;
	(pc) =	sbr.rel @p1 .LBB2_55-.Ltmp39, $4  }
0x215: {  	s29 =	sadd.s32 $0x7D00, s2  }
0x216: {  	s30 =	sshrl.u32 s26, $0x2;
	s2 =	sadd.s32 s0, s29  }
0x217: {  	v4 =	vsub.s32 v4, v0;
	[tilespmem:s2+$0x0] =	vst.msk vm0, v5;
	s0 =	sadd.s32 s0, s30  }
0x218: {  	s16 =	smov.u32 @p0 s24;
	[tilespmem:s0+$0x8100] =	vst.msk vm0, v4  }
0x219: {  	p0 =	sgt.s32 s16, $0x0  }
.Ltmp40:
0x21a: {  	_ = 	snop;
	(pc) =	sbr.rel @!p0 .LBB2_50-.Ltmp40, $3  }
0x21b: {  	_ =	sdelay $0x1  }
0x21c: {  	s0 =	sshll.u32 s23, $0xD  }
0x21d: {  	s24 =	sor.u32 $0x8520, s0  }
0x21e: {  	_ =	swait.ge [sflag:s11], $0x2000  }
0x21f: {  	s0 =	sxor.u32 $0x1, s23;
	[sflag:s11] =	ssyncset.done $0x0  }
0x220: {  	s2 =	smul.u32 $0x840, s0;
	[sflag:s11] =	ssyncadd.s32 $0xFFFFE000  }
0x221: {  	[tilespmem:s24], [sflag:$0x1] =	stream.indirect.gather [hbm4b:s1+s12], $0x10, s29, s12, $0xb8;
	[tilespmem:$0xD8B0] =	vst v63  }
0x222: {  	s26 =	simm.s32 $0x0;
	s2 =	sshrl.u32 s2, $0x2  }
0x223: {  	s29 =	sand.u32 $0x7FFFFFF8, s26;
	s23 =	sadd.s32 $0x8100, s2  }
0x224: {  	s24 =	sand.u32 $0x7, s26;
	s2 =	sadd.s32 s29, s23  }
0x225: {  	s2 =	sadd.s32 s24, s2  }
0x226: {  	v4 =	vld [tilespmem:s2+$0x0];
	_ =	sdelay $0x4  }
0x227: {  	(v2sf) =	vpush v4, $0x0;
	_ =	sdelay $0xc  }
0x228: {  	p0 =	sne.s32 s16, $0x1  }
.Ltmp41:
0x229: {  	_ = 	snop;
	(pc) =	sbr.rel @!p0 .LBB2_53-.Ltmp41, $4  }
0x22a: {  	s0 =	sshll.u32 s0, $0xD;
	s30 =	spop (v2sf)  }
0x22b: {  	s24 =	sor.u32 $0x8520, s0;
	s31 =	sshll.u32 s30, $0x6  }
0x22c: {  	v4 =	vld [tilespmem:s24+$0x0];
	s26 =	sshra.s32 s31, $0x2  }
0x22d: {  	s25 =	simm.s32 $0x1;
	v5 =	vld [tilespmem:s26+$0xC520]  }
.LBB2_52:
0x22e: {  	_ =	sdelay $0x2  }
0x22f: {  	s0 =	sand.u32 $0x7FFFFFF8, s25;
	s2 =	smov.u32 s25;
	s25 =	sadd.s32 $0x1, s25  }
0x230: {  	s2 =	sand.u32 $0x7, s2;
	s0 =	sadd.s32 s0, s23;
	p0 =	sne.s32 s16, s25;
	v4 =	vmin.bf16 v5, v4  }
0x231: {  	s0 =	sadd.s32 s2, s0;
	[tilespmem:s26+$0xC520] =	vst v4  }
0x232: {  	v4 =	vld [tilespmem:s0+$0x0];
	_ =	sdelay $0x4  }
0x233: {  	(v2sf) =	vpush v4, $0x0;
	_ =	sdelay $0xd  }
.Ltmp42:
0x234: {  	(pc) =	sbr.rel @p0 .LBB2_52-.Ltmp42, $4  }
0x235: {  	s0 =	spop (v2sf)  }
0x236: {  	s24 =	sadd.s32 $0x10, s24;
	s0 =	sshll.u32 s0, $0x6  }
0x237: {  	v4 =	vld [tilespmem:s24+$0x0];
	s26 =	sshra.s32 s0, $0x2  }
0x238: {  	v5 =	vld [tilespmem:s26+$0xC520]  }
.LBB2_53:
0x239: {  	_ = 	snop  }
.Ltmp43:
0x23a: {  	_ = 	snop;
	(pc) =	sbr.rel .LBB2_54-.Ltmp43, $3  }
0x23b: {  	_ =	sdelay $0x1  }
0x23c: {  	v4 =	vmin.bf16 v5, v4  }
0x23d: {  	[tilespmem:s26+$0xC520] =	vst v4  }
.LBB2_50:
0x23e: {  	[tilespmem:s24], [sflag:$0x1] =	stream.indirect.gather [hbm4b:s1+s12], $0x10, s29, s12, $0xb8;
	[tilespmem:$0xD8B0] =	vst v63  }
.LBB2_54:
0x23f: {  	s18 =	sadd.s32 $0x1, s18  }
0x240: {  	s23 =	sand.u32 $0x1, s18  }
0x241: {  	s25 =	sshll.u32 s23, $0xB;
	s26 =	smul.u32 $0x840, s23  }
.LBB2_55:
0x242: {  	s0 =	sor.u32 $0x70, s22  }
0x243: {  	v4 =	vld [tilespmem:s0+$0x0];
	_ =	sdelay $0x4  }
0x244: {  	vm0 =	vge.s32 v4, v0;
	vm1 =	vlt.s32 v4, v1  }
0x245: {  	vm0 =	vmand vm0, vm1  }
0x246: {  	v5 =	vmpcnt.ones.xlane vm0;
	_ =	sdelay $0x1  }
0x247: {  	(v2sf) =	vpush v5, $0x0;
	_ =	sdelay $0xd  }
0x248: {  	p0 =	sgt.s32 s28, $0x1F0;
	s0 =	smov.u32 s28  }
0x249: {  	s0 =	simm.s32 @p0 $0x0;
	s30 =	spop (v2sf)  }
0x24a: {  	v5 =	vld [tilespmem:s22+$0x3EF0];
	s22 =	sadd.s32 s0, s30  }
0x24b: {  	p1 =	slt.s32 s22, $0x1F1  }
.Ltmp44:
0x24c: {  	s2 =	sshrl.u32 s25, $0x2;
	(pc) =	sbr.rel @p1 .LBB2_62-.Ltmp44, $4  }
0x24d: {  	s24 =	sadd.s32 $0x7D00, s2  }
0x24e: {  	s31 =	sshrl.u32 s26, $0x2;
	s2 =	sadd.s32 s0, s24  }
0x24f: {  	v4 =	vsub.s32 v4, v0;
	[tilespmem:s2+$0x0] =	vst.msk vm0, v5;
	s0 =	sadd.s32 s0, s31  }
0x250: {  	s16 =	smov.u32 @p0 s28;
	[tilespmem:s0+$0x8100] =	vst.msk vm0, v4  }
0x251: {  	p0 =	sgt.s32 s16, $0x0  }
.Ltmp45:
0x252: {  	_ = 	snop;
	(pc) =	sbr.rel @!p0 .LBB2_57-.Ltmp45, $3  }
0x253: {  	_ =	sdelay $0x1  }
0x254: {  	s0 =	sshll.u32 s23, $0xD  }
0x255: {  	s25 =	sor.u32 $0x8520, s0  }
0x256: {  	_ =	swait.ge [sflag:s11], $0x2000  }
0x257: {  	s0 =	sxor.u32 $0x1, s23;
	[sflag:s11] =	ssyncset.done $0x0  }
0x258: {  	s2 =	smul.u32 $0x840, s0;
	[sflag:s11] =	ssyncadd.s32 $0xFFFFE000  }
0x259: {  	[tilespmem:s25], [sflag:$0x1] =	stream.indirect.gather [hbm4b:s1+s12], $0x10, s24, s12, $0xb8;
	[tilespmem:$0xD8B0] =	vst v63  }
0x25a: {  	s28 =	simm.s32 $0x0;
	s2 =	sshrl.u32 s2, $0x2  }
0x25b: {  	s29 =	sand.u32 $0x7FFFFFF8, s28;
	s23 =	sadd.s32 $0x8100, s2  }
0x25c: {  	s24 =	sand.u32 $0x7, s28;
	s2 =	sadd.s32 s29, s23  }
0x25d: {  	s2 =	sadd.s32 s24, s2  }
0x25e: {  	v4 =	vld [tilespmem:s2+$0x0];
	_ =	sdelay $0x4  }
0x25f: {  	(v2sf) =	vpush v4, $0x0;
	_ =	sdelay $0xc  }
0x260: {  	p0 =	sne.s32 s16, $0x1  }
.Ltmp46:
0x261: {  	_ = 	snop;
	(pc) =	sbr.rel @!p0 .LBB2_60-.Ltmp46, $4  }
0x262: {  	s0 =	sshll.u32 s0, $0xD;
	s30 =	spop (v2sf)  }
0x263: {  	s24 =	sor.u32 $0x8520, s0;
	s31 =	sshll.u32 s30, $0x6  }
0x264: {  	v4 =	vld [tilespmem:s24+$0x0];
	s26 =	sshra.s32 s31, $0x2  }
0x265: {  	s25 =	simm.s32 $0x1;
	v5 =	vld [tilespmem:s26+$0xC520]  }
.LBB2_59:
0x266: {  	_ =	sdelay $0x2  }
0x267: {  	s0 =	sand.u32 $0x7FFFFFF8, s25;
	s2 =	smov.u32 s25;
	s25 =	sadd.s32 $0x1, s25  }
0x268: {  	s2 =	sand.u32 $0x7, s2;
	s0 =	sadd.s32 s0, s23;
	p0 =	sne.s32 s16, s25;
	v4 =	vmin.bf16 v5, v4  }
0x269: {  	s0 =	sadd.s32 s2, s0;
	[tilespmem:s26+$0xC520] =	vst v4  }
0x26a: {  	v4 =	vld [tilespmem:s0+$0x0];
	_ =	sdelay $0x4  }
0x26b: {  	(v2sf) =	vpush v4, $0x0;
	_ =	sdelay $0xd  }
.Ltmp47:
0x26c: {  	(pc) =	sbr.rel @p0 .LBB2_59-.Ltmp47, $4  }
0x26d: {  	s0 =	spop (v2sf)  }
0x26e: {  	s24 =	sadd.s32 $0x10, s24;
	s0 =	sshll.u32 s0, $0x6  }
0x26f: {  	v4 =	vld [tilespmem:s24+$0x0];
	s26 =	sshra.s32 s0, $0x2  }
0x270: {  	v5 =	vld [tilespmem:s26+$0xC520]  }
.LBB2_60:
0x271: {  	_ = 	snop  }
.Ltmp48:
0x272: {  	_ = 	snop;
	(pc) =	sbr.rel .LBB2_61-.Ltmp48, $3  }
0x273: {  	_ =	sdelay $0x1  }
0x274: {  	v4 =	vmin.bf16 v5, v4  }
0x275: {  	[tilespmem:s26+$0xC520] =	vst v4  }
.LBB2_64:
0x276: {  	p0 =	slt.s32 s16, $0x1  }
.Ltmp49:
0x277: {  	_ = 	snop;
	(pc) =	sbr.rel @p0 .LBB2_68-.Ltmp49, $2  }
0x278: {  	_ =	sdelay $0x2  }
0x279: {  	s17 =	sand.u32 $0x1, s18  }
0x27a: {  	s0 =	sxor.u32 $0x1, s17  }
0x27b: {  	s2 =	smul.u32 $0x840, s0;
	_ =	sdelay $0x1  }
0x27c: {  	s19 =	simm.s32 $0x0;
	s2 =	sshrl.u32 s2, $0x2  }
0x27d: {  	_ =	swait.ge [sflag:s11], $0x2000;
	s29 =	sand.u32 $0x7FFFFFF8, s19;
	s18 =	sadd.s32 $0x8100, s2  }
0x27e: {  	[sflag:s11] =	ssyncset.done $0x0;
	s19 =	sand.u32 $0x7, s19;
	s2 =	sadd.s32 s29, s18  }
0x27f: {  	[sflag:s11] =	ssyncadd.s32 $0xFFFFE000;
	s2 =	sadd.s32 s19, s2  }
0x280: {  	v4 =	vld [tilespmem:s2+$0x0];
	_ =	sdelay $0x4  }
0x281: {  	(v2sf) =	vpush v4, $0x0;
	_ =	sdelay $0xc  }
0x282: {  	p0 =	sne.s32 s16, $0x1  }
.Ltmp50:
0x283: {  	_ = 	snop;
	(pc) =	sbr.rel @!p0 .LBB2_67-.Ltmp50, $4  }
0x284: {  	s0 =	sshll.u32 s0, $0xD;
	s30 =	spop (v2sf)  }
0x285: {  	s19 =	sor.u32 $0x8520, s0;
	s31 =	sshll.u32 s30, $0x6  }
0x286: {  	v4 =	vld [tilespmem:s19+$0x0];
	s21 =	sshra.s32 s31, $0x2  }
0x287: {  	s20 =	simm.s32 $0x1;
	v5 =	vld [tilespmem:s21+$0xC520]  }
.LBB2_66:
0x288: {  	_ =	sdelay $0x2  }
0x289: {  	s0 =	sand.u32 $0x7FFFFFF8, s20;
	s2 =	smov.u32 s20;
	s20 =	sadd.s32 $0x1, s20  }
0x28a: {  	s2 =	sand.u32 $0x7, s2;
	s0 =	sadd.s32 s0, s18;
	p0 =	sne.s32 s16, s20;
	v4 =	vmin.bf16 v5, v4  }
0x28b: {  	s0 =	sadd.s32 s2, s0;
	[tilespmem:s21+$0xC520] =	vst v4  }
0x28c: {  	v4 =	vld [tilespmem:s0+$0x0];
	_ =	sdelay $0x4  }
0x28d: {  	(v2sf) =	vpush v4, $0x0;
	_ =	sdelay $0xd  }
.Ltmp51:
0x28e: {  	(pc) =	sbr.rel @p0 .LBB2_66-.Ltmp51, $4  }
0x28f: {  	s0 =	spop (v2sf)  }
0x290: {  	s19 =	sadd.s32 $0x10, s19;
	s0 =	sshll.u32 s0, $0x6  }
0x291: {  	v4 =	vld [tilespmem:s19+$0x0];
	s21 =	sshra.s32 s0, $0x2  }
0x292: {  	v5 =	vld [tilespmem:s21+$0xC520]  }
.LBB2_67:
0x293: {  	_ =	sdelay $0x3  }
0x294: {  	v4 =	vmin.bf16 v5, v4  }
0x295: {  	[tilespmem:s21+$0xC520] =	vst v4  }
.LBB2_68:
0x296: {  	p0 =	slt.s32 s24, $0x1  }
.Ltmp52:
0x297: {  	_ = 	snop;
	(pc) =	sbr.rel @p0 .LBB2_72-.Ltmp52, $1  }
0x298: {  	_ =	sdelay $0x3  }
0x299: {  	s0 =	sshll.u32 s17, $0xD;
	s2 =	sshll.u32 s17, $0x9  }
0x29a: {  	s26 =	smul.u32 $0x840, s17;
	s16 =	sor.u32 $0x8520, s0;
	s25 =	sor.u32 $0x7D00, s2  }
0x29b: {  	[tilespmem:s16], [sflag:$0x1] =	stream.indirect.gather [hbm4b:s1+s12], $0x10, s25, s12, $0xb8;
	[tilespmem:$0xD8B0] =	vst v63  }
0x29c: {  	s29 =	simm.s32 $0x0;
	s28 =	sshrl.u32 s26, $0x2  }
0x29d: {  	s30 =	sand.u32 $0x7FFFFFF8, s29;
	_ =	swait.ge [sflag:s11], $0x2000;
	s17 =	sadd.s32 $0x8100, s28  }
0x29e: {  	s2 =	sand.u32 $0x7, s29;
	[sflag:s11] =	ssyncset.done $0x0;
	s0 =	sadd.s32 s30, s17  }
0x29f: {  	[sflag:s11] =	ssyncadd.s32 $0xFFFFE000;
	s0 =	sadd.s32 s2, s0  }
0x2a0: {  	v4 =	vld [tilespmem:s0+$0x0];
	_ =	sdelay $0x4  }
0x2a1: {  	(v2sf) =	vpush v4, $0x0;
	_ =	sdelay $0xe  }
0x2a2: {  	s31 =	spop (v2sf)  }
0x2a3: {  	s0 =	sshll.u32 s31, $0x6  }
0x2a4: {  	p0 =	sne.s32 s24, $0x1;
	v4 =	vld [tilespmem:s16+$0x0];
	s19 =	sshra.s32 s0, $0x2  }
.Ltmp53:
0x2a5: {  	v5 =	vld [tilespmem:s19+$0xC520];
	(pc) =	sbr.rel @!p0 .LBB2_71-.Ltmp53, $2  }
0x2a6: {  	_ =	sdelay $0x2  }
0x2a7: {  	s18 =	simm.s32 $0x1  }
.LBB2_70:
0x2a8: {  	s0 =	sand.u32 $0x7FFFFFF8, s18;
	s2 =	smov.u32 s18;
	s18 =	sadd.s32 $0x1, s18  }
0x2a9: {  	v4 =	vmin.bf16 v5, v4;
	s2 =	sand.u32 $0x7, s2;
	s0 =	sadd.s32 s0, s17;
	p0 =	sne.s32 s24, s18  }
0x2aa: {  	s0 =	sadd.s32 s2, s0;
	[tilespmem:s19+$0xC520] =	vst v4  }
0x2ab: {  	v4 =	vld [tilespmem:s0+$0x0];
	_ =	sdelay $0x4  }
0x2ac: {  	(v2sf) =	vpush v4, $0x0;
	_ =	sdelay $0xd  }
.Ltmp54:
0x2ad: {  	(pc) =	sbr.rel @p0 .LBB2_70-.Ltmp54, $4  }
0x2ae: {  	s0 =	spop (v2sf)  }
0x2af: {  	s16 =	sadd.s32 $0x10, s16;
	s0 =	sshll.u32 s0, $0x6  }
0x2b0: {  	v4 =	vld [tilespmem:s16+$0x0];
	s19 =	sshra.s32 s0, $0x2  }
0x2b1: {  	v5 =	vld [tilespmem:s19+$0xC520]  }
.Ltmp55:
0x2b2: {  	_ = 	snop;
	(pc) =	sbr.rel .LBB2_71-.Ltmp55, $1  }
0x2b3: {  	_ =	sdelay $0x3  }
.LBB2_74:
0x2b4: {  	_ =	sfence.sel $0x180000  }
0x2b5: {  	[bflag:$0x0] =	sbarrier.arrive $0xFFFF  }
0x2b6: {  	_ =	strace $0x9000004A  }
0x2b7: {  	s0 =	stileid.u32;
	[bflag:$0x2] =	sbarrier.arrive $0xFFFF  }
0x2b8: {  	p0 =	sne.s32 s0, $0x0;
	s0 =	rddreg [dreg:$0x2]  }
0x2b9: {  	s0 =	sadd.s32 @!p0 $0x100000, s0  }
0x2ba: {  	[sflag:s0] =	ssyncadd.tile.s32 @!p0 $0x1;
	_ =	shalt  }
.Lfunc_end2:
_tile_overlayer_lowered:
.L_overlay_start_2:
0x2bb: {  	(tag) =	ssettag $0x2  }
0x2bc: {  	s0 =	rddreg [dreg:$0x0];
	s2 =	stileid.u32  }
0x2bd: {  	s1 =	rddreg [dreg:$0x1];
	p0 =	sne.s32 s2, $0x0  }
0x2be: {  	s3 =	rddreg [dreg:$0x2];
	[bflag:$0x3] =	sbarrier.arrive $0xFFFF;
	s2 =	simm.s32 @!p0 $0x1C02  }
0x2bf: {  	[timem:s3], [sflag:s2] =	dma.local @!p0 [hbm:s0], s1  }
0x2c0: {  	s0 =	simm.s32 @!p0 $0x2  }
0x2c1: {  	_ =	swait.ge @!p0 [sflag:s0], s1  }
0x2c2: {  	s1 =	ssub.s32 @!p0 $0x0, s1;
	[sflag:s0] =	ssyncset.done @!p0 $0x0  }
0x2c3: {  	[sflag:s0] =	ssyncadd.s32 @!p0 s1  }
0x2c4: {  	[bflag:$0x3] =	sbarrier.arrive $0xFFFF  }
0x2c5: {  	_ =	shalt  }

</sc_bundles>
